<compile_context>
chip_gen: v7x
topology: tpu7x:2x2x1
jax: 0.10.2.dev20260603
libtpu: 0.0.44.dev20260713+nightly
codegen_flags: <defaults>
</compile_context>

<pallas_src>
import functools

import jax
import jax.numpy as jnp
from jax import lax
from jax.experimental import pallas as pl
from jax.experimental.pallas import tpu as pltpu
from jax.experimental.pallas import tpu_sc as plsc

N_NODES = 10000
N_EDGES = 320000
DIM = 128

NUM_CORES = 2
NUM_SUBCORES = 16
NUM_WORKERS = NUM_CORES * NUM_SUBCORES
CHUNK = 128
GROUP = 8
CPW = 80
E_PAD = NUM_WORKERS * CPW * CHUNK
N_PAD = 10240
ROWS_PER_TILE = N_PAD // NUM_SUBCORES
NROW = 2
NIDX = 8


def _matmul_body(x_ref, w_ref, o_ref):
    o_ref[...] = jnp.dot(x_ref[...], w_ref[...],
                         preferred_element_type=jnp.float32)


def _support_matmul(x, W):
    blk = 400
    grid = N_NODES // blk
    return pl.pallas_call(
        _matmul_body,
        grid=(grid,),
        in_specs=[
            pl.BlockSpec((blk, DIM), lambda i: (i, 0)),
            pl.BlockSpec((DIM, DIM), lambda i: (0, 0)),
        ],
        out_specs=pl.BlockSpec((blk, DIM), lambda i: (i, 0)),
        out_shape=jax.ShapeDtypeStruct((N_NODES, DIM), jnp.float32),
    )(x, W)


def _combine_body(p_ref, b_ref, o_ref):
    o_ref[...] = p_ref[0] + p_ref[1] + b_ref[...]


def _combine(partials, b2d):
    blk = 400
    grid = N_NODES // blk
    return pl.pallas_call(
        _combine_body,
        grid=(grid,),
        in_specs=[
            pl.BlockSpec((2, blk, DIM), lambda i: (0, i, 0)),
            pl.BlockSpec((1, DIM), lambda i: (0, 0)),
        ],
        out_specs=pl.BlockSpec((blk, DIM), lambda i: (i, 0)),
        out_shape=jax.ShapeDtypeStruct((N_NODES, DIM), jnp.float32),
    )(partials, b2d)


_MESH = plsc.VectorSubcoreMesh(core_axis_name="c", subcore_axis_name="s")


@functools.partial(
    pl.kernel,
    out_type=jax.ShapeDtypeStruct((NUM_CORES, N_PAD, DIM), jnp.float32),
    mesh=_MESH,
    scratch_types=[
        pltpu.VMEM_SHARED((N_PAD, DIM), jnp.float32),
        pltpu.VMEM((NIDX, 3, CHUNK), jnp.int32),
        pltpu.VMEM((NROW, CHUNK, DIM), jnp.float32),
        pltpu.SemaphoreType.DMA((NIDX,)),
        pltpu.SemaphoreType.DMA((NROW,)),
        pltpu.SemaphoreType.DMA((NROW,)),
    ],
    compiler_params=pltpu.CompilerParams(needs_layout_passes=False),
)
def _sc_aggregate(support_hbm, edges_hbm, out_hbm,
                  acc, idx_v, rows_v, isem, gsem, ssem):
    cid = lax.axis_index("c")
    sid = lax.axis_index("s")
    wid = cid * NUM_SUBCORES + sid

    @pl.loop(0, CHUNK)
    def _zero_row(j):
        for k in range(DIM // 16):
            rows_v[0, j, pl.ds(k * 16, 16)] = jnp.zeros((16,), jnp.float32)

    base = sid * ROWS_PER_TILE
    for i in range(ROWS_PER_TILE // CHUNK):
        pltpu.sync_copy(rows_v.at[0], acc.at[pl.ds(base + i * CHUNK, CHUNK)])

    plsc.subcore_barrier()

    def _idx_copy(j, q):
        return pltpu.async_copy(edges_hbm.at[wid, j], idx_v.at[q],
                                isem.at[q])

    def _gather(j, q, b):
        del j
        return pltpu.async_copy(support_hbm.at[idx_v.at[q, 0]],
                                rows_v.at[b], gsem.at[b])

    def _scatter(q, b):
        return pltpu.async_copy(rows_v.at[b], acc.at[idx_v.at[q, 1]],
                                ssem.at[b], add=True)

    for j in range(2):
        _idx_copy(j, j)
    pltpu.make_async_copy(edges_hbm.at[wid, 0], idx_v.at[0],
                          isem.at[0]).wait()
    _gather(0, 0, 0)

    @pl.loop(0, CPW // GROUP)
    def _grp(g):
        c0 = g * GROUP
        for k in range(GROUP):
            i = c0 + k
            b = k % NROW
            q = k
            b1 = (k + 1) % NROW
            q1 = (k + 1) % NIDX
            q2 = (k + 2) % NIDX

            @pl.when(i + 2 < CPW)
            def _():
                _idx_copy(i + 2, q2)

            @pl.when(i + 1 < CPW)
            def _():
                @pl.when(i + 1 >= NROW)
                def _():
                    pltpu.make_async_copy(
                        rows_v.at[b1], acc.at[idx_v.at[q1, 1]],
                        ssem.at[b1]).wait()
                pltpu.make_async_copy(edges_hbm.at[wid, i + 1],
                                      idx_v.at[q1], isem.at[q1]).wait()
                _gather(i + 1, q1, b1)

            pltpu.make_async_copy(support_hbm.at[idx_v.at[q, 0]],
                                  rows_v.at[b], gsem.at[b]).wait()

            @plsc.parallel_loop(0, CHUNK, unroll=2)
            def _edge(j):
                wbits = plsc.load_gather(idx_v.at[q, 2],
                                         [jnp.full((16,), j, jnp.int32)])
                wj = plsc.bitcast(wbits, jnp.float32)
                for kk in range(DIM // 16):
                    sl = (b, j, pl.ds(kk * 16, 16))
                    rows_v[sl] = rows_v[sl] * wj

            _scatter(q, b)

    for k in range(GROUP - NROW, GROUP):
        pltpu.make_async_copy(rows_v.at[k % NROW], acc.at[idx_v.at[k, 1]],
                              ssem.at[k % NROW]).wait()

    plsc.subcore_barrier()

    for i in range(ROWS_PER_TILE // CHUNK):
        pltpu.sync_copy(acc.at[pl.ds(base + i * CHUNK, CHUNK)],
                        out_hbm.at[cid, pl.ds(base + i * CHUNK, CHUNK)])


def kernel(input, edge_index, edge_weight, W, b):
    support = _support_matmul(input, W)

    pad = E_PAD - N_EDGES
    src = jnp.concatenate(
        [edge_index[1].astype(jnp.int32), jnp.zeros((pad,), jnp.int32)])
    dst = jnp.concatenate(
        [edge_index[0].astype(jnp.int32), jnp.zeros((pad,), jnp.int32)])
    wbits = jnp.concatenate(
        [lax.bitcast_convert_type(edge_weight.astype(jnp.float32), jnp.int32),
         jnp.zeros((pad,), jnp.int32)])
    edges = jnp.stack(
        [src.reshape(NUM_WORKERS, CPW, CHUNK),
         dst.reshape(NUM_WORKERS, CPW, CHUNK),
         wbits.reshape(NUM_WORKERS, CPW, CHUNK)], axis=2)

    partials = _sc_aggregate(support, edges)
    return _combine(partials, b.reshape(1, DIM))

# --- scband reference (transcript-rebuilt; emitter-appended) ---
"""Pipeline reference for scband-graph-convolution-21869973471659 (READ-ONLY COPY).

The authoritative reference and input builder live on the scoring server;
editing this copy changes nothing except your own understanding.
"""

import jax, jax.numpy as jnp
import numpy as np

N_NODES = 10000
N_EDGES = 320000
IN_DIM = 128
OUT_DIM = 128


def setup_inputs(seed: int = 0) -> dict:
    key = jax.random.key(seed)
    k1, k2, k3, k4 = jax.random.split(key, 4)
    x = jax.random.normal(k1, (N_NODES, IN_DIM), dtype=jnp.float32)
    edge_index = jax.random.randint(k2, (2, N_EDGES), 0, N_NODES, dtype=jnp.int64)
    edge_weight = jax.random.uniform(k3, (N_EDGES,), dtype=jnp.float32)
    # Learned parameters (xavier-uniform weight, zero bias), per init_kwargs
    limit = float(np.sqrt(6.0 / (IN_DIM + OUT_DIM)))
    W = jax.random.uniform(k4, (IN_DIM, OUT_DIM), dtype=jnp.float32, minval=-limit, maxval=limit)
    b = jnp.zeros((OUT_DIM,), dtype=jnp.float32)
    return {"input": x, "edge_index": edge_index, "edge_weight": edge_weight, "W": W, "b": b}


def reference(input, edge_index, edge_weight, W, b):
    # support = input @ W   (dense matmul)
    support = input @ W
    # output = spmm(adj, support): adj in COO form.
    # edge_index[0] = row (destination), edge_index[1] = col (source)
    # output[row] += adj[row, col] * support[col]
    dst = edge_index[0]
    src = edge_index[1]
    msgs = edge_weight[:, None] * jnp.take(support, src, axis=0)
    output = jax.ops.segment_sum(msgs, dst, num_segments=N_NODES)
    # bias add
    output = output + b
    return output

if __name__ == "__main__":
    import jax
    _d = setup_inputs()
    print(jax.jit(kernel)(*tuple(_d.values())))

</pallas_src>

<mosaic_0001>
#map = affine_map<(d0, d1) -> (0, 0)>
#map1 = affine_map<(d0, d1) -> (0, 0, 0, 0)>
#map2 = affine_map<(d0, d1) -> (0, 0, 0)>
module attributes {stable_mosaic.version = 14 : i64} {
  func.func @_sc_aggregate(%arg0: i32, %arg1: i32, %arg2: memref<10000x128xf32, #tpu.memory_space<hbm>>, %arg3: memref<32x80x3x128xi32, #tpu.memory_space<hbm>>, %arg4: memref<2x10240x128xf32, #tpu.memory_space<hbm>>, %arg5: memref<10240x128xf32, #tpu.memory_space<vmem_shared>>, %arg6: memref<8x3x128xi32, #tpu.memory_space<vmem>>, %arg7: memref<2x128x128xf32, #tpu.memory_space<vmem>>, %arg8: memref<8x!tpu.dma_semaphore, #tpu.memory_space<semaphore_mem>>, %arg9: memref<2x!tpu.dma_semaphore, #tpu.memory_space<semaphore_mem>>, %arg10: memref<2x!tpu.dma_semaphore, #tpu.memory_space<semaphore_mem>>) attributes {dimension_semantics = [#tpu.dimension_semantics<core_parallel>, #tpu.dimension_semantics<subcore_parallel>], iteration_bounds = array<i64: 2, 16>, scalar_prefetch = 0 : i64, scratch_operands = 6 : i64, tpu.core_type = #tpu.core_type<sc_vector_subcore>, window_params = [{transform_indices = #map}, {transform_indices = #map1}, {transform_indices = #map2}]} {
    %mul3A = arith.constant 16 : i32
    %mul3A_0 = arith.muli %arg0, %mul3A : i32
    %add3A = arith.addi %mul3A_0, %arg1 : i32
    %scan3A = arith.constant 0 : i32
    %scan3A_1 = arith.constant 128 : i32
    %scan3A_2 = arith.addi %scan3A, %scan3A_1 : i32
    %scan3A_3 = arith.constant 1 : i32
    scf.for %scan3A_156 = %scan3A to %scan3A_2 step %scan3A_3  : i32 {
      %mul3A_157 = arith.constant 1 : i32
      %mul3A_158 = arith.muli %scan3A_156, %mul3A_157 : i32
      %add3A_159 = arith.constant 0 : i32
      %add3A_160 = arith.addi %add3A_159, %mul3A_158 : i32
      %broadcast_in_dim3A = arith.constant 0.000000e+00 : f32
      %broadcast_in_dim3A_161 = vector.broadcast %broadcast_in_dim3A : f32 to vector<16xf32>
      %swap3A = arith.constant 0 : i32
      %swap3A_162 = arith.index_cast %swap3A : i32 to index
      %swap3A_163 = arith.index_cast %add3A_160 : i32 to index
      %swap3A_164 = arith.constant 0 : index
      %swap3A_165 = tpu.vector_load %arg7[%swap3A_162, %swap3A_163, %swap3A_164] {strides = array<i32>} : memref<2x128x128xf32, #tpu.memory_space<vmem>>, vector<16xf32>,
      tpu.vector_store %arg7[%swap3A_162, %swap3A_163, %swap3A_164], %broadcast_in_dim3A_161 {strides = array<i32>} : memref<2x128x128xf32, #tpu.memory_space<vmem>>, vector<16xf32>,
      %broadcast_in_dim3A_166 = arith.constant 0.000000e+00 : f32
      %broadcast_in_dim3A_167 = vector.broadcast %broadcast_in_dim3A_166 : f32 to vector<16xf32>
      %swap3A_168 = arith.constant 0 : i32
      %swap3A_169 = arith.index_cast %swap3A_168 : i32 to index
      %swap3A_170 = arith.index_cast %add3A_160 : i32 to index
      %swap3A_171 = arith.constant 16 : index
      %swap3A_172 = tpu.vector_load %arg7[%swap3A_169, %swap3A_170, %swap3A_171] {strides = array<i32>} : memref<2x128x128xf32, #tpu.memory_space<vmem>>, vector<16xf32>,
      tpu.vector_store %arg7[%swap3A_169, %swap3A_170, %swap3A_171], %broadcast_in_dim3A_167 {strides = array<i32>} : memref<2x128x128xf32, #tpu.memory_space<vmem>>, vector<16xf32>,
      %broadcast_in_dim3A_173 = arith.constant 0.000000e+00 : f32
      %broadcast_in_dim3A_174 = vector.broadcast %broadcast_in_dim3A_173 : f32 to vector<16xf32>
      %swap3A_175 = arith.constant 0 : i32
      %swap3A_176 = arith.index_cast %swap3A_175 : i32 to index
      %swap3A_177 = arith.index_cast %add3A_160 : i32 to index
      %swap3A_178 = arith.constant 32 : index
      %swap3A_179 = tpu.vector_load %arg7[%swap3A_176, %swap3A_177, %swap3A_178] {strides = array<i32>} : memref<2x128x128xf32, #tpu.memory_space<vmem>>, vector<16xf32>,
      tpu.vector_store %arg7[%swap3A_176, %swap3A_177, %swap3A_178], %broadcast_in_dim3A_174 {strides = array<i32>} : memref<2x128x128xf32, #tpu.memory_space<vmem>>, vector<16xf32>,
      %broadcast_in_dim3A_180 = arith.constant 0.000000e+00 : f32
      %broadcast_in_dim3A_181 = vector.broadcast %broadcast_in_dim3A_180 : f32 to vector<16xf32>
      %swap3A_182 = arith.constant 0 : i32
      %swap3A_183 = arith.index_cast %swap3A_182 : i32 to index
      %swap3A_184 = arith.index_cast %add3A_160 : i32 to index
      %swap3A_185 = arith.constant 48 : index
      %swap3A_186 = tpu.vector_load %arg7[%swap3A_183, %swap3A_184, %swap3A_185] {strides = array<i32>} : memref<2x128x128xf32, #tpu.memory_space<vmem>>, vector<16xf32>,
      tpu.vector_store %arg7[%swap3A_183, %swap3A_184, %swap3A_185], %broadcast_in_dim3A_181 {strides = array<i32>} : memref<2x128x128xf32, #tpu.memory_space<vmem>>, vector<16xf32>,
      %broadcast_in_dim3A_187 = arith.constant 0.000000e+00 : f32
      %broadcast_in_dim3A_188 = vector.broadcast %broadcast_in_dim3A_187 : f32 to vector<16xf32>
      %swap3A_189 = arith.constant 0 : i32
      %swap3A_190 = arith.index_cast %swap3A_189 : i32 to index
      %swap3A_191 = arith.index_cast %add3A_160 : i32 to index
      %swap3A_192 = arith.constant 64 : index
      %swap3A_193 = tpu.vector_load %arg7[%swap3A_190, %swap3A_191, %swap3A_192] {strides = array<i32>} : memref<2x128x128xf32, #tpu.memory_space<vmem>>, vector<16xf32>,
      tpu.vector_store %arg7[%swap3A_190, %swap3A_191, %swap3A_192], %broadcast_in_dim3A_188 {strides = array<i32>} : memref<2x128x128xf32, #tpu.memory_space<vmem>>, vector<16xf32>,
      %broadcast_in_dim3A_194 = arith.constant 0.000000e+00 : f32
      %broadcast_in_dim3A_195 = vector.broadcast %broadcast_in_dim3A_194 : f32 to vector<16xf32>
      %swap3A_196 = arith.constant 0 : i32
      %swap3A_197 = arith.index_cast %swap3A_196 : i32 to index
      %swap3A_198 = arith.index_cast %add3A_160 : i32 to index
      %swap3A_199 = arith.constant 80 : index
      %swap3A_200 = tpu.vector_load %arg7[%swap3A_197, %swap3A_198, %swap3A_199] {strides = array<i32>} : memref<2x128x128xf32, #tpu.memory_space<vmem>>, vector<16xf32>,
      tpu.vector_store %arg7[%swap3A_197, %swap3A_198, %swap3A_199], %broadcast_in_dim3A_195 {strides = array<i32>} : memref<2x128x128xf32, #tpu.memory_space<vmem>>, vector<16xf32>,
      %broadcast_in_dim3A_201 = arith.constant 0.000000e+00 : f32
      %broadcast_in_dim3A_202 = vector.broadcast %broadcast_in_dim3A_201 : f32 to vector<16xf32>
      %swap3A_203 = arith.constant 0 : i32
      %swap3A_204 = arith.index_cast %swap3A_203 : i32 to index
      %swap3A_205 = arith.index_cast %add3A_160 : i32 to index
      %swap3A_206 = arith.constant 96 : index
      %swap3A_207 = tpu.vector_load %arg7[%swap3A_204, %swap3A_205, %swap3A_206] {strides = array<i32>} : memref<2x128x128xf32, #tpu.memory_space<vmem>>, vector<16xf32>,
      tpu.vector_store %arg7[%swap3A_204, %swap3A_205, %swap3A_206], %broadcast_in_dim3A_202 {strides = array<i32>} : memref<2x128x128xf32, #tpu.memory_space<vmem>>, vector<16xf32>,
      %broadcast_in_dim3A_208 = arith.constant 0.000000e+00 : f32
      %broadcast_in_dim3A_209 = vector.broadcast %broadcast_in_dim3A_208 : f32 to vector<16xf32>
      %swap3A_210 = arith.constant 0 : i32
      %swap3A_211 = arith.index_cast %swap3A_210 : i32 to index
      %swap3A_212 = arith.index_cast %add3A_160 : i32 to index
      %swap3A_213 = arith.constant 112 : index
      %swap3A_214 = tpu.vector_load %arg7[%swap3A_211, %swap3A_212, %swap3A_213] {strides = array<i32>} : memref<2x128x128xf32, #tpu.memory_space<vmem>>, vector<16xf32>,
      tpu.vector_store %arg7[%swap3A_211, %swap3A_212, %swap3A_213], %broadcast_in_dim3A_209 {strides = array<i32>} : memref<2x128x128xf32, #tpu.memory_space<vmem>>, vector<16xf32>,
    }
    %scan3A_4 = arith.constant 128 : i32
    %mul3A_5 = arith.constant 640 : i32
    %mul3A_6 = arith.muli %arg1, %mul3A_5 : i32
    %add3A_7 = arith.constant 0 : i32
    %add3A_8 = arith.addi %mul3A_6, %add3A_7 : i32
    %run_scoped3A = arith.constant 0 : i32
    "tpu.region"() ({
      %run_scoped3A_156 = tpu.sem_alloc : memref<!tpu.dma_semaphore, #tpu.memory_space<semaphore_mem>>
      %dma_start3A_157 = arith.constant 0 : i32
      %dma_start3A_158 = arith.constant 0 : i32
      %dma_start3A_159 = tpu.memref_slice %arg7[%run_scoped3A, %dma_start3A_157, %dma_start3A_158] : memref<2x128x128xf32, #tpu.memory_space<vmem>> -> memref<1x128x128xf32, #tpu.memory_space<vmem>>
      %dma_start3A_160 = tpu.memref_squeeze %dma_start3A_159 : memref<1x128x128xf32, #tpu.memory_space<vmem>> -> memref<128x128xf32, #tpu.memory_space<vmem>>
      %dma_start3A_161 = arith.constant 0 : i32
      %dma_start3A_162 = tpu.memref_slice %arg5[%add3A_8, %dma_start3A_161] : memref<10240x128xf32, #tpu.memory_space<vmem_shared>> -> memref<128x128xf32, #tpu.memory_space<vmem_shared>>
      %dma_start3A_163 = arith.constant 0 : i32
      %dma_start3A_164 = tpu.memref_slice %arg5[%add3A_8, %dma_start3A_163] : memref<10240x128xf32, #tpu.memory_space<vmem_shared>> -> memref<128x128xf32, #tpu.memory_space<vmem_shared>>
      %dma_start3A_165 = arith.constant 0 : i32
      %dma_start3A_166 = arith.constant 0 : i32
      %dma_start3A_167 = tpu.memref_slice %arg7[%run_scoped3A, %dma_start3A_165, %dma_start3A_166] : memref<2x128x128xf32, #tpu.memory_space<vmem>> -> memref<1x128x128xf32, #tpu.memory_space<vmem>>
      %dma_start3A_168 = tpu.memref_squeeze %dma_start3A_167 : memref<1x128x128xf32, #tpu.memory_space<vmem>> -> memref<128x128xf32, #tpu.memory_space<vmem>>
      tpu.enqueue_dma source(%dma_start3A_168 : memref<128x128xf32, #tpu.memory_space<vmem>>) target(%dma_start3A_164 : memref<128x128xf32, #tpu.memory_space<vmem_shared>>) target_semaphore(%run_scoped3A_156 : memref<!tpu.dma_semaphore, #tpu.memory_space<semaphore_mem>>)
      %dma_wait3A_169 = arith.constant 0 : i32
      %dma_wait3A_170 = arith.constant 0 : i32
      %dma_wait3A_171 = tpu.memref_slice %arg7[%run_scoped3A, %dma_wait3A_169, %dma_wait3A_170] : memref<2x128x128xf32, #tpu.memory_space<vmem>> -> memref<1x128x128xf32, #tpu.memory_space<vmem>>
      %dma_wait3A_172 = tpu.memref_squeeze %dma_wait3A_171 : memref<1x128x128xf32, #tpu.memory_space<vmem>> -> memref<128x128xf32, #tpu.memory_space<vmem>>
      %dma_wait3A_173 = arith.constant 0 : i32
      %dma_wait3A_174 = tpu.memref_slice %arg5[%add3A_8, %dma_wait3A_173] : memref<10240x128xf32, #tpu.memory_space<vmem_shared>> -> memref<128x128xf32, #tpu.memory_space<vmem_shared>>
      %dma_wait3A_175 = arith.constant 0 : i32
      %dma_wait3A_176 = tpu.memref_slice %arg5[%add3A_8, %dma_wait3A_175] : memref<10240x128xf32, #tpu.memory_space<vmem_shared>> -> memref<128x128xf32, #tpu.memory_space<vmem_shared>>
      %dma_wait3A_177 = arith.constant 0 : i32
      %dma_wait3A_178 = arith.constant 0 : i32
      %dma_wait3A_179 = tpu.memref_slice %arg7[%run_scoped3A, %dma_wait3A_177, %dma_wait3A_178] : memref<2x128x128xf32, #tpu.memory_space<vmem>> -> memref<1x128x128xf32, #tpu.memory_space<vmem>>
      %dma_wait3A_180 = tpu.memref_squeeze %dma_wait3A_179 : memref<1x128x128xf32, #tpu.memory_space<vmem>> -> memref<128x128xf32, #tpu.memory_space<vmem>>
      tpu.wait_dma2 semaphore(%run_scoped3A_156 : memref<!tpu.dma_semaphore, #tpu.memory_space<semaphore_mem>>) src(%dma_wait3A_180 : memref<128x128xf32, #tpu.memory_space<vmem>>) dst(%dma_wait3A_176 : memref<128x128xf32, #tpu.memory_space<vmem_shared>>)
      tpu.yield
    }) : () -> ()
    %add3A_9 = arith.constant 128 : i32
    %add3A_10 = arith.addi %mul3A_6, %add3A_9 : i32
    %run_scoped3A_11 = arith.constant 0 : i32
    "tpu.region"() ({
      %run_scoped3A_156 = tpu.sem_alloc : memref<!tpu.dma_semaphore, #tpu.memory_space<semaphore_mem>>
      %dma_start3A_157 = arith.constant 0 : i32
      %dma_start3A_158 = arith.constant 0 : i32
      %dma_start3A_159 = tpu.memref_slice %arg7[%run_scoped3A_11, %dma_start3A_157, %dma_start3A_158] : memref<2x128x128xf32, #tpu.memory_space<vmem>> -> memref<1x128x128xf32, #tpu.memory_space<vmem>>
      %dma_start3A_160 = tpu.memref_squeeze %dma_start3A_159 : memref<1x128x128xf32, #tpu.memory_space<vmem>> -> memref<128x128xf32, #tpu.memory_space<vmem>>
      %dma_start3A_161 = arith.constant 0 : i32
      %dma_start3A_162 = tpu.memref_slice %arg5[%add3A_10, %dma_start3A_161] : memref<10240x128xf32, #tpu.memory_space<vmem_shared>> -> memref<128x128xf32, #tpu.memory_space<vmem_shared>>
      %dma_start3A_163 = arith.constant 0 : i32
      %dma_start3A_164 = tpu.memref_slice %arg5[%add3A_10, %dma_start3A_163] : memref<10240x128xf32, #tpu.memory_space<vmem_shared>> -> memref<128x128xf32, #tpu.memory_space<vmem_shared>>
      %dma_start3A_165 = arith.constant 0 : i32
      %dma_start3A_166 = arith.constant 0 : i32
      %dma_start3A_167 = tpu.memref_slice %arg7[%run_scoped3A_11, %dma_start3A_165, %dma_start3A_166] : memref<2x128x128xf32, #tpu.memory_space<vmem>> -> memref<1x128x128xf32, #tpu.memory_space<vmem>>
      %dma_start3A_168 = tpu.memref_squeeze %dma_start3A_167 : memref<1x128x128xf32, #tpu.memory_space<vmem>> -> memref<128x128xf32, #tpu.memory_space<vmem>>
      tpu.enqueue_dma source(%dma_start3A_168 : memref<128x128xf32, #tpu.memory_space<vmem>>) target(%dma_start3A_164 : memref<128x128xf32, #tpu.memory_space<vmem_shared>>) target_semaphore(%run_scoped3A_156 : memref<!tpu.dma_semaphore, #tpu.memory_space<semaphore_mem>>)
      %dma_wait3A_169 = arith.constant 0 : i32
      %dma_wait3A_170 = arith.constant 0 : i32
      %dma_wait3A_171 = tpu.memref_slice %arg7[%run_scoped3A_11, %dma_wait3A_169, %dma_wait3A_170] : memref<2x128x128xf32, #tpu.memory_space<vmem>> -> memref<1x128x128xf32, #tpu.memory_space<vmem>>
      %dma_wait3A_172 = tpu.memref_squeeze %dma_wait3A_171 : memref<1x128x128xf32, #tpu.memory_space<vmem>> -> memref<128x128xf32, #tpu.memory_space<vmem>>
      %dma_wait3A_173 = arith.constant 0 : i32
      %dma_wait3A_174 = tpu.memref_slice %arg5[%add3A_10, %dma_wait3A_173] : memref<10240x128xf32, #tpu.memory_space<vmem_shared>> -> memref<128x128xf32, #tpu.memory_space<vmem_shared>>
      %dma_wait3A_175 = arith.constant 0 : i32
      %dma_wait3A_176 = tpu.memref_slice %arg5[%add3A_10, %dma_wait3A_175] : memref<10240x128xf32, #tpu.memory_space<vmem_shared>> -> memref<128x128xf32, #tpu.memory_space<vmem_shared>>
      %dma_wait3A_177 = arith.constant 0 : i32
      %dma_wait3A_178 = arith.constant 0 : i32
      %dma_wait3A_179 = tpu.memref_slice %arg7[%run_scoped3A_11, %dma_wait3A_177, %dma_wait3A_178] : memref<2x128x128xf32, #tpu.memory_space<vmem>> -> memref<1x128x128xf32, #tpu.memory_space<vmem>>
      %dma_wait3A_180 = tpu.memref_squeeze %dma_wait3A_179 : memref<1x128x128xf32, #tpu.memory_space<vmem>> -> memref<128x128xf32, #tpu.memory_space<vmem>>
      tpu.wait_dma2 semaphore(%run_scoped3A_156 : memref<!tpu.dma_semaphore, #tpu.memory_space<semaphore_mem>>) src(%dma_wait3A_180 : memref<128x128xf32, #tpu.memory_space<vmem>>) dst(%dma_wait3A_176 : memref<128x128xf32, #tpu.memory_space<vmem_shared>>)
      tpu.yield
    }) : () -> ()
    %add3A_12 = arith.constant 256 : i32
    %add3A_13 = arith.addi %mul3A_6, %add3A_12 : i32
    %run_scoped3A_14 = arith.constant 0 : i32
    "tpu.region"() ({
      %run_scoped3A_156 = tpu.sem_alloc : memref<!tpu.dma_semaphore, #tpu.memory_space<semaphore_mem>>
      %dma_start3A_157 = arith.constant 0 : i32
      %dma_start3A_158 = arith.constant 0 : i32
      %dma_start3A_159 = tpu.memref_slice %arg7[%run_scoped3A_14, %dma_start3A_157, %dma_start3A_158] : memref<2x128x128xf32, #tpu.memory_space<vmem>> -> memref<1x128x128xf32, #tpu.memory_space<vmem>>
      %dma_start3A_160 = tpu.memref_squeeze %dma_start3A_159 : memref<1x128x128xf32, #tpu.memory_space<vmem>> -> memref<128x128xf32, #tpu.memory_space<vmem>>
      %dma_start3A_161 = arith.constant 0 : i32
      %dma_start3A_162 = tpu.memref_slice %arg5[%add3A_13, %dma_start3A_161] : memref<10240x128xf32, #tpu.memory_space<vmem_shared>> -> memref<128x128xf32, #tpu.memory_space<vmem_shared>>
      %dma_start3A_163 = arith.constant 0 : i32
      %dma_start3A_164 = tpu.memref_slice %arg5[%add3A_13, %dma_start3A_163] : memref<10240x128xf32, #tpu.memory_space<vmem_shared>> -> memref<128x128xf32, #tpu.memory_space<vmem_shared>>
      %dma_start3A_165 = arith.constant 0 : i32
      %dma_start3A_166 = arith.constant 0 : i32
      %dma_start3A_167 = tpu.memref_slice %arg7[%run_scoped3A_14, %dma_start3A_165, %dma_start3A_166] : memref<2x128x128xf32, #tpu.memory_space<vmem>> -> memref<1x128x128xf32, #tpu.memory_space<vmem>>
      %dma_start3A_168 = tpu.memref_squeeze %dma_start3A_167 : memref<1x128x128xf32, #tpu.memory_space<vmem>> -> memref<128x128xf32, #tpu.memory_space<vmem>>
      tpu.enqueue_dma source(%dma_start3A_168 : memref<128x128xf32, #tpu.memory_space<vmem>>) target(%dma_start3A_164 : memref<128x128xf32, #tpu.memory_space<vmem_shared>>) target_semaphore(%run_scoped3A_156 : memref<!tpu.dma_semaphore, #tpu.memory_space<semaphore_mem>>)
      %dma_wait3A_169 = arith.constant 0 : i32
      %dma_wait3A_170 = arith.constant 0 : i32
      %dma_wait3A_171 = tpu.memref_slice %arg7[%run_scoped3A_14, %dma_wait3A_169, %dma_wait3A_170] : memref<2x128x128xf32, #tpu.memory_space<vmem>> -> memref<1x128x128xf32, #tpu.memory_space<vmem>>
      %dma_wait3A_172 = tpu.memref_squeeze %dma_wait3A_171 : memref<1x128x128xf32, #tpu.memory_space<vmem>> -> memref<128x128xf32, #tpu.memory_space<vmem>>
      %dma_wait3A_173 = arith.constant 0 : i32
      %dma_wait3A_174 = tpu.memref_slice %arg5[%add3A_13, %dma_wait3A_173] : memref<10240x128xf32, #tpu.memory_space<vmem_shared>> -> memref<128x128xf32, #tpu.memory_space<vmem_shared>>
      %dma_wait3A_175 = arith.constant 0 : i32
      %dma_wait3A_176 = tpu.memref_slice %arg5[%add3A_13, %dma_wait3A_175] : memref<10240x128xf32, #tpu.memory_space<vmem_shared>> -> memref<128x128xf32, #tpu.memory_space<vmem_shared>>
      %dma_wait3A_177 = arith.constant 0 : i32
      %dma_wait3A_178 = arith.constant 0 : i32
      %dma_wait3A_179 = tpu.memref_slice %arg7[%run_scoped3A_14, %dma_wait3A_177, %dma_wait3A_178] : memref<2x128x128xf32, #tpu.memory_space<vmem>> -> memref<1x128x128xf32, #tpu.memory_space<vmem>>
      %dma_wait3A_180 = tpu.memref_squeeze %dma_wait3A_179 : memref<1x128x128xf32, #tpu.memory_space<vmem>> -> memref<128x128xf32, #tpu.memory_space<vmem>>
      tpu.wait_dma2 semaphore(%run_scoped3A_156 : memref<!tpu.dma_semaphore, #tpu.memory_space<semaphore_mem>>) src(%dma_wait3A_180 : memref<128x128xf32, #tpu.memory_space<vmem>>) dst(%dma_wait3A_176 : memref<128x128xf32, #tpu.memory_space<vmem_shared>>)
      tpu.yield
    }) : () -> ()
    %add3A_15 = arith.constant 384 : i32
    %add3A_16 = arith.addi %mul3A_6, %add3A_15 : i32
    %run_scoped3A_17 = arith.constant 0 : i32
    "tpu.region"() ({
      %run_scoped3A_156 = tpu.sem_alloc : memref<!tpu.dma_semaphore, #tpu.memory_space<semaphore_mem>>
      %dma_start3A_157 = arith.constant 0 : i32
      %dma_start3A_158 = arith.constant 0 : i32
      %dma_start3A_159 = tpu.memref_slice %arg7[%run_scoped3A_17, %dma_start3A_157, %dma_start3A_158] : memref<2x128x128xf32, #tpu.memory_space<vmem>> -> memref<1x128x128xf32, #tpu.memory_space<vmem>>
      %dma_start3A_160 = tpu.memref_squeeze %dma_start3A_159 : memref<1x128x128xf32, #tpu.memory_space<vmem>> -> memref<128x128xf32, #tpu.memory_space<vmem>>
      %dma_start3A_161 = arith.constant 0 : i32
      %dma_start3A_162 = tpu.memref_slice %arg5[%add3A_16, %dma_start3A_161] : memref<10240x128xf32, #tpu.memory_space<vmem_shared>> -> memref<128x128xf32, #tpu.memory_space<vmem_shared>>
      %dma_start3A_163 = arith.constant 0 : i32
      %dma_start3A_164 = tpu.memref_slice %arg5[%add3A_16, %dma_start3A_163] : memref<10240x128xf32, #tpu.memory_space<vmem_shared>> -> memref<128x128xf32, #tpu.memory_space<vmem_shared>>
      %dma_start3A_165 = arith.constant 0 : i32
      %dma_start3A_166 = arith.constant 0 : i32
      %dma_start3A_167 = tpu.memref_slice %arg7[%run_scoped3A_17, %dma_start3A_165, %dma_start3A_166] : memref<2x128x128xf32, #tpu.memory_space<vmem>> -> memref<1x128x128xf32, #tpu.memory_space<vmem>>
      %dma_start3A_168 = tpu.memref_squeeze %dma_start3A_167 : memref<1x128x128xf32, #tpu.memory_space<vmem>> -> memref<128x128xf32, #tpu.memory_space<vmem>>
      tpu.enqueue_dma source(%dma_start3A_168 : memref<128x128xf32, #tpu.memory_space<vmem>>) target(%dma_start3A_164 : memref<128x128xf32, #tpu.memory_space<vmem_shared>>) target_semaphore(%run_scoped3A_156 : memref<!tpu.dma_semaphore, #tpu.memory_space<semaphore_mem>>)
      %dma_wait3A_169 = arith.constant 0 : i32
      %dma_wait3A_170 = arith.constant 0 : i32
      %dma_wait3A_171 = tpu.memref_slice %arg7[%run_scoped3A_17, %dma_wait3A_169, %dma_wait3A_170] : memref<2x128x128xf32, #tpu.memory_space<vmem>> -> memref<1x128x128xf32, #tpu.memory_space<vmem>>
      %dma_wait3A_172 = tpu.memref_squeeze %dma_wait3A_171 : memref<1x128x128xf32, #tpu.memory_space<vmem>> -> memref<128x128xf32, #tpu.memory_space<vmem>>
      %dma_wait3A_173 = arith.constant 0 : i32
      %dma_wait3A_174 = tpu.memref_slice %arg5[%add3A_16, %dma_wait3A_173] : memref<10240x128xf32, #tpu.memory_space<vmem_shared>> -> memref<128x128xf32, #tpu.memory_space<vmem_shared>>
      %dma_wait3A_175 = arith.constant 0 : i32
      %dma_wait3A_176 = tpu.memref_slice %arg5[%add3A_16, %dma_wait3A_175] : memref<10240x128xf32, #tpu.memory_space<vmem_shared>> -> memref<128x128xf32, #tpu.memory_space<vmem_shared>>
      %dma_wait3A_177 = arith.constant 0 : i32
      %dma_wait3A_178 = arith.constant 0 : i32
      %dma_wait3A_179 = tpu.memref_slice %arg7[%run_scoped3A_17, %dma_wait3A_177, %dma_wait3A_178] : memref<2x128x128xf32, #tpu.memory_space<vmem>> -> memref<1x128x128xf32, #tpu.memory_space<vmem>>
      %dma_wait3A_180 = tpu.memref_squeeze %dma_wait3A_179 : memref<1x128x128xf32, #tpu.memory_space<vmem>> -> memref<128x128xf32, #tpu.memory_space<vmem>>
      tpu.wait_dma2 semaphore(%run_scoped3A_156 : memref<!tpu.dma_semaphore, #tpu.memory_space<semaphore_mem>>) src(%dma_wait3A_180 : memref<128x128xf32, #tpu.memory_space<vmem>>) dst(%dma_wait3A_176 : memref<128x128xf32, #tpu.memory_space<vmem_shared>>)
      tpu.yield
    }) : () -> ()
    %add3A_18 = arith.constant 512 : i32
    %add3A_19 = arith.addi %mul3A_6, %add3A_18 : i32
    %run_scoped3A_20 = arith.constant 0 : i32
    "tpu.region"() ({
      %run_scoped3A_156 = tpu.sem_alloc : memref<!tpu.dma_semaphore, #tpu.memory_space<semaphore_mem>>
      %dma_start3A_157 = arith.constant 0 : i32
      %dma_start3A_158 = arith.constant 0 : i32
      %dma_start3A_159 = tpu.memref_slice %arg7[%run_scoped3A_20, %dma_start3A_157, %dma_start3A_158] : memref<2x128x128xf32, #tpu.memory_space<vmem>> -> memref<1x128x128xf32, #tpu.memory_space<vmem>>
      %dma_start3A_160 = tpu.memref_squeeze %dma_start3A_159 : memref<1x128x128xf32, #tpu.memory_space<vmem>> -> memref<128x128xf32, #tpu.memory_space<vmem>>
      %dma_start3A_161 = arith.constant 0 : i32
      %dma_start3A_162 = tpu.memref_slice %arg5[%add3A_19, %dma_start3A_161] : memref<10240x128xf32, #tpu.memory_space<vmem_shared>> -> memref<128x128xf32, #tpu.memory_space<vmem_shared>>
      %dma_start3A_163 = arith.constant 0 : i32
      %dma_start3A_164 = tpu.memref_slice %arg5[%add3A_19, %dma_start3A_163] : memref<10240x128xf32, #tpu.memory_space<vmem_shared>> -> memref<128x128xf32, #tpu.memory_space<vmem_shared>>
      %dma_start3A_165 = arith.constant 0 : i32
      %dma_start3A_166 = arith.constant 0 : i32
      %dma_start3A_167 = tpu.memref_slice %arg7[%run_scoped3A_20, %dma_start3A_165, %dma_start3A_166] : memref<2x128x128xf32, #tpu.memory_space<vmem>> -> memref<1x128x128xf32, #tpu.memory_space<vmem>>
      %dma_start3A_168 = tpu.memref_squeeze %dma_start3A_167 : memref<1x128x128xf32, #tpu.memory_space<vmem>> -> memref<128x128xf32, #tpu.memory_space<vmem>>
      tpu.enqueue_dma source(%dma_start3A_168 : memref<128x128xf32, #tpu.memory_space<vmem>>) target(%dma_start3A_164 : memref<128x128xf32, #tpu.memory_space<vmem_shared>>) target_semaphore(%run_scoped3A_156 : memref<!tpu.dma_semaphore, #tpu.memory_space<semaphore_mem>>)
      %dma_wait3A_169 = arith.constant 0 : i32
      %dma_wait3A_170 = arith.constant 0 : i32
      %dma_wait3A_171 = tpu.memref_slice %arg7[%run_scoped3A_20, %dma_wait3A_169, %dma_wait3A_170] : memref<2x128x128xf32, #tpu.memory_space<vmem>> -> memref<1x128x128xf32, #tpu.memory_space<vmem>>
      %dma_wait3A_172 = tpu.memref_squeeze %dma_wait3A_171 : memref<1x128x128xf32, #tpu.memory_space<vmem>> -> memref<128x128xf32, #tpu.memory_space<vmem>>
      %dma_wait3A_173 = arith.constant 0 : i32
      %dma_wait3A_174 = tpu.memref_slice %arg5[%add3A_19, %dma_wait3A_173] : memref<10240x128xf32, #tpu.memory_space<vmem_shared>> -> memref<128x128xf32, #tpu.memory_space<vmem_shared>>
      %dma_wait3A_175 = arith.constant 0 : i32
      %dma_wait3A_176 = tpu.memref_slice %arg5[%add3A_19, %dma_wait3A_175] : memref<10240x128xf32, #tpu.memory_space<vmem_shared>> -> memref<128x128xf32, #tpu.memory_space<vmem_shared>>
      %dma_wait3A_177 = arith.constant 0 : i32
      %dma_wait3A_178 = arith.constant 0 : i32
      %dma_wait3A_179 = tpu.memref_slice %arg7[%run_scoped3A_20, %dma_wait3A_177, %dma_wait3A_178] : memref<2x128x128xf32, #tpu.memory_space<vmem>> -> memref<1x128x128xf32, #tpu.memory_space<vmem>>
      %dma_wait3A_180 = tpu.memref_squeeze %dma_wait3A_179 : memref<1x128x128xf32, #tpu.memory_space<vmem>> -> memref<128x128xf32, #tpu.memory_space<vmem>>
      tpu.wait_dma2 semaphore(%run_scoped3A_156 : memref<!tpu.dma_semaphore, #tpu.memory_space<semaphore_mem>>) src(%dma_wait3A_180 : memref<128x128xf32, #tpu.memory_space<vmem>>) dst(%dma_wait3A_176 : memref<128x128xf32, #tpu.memory_space<vmem_shared>>)
      tpu.yield
    }) : () -> ()
    %barrier3A = arith.constant 0 : index
    tpu.barrier barrier_id(%barrier3A)
    %dma_start3A = arith.constant 0 : i32
    %dma_start3A_21 = arith.constant 0 : i32
    %dma_start3A_22 = arith.constant 0 : i32
    %dma_start3A_23 = arith.constant 0 : i32
    %dma_start3A_24 = arith.constant 0 : i32
    %dma_start3A_25 = tpu.memref_slice %arg6[%dma_start3A_21, %dma_start3A_23, %dma_start3A_24] : memref<8x3x128xi32, #tpu.memory_space<vmem>> -> memref<1x3x128xi32, #tpu.memory_space<vmem>>
    %dma_start3A_26 = tpu.memref_squeeze %dma_start3A_25 : memref<1x3x128xi32, #tpu.memory_space<vmem>> -> memref<3x128xi32, #tpu.memory_space<vmem>>
    %dma_start3A_27 = arith.constant 0 : i32
    %dma_start3A_28 = arith.constant 0 : i32
    %dma_start3A_29 = tpu.memref_slice %arg3[%add3A, %dma_start3A, %dma_start3A_27, %dma_start3A_28] : memref<32x80x3x128xi32, #tpu.memory_space<hbm>> -> memref<1x1x3x128xi32, #tpu.memory_space<hbm>>
    %dma_start3A_30 = tpu.memref_squeeze %dma_start3A_29 : memref<1x1x3x128xi32, #tpu.memory_space<hbm>> -> memref<3x128xi32, #tpu.memory_space<hbm>>
    %dma_start3A_31 = tpu.memref_slice %arg8[%dma_start3A_22] : memref<8x!tpu.dma_semaphore, #tpu.memory_space<semaphore_mem>> -> memref<1x!tpu.dma_semaphore, #tpu.memory_space<semaphore_mem>>
    %dma_start3A_32 = tpu.memref_squeeze %dma_start3A_31 : memref<1x!tpu.dma_semaphore, #tpu.memory_space<semaphore_mem>> -> memref<!tpu.dma_semaphore, #tpu.memory_space<semaphore_mem>>
    %dma_start3A_33 = arith.constant 0 : i32
    %dma_start3A_34 = arith.constant 0 : i32
    %dma_start3A_35 = tpu.memref_slice %arg6[%dma_start3A_21, %dma_start3A_33, %dma_start3A_34] : memref<8x3x128xi32, #tpu.memory_space<vmem>> -> memref<1x3x128xi32, #tpu.memory_space<vmem>>
    %dma_start3A_36 = tpu.memref_squeeze %dma_start3A_35 : memref<1x3x128xi32, #tpu.memory_space<vmem>> -> memref<3x128xi32, #tpu.memory_space<vmem>>
    %dma_start3A_37 = arith.constant 0 : i32
    %dma_start3A_38 = arith.constant 0 : i32
    %dma_start3A_39 = tpu.memref_slice %arg3[%add3A, %dma_start3A, %dma_start3A_37, %dma_start3A_38] : memref<32x80x3x128xi32, #tpu.memory_space<hbm>> -> memref<1x1x3x128xi32, #tpu.memory_space<hbm>>
    %dma_start3A_40 = tpu.memref_squeeze %dma_start3A_39 : memref<1x1x3x128xi32, #tpu.memory_space<hbm>> -> memref<3x128xi32, #tpu.memory_space<hbm>>
    tpu.enqueue_dma source(%dma_start3A_40 : memref<3x128xi32, #tpu.memory_space<hbm>>) target(%dma_start3A_36 : memref<3x128xi32, #tpu.memory_space<vmem>>) target_semaphore(%dma_start3A_32 : memref<!tpu.dma_semaphore, #tpu.memory_space<semaphore_mem>>)
    %dma_start3A_41 = arith.constant 1 : i32
    %dma_start3A_42 = arith.constant 1 : i32
    %dma_start3A_43 = arith.constant 1 : i32
    %dma_start3A_44 = arith.constant 0 : i32
    %dma_start3A_45 = arith.constant 0 : i32
    %dma_start3A_46 = tpu.memref_slice %arg6[%dma_start3A_42, %dma_start3A_44, %dma_start3A_45] : memref<8x3x128xi32, #tpu.memory_space<vmem>> -> memref<1x3x128xi32, #tpu.memory_space<vmem>>
    %dma_start3A_47 = tpu.memref_squeeze %dma_start3A_46 : memref<1x3x128xi32, #tpu.memory_space<vmem>> -> memref<3x128xi32, #tpu.memory_space<vmem>>
    %dma_start3A_48 = arith.constant 0 : i32
    %dma_start3A_49 = arith.constant 0 : i32
    %dma_start3A_50 = tpu.memref_slice %arg3[%add3A, %dma_start3A_41, %dma_start3A_48, %dma_start3A_49] : memref<32x80x3x128xi32, #tpu.memory_space<hbm>> -> memref<1x1x3x128xi32, #tpu.memory_space<hbm>>
    %dma_start3A_51 = tpu.memref_squeeze %dma_start3A_50 : memref<1x1x3x128xi32, #tpu.memory_space<hbm>> -> memref<3x128xi32, #tpu.memory_space<hbm>>
    %dma_start3A_52 = tpu.memref_slice %arg8[%dma_start3A_43] : memref<8x!tpu.dma_semaphore, #tpu.memory_space<semaphore_mem>> -> memref<1x!tpu.dma_semaphore, #tpu.memory_space<semaphore_mem>>
    %dma_start3A_53 = tpu.memref_squeeze %dma_start3A_52 : memref<1x!tpu.dma_semaphore, #tpu.memory_space<semaphore_mem>> -> memref<!tpu.dma_semaphore, #tpu.memory_space<semaphore_mem>>
    %dma_start3A_54 = arith.constant 0 : i32
    %dma_start3A_55 = arith.constant 0 : i32
    %dma_start3A_56 = tpu.memref_slice %arg6[%dma_start3A_42, %dma_start3A_54, %dma_start3A_55] : memref<8x3x128xi32, #tpu.memory_space<vmem>> -> memref<1x3x128xi32, #tpu.memory_space<vmem>>
    %dma_start3A_57 = tpu.memref_squeeze %dma_start3A_56 : memref<1x3x128xi32, #tpu.memory_space<vmem>> -> memref<3x128xi32, #tpu.memory_space<vmem>>
    %dma_start3A_58 = arith.constant 0 : i32
    %dma_start3A_59 = arith.constant 0 : i32
    %dma_start3A_60 = tpu.memref_slice %arg3[%add3A, %dma_start3A_41, %dma_start3A_58, %dma_start3A_59] : memref<32x80x3x128xi32, #tpu.memory_space<hbm>> -> memref<1x1x3x128xi32, #tpu.memory_space<hbm>>
    %dma_start3A_61 = tpu.memref_squeeze %dma_start3A_60 : memref<1x1x3x128xi32, #tpu.memory_space<hbm>> -> memref<3x128xi32, #tpu.memory_space<hbm>>
    tpu.enqueue_dma source(%dma_start3A_61 : memref<3x128xi32, #tpu.memory_space<hbm>>) target(%dma_start3A_57 : memref<3x128xi32, #tpu.memory_space<vmem>>) target_semaphore(%dma_start3A_53 : memref<!tpu.dma_semaphore, #tpu.memory_space<semaphore_mem>>)
    %dma_wait3A = arith.constant 0 : i32
    %dma_wait3A_62 = arith.constant 0 : i32
    %dma_wait3A_63 = arith.constant 0 : i32
    %dma_wait3A_64 = arith.constant 0 : i32
    %dma_wait3A_65 = arith.constant 0 : i32
    %dma_wait3A_66 = tpu.memref_slice %arg6[%dma_wait3A_62, %dma_wait3A_64, %dma_wait3A_65] : memref<8x3x128xi32, #tpu.memory_space<vmem>> -> memref<1x3x128xi32, #tpu.memory_space<vmem>>
    %dma_wait3A_67 = tpu.memref_squeeze %dma_wait3A_66 : memref<1x3x128xi32, #tpu.memory_space<vmem>> -> memref<3x128xi32, #tpu.memory_space<vmem>>
    %dma_wait3A_68 = arith.constant 0 : i32
    %dma_wait3A_69 = arith.constant 0 : i32
    %dma_wait3A_70 = tpu.memref_slice %arg3[%add3A, %dma_wait3A, %dma_wait3A_68, %dma_wait3A_69] : memref<32x80x3x128xi32, #tpu.memory_space<hbm>> -> memref<1x1x3x128xi32, #tpu.memory_space<hbm>>
    %dma_wait3A_71 = tpu.memref_squeeze %dma_wait3A_70 : memref<1x1x3x128xi32, #tpu.memory_space<hbm>> -> memref<3x128xi32, #tpu.memory_space<hbm>>
    %dma_wait3A_72 = tpu.memref_slice %arg8[%dma_wait3A_63] : memref<8x!tpu.dma_semaphore, #tpu.memory_space<semaphore_mem>> -> memref<1x!tpu.dma_semaphore, #tpu.memory_space<semaphore_mem>>
    %dma_wait3A_73 = tpu.memref_squeeze %dma_wait3A_72 : memref<1x!tpu.dma_semaphore, #tpu.memory_space<semaphore_mem>> -> memref<!tpu.dma_semaphore, #tpu.memory_space<semaphore_mem>>
    %dma_wait3A_74 = arith.constant 0 : i32
    %dma_wait3A_75 = arith.constant 0 : i32
    %dma_wait3A_76 = tpu.memref_slice %arg6[%dma_wait3A_62, %dma_wait3A_74, %dma_wait3A_75] : memref<8x3x128xi32, #tpu.memory_space<vmem>> -> memref<1x3x128xi32, #tpu.memory_space<vmem>>
    %dma_wait3A_77 = tpu.memref_squeeze %dma_wait3A_76 : memref<1x3x128xi32, #tpu.memory_space<vmem>> -> memref<3x128xi32, #tpu.memory_space<vmem>>
    %dma_wait3A_78 = arith.constant 0 : i32
    %dma_wait3A_79 = arith.constant 0 : i32
    %dma_wait3A_80 = tpu.memref_slice %arg3[%add3A, %dma_wait3A, %dma_wait3A_78, %dma_wait3A_79] : memref<32x80x3x128xi32, #tpu.memory_space<hbm>> -> memref<1x1x3x128xi32, #tpu.memory_space<hbm>>
    %dma_wait3A_81 = tpu.memref_squeeze %dma_wait3A_80 : memref<1x1x3x128xi32, #tpu.memory_space<hbm>> -> memref<3x128xi32, #tpu.memory_space<hbm>>
    tpu.wait_dma2 semaphore(%dma_wait3A_73 : memref<!tpu.dma_semaphore, #tpu.memory_space<semaphore_mem>>) src(%dma_wait3A_81 : memref<3x128xi32, #tpu.memory_space<hbm>>) dst(%dma_wait3A_77 : memref<3x128xi32, #tpu.memory_space<vmem>>)
    %dma_start3A_82 = arith.constant 0 : i32
    %dma_start3A_83 = arith.constant 0 : i32
    %dma_start3A_84 = arith.constant 0 : i32
    %dma_start3A_85 = arith.constant 0 : i32
    %dma_start3A_86 = arith.constant 0 : i32
    %dma_start3A_87 = arith.constant 0 : i32
    %dma_start3A_88 = tpu.memref_slice %arg7[%dma_start3A_84, %dma_start3A_86, %dma_start3A_87] : memref<2x128x128xf32, #tpu.memory_space<vmem>> -> memref<1x128x128xf32, #tpu.memory_space<vmem>>
    %dma_start3A_89 = tpu.memref_squeeze %dma_start3A_88 : memref<1x128x128xf32, #tpu.memory_space<vmem>> -> memref<128x128xf32, #tpu.memory_space<vmem>>
    %dma_start3A_90 = arith.constant 0 : i32
    %dma_start3A_91 = tpu.memref_slice %arg6[%dma_start3A_82, %dma_start3A_83, %dma_start3A_90] : memref<8x3x128xi32, #tpu.memory_space<vmem>> -> memref<1x1x128xi32, #tpu.memory_space<vmem>>
    %dma_start3A_92 = tpu.memref_squeeze %dma_start3A_91 : memref<1x1x128xi32, #tpu.memory_space<vmem>> -> memref<128xi32, #tpu.memory_space<vmem>>
    %dma_start3A_93 = arith.constant 0 : i32
    %dma_start3A_94 = arith.constant 0 : i32
    %dma_start3A_95 = tpu.memref_slice %arg2[%dma_start3A_93, %dma_start3A_94] : memref<10000x128xf32, #tpu.memory_space<hbm>> -> memref<10000x128xf32, #tpu.memory_space<hbm>>
    %dma_start3A_96 = tpu.memref_slice %arg9[%dma_start3A_85] : memref<2x!tpu.dma_semaphore, #tpu.memory_space<semaphore_mem>> -> memref<1x!tpu.dma_semaphore, #tpu.memory_space<semaphore_mem>>
    %dma_start3A_97 = tpu.memref_squeeze %dma_start3A_96 : memref<1x!tpu.dma_semaphore, #tpu.memory_space<semaphore_mem>> -> memref<!tpu.dma_semaphore, #tpu.memory_space<semaphore_mem>>
    tpu.enqueue_indirect_dma source(%dma_start3A_95 : memref<10000x128xf32, #tpu.memory_space<hbm>>) target(%dma_start3A_89 : memref<128x128xf32, #tpu.memory_space<vmem>>) offsets(%dma_start3A_92 : memref<128xi32, #tpu.memory_space<vmem>>) semaphore(%dma_start3A_97 : memref<!tpu.dma_semaphore, #tpu.memory_space<semaphore_mem>>)
    %scan3A_98 = arith.constant 0 : i32
    %scan3A_99 = arith.constant 10 : i32
    %scan3A_100 = arith.addi %scan3A_98, %scan3A_99 : i32
    %scan3A_101 = arith.constant 1 : i32
    scf.for %scan3A_156 = %scan3A_98 to %scan3A_100 step %scan3A_101  : i32 {
      %mul3A_157 = arith.constant 1 : i32
      %mul3A_158 = arith.muli %scan3A_156, %mul3A_157 : i32
      %add3A_159 = arith.constant 0 : i32
      %add3A_160 = arith.addi %add3A_159, %mul3A_158 : i32
      %mul3A_161 = arith.constant 8 : i32
      %mul3A_162 = arith.muli %add3A_160, %mul3A_161 : i32
      %add3A_163 = arith.constant 0 : i32
      %add3A_164 = arith.addi %mul3A_162, %add3A_163 : i32
      %add3A_165 = arith.constant 2 : i32
      %add3A_166 = arith.addi %add3A_164, %add3A_165 : i32
      %lt3A = arith.constant 80 : i32
      %lt3A_167 = arith.cmpi slt, %add3A_166, %lt3A : i32
      %convert_element_type3A = arith.extui %lt3A_167 : i1 to i32
      %cond3A = arith.constant 0 : i32
      %cond3A_168 = arith.cmpi ne, %convert_element_type3A, %cond3A : i32
      scf.if %cond3A_168 {
        %add3A_567 = arith.constant 2 : i32
        %add3A_568 = arith.addi %add3A_164, %add3A_567 : i32
        %dma_start3A_569 = arith.constant 2 : i32
        %dma_start3A_570 = arith.constant 2 : i32
        %dma_start3A_571 = arith.constant 0 : i32
        %dma_start3A_572 = arith.constant 0 : i32
        %dma_start3A_573 = tpu.memref_slice %arg6[%dma_start3A_569, %dma_start3A_571, %dma_start3A_572] : memref<8x3x128xi32, #tpu.memory_space<vmem>> -> memref<1x3x128xi32, #tpu.memory_space<vmem>>
        %dma_start3A_574 = tpu.memref_squeeze %dma_start3A_573 : memref<1x3x128xi32, #tpu.memory_space<vmem>> -> memref<3x128xi32, #tpu.memory_space<vmem>>
        %dma_start3A_575 = arith.constant 0 : i32
        %dma_start3A_576 = arith.constant 0 : i32
        %dma_start3A_577 = tpu.memref_slice %arg3[%add3A, %add3A_568, %dma_start3A_575, %dma_start3A_576] : memref<32x80x3x128xi32, #tpu.memory_space<hbm>> -> memref<1x1x3x128xi32, #tpu.memory_space<hbm>>
        %dma_start3A_578 = tpu.memref_squeeze %dma_start3A_577 : memref<1x1x3x128xi32, #tpu.memory_space<hbm>> -> memref<3x128xi32, #tpu.memory_space<hbm>>
        %dma_start3A_579 = tpu.memref_slice %arg8[%dma_start3A_570] : memref<8x!tpu.dma_semaphore, #tpu.memory_space<semaphore_mem>> -> memref<1x!tpu.dma_semaphore, #tpu.memory_space<semaphore_mem>>
        %dma_start3A_580 = tpu.memref_squeeze %dma_start3A_579 : memref<1x!tpu.dma_semaphore, #tpu.memory_space<semaphore_mem>> -> memref<!tpu.dma_semaphore, #tpu.memory_space<semaphore_mem>>
        %dma_start3A_581 = arith.constant 0 : i32
        %dma_start3A_582 = arith.constant 0 : i32
        %dma_start3A_583 = tpu.memref_slice %arg6[%dma_start3A_569, %dma_start3A_581, %dma_start3A_582] : memref<8x3x128xi32, #tpu.memory_space<vmem>> -> memref<1x3x128xi32, #tpu.memory_space<vmem>>
        %dma_start3A_584 = tpu.memref_squeeze %dma_start3A_583 : memref<1x3x128xi32, #tpu.memory_space<vmem>> -> memref<3x128xi32, #tpu.memory_space<vmem>>
        %dma_start3A_585 = arith.constant 0 : i32
        %dma_start3A_586 = arith.constant 0 : i32
        %dma_start3A_587 = tpu.memref_slice %arg3[%add3A, %add3A_568, %dma_start3A_585, %dma_start3A_586] : memref<32x80x3x128xi32, #tpu.memory_space<hbm>> -> memref<1x1x3x128xi32, #tpu.memory_space<hbm>>
        %dma_start3A_588 = tpu.memref_squeeze %dma_start3A_587 : memref<1x1x3x128xi32, #tpu.memory_space<hbm>> -> memref<3x128xi32, #tpu.memory_space<hbm>>
        tpu.enqueue_dma source(%dma_start3A_588 : memref<3x128xi32, #tpu.memory_space<hbm>>) target(%dma_start3A_584 : memref<3x128xi32, #tpu.memory_space<vmem>>) target_semaphore(%dma_start3A_580 : memref<!tpu.dma_semaphore, #tpu.memory_space<semaphore_mem>>)
      } else {
      }
      %add3A_169 = arith.constant 1 : i32
      %add3A_170 = arith.addi %add3A_164, %add3A_169 : i32
      %lt3A_171 = arith.constant 80 : i32
      %lt3A_172 = arith.cmpi slt, %add3A_170, %lt3A_171 : i32
      %convert_element_type3A_173 = arith.extui %lt3A_172 : i1 to i32
      %cond3A_174 = arith.constant 0 : i32
      %cond3A_175 = arith.cmpi ne, %convert_element_type3A_173, %cond3A_174 : i32
      scf.if %cond3A_175 {
        %add3A_567 = arith.constant 1 : i32
        %add3A_568 = arith.addi %add3A_164, %add3A_567 : i32
        %ge3A = arith.constant 2 : i32
        %ge3A_569 = arith.cmpi sge, %add3A_568, %ge3A : i32
        %convert_element_type3A_570 = arith.extui %ge3A_569 : i1 to i32
        %cond3A_571 = arith.constant 0 : i32
        %cond3A_572 = arith.cmpi ne, %convert_element_type3A_570, %cond3A_571 : i32
        scf.if %cond3A_572 {
          %dma_wait3A_613 = arith.constant 1 : i32
          %dma_wait3A_614 = arith.constant 1 : i32
          %dma_wait3A_615 = arith.constant 1 : i32
          %dma_wait3A_616 = arith.constant 1 : i32
          %dma_wait3A_617 = arith.constant 0 : i32
          %dma_wait3A_618 = arith.constant 0 : i32
          %dma_wait3A_619 = tpu.memref_slice %arg7[%dma_wait3A_613, %dma_wait3A_617, %dma_wait3A_618] : memref<2x128x128xf32, #tpu.memory_space<vmem>> -> memref<1x128x128xf32, #tpu.memory_space<vmem>>
          %dma_wait3A_620 = tpu.memref_squeeze %dma_wait3A_619 : memref<1x128x128xf32, #tpu.memory_space<vmem>> -> memref<128x128xf32, #tpu.memory_space<vmem>>
          %dma_wait3A_621 = arith.constant 0 : i32
          %dma_wait3A_622 = tpu.memref_slice %arg6[%dma_wait3A_614, %dma_wait3A_615, %dma_wait3A_621] : memref<8x3x128xi32, #tpu.memory_space<vmem>> -> memref<1x1x128xi32, #tpu.memory_space<vmem>>
          %dma_wait3A_623 = tpu.memref_squeeze %dma_wait3A_622 : memref<1x1x128xi32, #tpu.memory_space<vmem>> -> memref<128xi32, #tpu.memory_space<vmem>>
          %dma_wait3A_624 = arith.constant 0 : i32
          %dma_wait3A_625 = arith.constant 0 : i32
          %dma_wait3A_626 = tpu.memref_slice %arg5[%dma_wait3A_624, %dma_wait3A_625] : memref<10240x128xf32, #tpu.memory_space<vmem_shared>> -> memref<10240x128xf32, #tpu.memory_space<vmem_shared>>
          %dma_wait3A_627 = tpu.memref_slice %arg10[%dma_wait3A_616] : memref<2x!tpu.dma_semaphore, #tpu.memory_space<semaphore_mem>> -> memref<1x!tpu.dma_semaphore, #tpu.memory_space<semaphore_mem>>
          %dma_wait3A_628 = tpu.memref_squeeze %dma_wait3A_627 : memref<1x!tpu.dma_semaphore, #tpu.memory_space<semaphore_mem>> -> memref<!tpu.dma_semaphore, #tpu.memory_space<semaphore_mem>>
          tpu.wait_indirect_dma semaphore(%dma_wait3A_628 : memref<!tpu.dma_semaphore, #tpu.memory_space<semaphore_mem>>) src(%dma_wait3A_620 : memref<128x128xf32, #tpu.memory_space<vmem>>) dst(%dma_wait3A_626 : memref<10240x128xf32, #tpu.memory_space<vmem_shared>>)
        } else {
        }
        %add3A_573 = arith.constant 1 : i32
        %add3A_574 = arith.addi %add3A_164, %add3A_573 : i32
        %dma_wait3A_575 = arith.constant 1 : i32
        %dma_wait3A_576 = arith.constant 1 : i32
        %dma_wait3A_577 = arith.constant 0 : i32
        %dma_wait3A_578 = arith.constant 0 : i32
        %dma_wait3A_579 = tpu.memref_slice %arg6[%dma_wait3A_575, %dma_wait3A_577, %dma_wait3A_578] : memref<8x3x128xi32, #tpu.memory_space<vmem>> -> memref<1x3x128xi32, #tpu.memory_space<vmem>>
        %dma_wait3A_580 = tpu.memref_squeeze %dma_wait3A_579 : memref<1x3x128xi32, #tpu.memory_space<vmem>> -> memref<3x128xi32, #tpu.memory_space<vmem>>
        %dma_wait3A_581 = arith.constant 0 : i32
        %dma_wait3A_582 = arith.constant 0 : i32
        %dma_wait3A_583 = tpu.memref_slice %arg3[%add3A, %add3A_574, %dma_wait3A_581, %dma_wait3A_582] : memref<32x80x3x128xi32, #tpu.memory_space<hbm>> -> memref<1x1x3x128xi32, #tpu.memory_space<hbm>>
        %dma_wait3A_584 = tpu.memref_squeeze %dma_wait3A_583 : memref<1x1x3x128xi32, #tpu.memory_space<hbm>> -> memref<3x128xi32, #tpu.memory_space<hbm>>
        %dma_wait3A_585 = tpu.memref_slice %arg8[%dma_wait3A_576] : memref<8x!tpu.dma_semaphore, #tpu.memory_space<semaphore_mem>> -> memref<1x!tpu.dma_semaphore, #tpu.memory_space<semaphore_mem>>
        %dma_wait3A_586 = tpu.memref_squeeze %dma_wait3A_585 : memref<1x!tpu.dma_semaphore, #tpu.memory_space<semaphore_mem>> -> memref<!tpu.dma_semaphore, #tpu.memory_space<semaphore_mem>>
        %dma_wait3A_587 = arith.constant 0 : i32
        %dma_wait3A_588 = arith.constant 0 : i32
        %dma_wait3A_589 = tpu.memref_slice %arg6[%dma_wait3A_575, %dma_wait3A_587, %dma_wait3A_588] : memref<8x3x128xi32, #tpu.memory_space<vmem>> -> memref<1x3x128xi32, #tpu.memory_space<vmem>>
        %dma_wait3A_590 = tpu.memref_squeeze %dma_wait3A_589 : memref<1x3x128xi32, #tpu.memory_space<vmem>> -> memref<3x128xi32, #tpu.memory_space<vmem>>
        %dma_wait3A_591 = arith.constant 0 : i32
        %dma_wait3A_592 = arith.constant 0 : i32
        %dma_wait3A_593 = tpu.memref_slice %arg3[%add3A, %add3A_574, %dma_wait3A_591, %dma_wait3A_592] : memref<32x80x3x128xi32, #tpu.memory_space<hbm>> -> memref<1x1x3x128xi32, #tpu.memory_space<hbm>>
        %dma_wait3A_594 = tpu.memref_squeeze %dma_wait3A_593 : memref<1x1x3x128xi32, #tpu.memory_space<hbm>> -> memref<3x128xi32, #tpu.memory_space<hbm>>
        tpu.wait_dma2 semaphore(%dma_wait3A_586 : memref<!tpu.dma_semaphore, #tpu.memory_space<semaphore_mem>>) src(%dma_wait3A_594 : memref<3x128xi32, #tpu.memory_space<hbm>>) dst(%dma_wait3A_590 : memref<3x128xi32, #tpu.memory_space<vmem>>)
        %add3A_595 = arith.constant 1 : i32
        %add3A_596 = arith.addi %add3A_164, %add3A_595 : i32
        %dma_start3A_597 = arith.constant 1 : i32
        %dma_start3A_598 = arith.constant 0 : i32
        %dma_start3A_599 = arith.constant 1 : i32
        %dma_start3A_600 = arith.constant 1 : i32
        %dma_start3A_601 = arith.constant 0 : i32
        %dma_start3A_602 = arith.constant 0 : i32
        %dma_start3A_603 = tpu.memref_slice %arg7[%dma_start3A_599, %dma_start3A_601, %dma_start3A_602] : memref<2x128x128xf32, #tpu.memory_space<vmem>> -> memref<1x128x128xf32, #tpu.memory_space<vmem>>
        %dma_start3A_604 = tpu.memref_squeeze %dma_start3A_603 : memref<1x128x128xf32, #tpu.memory_space<vmem>> -> memref<128x128xf32, #tpu.memory_space<vmem>>
        %dma_start3A_605 = arith.constant 0 : i32
        %dma_start3A_606 = tpu.memref_slice %arg6[%dma_start3A_597, %dma_start3A_598, %dma_start3A_605] : memref<8x3x128xi32, #tpu.memory_space<vmem>> -> memref<1x1x128xi32, #tpu.memory_space<vmem>>
        %dma_start3A_607 = tpu.memref_squeeze %dma_start3A_606 : memref<1x1x128xi32, #tpu.memory_space<vmem>> -> memref<128xi32, #tpu.memory_space<vmem>>
        %dma_start3A_608 = arith.constant 0 : i32
        %dma_start3A_609 = arith.constant 0 : i32
        %dma_start3A_610 = tpu.memref_slice %arg2[%dma_start3A_608, %dma_start3A_609] : memref<10000x128xf32, #tpu.memory_space<hbm>> -> memref<10000x128xf32, #tpu.memory_space<hbm>>
        %dma_start3A_611 = tpu.memref_slice %arg9[%dma_start3A_600] : memref<2x!tpu.dma_semaphore, #tpu.memory_space<semaphore_mem>> -> memref<1x!tpu.dma_semaphore, #tpu.memory_space<semaphore_mem>>
        %dma_start3A_612 = tpu.memref_squeeze %dma_start3A_611 : memref<1x!tpu.dma_semaphore, #tpu.memory_space<semaphore_mem>> -> memref<!tpu.dma_semaphore, #tpu.memory_space<semaphore_mem>>
        tpu.enqueue_indirect_dma source(%dma_start3A_610 : memref<10000x128xf32, #tpu.memory_space<hbm>>) target(%dma_start3A_604 : memref<128x128xf32, #tpu.memory_space<vmem>>) offsets(%dma_start3A_607 : memref<128xi32, #tpu.memory_space<vmem>>) semaphore(%dma_start3A_612 : memref<!tpu.dma_semaphore, #tpu.memory_space<semaphore_mem>>)
      } else {
      }
      %dma_wait3A_176 = arith.constant 0 : i32
      %dma_wait3A_177 = arith.constant 0 : i32
      %dma_wait3A_178 = arith.constant 0 : i32
      %dma_wait3A_179 = arith.constant 0 : i32
      %dma_wait3A_180 = arith.constant 0 : i32
      %dma_wait3A_181 = arith.constant 0 : i32
      %dma_wait3A_182 = tpu.memref_slice %arg7[%dma_wait3A_178, %dma_wait3A_180, %dma_wait3A_181] : memref<2x128x128xf32, #tpu.memory_space<vmem>> -> memref<1x128x128xf32, #tpu.memory_space<vmem>>
      %dma_wait3A_183 = tpu.memref_squeeze %dma_wait3A_182 : memref<1x128x128xf32, #tpu.memory_space<vmem>> -> memref<128x128xf32, #tpu.memory_space<vmem>>
      %dma_wait3A_184 = arith.constant 0 : i32
      %dma_wait3A_185 = tpu.memref_slice %arg6[%dma_wait3A_176, %dma_wait3A_177, %dma_wait3A_184] : memref<8x3x128xi32, #tpu.memory_space<vmem>> -> memref<1x1x128xi32, #tpu.memory_space<vmem>>
      %dma_wait3A_186 = tpu.memref_squeeze %dma_wait3A_185 : memref<1x1x128xi32, #tpu.memory_space<vmem>> -> memref<128xi32, #tpu.memory_space<vmem>>
      %dma_wait3A_187 = arith.constant 0 : i32
      %dma_wait3A_188 = arith.constant 0 : i32
      %dma_wait3A_189 = tpu.memref_slice %arg2[%dma_wait3A_187, %dma_wait3A_188] : memref<10000x128xf32, #tpu.memory_space<hbm>> -> memref<10000x128xf32, #tpu.memory_space<hbm>>
      %dma_wait3A_190 = tpu.memref_slice %arg9[%dma_wait3A_179] : memref<2x!tpu.dma_semaphore, #tpu.memory_space<semaphore_mem>> -> memref<1x!tpu.dma_semaphore, #tpu.memory_space<semaphore_mem>>
      %dma_wait3A_191 = tpu.memref_squeeze %dma_wait3A_190 : memref<1x!tpu.dma_semaphore, #tpu.memory_space<semaphore_mem>> -> memref<!tpu.dma_semaphore, #tpu.memory_space<semaphore_mem>>
      tpu.wait_indirect_dma semaphore(%dma_wait3A_191 : memref<!tpu.dma_semaphore, #tpu.memory_space<semaphore_mem>>) src(%dma_wait3A_189 : memref<10000x128xf32, #tpu.memory_space<hbm>>) dst(%dma_wait3A_183 : memref<128x128xf32, #tpu.memory_space<vmem>>)
      %parallel_loop3A = arith.constant 0 : i32
      %parallel_loop3A_192 = arith.constant 128 : i32
      %parallel_loop3A_193 = arith.constant 1 : i32
      scf.for %parallel_loop3A_567 = %parallel_loop3A to %parallel_loop3A_192 step %parallel_loop3A_193  : i32 {
        %parallel_loop3A_568 = vector.broadcast %parallel_loop3A_567 : i32 to vector<16xi32>
        %parallel_loop3A_569 = arith.constant 0 : i32
        %parallel_loop3A_570 = arith.constant 2 : i32
        %parallel_loop3A_571 = arith.constant 0 : i32
        %parallel_loop3A_572 = tpu.memref_slice %arg6[%parallel_loop3A_569, %parallel_loop3A_570, %parallel_loop3A_571] : memref<8x3x128xi32, #tpu.memory_space<vmem>> -> memref<1x1x128xi32, #tpu.memory_space<vmem>>
        %parallel_loop3A_573 = tpu.memref_squeeze %parallel_loop3A_572 : memref<1x1x128xi32, #tpu.memory_space<vmem>> -> memref<128xi32, #tpu.memory_space<vmem>>
        %parallel_loop3A_574 = tpu.vector_load_idx %parallel_loop3A_573[%parallel_loop3A_568] : memref<128xi32, #tpu.memory_space<vmem>>[vector<16xi32>], vector<16xi32>,
        %parallel_loop3A_575 = vector.bitcast %parallel_loop3A_574 : vector<16xi32> to vector<16xf32>
        %parallel_loop3A_576 = arith.constant 0 : i32
        %parallel_loop3A_577 = arith.index_cast %parallel_loop3A_576 : i32 to index
        %parallel_loop3A_578 = arith.index_cast %parallel_loop3A_567 : i32 to index
        %parallel_loop3A_579 = arith.constant 0 : index
        %parallel_loop3A_580 = tpu.vector_load %arg7[%parallel_loop3A_577, %parallel_loop3A_578, %parallel_loop3A_579] {strides = array<i32>} : memref<2x128x128xf32, #tpu.memory_space<vmem>>, vector<16xf32>,
        %parallel_loop3A_581 = arith.mulf %parallel_loop3A_580, %parallel_loop3A_575 : vector<16xf32>
        %parallel_loop3A_582 = arith.constant 0 : i32
        %parallel_loop3A_583 = arith.index_cast %parallel_loop3A_582 : i32 to index
        %parallel_loop3A_584 = arith.index_cast %parallel_loop3A_567 : i32 to index
        %parallel_loop3A_585 = arith.constant 0 : index
        %parallel_loop3A_586 = tpu.vector_load %arg7[%parallel_loop3A_583, %parallel_loop3A_584, %parallel_loop3A_585] {strides = array<i32>} : memref<2x128x128xf32, #tpu.memory_space<vmem>>, vector<16xf32>,
        tpu.vector_store %arg7[%parallel_loop3A_583, %parallel_loop3A_584, %parallel_loop3A_585], %parallel_loop3A_581 {strides = array<i32>} : memref<2x128x128xf32, #tpu.memory_space<vmem>>, vector<16xf32>,
        %parallel_loop3A_587 = arith.constant 0 : i32
        %parallel_loop3A_588 = arith.index_cast %parallel_loop3A_587 : i32 to index
        %parallel_loop3A_589 = arith.index_cast %parallel_loop3A_567 : i32 to index
        %parallel_loop3A_590 = arith.constant 16 : index
        %parallel_loop3A_591 = tpu.vector_load %arg7[%parallel_loop3A_588, %parallel_loop3A_589, %parallel_loop3A_590] {strides = array<i32>} : memref<2x128x128xf32, #tpu.memory_space<vmem>>, vector<16xf32>,
        %parallel_loop3A_592 = arith.mulf %parallel_loop3A_591, %parallel_loop3A_575 : vector<16xf32>
        %parallel_loop3A_593 = arith.constant 0 : i32
        %parallel_loop3A_594 = arith.index_cast %parallel_loop3A_593 : i32 to index
        %parallel_loop3A_595 = arith.index_cast %parallel_loop3A_567 : i32 to index
        %parallel_loop3A_596 = arith.constant 16 : index
        %parallel_loop3A_597 = tpu.vector_load %arg7[%parallel_loop3A_594, %parallel_loop3A_595, %parallel_loop3A_596] {strides = array<i32>} : memref<2x128x128xf32, #tpu.memory_space<vmem>>, vector<16xf32>,
        tpu.vector_store %arg7[%parallel_loop3A_594, %parallel_loop3A_595, %parallel_loop3A_596], %parallel_loop3A_592 {strides = array<i32>} : memref<2x128x128xf32, #tpu.memory_space<vmem>>, vector<16xf32>,
        %parallel_loop3A_598 = arith.constant 0 : i32
        %parallel_loop3A_599 = arith.index_cast %parallel_loop3A_598 : i32 to index
        %parallel_loop3A_600 = arith.index_cast %parallel_loop3A_567 : i32 to index
        %parallel_loop3A_601 = arith.constant 32 : index
        %parallel_loop3A_602 = tpu.vector_load %arg7[%parallel_loop3A_599, %parallel_loop3A_600, %parallel_loop3A_601] {strides = array<i32>} : memref<2x128x128xf32, #tpu.memory_space<vmem>>, vector<16xf32>,
        %parallel_loop3A_603 = arith.mulf %parallel_loop3A_602, %parallel_loop3A_575 : vector<16xf32>
        %parallel_loop3A_604 = arith.constant 0 : i32
        %parallel_loop3A_605 = arith.index_cast %parallel_loop3A_604 : i32 to index
        %parallel_loop3A_606 = arith.index_cast %parallel_loop3A_567 : i32 to index
        %parallel_loop3A_607 = arith.constant 32 : index
        %parallel_loop3A_608 = tpu.vector_load %arg7[%parallel_loop3A_605, %parallel_loop3A_606, %parallel_loop3A_607] {strides = array<i32>} : memref<2x128x128xf32, #tpu.memory_space<vmem>>, vector<16xf32>,
        tpu.vector_store %arg7[%parallel_loop3A_605, %parallel_loop3A_606, %parallel_loop3A_607], %parallel_loop3A_603 {strides = array<i32>} : memref<2x128x128xf32, #tpu.memory_space<vmem>>, vector<16xf32>,
        %parallel_loop3A_609 = arith.constant 0 : i32
        %parallel_loop3A_610 = arith.index_cast %parallel_loop3A_609 : i32 to index
        %parallel_loop3A_611 = arith.index_cast %parallel_loop3A_567 : i32 to index
        %parallel_loop3A_612 = arith.constant 48 : index
        %parallel_loop3A_613 = tpu.vector_load %arg7[%parallel_loop3A_610, %parallel_loop3A_611, %parallel_loop3A_612] {strides = array<i32>} : memref<2x128x128xf32, #tpu.memory_space<vmem>>, vector<16xf32>,
        %parallel_loop3A_614 = arith.mulf %parallel_loop3A_613, %parallel_loop3A_575 : vector<16xf32>
        %parallel_loop3A_615 = arith.constant 0 : i32
        %parallel_loop3A_616 = arith.index_cast %parallel_loop3A_615 : i32 to index
        %parallel_loop3A_617 = arith.index_cast %parallel_loop3A_567 : i32 to index
        %parallel_loop3A_618 = arith.constant 48 : index
        %parallel_loop3A_619 = tpu.vector_load %arg7[%parallel_loop3A_616, %parallel_loop3A_617, %parallel_loop3A_618] {strides = array<i32>} : memref<2x128x128xf32, #tpu.memory_space<vmem>>, vector<16xf32>,
        tpu.vector_store %arg7[%parallel_loop3A_616, %parallel_loop3A_617, %parallel_loop3A_618], %parallel_loop3A_614 {strides = array<i32>} : memref<2x128x128xf32, #tpu.memory_space<vmem>>, vector<16xf32>,
        %parallel_loop3A_620 = arith.constant 0 : i32
        %parallel_loop3A_621 = arith.index_cast %parallel_loop3A_620 : i32 to index
        %parallel_loop3A_622 = arith.index_cast %parallel_loop3A_567 : i32 to index
        %parallel_loop3A_623 = arith.constant 64 : index
        %parallel_loop3A_624 = tpu.vector_load %arg7[%parallel_loop3A_621, %parallel_loop3A_622, %parallel_loop3A_623] {strides = array<i32>} : memref<2x128x128xf32, #tpu.memory_space<vmem>>, vector<16xf32>,
        %parallel_loop3A_625 = arith.mulf %parallel_loop3A_624, %parallel_loop3A_575 : vector<16xf32>
        %parallel_loop3A_626 = arith.constant 0 : i32
        %parallel_loop3A_627 = arith.index_cast %parallel_loop3A_626 : i32 to index
        %parallel_loop3A_628 = arith.index_cast %parallel_loop3A_567 : i32 to index
        %parallel_loop3A_629 = arith.constant 64 : index
        %parallel_loop3A_630 = tpu.vector_load %arg7[%parallel_loop3A_627, %parallel_loop3A_628, %parallel_loop3A_629] {strides = array<i32>} : memref<2x128x128xf32, #tpu.memory_space<vmem>>, vector<16xf32>,
        tpu.vector_store %arg7[%parallel_loop3A_627, %parallel_loop3A_628, %parallel_loop3A_629], %parallel_loop3A_625 {strides = array<i32>} : memref<2x128x128xf32, #tpu.memory_space<vmem>>, vector<16xf32>,
        %parallel_loop3A_631 = arith.constant 0 : i32
        %parallel_loop3A_632 = arith.index_cast %parallel_loop3A_631 : i32 to index
        %parallel_loop3A_633 = arith.index_cast %parallel_loop3A_567 : i32 to index
        %parallel_loop3A_634 = arith.constant 80 : index
        %parallel_loop3A_635 = tpu.vector_load %arg7[%parallel_loop3A_632, %parallel_loop3A_633, %parallel_loop3A_634] {strides = array<i32>} : memref<2x128x128xf32, #tpu.memory_space<vmem>>, vector<16xf32>,
        %parallel_loop3A_636 = arith.mulf %parallel_loop3A_635, %parallel_loop3A_575 : vector<16xf32>
        %parallel_loop3A_637 = arith.constant 0 : i32
        %parallel_loop3A_638 = arith.index_cast %parallel_loop3A_637 : i32 to index
        %parallel_loop3A_639 = arith.index_cast %parallel_loop3A_567 : i32 to index
        %parallel_loop3A_640 = arith.constant 80 : index
        %parallel_loop3A_641 = tpu.vector_load %arg7[%parallel_loop3A_638, %parallel_loop3A_639, %parallel_loop3A_640] {strides = array<i32>} : memref<2x128x128xf32, #tpu.memory_space<vmem>>, vector<16xf32>,
        tpu.vector_store %arg7[%parallel_loop3A_638, %parallel_loop3A_639, %parallel_loop3A_640], %parallel_loop3A_636 {strides = array<i32>} : memref<2x128x128xf32, #tpu.memory_space<vmem>>, vector<16xf32>,
        %parallel_loop3A_642 = arith.constant 0 : i32
        %parallel_loop3A_643 = arith.index_cast %parallel_loop3A_642 : i32 to index
        %parallel_loop3A_644 = arith.index_cast %parallel_loop3A_567 : i32 to index
        %parallel_loop3A_645 = arith.constant 96 : index
        %parallel_loop3A_646 = tpu.vector_load %arg7[%parallel_loop3A_643, %parallel_loop3A_644, %parallel_loop3A_645] {strides = array<i32>} : memref<2x128x128xf32, #tpu.memory_space<vmem>>, vector<16xf32>,
        %parallel_loop3A_647 = arith.mulf %parallel_loop3A_646, %parallel_loop3A_575 : vector<16xf32>
        %parallel_loop3A_648 = arith.constant 0 : i32
        %parallel_loop3A_649 = arith.index_cast %parallel_loop3A_648 : i32 to index
        %parallel_loop3A_650 = arith.index_cast %parallel_loop3A_567 : i32 to index
        %parallel_loop3A_651 = arith.constant 96 : index
        %parallel_loop3A_652 = tpu.vector_load %arg7[%parallel_loop3A_649, %parallel_loop3A_650, %parallel_loop3A_651] {strides = array<i32>} : memref<2x128x128xf32, #tpu.memory_space<vmem>>, vector<16xf32>,
        tpu.vector_store %arg7[%parallel_loop3A_649, %parallel_loop3A_650, %parallel_loop3A_651], %parallel_loop3A_647 {strides = array<i32>} : memref<2x128x128xf32, #tpu.memory_space<vmem>>, vector<16xf32>,
        %parallel_loop3A_653 = arith.constant 0 : i32
        %parallel_loop3A_654 = arith.index_cast %parallel_loop3A_653 : i32 to index
        %parallel_loop3A_655 = arith.index_cast %parallel_loop3A_567 : i32 to index
        %parallel_loop3A_656 = arith.constant 112 : index
        %parallel_loop3A_657 = tpu.vector_load %arg7[%parallel_loop3A_654, %parallel_loop3A_655, %parallel_loop3A_656] {strides = array<i32>} : memref<2x128x128xf32, #tpu.memory_space<vmem>>, vector<16xf32>,
        %parallel_loop3A_658 = arith.mulf %parallel_loop3A_657, %parallel_loop3A_575 : vector<16xf32>
        %parallel_loop3A_659 = arith.constant 0 : i32
        %parallel_loop3A_660 = arith.index_cast %parallel_loop3A_659 : i32 to index
        %parallel_loop3A_661 = arith.index_cast %parallel_loop3A_567 : i32 to index
        %parallel_loop3A_662 = arith.constant 112 : index
        %parallel_loop3A_663 = tpu.vector_load %arg7[%parallel_loop3A_660, %parallel_loop3A_661, %parallel_loop3A_662] {strides = array<i32>} : memref<2x128x128xf32, #tpu.memory_space<vmem>>, vector<16xf32>,
        tpu.vector_store %arg7[%parallel_loop3A_660, %parallel_loop3A_661, %parallel_loop3A_662], %parallel_loop3A_658 {strides = array<i32>} : memref<2x128x128xf32, #tpu.memory_space<vmem>>, vector<16xf32>,
      } {sc.loop_unroll_factor = 2 : i64, sc.parallel_access}
      %dma_start3A_194 = arith.constant 0 : i32
      %dma_start3A_195 = arith.constant 0 : i32
      %dma_start3A_196 = arith.constant 1 : i32
      %dma_start3A_197 = arith.constant 0 : i32
      %dma_start3A_198 = arith.constant 0 : i32
      %dma_start3A_199 = arith.constant 0 : i32
      %dma_start3A_200 = tpu.memref_slice %arg7[%dma_start3A_194, %dma_start3A_198, %dma_start3A_199] : memref<2x128x128xf32, #tpu.memory_space<vmem>> -> memref<1x128x128xf32, #tpu.memory_space<vmem>>
      %dma_start3A_201 = tpu.memref_squeeze %dma_start3A_200 : memref<1x128x128xf32, #tpu.memory_space<vmem>> -> memref<128x128xf32, #tpu.memory_space<vmem>>
      %dma_start3A_202 = arith.constant 0 : i32
      %dma_start3A_203 = tpu.memref_slice %arg6[%dma_start3A_195, %dma_start3A_196, %dma_start3A_202] : memref<8x3x128xi32, #tpu.memory_space<vmem>> -> memref<1x1x128xi32, #tpu.memory_space<vmem>>
      %dma_start3A_204 = tpu.memref_squeeze %dma_start3A_203 : memref<1x1x128xi32, #tpu.memory_space<vmem>> -> memref<128xi32, #tpu.memory_space<vmem>>
      %dma_start3A_205 = arith.constant 0 : i32
      %dma_start3A_206 = arith.constant 0 : i32
      %dma_start3A_207 = tpu.memref_slice %arg5[%dma_start3A_205, %dma_start3A_206] : memref<10240x128xf32, #tpu.memory_space<vmem_shared>> -> memref<10240x128xf32, #tpu.memory_space<vmem_shared>>
      %dma_start3A_208 = tpu.memref_slice %arg10[%dma_start3A_197] : memref<2x!tpu.dma_semaphore, #tpu.memory_space<semaphore_mem>> -> memref<1x!tpu.dma_semaphore, #tpu.memory_space<semaphore_mem>>
      %dma_start3A_209 = tpu.memref_squeeze %dma_start3A_208 : memref<1x!tpu.dma_semaphore, #tpu.memory_space<semaphore_mem>> -> memref<!tpu.dma_semaphore, #tpu.memory_space<semaphore_mem>>
      tpu.enqueue_indirect_dma source(%dma_start3A_201 : memref<128x128xf32, #tpu.memory_space<vmem>>) target(%dma_start3A_207 : memref<10240x128xf32, #tpu.memory_space<vmem_shared>>) offsets(%dma_start3A_204 : memref<128xi32, #tpu.memory_space<vmem>>) semaphore(%dma_start3A_209 : memref<!tpu.dma_semaphore, #tpu.memory_space<semaphore_mem>>) {add = true}
      %add3A_210 = arith.constant 1 : i32
      %add3A_211 = arith.addi %mul3A_162, %add3A_210 : i32
      %add3A_212 = arith.constant 2 : i32
      %add3A_213 = arith.addi %add3A_211, %add3A_212 : i32
      %lt3A_214 = arith.constant 80 : i32
      %lt3A_215 = arith.cmpi slt, %add3A_213, %lt3A_214 : i32
      %convert_element_type3A_216 = arith.extui %lt3A_215 : i1 to i32
      %cond3A_217 = arith.constant 0 : i32
      %cond3A_218 = arith.cmpi ne, %convert_element_type3A_216, %cond3A_217 : i32
      scf.if %cond3A_218 {
        %add3A_567 = arith.constant 2 : i32
        %add3A_568 = arith.addi %add3A_211, %add3A_567 : i32
        %dma_start3A_569 = arith.constant 3 : i32
        %dma_start3A_570 = arith.constant 3 : i32
        %dma_start3A_571 = arith.constant 0 : i32
        %dma_start3A_572 = arith.constant 0 : i32
        %dma_start3A_573 = tpu.memref_slice %arg6[%dma_start3A_569, %dma_start3A_571, %dma_start3A_572] : memref<8x3x128xi32, #tpu.memory_space<vmem>> -> memref<1x3x128xi32, #tpu.memory_space<vmem>>
        %dma_start3A_574 = tpu.memref_squeeze %dma_start3A_573 : memref<1x3x128xi32, #tpu.memory_space<vmem>> -> memref<3x128xi32, #tpu.memory_space<vmem>>
        %dma_start3A_575 = arith.constant 0 : i32
        %dma_start3A_576 = arith.constant 0 : i32
        %dma_start3A_577 = tpu.memref_slice %arg3[%add3A, %add3A_568, %dma_start3A_575, %dma_start3A_576] : memref<32x80x3x128xi32, #tpu.memory_space<hbm>> -> memref<1x1x3x128xi32, #tpu.memory_space<hbm>>
        %dma_start3A_578 = tpu.memref_squeeze %dma_start3A_577 : memref<1x1x3x128xi32, #tpu.memory_space<hbm>> -> memref<3x128xi32, #tpu.memory_space<hbm>>
        %dma_start3A_579 = tpu.memref_slice %arg8[%dma_start3A_570] : memref<8x!tpu.dma_semaphore, #tpu.memory_space<semaphore_mem>> -> memref<1x!tpu.dma_semaphore, #tpu.memory_space<semaphore_mem>>
        %dma_start3A_580 = tpu.memref_squeeze %dma_start3A_579 : memref<1x!tpu.dma_semaphore, #tpu.memory_space<semaphore_mem>> -> memref<!tpu.dma_semaphore, #tpu.memory_space<semaphore_mem>>
        %dma_start3A_581 = arith.constant 0 : i32
        %dma_start3A_582 = arith.constant 0 : i32
        %dma_start3A_583 = tpu.memref_slice %arg6[%dma_start3A_569, %dma_start3A_581, %dma_start3A_582] : memref<8x3x128xi32, #tpu.memory_space<vmem>> -> memref<1x3x128xi32, #tpu.memory_space<vmem>>
        %dma_start3A_584 = tpu.memref_squeeze %dma_start3A_583 : memref<1x3x128xi32, #tpu.memory_space<vmem>> -> memref<3x128xi32, #tpu.memory_space<vmem>>
        %dma_start3A_585 = arith.constant 0 : i32
        %dma_start3A_586 = arith.constant 0 : i32
        %dma_start3A_587 = tpu.memref_slice %arg3[%add3A, %add3A_568, %dma_start3A_585, %dma_start3A_586] : memref<32x80x3x128xi32, #tpu.memory_space<hbm>> -> memref<1x1x3x128xi32, #tpu.memory_space<hbm>>
        %dma_start3A_588 = tpu.memref_squeeze %dma_start3A_587 : memref<1x1x3x128xi32, #tpu.memory_space<hbm>> -> memref<3x128xi32, #tpu.memory_space<hbm>>
        tpu.enqueue_dma source(%dma_start3A_588 : memref<3x128xi32, #tpu.memory_space<hbm>>) target(%dma_start3A_584 : memref<3x128xi32, #tpu.memory_space<vmem>>) target_semaphore(%dma_start3A_580 : memref<!tpu.dma_semaphore, #tpu.memory_space<semaphore_mem>>)
      } else {
      }
      %add3A_219 = arith.constant 1 : i32
      %add3A_220 = arith.addi %add3A_211, %add3A_219 : i32
      %lt3A_221 = arith.constant 80 : i32
      %lt3A_222 = arith.cmpi slt, %add3A_220, %lt3A_221 : i32
      %convert_element_type3A_223 = arith.extui %lt3A_222 : i1 to i32
      %cond3A_224 = arith.constant 0 : i32
      %cond3A_225 = arith.cmpi ne, %convert_element_type3A_223, %cond3A_224 : i32
      scf.if %cond3A_225 {
        %add3A_567 = arith.constant 1 : i32
        %add3A_568 = arith.addi %add3A_211, %add3A_567 : i32
        %ge3A = arith.constant 2 : i32
        %ge3A_569 = arith.cmpi sge, %add3A_568, %ge3A : i32
        %convert_element_type3A_570 = arith.extui %ge3A_569 : i1 to i32
        %cond3A_571 = arith.constant 0 : i32
        %cond3A_572 = arith.cmpi ne, %convert_element_type3A_570, %cond3A_571 : i32
        scf.if %cond3A_572 {
          %dma_wait3A_613 = arith.constant 0 : i32
          %dma_wait3A_614 = arith.constant 2 : i32
          %dma_wait3A_615 = arith.constant 1 : i32
          %dma_wait3A_616 = arith.constant 0 : i32
          %dma_wait3A_617 = arith.constant 0 : i32
          %dma_wait3A_618 = arith.constant 0 : i32
          %dma_wait3A_619 = tpu.memref_slice %arg7[%dma_wait3A_613, %dma_wait3A_617, %dma_wait3A_618] : memref<2x128x128xf32, #tpu.memory_space<vmem>> -> memref<1x128x128xf32, #tpu.memory_space<vmem>>
          %dma_wait3A_620 = tpu.memref_squeeze %dma_wait3A_619 : memref<1x128x128xf32, #tpu.memory_space<vmem>> -> memref<128x128xf32, #tpu.memory_space<vmem>>
          %dma_wait3A_621 = arith.constant 0 : i32
          %dma_wait3A_622 = tpu.memref_slice %arg6[%dma_wait3A_614, %dma_wait3A_615, %dma_wait3A_621] : memref<8x3x128xi32, #tpu.memory_space<vmem>> -> memref<1x1x128xi32, #tpu.memory_space<vmem>>
          %dma_wait3A_623 = tpu.memref_squeeze %dma_wait3A_622 : memref<1x1x128xi32, #tpu.memory_space<vmem>> -> memref<128xi32, #tpu.memory_space<vmem>>
          %dma_wait3A_624 = arith.constant 0 : i32
          %dma_wait3A_625 = arith.constant 0 : i32
          %dma_wait3A_626 = tpu.memref_slice %arg5[%dma_wait3A_624, %dma_wait3A_625] : memref<10240x128xf32, #tpu.memory_space<vmem_shared>> -> memref<10240x128xf32, #tpu.memory_space<vmem_shared>>
          %dma_wait3A_627 = tpu.memref_slice %arg10[%dma_wait3A_616] : memref<2x!tpu.dma_semaphore, #tpu.memory_space<semaphore_mem>> -> memref<1x!tpu.dma_semaphore, #tpu.memory_space<semaphore_mem>>
          %dma_wait3A_628 = tpu.memref_squeeze %dma_wait3A_627 : memref<1x!tpu.dma_semaphore, #tpu.memory_space<semaphore_mem>> -> memref<!tpu.dma_semaphore, #tpu.memory_space<semaphore_mem>>
          tpu.wait_indirect_dma semaphore(%dma_wait3A_628 : memref<!tpu.dma_semaphore, #tpu.memory_space<semaphore_mem>>) src(%dma_wait3A_620 : memref<128x128xf32, #tpu.memory_space<vmem>>) dst(%dma_wait3A_626 : memref<10240x128xf32, #tpu.memory_space<vmem_shared>>)
        } else {
        }
        %add3A_573 = arith.constant 1 : i32
        %add3A_574 = arith.addi %add3A_211, %add3A_573 : i32
        %dma_wait3A_575 = arith.constant 2 : i32
        %dma_wait3A_576 = arith.constant 2 : i32
        %dma_wait3A_577 = arith.constant 0 : i32
        %dma_wait3A_578 = arith.constant 0 : i32
        %dma_wait3A_579 = tpu.memref_slice %arg6[%dma_wait3A_575, %dma_wait3A_577, %dma_wait3A_578] : memref<8x3x128xi32, #tpu.memory_space<vmem>> -> memref<1x3x128xi32, #tpu.memory_space<vmem>>
        %dma_wait3A_580 = tpu.memref_squeeze %dma_wait3A_579 : memref<1x3x128xi32, #tpu.memory_space<vmem>> -> memref<3x128xi32, #tpu.memory_space<vmem>>
        %dma_wait3A_581 = arith.constant 0 : i32
        %dma_wait3A_582 = arith.constant 0 : i32
        %dma_wait3A_583 = tpu.memref_slice %arg3[%add3A, %add3A_574, %dma_wait3A_581, %dma_wait3A_582] : memref<32x80x3x128xi32, #tpu.memory_space<hbm>> -> memref<1x1x3x128xi32, #tpu.memory_space<hbm>>
        %dma_wait3A_584 = tpu.memref_squeeze %dma_wait3A_583 : memref<1x1x3x128xi32, #tpu.memory_space<hbm>> -> memref<3x128xi32, #tpu.memory_space<hbm>>
        %dma_wait3A_585 = tpu.memref_slice %arg8[%dma_wait3A_576] : memref<8x!tpu.dma_semaphore, #tpu.memory_space<semaphore_mem>> -> memref<1x!tpu.dma_semaphore, #tpu.memory_space<semaphore_mem>>
        %dma_wait3A_586 = tpu.memref_squeeze %dma_wait3A_585 : memref<1x!tpu.dma_semaphore, #tpu.memory_space<semaphore_mem>> -> memref<!tpu.dma_semaphore, #tpu.memory_space<semaphore_mem>>
        %dma_wait3A_587 = arith.constant 0 : i32
        %dma_wait3A_588 = arith.constant 0 : i32
        %dma_wait3A_589 = tpu.memref_slice %arg6[%dma_wait3A_575, %dma_wait3A_587, %dma_wait3A_588] : memref<8x3x128xi32, #tpu.memory_space<vmem>> -> memref<1x3x128xi32, #tpu.memory_space<vmem>>
        %dma_wait3A_590 = tpu.memref_squeeze %dma_wait3A_589 : memref<1x3x128xi32, #tpu.memory_space<vmem>> -> memref<3x128xi32, #tpu.memory_space<vmem>>
        %dma_wait3A_591 = arith.constant 0 : i32
        %dma_wait3A_592 = arith.constant 0 : i32
        %dma_wait3A_593 = tpu.memref_slice %arg3[%add3A, %add3A_574, %dma_wait3A_591, %dma_wait3A_592] : memref<32x80x3x128xi32, #tpu.memory_space<hbm>> -> memref<1x1x3x128xi32, #tpu.memory_space<hbm>>
        %dma_wait3A_594 = tpu.memref_squeeze %dma_wait3A_593 : memref<1x1x3x128xi32, #tpu.memory_space<hbm>> -> memref<3x128xi32, #tpu.memory_space<hbm>>
        tpu.wait_dma2 semaphore(%dma_wait3A_586 : memref<!tpu.dma_semaphore, #tpu.memory_space<semaphore_mem>>) src(%dma_wait3A_594 : memref<3x128xi32, #tpu.memory_space<hbm>>) dst(%dma_wait3A_590 : memref<3x128xi32, #tpu.memory_space<vmem>>)
        %add3A_595 = arith.constant 1 : i32
        %add3A_596 = arith.addi %add3A_211, %add3A_595 : i32
        %dma_start3A_597 = arith.constant 2 : i32
        %dma_start3A_598 = arith.constant 0 : i32
        %dma_start3A_599 = arith.constant 0 : i32
        %dma_start3A_600 = arith.constant 0 : i32
        %dma_start3A_601 = arith.constant 0 : i32
        %dma_start3A_602 = arith.constant 0 : i32
        %dma_start3A_603 = tpu.memref_slice %arg7[%dma_start3A_599, %dma_start3A_601, %dma_start3A_602] : memref<2x128x128xf32, #tpu.memory_space<vmem>> -> memref<1x128x128xf32, #tpu.memory_space<vmem>>
        %dma_start3A_604 = tpu.memref_squeeze %dma_start3A_603 : memref<1x128x128xf32, #tpu.memory_space<vmem>> -> memref<128x128xf32, #tpu.memory_space<vmem>>
        %dma_start3A_605 = arith.constant 0 : i32
        %dma_start3A_606 = tpu.memref_slice %arg6[%dma_start3A_597, %dma_start3A_598, %dma_start3A_605] : memref<8x3x128xi32, #tpu.memory_space<vmem>> -> memref<1x1x128xi32, #tpu.memory_space<vmem>>
        %dma_start3A_607 = tpu.memref_squeeze %dma_start3A_606 : memref<1x1x128xi32, #tpu.memory_space<vmem>> -> memref<128xi32, #tpu.memory_space<vmem>>
        %dma_start3A_608 = arith.constant 0 : i32
        %dma_start3A_609 = arith.constant 0 : i32
        %dma_start3A_610 = tpu.memref_slice %arg2[%dma_start3A_608, %dma_start3A_609] : memref<10000x128xf32, #tpu.memory_space<hbm>> -> memref<10000x128xf32, #tpu.memory_space<hbm>>
        %dma_start3A_611 = tpu.memref_slice %arg9[%dma_start3A_600] : memref<2x!tpu.dma_semaphore, #tpu.memory_space<semaphore_mem>> -> memref<1x!tpu.dma_semaphore, #tpu.memory_space<semaphore_mem>>
        %dma_start3A_612 = tpu.memref_squeeze %dma_start3A_611 : memref<1x!tpu.dma_semaphore, #tpu.memory_space<semaphore_mem>> -> memref<!tpu.dma_semaphore, #tpu.memory_space<semaphore_mem>>
        tpu.enqueue_indirect_dma source(%dma_start3A_610 : memref<10000x128xf32, #tpu.memory_space<hbm>>) target(%dma_start3A_604 : memref<128x128xf32, #tpu.memory_space<vmem>>) offsets(%dma_start3A_607 : memref<128xi32, #tpu.memory_space<vmem>>) semaphore(%dma_start3A_612 : memref<!tpu.dma_semaphore, #tpu.memory_space<semaphore_mem>>)
      } else {
      }
      %dma_wait3A_226 = arith.constant 1 : i32
      %dma_wait3A_227 = arith.constant 0 : i32
      %dma_wait3A_228 = arith.constant 1 : i32
      %dma_wait3A_229 = arith.constant 1 : i32
      %dma_wait3A_230 = arith.constant 0 : i32
      %dma_wait3A_231 = arith.constant 0 : i32
      %dma_wait3A_232 = tpu.memref_slice %arg7[%dma_wait3A_228, %dma_wait3A_230, %dma_wait3A_231] : memref<2x128x128xf32, #tpu.memory_space<vmem>> -> memref<1x128x128xf32, #tpu.memory_space<vmem>>
      %dma_wait3A_233 = tpu.memref_squeeze %dma_wait3A_232 : memref<1x128x128xf32, #tpu.memory_space<vmem>> -> memref<128x128xf32, #tpu.memory_space<vmem>>
      %dma_wait3A_234 = arith.constant 0 : i32
      %dma_wait3A_235 = tpu.memref_slice %arg6[%dma_wait3A_226, %dma_wait3A_227, %dma_wait3A_234] : memref<8x3x128xi32, #tpu.memory_space<vmem>> -> memref<1x1x128xi32, #tpu.memory_space<vmem>>
      %dma_wait3A_236 = tpu.memref_squeeze %dma_wait3A_235 : memref<1x1x128xi32, #tpu.memory_space<vmem>> -> memref<128xi32, #tpu.memory_space<vmem>>
      %dma_wait3A_237 = arith.constant 0 : i32
      %dma_wait3A_238 = arith.constant 0 : i32
      %dma_wait3A_239 = tpu.memref_slice %arg2[%dma_wait3A_237, %dma_wait3A_238] : memref<10000x128xf32, #tpu.memory_space<hbm>> -> memref<10000x128xf32, #tpu.memory_space<hbm>>
      %dma_wait3A_240 = tpu.memref_slice %arg9[%dma_wait3A_229] : memref<2x!tpu.dma_semaphore, #tpu.memory_space<semaphore_mem>> -> memref<1x!tpu.dma_semaphore, #tpu.memory_space<semaphore_mem>>
      %dma_wait3A_241 = tpu.memref_squeeze %dma_wait3A_240 : memref<1x!tpu.dma_semaphore, #tpu.memory_space<semaphore_mem>> -> memref<!tpu.dma_semaphore, #tpu.memory_space<semaphore_mem>>
      tpu.wait_indirect_dma semaphore(%dma_wait3A_241 : memref<!tpu.dma_semaphore, #tpu.memory_space<semaphore_mem>>) src(%dma_wait3A_239 : memref<10000x128xf32, #tpu.memory_space<hbm>>) dst(%dma_wait3A_233 : memref<128x128xf32, #tpu.memory_space<vmem>>)
      %parallel_loop3A_242 = arith.constant 0 : i32
      %parallel_loop3A_243 = arith.constant 128 : i32
      %parallel_loop3A_244 = arith.constant 1 : i32
      scf.for %parallel_loop3A_567 = %parallel_loop3A_242 to %parallel_loop3A_243 step %parallel_loop3A_244  : i32 {
        %parallel_loop3A_568 = vector.broadcast %parallel_loop3A_567 : i32 to vector<16xi32>
        %parallel_loop3A_569 = arith.constant 1 : i32
        %parallel_loop3A_570 = arith.constant 2 : i32
        %parallel_loop3A_571 = arith.constant 0 : i32
        %parallel_loop3A_572 = tpu.memref_slice %arg6[%parallel_loop3A_569, %parallel_loop3A_570, %parallel_loop3A_571] : memref<8x3x128xi32, #tpu.memory_space<vmem>> -> memref<1x1x128xi32, #tpu.memory_space<vmem>>
        %parallel_loop3A_573 = tpu.memref_squeeze %parallel_loop3A_572 : memref<1x1x128xi32, #tpu.memory_space<vmem>> -> memref<128xi32, #tpu.memory_space<vmem>>
        %parallel_loop3A_574 = tpu.vector_load_idx %parallel_loop3A_573[%parallel_loop3A_568] : memref<128xi32, #tpu.memory_space<vmem>>[vector<16xi32>], vector<16xi32>,
        %parallel_loop3A_575 = vector.bitcast %parallel_loop3A_574 : vector<16xi32> to vector<16xf32>
        %parallel_loop3A_576 = arith.constant 1 : i32
        %parallel_loop3A_577 = arith.index_cast %parallel_loop3A_576 : i32 to index
        %parallel_loop3A_578 = arith.index_cast %parallel_loop3A_567 : i32 to index
        %parallel_loop3A_579 = arith.constant 0 : index
        %parallel_loop3A_580 = tpu.vector_load %arg7[%parallel_loop3A_577, %parallel_loop3A_578, %parallel_loop3A_579] {strides = array<i32>} : memref<2x128x128xf32, #tpu.memory_space<vmem>>, vector<16xf32>,
        %parallel_loop3A_581 = arith.mulf %parallel_loop3A_580, %parallel_loop3A_575 : vector<16xf32>
        %parallel_loop3A_582 = arith.constant 1 : i32
        %parallel_loop3A_583 = arith.index_cast %parallel_loop3A_582 : i32 to index
        %parallel_loop3A_584 = arith.index_cast %parallel_loop3A_567 : i32 to index
        %parallel_loop3A_585 = arith.constant 0 : index
        %parallel_loop3A_586 = tpu.vector_load %arg7[%parallel_loop3A_583, %parallel_loop3A_584, %parallel_loop3A_585] {strides = array<i32>} : memref<2x128x128xf32, #tpu.memory_space<vmem>>, vector<16xf32>,
        tpu.vector_store %arg7[%parallel_loop3A_583, %parallel_loop3A_584, %parallel_loop3A_585], %parallel_loop3A_581 {strides = array<i32>} : memref<2x128x128xf32, #tpu.memory_space<vmem>>, vector<16xf32>,
        %parallel_loop3A_587 = arith.constant 1 : i32
        %parallel_loop3A_588 = arith.index_cast %parallel_loop3A_587 : i32 to index
        %parallel_loop3A_589 = arith.index_cast %parallel_loop3A_567 : i32 to index
        %parallel_loop3A_590 = arith.constant 16 : index
        %parallel_loop3A_591 = tpu.vector_load %arg7[%parallel_loop3A_588, %parallel_loop3A_589, %parallel_loop3A_590] {strides = array<i32>} : memref<2x128x128xf32, #tpu.memory_space<vmem>>, vector<16xf32>,
        %parallel_loop3A_592 = arith.mulf %parallel_loop3A_591, %parallel_loop3A_575 : vector<16xf32>
        %parallel_loop3A_593 = arith.constant 1 : i32
        %parallel_loop3A_594 = arith.index_cast %parallel_loop3A_593 : i32 to index
        %parallel_loop3A_595 = arith.index_cast %parallel_loop3A_567 : i32 to index
        %parallel_loop3A_596 = arith.constant 16 : index
        %parallel_loop3A_597 = tpu.vector_load %arg7[%parallel_loop3A_594, %parallel_loop3A_595, %parallel_loop3A_596] {strides = array<i32>} : memref<2x128x128xf32, #tpu.memory_space<vmem>>, vector<16xf32>,
        tpu.vector_store %arg7[%parallel_loop3A_594, %parallel_loop3A_595, %parallel_loop3A_596], %parallel_loop3A_592 {strides = array<i32>} : memref<2x128x128xf32, #tpu.memory_space<vmem>>, vector<16xf32>,
        %parallel_loop3A_598 = arith.constant 1 : i32
        %parallel_loop3A_599 = arith.index_cast %parallel_loop3A_598 : i32 to index
        %parallel_loop3A_600 = arith.index_cast %parallel_loop3A_567 : i32 to index
        %parallel_loop3A_601 = arith.constant 32 : index
        %parallel_loop3A_602 = tpu.vector_load %arg7[%parallel_loop3A_599, %parallel_loop3A_600, %parallel_loop3A_601] {strides = array<i32>} : memref<2x128x128xf32, #tpu.memory_space<vmem>>, vector<16xf32>,
        %parallel_loop3A_603 = arith.mulf %parallel_loop3A_602, %parallel_loop3A_575 : vector<16xf32>
        %parallel_loop3A_604 = arith.constant 1 : i32
        %parallel_loop3A_605 = arith.index_cast %parallel_loop3A_604 : i32 to index
        %parallel_loop3A_606 = arith.index_cast %parallel_loop3A_567 : i32 to index
        %parallel_loop3A_607 = arith.constant 32 : index
        %parallel_loop3A_608 = tpu.vector_load %arg7[%parallel_loop3A_605, %parallel_loop3A_606, %parallel_loop3A_607] {strides = array<i32>} : memref<2x128x128xf32, #tpu.memory_space<vmem>>, vector<16xf32>,
        tpu.vector_store %arg7[%parallel_loop3A_605, %parallel_loop3A_606, %parallel_loop3A_607], %parallel_loop3A_603 {strides = array<i32>} : memref<2x128x128xf32, #tpu.memory_space<vmem>>, vector<16xf32>,
        %parallel_loop3A_609 = arith.constant 1 : i32
        %parallel_loop3A_610 = arith.index_cast %parallel_loop3A_609 : i32 to index
        %parallel_loop3A_611 = arith.index_cast %parallel_loop3A_567 : i32 to index
        %parallel_loop3A_612 = arith.constant 48 : index
        %parallel_loop3A_613 = tpu.vector_load %arg7[%parallel_loop3A_610, %parallel_loop3A_611, %parallel_loop3A_612] {strides = array<i32>} : memref<2x128x128xf32, #tpu.memory_space<vmem>>, vector<16xf32>,
        %parallel_loop3A_614 = arith.mulf %parallel_loop3A_613, %parallel_loop3A_575 : vector<16xf32>
        %parallel_loop3A_615 = arith.constant 1 : i32
        %parallel_loop3A_616 = arith.index_cast %parallel_loop3A_615 : i32 to index
        %parallel_loop3A_617 = arith.index_cast %parallel_loop3A_567 : i32 to index
        %parallel_loop3A_618 = arith.constant 48 : index
        %parallel_loop3A_619 = tpu.vector_load %arg7[%parallel_loop3A_616, %parallel_loop3A_617, %parallel_loop3A_618] {strides = array<i32>} : memref<2x128x128xf32, #tpu.memory_space<vmem>>, vector<16xf32>,
        tpu.vector_store %arg7[%parallel_loop3A_616, %parallel_loop3A_617, %parallel_loop3A_618], %parallel_loop3A_614 {strides = array<i32>} : memref<2x128x128xf32, #tpu.memory_space<vmem>>, vector<16xf32>,
        %parallel_loop3A_620 = arith.constant 1 : i32
        %parallel_loop3A_621 = arith.index_cast %parallel_loop3A_620 : i32 to index
        %parallel_loop3A_622 = arith.index_cast %parallel_loop3A_567 : i32 to index
        %parallel_loop3A_623 = arith.constant 64 : index
        %parallel_loop3A_624 = tpu.vector_load %arg7[%parallel_loop3A_621, %parallel_loop3A_622, %parallel_loop3A_623] {strides = array<i32>} : memref<2x128x128xf32, #tpu.memory_space<vmem>>, vector<16xf32>,
        %parallel_loop3A_625 = arith.mulf %parallel_loop3A_624, %parallel_loop3A_575 : vector<16xf32>
        %parallel_loop3A_626 = arith.constant 1 : i32
        %parallel_loop3A_627 = arith.index_cast %parallel_loop3A_626 : i32 to index
        %parallel_loop3A_628 = arith.index_cast %parallel_loop3A_567 : i32 to index
        %parallel_loop3A_629 = arith.constant 64 : index
        %parallel_loop3A_630 = tpu.vector_load %arg7[%parallel_loop3A_627, %parallel_loop3A_628, %parallel_loop3A_629] {strides = array<i32>} : memref<2x128x128xf32, #tpu.memory_space<vmem>>, vector<16xf32>,
        tpu.vector_store %arg7[%parallel_loop3A_627, %parallel_loop3A_628, %parallel_loop3A_629], %parallel_loop3A_625 {strides = array<i32>} : memref<2x128x128xf32, #tpu.memory_space<vmem>>, vector<16xf32>,
        %parallel_loop3A_631 = arith.constant 1 : i32
        %parallel_loop3A_632 = arith.index_cast %parallel_loop3A_631 : i32 to index
        %parallel_loop3A_633 = arith.index_cast %parallel_loop3A_567 : i32 to index
        %parallel_loop3A_634 = arith.constant 80 : index
        %parallel_loop3A_635 = tpu.vector_load %arg7[%parallel_loop3A_632, %parallel_loop3A_633, %parallel_loop3A_634] {strides = array<i32>} : memref<2x128x128xf32, #tpu.memory_space<vmem>>, vector<16xf32>,
        %parallel_loop3A_636 = arith.mulf %parallel_loop3A_635, %parallel_loop3A_575 : vector<16xf32>
        %parallel_loop3A_637 = arith.constant 1 : i32
        %parallel_loop3A_638 = arith.index_cast %parallel_loop3A_637 : i32 to index
        %parallel_loop3A_639 = arith.index_cast %parallel_loop3A_567 : i32 to index
        %parallel_loop3A_640 = arith.constant 80 : index
        %parallel_loop3A_641 = tpu.vector_load %arg7[%parallel_loop3A_638, %parallel_loop3A_639, %parallel_loop3A_640] {strides = array<i32>} : memref<2x128x128xf32, #tpu.memory_space<vmem>>, vector<16xf32>,
        tpu.vector_store %arg7[%parallel_loop3A_638, %parallel_loop3A_639, %parallel_loop3A_640], %parallel_loop3A_636 {strides = array<i32>} : memref<2x128x128xf32, #tpu.memory_space<vmem>>, vector<16xf32>,
        %parallel_loop3A_642 = arith.constant 1 : i32
        %parallel_loop3A_643 = arith.index_cast %parallel_loop3A_642 : i32 to index
        %parallel_loop3A_644 = arith.index_cast %parallel_loop3A_567 : i32 to index
        %parallel_loop3A_645 = arith.constant 96 : index
        %parallel_loop3A_646 = tpu.vector_load %arg7[%parallel_loop3A_643, %parallel_loop3A_644, %parallel_loop3A_645] {strides = array<i32>} : memref<2x128x128xf32, #tpu.memory_space<vmem>>, vector<16xf32>,
        %parallel_loop3A_647 = arith.mulf %parallel_loop3A_646, %parallel_loop3A_575 : vector<16xf32>
        %parallel_loop3A_648 = arith.constant 1 : i32
        %parallel_loop3A_649 = arith.index_cast %parallel_loop3A_648 : i32 to index
        %parallel_loop3A_650 = arith.index_cast %parallel_loop3A_567 : i32 to index
        %parallel_loop3A_651 = arith.constant 96 : index
        %parallel_loop3A_652 = tpu.vector_load %arg7[%parallel_loop3A_649, %parallel_loop3A_650, %parallel_loop3A_651] {strides = array<i32>} : memref<2x128x128xf32, #tpu.memory_space<vmem>>, vector<16xf32>,
        tpu.vector_store %arg7[%parallel_loop3A_649, %parallel_loop3A_650, %parallel_loop3A_651], %parallel_loop3A_647 {strides = array<i32>} : memref<2x128x128xf32, #tpu.memory_space<vmem>>, vector<16xf32>,
        %parallel_loop3A_653 = arith.constant 1 : i32
        %parallel_loop3A_654 = arith.index_cast %parallel_loop3A_653 : i32 to index
        %parallel_loop3A_655 = arith.index_cast %parallel_loop3A_567 : i32 to index
        %parallel_loop3A_656 = arith.constant 112 : index
        %parallel_loop3A_657 = tpu.vector_load %arg7[%parallel_loop3A_654, %parallel_loop3A_655, %parallel_loop3A_656] {strides = array<i32>} : memref<2x128x128xf32, #tpu.memory_space<vmem>>, vector<16xf32>,
        %parallel_loop3A_658 = arith.mulf %parallel_loop3A_657, %parallel_loop3A_575 : vector<16xf32>
        %parallel_loop3A_659 = arith.constant 1 : i32
        %parallel_loop3A_660 = arith.index_cast %parallel_loop3A_659 : i32 to index
        %parallel_loop3A_661 = arith.index_cast %parallel_loop3A_567 : i32 to index
        %parallel_loop3A_662 = arith.constant 112 : index
        %parallel_loop3A_663 = tpu.vector_load %arg7[%parallel_loop3A_660, %parallel_loop3A_661, %parallel_loop3A_662] {strides = array<i32>} : memref<2x128x128xf32, #tpu.memory_space<vmem>>, vector<16xf32>,
        tpu.vector_store %arg7[%parallel_loop3A_660, %parallel_loop3A_661, %parallel_loop3A_662], %parallel_loop3A_658 {strides = array<i32>} : memref<2x128x128xf32, #tpu.memory_space<vmem>>, vector<16xf32>,
      } {sc.loop_unroll_factor = 2 : i64, sc.parallel_access}
      %dma_start3A_245 = arith.constant 1 : i32
      %dma_start3A_246 = arith.constant 1 : i32
      %dma_start3A_247 = arith.constant 1 : i32
      %dma_start3A_248 = arith.constant 1 : i32
      %dma_start3A_249 = arith.constant 0 : i32
      %dma_start3A_250 = arith.constant 0 : i32
      %dma_start3A_251 = tpu.memref_slice %arg7[%dma_start3A_245, %dma_start3A_249, %dma_start3A_250] : memref<2x128x128xf32, #tpu.memory_space<vmem>> -> memref<1x128x128xf32, #tpu.memory_space<vmem>>
      %dma_start3A_252 = tpu.memref_squeeze %dma_start3A_251 : memref<1x128x128xf32, #tpu.memory_space<vmem>> -> memref<128x128xf32, #tpu.memory_space<vmem>>
      %dma_start3A_253 = arith.constant 0 : i32
      %dma_start3A_254 = tpu.memref_slice %arg6[%dma_start3A_246, %dma_start3A_247, %dma_start3A_253] : memref<8x3x128xi32, #tpu.memory_space<vmem>> -> memref<1x1x128xi32, #tpu.memory_space<vmem>>
      %dma_start3A_255 = tpu.memref_squeeze %dma_start3A_254 : memref<1x1x128xi32, #tpu.memory_space<vmem>> -> memref<128xi32, #tpu.memory_space<vmem>>
      %dma_start3A_256 = arith.constant 0 : i32
      %dma_start3A_257 = arith.constant 0 : i32
      %dma_start3A_258 = tpu.memref_slice %arg5[%dma_start3A_256, %dma_start3A_257] : memref<10240x128xf32, #tpu.memory_space<vmem_shared>> -> memref<10240x128xf32, #tpu.memory_space<vmem_shared>>
      %dma_start3A_259 = tpu.memref_slice %arg10[%dma_start3A_248] : memref<2x!tpu.dma_semaphore, #tpu.memory_space<semaphore_mem>> -> memref<1x!tpu.dma_semaphore, #tpu.memory_space<semaphore_mem>>
      %dma_start3A_260 = tpu.memref_squeeze %dma_start3A_259 : memref<1x!tpu.dma_semaphore, #tpu.memory_space<semaphore_mem>> -> memref<!tpu.dma_semaphore, #tpu.memory_space<semaphore_mem>>
      tpu.enqueue_indirect_dma source(%dma_start3A_252 : memref<128x128xf32, #tpu.memory_space<vmem>>) target(%dma_start3A_258 : memref<10240x128xf32, #tpu.memory_space<vmem_shared>>) offsets(%dma_start3A_255 : memref<128xi32, #tpu.memory_space<vmem>>) semaphore(%dma_start3A_260 : memref<!tpu.dma_semaphore, #tpu.memory_space<semaphore_mem>>) {add = true}
      %add3A_261 = arith.constant 2 : i32
      %add3A_262 = arith.addi %mul3A_162, %add3A_261 : i32
      %add3A_263 = arith.constant 2 : i32
      %add3A_264 = arith.addi %add3A_262, %add3A_263 : i32
      %lt3A_265 = arith.constant 80 : i32
      %lt3A_266 = arith.cmpi slt, %add3A_264, %lt3A_265 : i32
      %convert_element_type3A_267 = arith.extui %lt3A_266 : i1 to i32
      %cond3A_268 = arith.constant 0 : i32
      %cond3A_269 = arith.cmpi ne, %convert_element_type3A_267, %cond3A_268 : i32
      scf.if %cond3A_269 {
        %add3A_567 = arith.constant 2 : i32
        %add3A_568 = arith.addi %add3A_262, %add3A_567 : i32
        %dma_start3A_569 = arith.constant 4 : i32
        %dma_start3A_570 = arith.constant 4 : i32
        %dma_start3A_571 = arith.constant 0 : i32
        %dma_start3A_572 = arith.constant 0 : i32
        %dma_start3A_573 = tpu.memref_slice %arg6[%dma_start3A_569, %dma_start3A_571, %dma_start3A_572] : memref<8x3x128xi32, #tpu.memory_space<vmem>> -> memref<1x3x128xi32, #tpu.memory_space<vmem>>
        %dma_start3A_574 = tpu.memref_squeeze %dma_start3A_573 : memref<1x3x128xi32, #tpu.memory_space<vmem>> -> memref<3x128xi32, #tpu.memory_space<vmem>>
        %dma_start3A_575 = arith.constant 0 : i32
        %dma_start3A_576 = arith.constant 0 : i32
        %dma_start3A_577 = tpu.memref_slice %arg3[%add3A, %add3A_568, %dma_start3A_575, %dma_start3A_576] : memref<32x80x3x128xi32, #tpu.memory_space<hbm>> -> memref<1x1x3x128xi32, #tpu.memory_space<hbm>>
        %dma_start3A_578 = tpu.memref_squeeze %dma_start3A_577 : memref<1x1x3x128xi32, #tpu.memory_space<hbm>> -> memref<3x128xi32, #tpu.memory_space<hbm>>
        %dma_start3A_579 = tpu.memref_slice %arg8[%dma_start3A_570] : memref<8x!tpu.dma_semaphore, #tpu.memory_space<semaphore_mem>> -> memref<1x!tpu.dma_semaphore, #tpu.memory_space<semaphore_mem>>
        %dma_start3A_580 = tpu.memref_squeeze %dma_start3A_579 : memref<1x!tpu.dma_semaphore, #tpu.memory_space<semaphore_mem>> -> memref<!tpu.dma_semaphore, #tpu.memory_space<semaphore_mem>>
        %dma_start3A_581 = arith.constant 0 : i32
        %dma_start3A_582 = arith.constant 0 : i32
        %dma_start3A_583 = tpu.memref_slice %arg6[%dma_start3A_569, %dma_start3A_581, %dma_start3A_582] : memref<8x3x128xi32, #tpu.memory_space<vmem>> -> memref<1x3x128xi32, #tpu.memory_space<vmem>>
        %dma_start3A_584 = tpu.memref_squeeze %dma_start3A_583 : memref<1x3x128xi32, #tpu.memory_space<vmem>> -> memref<3x128xi32, #tpu.memory_space<vmem>>
        %dma_start3A_585 = arith.constant 0 : i32
        %dma_start3A_586 = arith.constant 0 : i32
        %dma_start3A_587 = tpu.memref_slice %arg3[%add3A, %add3A_568, %dma_start3A_585, %dma_start3A_586] : memref<32x80x3x128xi32, #tpu.memory_space<hbm>> -> memref<1x1x3x128xi32, #tpu.memory_space<hbm>>
        %dma_start3A_588 = tpu.memref_squeeze %dma_start3A_587 : memref<1x1x3x128xi32, #tpu.memory_space<hbm>> -> memref<3x128xi32, #tpu.memory_space<hbm>>
        tpu.enqueue_dma source(%dma_start3A_588 : memref<3x128xi32, #tpu.memory_space<hbm>>) target(%dma_start3A_584 : memref<3x128xi32, #tpu.memory_space<vmem>>) target_semaphore(%dma_start3A_580 : memref<!tpu.dma_semaphore, #tpu.memory_space<semaphore_mem>>)
      } else {
      }
      %add3A_270 = arith.constant 1 : i32
      %add3A_271 = arith.addi %add3A_262, %add3A_270 : i32
      %lt3A_272 = arith.constant 80 : i32
      %lt3A_273 = arith.cmpi slt, %add3A_271, %lt3A_272 : i32
      %convert_element_type3A_274 = arith.extui %lt3A_273 : i1 to i32
      %cond3A_275 = arith.constant 0 : i32
      %cond3A_276 = arith.cmpi ne, %convert_element_type3A_274, %cond3A_275 : i32
      scf.if %cond3A_276 {
        %add3A_567 = arith.constant 1 : i32
        %add3A_568 = arith.addi %add3A_262, %add3A_567 : i32
        %ge3A = arith.constant 2 : i32
        %ge3A_569 = arith.cmpi sge, %add3A_568, %ge3A : i32
        %convert_element_type3A_570 = arith.extui %ge3A_569 : i1 to i32
        %cond3A_571 = arith.constant 0 : i32
        %cond3A_572 = arith.cmpi ne, %convert_element_type3A_570, %cond3A_571 : i32
        scf.if %cond3A_572 {
          %dma_wait3A_613 = arith.constant 1 : i32
          %dma_wait3A_614 = arith.constant 3 : i32
          %dma_wait3A_615 = arith.constant 1 : i32
          %dma_wait3A_616 = arith.constant 1 : i32
          %dma_wait3A_617 = arith.constant 0 : i32
          %dma_wait3A_618 = arith.constant 0 : i32
          %dma_wait3A_619 = tpu.memref_slice %arg7[%dma_wait3A_613, %dma_wait3A_617, %dma_wait3A_618] : memref<2x128x128xf32, #tpu.memory_space<vmem>> -> memref<1x128x128xf32, #tpu.memory_space<vmem>>
          %dma_wait3A_620 = tpu.memref_squeeze %dma_wait3A_619 : memref<1x128x128xf32, #tpu.memory_space<vmem>> -> memref<128x128xf32, #tpu.memory_space<vmem>>
          %dma_wait3A_621 = arith.constant 0 : i32
          %dma_wait3A_622 = tpu.memref_slice %arg6[%dma_wait3A_614, %dma_wait3A_615, %dma_wait3A_621] : memref<8x3x128xi32, #tpu.memory_space<vmem>> -> memref<1x1x128xi32, #tpu.memory_space<vmem>>
          %dma_wait3A_623 = tpu.memref_squeeze %dma_wait3A_622 : memref<1x1x128xi32, #tpu.memory_space<vmem>> -> memref<128xi32, #tpu.memory_space<vmem>>
          %dma_wait3A_624 = arith.constant 0 : i32
          %dma_wait3A_625 = arith.constant 0 : i32
          %dma_wait3A_626 = tpu.memref_slice %arg5[%dma_wait3A_624, %dma_wait3A_625] : memref<10240x128xf32, #tpu.memory_space<vmem_shared>> -> memref<10240x128xf32, #tpu.memory_space<vmem_shared>>
          %dma_wait3A_627 = tpu.memref_slice %arg10[%dma_wait3A_616] : memref<2x!tpu.dma_semaphore, #tpu.memory_space<semaphore_mem>> -> memref<1x!tpu.dma_semaphore, #tpu.memory_space<semaphore_mem>>
          %dma_wait3A_628 = tpu.memref_squeeze %dma_wait3A_627 : memref<1x!tpu.dma_semaphore, #tpu.memory_space<semaphore_mem>> -> memref<!tpu.dma_semaphore, #tpu.memory_space<semaphore_mem>>
          tpu.wait_indirect_dma semaphore(%dma_wait3A_628 : memref<!tpu.dma_semaphore, #tpu.memory_space<semaphore_mem>>) src(%dma_wait3A_620 : memref<128x128xf32, #tpu.memory_space<vmem>>) dst(%dma_wait3A_626 : memref<10240x128xf32, #tpu.memory_space<vmem_shared>>)
        } else {
        }
        %add3A_573 = arith.constant 1 : i32
        %add3A_574 = arith.addi %add3A_262, %add3A_573 : i32
        %dma_wait3A_575 = arith.constant 3 : i32
        %dma_wait3A_576 = arith.constant 3 : i32
        %dma_wait3A_577 = arith.constant 0 : i32
        %dma_wait3A_578 = arith.constant 0 : i32
        %dma_wait3A_579 = tpu.memref_slice %arg6[%dma_wait3A_575, %dma_wait3A_577, %dma_wait3A_578] : memref<8x3x128xi32, #tpu.memory_space<vmem>> -> memref<1x3x128xi32, #tpu.memory_space<vmem>>
        %dma_wait3A_580 = tpu.memref_squeeze %dma_wait3A_579 : memref<1x3x128xi32, #tpu.memory_space<vmem>> -> memref<3x128xi32, #tpu.memory_space<vmem>>
        %dma_wait3A_581 = arith.constant 0 : i32
        %dma_wait3A_582 = arith.constant 0 : i32
        %dma_wait3A_583 = tpu.memref_slice %arg3[%add3A, %add3A_574, %dma_wait3A_581, %dma_wait3A_582] : memref<32x80x3x128xi32, #tpu.memory_space<hbm>> -> memref<1x1x3x128xi32, #tpu.memory_space<hbm>>
        %dma_wait3A_584 = tpu.memref_squeeze %dma_wait3A_583 : memref<1x1x3x128xi32, #tpu.memory_space<hbm>> -> memref<3x128xi32, #tpu.memory_space<hbm>>
        %dma_wait3A_585 = tpu.memref_slice %arg8[%dma_wait3A_576] : memref<8x!tpu.dma_semaphore, #tpu.memory_space<semaphore_mem>> -> memref<1x!tpu.dma_semaphore, #tpu.memory_space<semaphore_mem>>
        %dma_wait3A_586 = tpu.memref_squeeze %dma_wait3A_585 : memref<1x!tpu.dma_semaphore, #tpu.memory_space<semaphore_mem>> -> memref<!tpu.dma_semaphore, #tpu.memory_space<semaphore_mem>>
        %dma_wait3A_587 = arith.constant 0 : i32
        %dma_wait3A_588 = arith.constant 0 : i32
        %dma_wait3A_589 = tpu.memref_slice %arg6[%dma_wait3A_575, %dma_wait3A_587, %dma_wait3A_588] : memref<8x3x128xi32, #tpu.memory_space<vmem>> -> memref<1x3x128xi32, #tpu.memory_space<vmem>>
        %dma_wait3A_590 = tpu.memref_squeeze %dma_wait3A_589 : memref<1x3x128xi32, #tpu.memory_space<vmem>> -> memref<3x128xi32, #tpu.memory_space<vmem>>
        %dma_wait3A_591 = arith.constant 0 : i32
        %dma_wait3A_592 = arith.constant 0 : i32
        %dma_wait3A_593 = tpu.memref_slice %arg3[%add3A, %add3A_574, %dma_wait3A_591, %dma_wait3A_592] : memref<32x80x3x128xi32, #tpu.memory_space<hbm>> -> memref<1x1x3x128xi32, #tpu.memory_space<hbm>>
        %dma_wait3A_594 = tpu.memref_squeeze %dma_wait3A_593 : memref<1x1x3x128xi32, #tpu.memory_space<hbm>> -> memref<3x128xi32, #tpu.memory_space<hbm>>
        tpu.wait_dma2 semaphore(%dma_wait3A_586 : memref<!tpu.dma_semaphore, #tpu.memory_space<semaphore_mem>>) src(%dma_wait3A_594 : memref<3x128xi32, #tpu.memory_space<hbm>>) dst(%dma_wait3A_590 : memref<3x128xi32, #tpu.memory_space<vmem>>)
        %add3A_595 = arith.constant 1 : i32
        %add3A_596 = arith.addi %add3A_262, %add3A_595 : i32
        %dma_start3A_597 = arith.constant 3 : i32
        %dma_start3A_598 = arith.constant 0 : i32
        %dma_start3A_599 = arith.constant 1 : i32
        %dma_start3A_600 = arith.constant 1 : i32
        %dma_start3A_601 = arith.constant 0 : i32
        %dma_start3A_602 = arith.constant 0 : i32
        %dma_start3A_603 = tpu.memref_slice %arg7[%dma_start3A_599, %dma_start3A_601, %dma_start3A_602] : memref<2x128x128xf32, #tpu.memory_space<vmem>> -> memref<1x128x128xf32, #tpu.memory_space<vmem>>
        %dma_start3A_604 = tpu.memref_squeeze %dma_start3A_603 : memref<1x128x128xf32, #tpu.memory_space<vmem>> -> memref<128x128xf32, #tpu.memory_space<vmem>>
        %dma_start3A_605 = arith.constant 0 : i32
        %dma_start3A_606 = tpu.memref_slice %arg6[%dma_start3A_597, %dma_start3A_598, %dma_start3A_605] : memref<8x3x128xi32, #tpu.memory_space<vmem>> -> memref<1x1x128xi32, #tpu.memory_space<vmem>>
        %dma_start3A_607 = tpu.memref_squeeze %dma_start3A_606 : memref<1x1x128xi32, #tpu.memory_space<vmem>> -> memref<128xi32, #tpu.memory_space<vmem>>
        %dma_start3A_608 = arith.constant 0 : i32
        %dma_start3A_609 = arith.constant 0 : i32
        %dma_start3A_610 = tpu.memref_slice %arg2[%dma_start3A_608, %dma_start3A_609] : memref<10000x128xf32, #tpu.memory_space<hbm>> -> memref<10000x128xf32, #tpu.memory_space<hbm>>
        %dma_start3A_611 = tpu.memref_slice %arg9[%dma_start3A_600] : memref<2x!tpu.dma_semaphore, #tpu.memory_space<semaphore_mem>> -> memref<1x!tpu.dma_semaphore, #tpu.memory_space<semaphore_mem>>
        %dma_start3A_612 = tpu.memref_squeeze %dma_start3A_611 : memref<1x!tpu.dma_semaphore, #tpu.memory_space<semaphore_mem>> -> memref<!tpu.dma_semaphore, #tpu.memory_space<semaphore_mem>>
        tpu.enqueue_indirect_dma source(%dma_start3A_610 : memref<10000x128xf32, #tpu.memory_space<hbm>>) target(%dma_start3A_604 : memref<128x128xf32, #tpu.memory_space<vmem>>) offsets(%dma_start3A_607 : memref<128xi32, #tpu.memory_space<vmem>>) semaphore(%dma_start3A_612 : memref<!tpu.dma_semaphore, #tpu.memory_space<semaphore_mem>>)
      } else {
      }
      %dma_wait3A_277 = arith.constant 2 : i32
      %dma_wait3A_278 = arith.constant 0 : i32
      %dma_wait3A_279 = arith.constant 0 : i32
      %dma_wait3A_280 = arith.constant 0 : i32
      %dma_wait3A_281 = arith.constant 0 : i32
      %dma_wait3A_282 = arith.constant 0 : i32
      %dma_wait3A_283 = tpu.memref_slice %arg7[%dma_wait3A_279, %dma_wait3A_281, %dma_wait3A_282] : memref<2x128x128xf32, #tpu.memory_space<vmem>> -> memref<1x128x128xf32, #tpu.memory_space<vmem>>
      %dma_wait3A_284 = tpu.memref_squeeze %dma_wait3A_283 : memref<1x128x128xf32, #tpu.memory_space<vmem>> -> memref<128x128xf32, #tpu.memory_space<vmem>>
      %dma_wait3A_285 = arith.constant 0 : i32
      %dma_wait3A_286 = tpu.memref_slice %arg6[%dma_wait3A_277, %dma_wait3A_278, %dma_wait3A_285] : memref<8x3x128xi32, #tpu.memory_space<vmem>> -> memref<1x1x128xi32, #tpu.memory_space<vmem>>
      %dma_wait3A_287 = tpu.memref_squeeze %dma_wait3A_286 : memref<1x1x128xi32, #tpu.memory_space<vmem>> -> memref<128xi32, #tpu.memory_space<vmem>>
      %dma_wait3A_288 = arith.constant 0 : i32
      %dma_wait3A_289 = arith.constant 0 : i32
      %dma_wait3A_290 = tpu.memref_slice %arg2[%dma_wait3A_288, %dma_wait3A_289] : memref<10000x128xf32, #tpu.memory_space<hbm>> -> memref<10000x128xf32, #tpu.memory_space<hbm>>
      %dma_wait3A_291 = tpu.memref_slice %arg9[%dma_wait3A_280] : memref<2x!tpu.dma_semaphore, #tpu.memory_space<semaphore_mem>> -> memref<1x!tpu.dma_semaphore, #tpu.memory_space<semaphore_mem>>
      %dma_wait3A_292 = tpu.memref_squeeze %dma_wait3A_291 : memref<1x!tpu.dma_semaphore, #tpu.memory_space<semaphore_mem>> -> memref<!tpu.dma_semaphore, #tpu.memory_space<semaphore_mem>>
      tpu.wait_indirect_dma semaphore(%dma_wait3A_292 : memref<!tpu.dma_semaphore, #tpu.memory_space<semaphore_mem>>) src(%dma_wait3A_290 : memref<10000x128xf32, #tpu.memory_space<hbm>>) dst(%dma_wait3A_284 : memref<128x128xf32, #tpu.memory_space<vmem>>)
      %parallel_loop3A_293 = arith.constant 0 : i32
      %parallel_loop3A_294 = arith.constant 128 : i32
      %parallel_loop3A_295 = arith.constant 1 : i32
      scf.for %parallel_loop3A_567 = %parallel_loop3A_293 to %parallel_loop3A_294 step %parallel_loop3A_295  : i32 {
        %parallel_loop3A_568 = vector.broadcast %parallel_loop3A_567 : i32 to vector<16xi32>
        %parallel_loop3A_569 = arith.constant 2 : i32
        %parallel_loop3A_570 = arith.constant 2 : i32
        %parallel_loop3A_571 = arith.constant 0 : i32
        %parallel_loop3A_572 = tpu.memref_slice %arg6[%parallel_loop3A_569, %parallel_loop3A_570, %parallel_loop3A_571] : memref<8x3x128xi32, #tpu.memory_space<vmem>> -> memref<1x1x128xi32, #tpu.memory_space<vmem>>
        %parallel_loop3A_573 = tpu.memref_squeeze %parallel_loop3A_572 : memref<1x1x128xi32, #tpu.memory_space<vmem>> -> memref<128xi32, #tpu.memory_space<vmem>>
        %parallel_loop3A_574 = tpu.vector_load_idx %parallel_loop3A_573[%parallel_loop3A_568] : memref<128xi32, #tpu.memory_space<vmem>>[vector<16xi32>], vector<16xi32>,
        %parallel_loop3A_575 = vector.bitcast %parallel_loop3A_574 : vector<16xi32> to vector<16xf32>
        %parallel_loop3A_576 = arith.constant 0 : i32
        %parallel_loop3A_577 = arith.index_cast %parallel_loop3A_576 : i32 to index
        %parallel_loop3A_578 = arith.index_cast %parallel_loop3A_567 : i32 to index
        %parallel_loop3A_579 = arith.constant 0 : index
        %parallel_loop3A_580 = tpu.vector_load %arg7[%parallel_loop3A_577, %parallel_loop3A_578, %parallel_loop3A_579] {strides = array<i32>} : memref<2x128x128xf32, #tpu.memory_space<vmem>>, vector<16xf32>,
        %parallel_loop3A_581 = arith.mulf %parallel_loop3A_580, %parallel_loop3A_575 : vector<16xf32>
        %parallel_loop3A_582 = arith.constant 0 : i32
        %parallel_loop3A_583 = arith.index_cast %parallel_loop3A_582 : i32 to index
        %parallel_loop3A_584 = arith.index_cast %parallel_loop3A_567 : i32 to index
        %parallel_loop3A_585 = arith.constant 0 : index
        %parallel_loop3A_586 = tpu.vector_load %arg7[%parallel_loop3A_583, %parallel_loop3A_584, %parallel_loop3A_585] {strides = array<i32>} : memref<2x128x128xf32, #tpu.memory_space<vmem>>, vector<16xf32>,
        tpu.vector_store %arg7[%parallel_loop3A_583, %parallel_loop3A_584, %parallel_loop3A_585], %parallel_loop3A_581 {strides = array<i32>} : memref<2x128x128xf32, #tpu.memory_space<vmem>>, vector<16xf32>,
        %parallel_loop3A_587 = arith.constant 0 : i32
        %parallel_loop3A_588 = arith.index_cast %parallel_loop3A_587 : i32 to index
        %parallel_loop3A_589 = arith.index_cast %parallel_loop3A_567 : i32 to index
        %parallel_loop3A_590 = arith.constant 16 : index
        %parallel_loop3A_591 = tpu.vector_load %arg7[%parallel_loop3A_588, %parallel_loop3A_589, %parallel_loop3A_590] {strides = array<i32>} : memref<2x128x128xf32, #tpu.memory_space<vmem>>, vector<16xf32>,
        %parallel_loop3A_592 = arith.mulf %parallel_loop3A_591, %parallel_loop3A_575 : vector<16xf32>
        %parallel_loop3A_593 = arith.constant 0 : i32
        %parallel_loop3A_594 = arith.index_cast %parallel_loop3A_593 : i32 to index
        %parallel_loop3A_595 = arith.index_cast %parallel_loop3A_567 : i32 to index
        %parallel_loop3A_596 = arith.constant 16 : index
        %parallel_loop3A_597 = tpu.vector_load %arg7[%parallel_loop3A_594, %parallel_loop3A_595, %parallel_loop3A_596] {strides = array<i32>} : memref<2x128x128xf32, #tpu.memory_space<vmem>>, vector<16xf32>,
        tpu.vector_store %arg7[%parallel_loop3A_594, %parallel_loop3A_595, %parallel_loop3A_596], %parallel_loop3A_592 {strides = array<i32>} : memref<2x128x128xf32, #tpu.memory_space<vmem>>, vector<16xf32>,
        %parallel_loop3A_598 = arith.constant 0 : i32
        %parallel_loop3A_599 = arith.index_cast %parallel_loop3A_598 : i32 to index
        %parallel_loop3A_600 = arith.index_cast %parallel_loop3A_567 : i32 to index
        %parallel_loop3A_601 = arith.constant 32 : index
        %parallel_loop3A_602 = tpu.vector_load %arg7[%parallel_loop3A_599, %parallel_loop3A_600, %parallel_loop3A_601] {strides = array<i32>} : memref<2x128x128xf32, #tpu.memory_space<vmem>>, vector<16xf32>,
        %parallel_loop3A_603 = arith.mulf %parallel_loop3A_602, %parallel_loop3A_575 : vector<16xf32>
        %parallel_loop3A_604 = arith.constant 0 : i32
        %parallel_loop3A_605 = arith.index_cast %parallel_loop3A_604 : i32 to index
        %parallel_loop3A_606 = arith.index_cast %parallel_loop3A_567 : i32 to index
        %parallel_loop3A_607 = arith.constant 32 : index
        %parallel_loop3A_608 = tpu.vector_load %arg7[%parallel_loop3A_605, %parallel_loop3A_606, %parallel_loop3A_607] {strides = array<i32>} : memref<2x128x128xf32, #tpu.memory_space<vmem>>, vector<16xf32>,
        tpu.vector_store %arg7[%parallel_loop3A_605, %parallel_loop3A_606, %parallel_loop3A_607], %parallel_loop3A_603 {strides = array<i32>} : memref<2x128x128xf32, #tpu.memory_space<vmem>>, vector<16xf32>,
        %parallel_loop3A_609 = arith.constant 0 : i32
        %parallel_loop3A_610 = arith.index_cast %parallel_loop3A_609 : i32 to index
        %parallel_loop3A_611 = arith.index_cast %parallel_loop3A_567 : i32 to index
        %parallel_loop3A_612 = arith.constant 48 : index
        %parallel_loop3A_613 = tpu.vector_load %arg7[%parallel_loop3A_610, %parallel_loop3A_611, %parallel_loop3A_612] {strides = array<i32>} : memref<2x128x128xf32, #tpu.memory_space<vmem>>, vector<16xf32>,
        %parallel_loop3A_614 = arith.mulf %parallel_loop3A_613, %parallel_loop3A_575 : vector<16xf32>
        %parallel_loop3A_615 = arith.constant 0 : i32
        %parallel_loop3A_616 = arith.index_cast %parallel_loop3A_615 : i32 to index
        %parallel_loop3A_617 = arith.index_cast %parallel_loop3A_567 : i32 to index
        %parallel_loop3A_618 = arith.constant 48 : index
        %parallel_loop3A_619 = tpu.vector_load %arg7[%parallel_loop3A_616, %parallel_loop3A_617, %parallel_loop3A_618] {strides = array<i32>} : memref<2x128x128xf32, #tpu.memory_space<vmem>>, vector<16xf32>,
        tpu.vector_store %arg7[%parallel_loop3A_616, %parallel_loop3A_617, %parallel_loop3A_618], %parallel_loop3A_614 {strides = array<i32>} : memref<2x128x128xf32, #tpu.memory_space<vmem>>, vector<16xf32>,
        %parallel_loop3A_620 = arith.constant 0 : i32
        %parallel_loop3A_621 = arith.index_cast %parallel_loop3A_620 : i32 to index
        %parallel_loop3A_622 = arith.index_cast %parallel_loop3A_567 : i32 to index
        %parallel_loop3A_623 = arith.constant 64 : index
        %parallel_loop3A_624 = tpu.vector_load %arg7[%parallel_loop3A_621, %parallel_loop3A_622, %parallel_loop3A_623] {strides = array<i32>} : memref<2x128x128xf32, #tpu.memory_space<vmem>>, vector<16xf32>,
        %parallel_loop3A_625 = arith.mulf %parallel_loop3A_624, %parallel_loop3A_575 : vector<16xf32>
        %parallel_loop3A_626 = arith.constant 0 : i32
        %parallel_loop3A_627 = arith.index_cast %parallel_loop3A_626 : i32 to index
        %parallel_loop3A_628 = arith.index_cast %parallel_loop3A_567 : i32 to index
        %parallel_loop3A_629 = arith.constant 64 : index
        %parallel_loop3A_630 = tpu.vector_load %arg7[%parallel_loop3A_627, %parallel_loop3A_628, %parallel_loop3A_629] {strides = array<i32>} : memref<2x128x128xf32, #tpu.memory_space<vmem>>, vector<16xf32>,
        tpu.vector_store %arg7[%parallel_loop3A_627, %parallel_loop3A_628, %parallel_loop3A_629], %parallel_loop3A_625 {strides = array<i32>} : memref<2x128x128xf32, #tpu.memory_space<vmem>>, vector<16xf32>,
        %parallel_loop3A_631 = arith.constant 0 : i32
        %parallel_loop3A_632 = arith.index_cast %parallel_loop3A_631 : i32 to index
        %parallel_loop3A_633 = arith.index_cast %parallel_loop3A_567 : i32 to index
        %parallel_loop3A_634 = arith.constant 80 : index
        %parallel_loop3A_635 = tpu.vector_load %arg7[%parallel_loop3A_632, %parallel_loop3A_633, %parallel_loop3A_634] {strides = array<i32>} : memref<2x128x128xf32, #tpu.memory_space<vmem>>, vector<16xf32>,
        %parallel_loop3A_636 = arith.mulf %parallel_loop3A_635, %parallel_loop3A_575 : vector<16xf32>
        %parallel_loop3A_637 = arith.constant 0 : i32
        %parallel_loop3A_638 = arith.index_cast %parallel_loop3A_637 : i32 to index
        %parallel_loop3A_639 = arith.index_cast %parallel_loop3A_567 : i32 to index
        %parallel_loop3A_640 = arith.constant 80 : index
        %parallel_loop3A_641 = tpu.vector_load %arg7[%parallel_loop3A_638, %parallel_loop3A_639, %parallel_loop3A_640] {strides = array<i32>} : memref<2x128x128xf32, #tpu.memory_space<vmem>>, vector<16xf32>,
        tpu.vector_store %arg7[%parallel_loop3A_638, %parallel_loop3A_639, %parallel_loop3A_640], %parallel_loop3A_636 {strides = array<i32>} : memref<2x128x128xf32, #tpu.memory_space<vmem>>, vector<16xf32>,
        %parallel_loop3A_642 = arith.constant 0 : i32
        %parallel_loop3A_643 = arith.index_cast %parallel_loop3A_642 : i32 to index
        %parallel_loop3A_644 = arith.index_cast %parallel_loop3A_567 : i32 to index
        %parallel_loop3A_645 = arith.constant 96 : index
        %parallel_loop3A_646 = tpu.vector_load %arg7[%parallel_loop3A_643, %parallel_loop3A_644, %parallel_loop3A_645] {strides = array<i32>} : memref<2x128x128xf32, #tpu.memory_space<vmem>>, vector<16xf32>,
        %parallel_loop3A_647 = arith.mulf %parallel_loop3A_646, %parallel_loop3A_575 : vector<16xf32>
        %parallel_loop3A_648 = arith.constant 0 : i32
        %parallel_loop3A_649 = arith.index_cast %parallel_loop3A_648 : i32 to index
        %parallel_loop3A_650 = arith.index_cast %parallel_loop3A_567 : i32 to index
        %parallel_loop3A_651 = arith.constant 96 : index
        %parallel_loop3A_652 = tpu.vector_load %arg7[%parallel_loop3A_649, %parallel_loop3A_650, %parallel_loop3A_651] {strides = array<i32>} : memref<2x128x128xf32, #tpu.memory_space<vmem>>, vector<16xf32>,
        tpu.vector_store %arg7[%parallel_loop3A_649, %parallel_loop3A_650, %parallel_loop3A_651], %parallel_loop3A_647 {strides = array<i32>} : memref<2x128x128xf32, #tpu.memory_space<vmem>>, vector<16xf32>,
        %parallel_loop3A_653 = arith.constant 0 : i32
        %parallel_loop3A_654 = arith.index_cast %parallel_loop3A_653 : i32 to index
        %parallel_loop3A_655 = arith.index_cast %parallel_loop3A_567 : i32 to index
        %parallel_loop3A_656 = arith.constant 112 : index
        %parallel_loop3A_657 = tpu.vector_load %arg7[%parallel_loop3A_654, %parallel_loop3A_655, %parallel_loop3A_656] {strides = array<i32>} : memref<2x128x128xf32, #tpu.memory_space<vmem>>, vector<16xf32>,
        %parallel_loop3A_658 = arith.mulf %parallel_loop3A_657, %parallel_loop3A_575 : vector<16xf32>
        %parallel_loop3A_659 = arith.constant 0 : i32
        %parallel_loop3A_660 = arith.index_cast %parallel_loop3A_659 : i32 to index
        %parallel_loop3A_661 = arith.index_cast %parallel_loop3A_567 : i32 to index
        %parallel_loop3A_662 = arith.constant 112 : index
        %parallel_loop3A_663 = tpu.vector_load %arg7[%parallel_loop3A_660, %parallel_loop3A_661, %parallel_loop3A_662] {strides = array<i32>} : memref<2x128x128xf32, #tpu.memory_space<vmem>>, vector<16xf32>,
        tpu.vector_store %arg7[%parallel_loop3A_660, %parallel_loop3A_661, %parallel_loop3A_662], %parallel_loop3A_658 {strides = array<i32>} : memref<2x128x128xf32, #tpu.memory_space<vmem>>, vector<16xf32>,
      } {sc.loop_unroll_factor = 2 : i64, sc.parallel_access}
      %dma_start3A_296 = arith.constant 0 : i32
      %dma_start3A_297 = arith.constant 2 : i32
      %dma_start3A_298 = arith.constant 1 : i32
      %dma_start3A_299 = arith.constant 0 : i32
      %dma_start3A_300 = arith.constant 0 : i32
      %dma_start3A_301 = arith.constant 0 : i32
      %dma_start3A_302 = tpu.memref_slice %arg7[%dma_start3A_296, %dma_start3A_300, %dma_start3A_301] : memref<2x128x128xf32, #tpu.memory_space<vmem>> -> memref<1x128x128xf32, #tpu.memory_space<vmem>>
      %dma_start3A_303 = tpu.memref_squeeze %dma_start3A_302 : memref<1x128x128xf32, #tpu.memory_space<vmem>> -> memref<128x128xf32, #tpu.memory_space<vmem>>
      %dma_start3A_304 = arith.constant 0 : i32
      %dma_start3A_305 = tpu.memref_slice %arg6[%dma_start3A_297, %dma_start3A_298, %dma_start3A_304] : memref<8x3x128xi32, #tpu.memory_space<vmem>> -> memref<1x1x128xi32, #tpu.memory_space<vmem>>
      %dma_start3A_306 = tpu.memref_squeeze %dma_start3A_305 : memref<1x1x128xi32, #tpu.memory_space<vmem>> -> memref<128xi32, #tpu.memory_space<vmem>>
      %dma_start3A_307 = arith.constant 0 : i32
      %dma_start3A_308 = arith.constant 0 : i32
      %dma_start3A_309 = tpu.memref_slice %arg5[%dma_start3A_307, %dma_start3A_308] : memref<10240x128xf32, #tpu.memory_space<vmem_shared>> -> memref<10240x128xf32, #tpu.memory_space<vmem_shared>>
      %dma_start3A_310 = tpu.memref_slice %arg10[%dma_start3A_299] : memref<2x!tpu.dma_semaphore, #tpu.memory_space<semaphore_mem>> -> memref<1x!tpu.dma_semaphore, #tpu.memory_space<semaphore_mem>>
      %dma_start3A_311 = tpu.memref_squeeze %dma_start3A_310 : memref<1x!tpu.dma_semaphore, #tpu.memory_space<semaphore_mem>> -> memref<!tpu.dma_semaphore, #tpu.memory_space<semaphore_mem>>
      tpu.enqueue_indirect_dma source(%dma_start3A_303 : memref<128x128xf32, #tpu.memory_space<vmem>>) target(%dma_start3A_309 : memref<10240x128xf32, #tpu.memory_space<vmem_shared>>) offsets(%dma_start3A_306 : memref<128xi32, #tpu.memory_space<vmem>>) semaphore(%dma_start3A_311 : memref<!tpu.dma_semaphore, #tpu.memory_space<semaphore_mem>>) {add = true}
      %add3A_312 = arith.constant 3 : i32
      %add3A_313 = arith.addi %mul3A_162, %add3A_312 : i32
      %add3A_314 = arith.constant 2 : i32
      %add3A_315 = arith.addi %add3A_313, %add3A_314 : i32
      %lt3A_316 = arith.constant 80 : i32
      %lt3A_317 = arith.cmpi slt, %add3A_315, %lt3A_316 : i32
      %convert_element_type3A_318 = arith.extui %lt3A_317 : i1 to i32
      %cond3A_319 = arith.constant 0 : i32
      %cond3A_320 = arith.cmpi ne, %convert_element_type3A_318, %cond3A_319 : i32
      scf.if %cond3A_320 {
        %add3A_567 = arith.constant 2 : i32
        %add3A_568 = arith.addi %add3A_313, %add3A_567 : i32
        %dma_start3A_569 = arith.constant 5 : i32
        %dma_start3A_570 = arith.constant 5 : i32
        %dma_start3A_571 = arith.constant 0 : i32
        %dma_start3A_572 = arith.constant 0 : i32
        %dma_start3A_573 = tpu.memref_slice %arg6[%dma_start3A_569, %dma_start3A_571, %dma_start3A_572] : memref<8x3x128xi32, #tpu.memory_space<vmem>> -> memref<1x3x128xi32, #tpu.memory_space<vmem>>
        %dma_start3A_574 = tpu.memref_squeeze %dma_start3A_573 : memref<1x3x128xi32, #tpu.memory_space<vmem>> -> memref<3x128xi32, #tpu.memory_space<vmem>>
        %dma_start3A_575 = arith.constant 0 : i32
        %dma_start3A_576 = arith.constant 0 : i32
        %dma_start3A_577 = tpu.memref_slice %arg3[%add3A, %add3A_568, %dma_start3A_575, %dma_start3A_576] : memref<32x80x3x128xi32, #tpu.memory_space<hbm>> -> memref<1x1x3x128xi32, #tpu.memory_space<hbm>>
        %dma_start3A_578 = tpu.memref_squeeze %dma_start3A_577 : memref<1x1x3x128xi32, #tpu.memory_space<hbm>> -> memref<3x128xi32, #tpu.memory_space<hbm>>
        %dma_start3A_579 = tpu.memref_slice %arg8[%dma_start3A_570] : memref<8x!tpu.dma_semaphore, #tpu.memory_space<semaphore_mem>> -> memref<1x!tpu.dma_semaphore, #tpu.memory_space<semaphore_mem>>
        %dma_start3A_580 = tpu.memref_squeeze %dma_start3A_579 : memref<1x!tpu.dma_semaphore, #tpu.memory_space<semaphore_mem>> -> memref<!tpu.dma_semaphore, #tpu.memory_space<semaphore_mem>>
        %dma_start3A_581 = arith.constant 0 : i32
        %dma_start3A_582 = arith.constant 0 : i32
        %dma_start3A_583 = tpu.memref_slice %arg6[%dma_start3A_569, %dma_start3A_581, %dma_start3A_582] : memref<8x3x128xi32, #tpu.memory_space<vmem>> -> memref<1x3x128xi32, #tpu.memory_space<vmem>>
        %dma_start3A_584 = tpu.memref_squeeze %dma_start3A_583 : memref<1x3x128xi32, #tpu.memory_space<vmem>> -> memref<3x128xi32, #tpu.memory_space<vmem>>
        %dma_start3A_585 = arith.constant 0 : i32
        %dma_start3A_586 = arith.constant 0 : i32
        %dma_start3A_587 = tpu.memref_slice %arg3[%add3A, %add3A_568, %dma_start3A_585, %dma_start3A_586] : memref<32x80x3x128xi32, #tpu.memory_space<hbm>> -> memref<1x1x3x128xi32, #tpu.memory_space<hbm>>
        %dma_start3A_588 = tpu.memref_squeeze %dma_start3A_587 : memref<1x1x3x128xi32, #tpu.memory_space<hbm>> -> memref<3x128xi32, #tpu.memory_space<hbm>>
        tpu.enqueue_dma source(%dma_start3A_588 : memref<3x128xi32, #tpu.memory_space<hbm>>) target(%dma_start3A_584 : memref<3x128xi32, #tpu.memory_space<vmem>>) target_semaphore(%dma_start3A_580 : memref<!tpu.dma_semaphore, #tpu.memory_space<semaphore_mem>>)
      } else {
      }
      %add3A_321 = arith.constant 1 : i32
      %add3A_322 = arith.addi %add3A_313, %add3A_321 : i32
      %lt3A_323 = arith.constant 80 : i32
      %lt3A_324 = arith.cmpi slt, %add3A_322, %lt3A_323 : i32
      %convert_element_type3A_325 = arith.extui %lt3A_324 : i1 to i32
      %cond3A_326 = arith.constant 0 : i32
      %cond3A_327 = arith.cmpi ne, %convert_element_type3A_325, %cond3A_326 : i32
      scf.if %cond3A_327 {
        %add3A_567 = arith.constant 1 : i32
        %add3A_568 = arith.addi %add3A_313, %add3A_567 : i32
        %ge3A = arith.constant 2 : i32
        %ge3A_569 = arith.cmpi sge, %add3A_568, %ge3A : i32
        %convert_element_type3A_570 = arith.extui %ge3A_569 : i1 to i32
        %cond3A_571 = arith.constant 0 : i32
        %cond3A_572 = arith.cmpi ne, %convert_element_type3A_570, %cond3A_571 : i32
        scf.if %cond3A_572 {
          %dma_wait3A_613 = arith.constant 0 : i32
          %dma_wait3A_614 = arith.constant 4 : i32
          %dma_wait3A_615 = arith.constant 1 : i32
          %dma_wait3A_616 = arith.constant 0 : i32
          %dma_wait3A_617 = arith.constant 0 : i32
          %dma_wait3A_618 = arith.constant 0 : i32
          %dma_wait3A_619 = tpu.memref_slice %arg7[%dma_wait3A_613, %dma_wait3A_617, %dma_wait3A_618] : memref<2x128x128xf32, #tpu.memory_space<vmem>> -> memref<1x128x128xf32, #tpu.memory_space<vmem>>
          %dma_wait3A_620 = tpu.memref_squeeze %dma_wait3A_619 : memref<1x128x128xf32, #tpu.memory_space<vmem>> -> memref<128x128xf32, #tpu.memory_space<vmem>>
          %dma_wait3A_621 = arith.constant 0 : i32
          %dma_wait3A_622 = tpu.memref_slice %arg6[%dma_wait3A_614, %dma_wait3A_615, %dma_wait3A_621] : memref<8x3x128xi32, #tpu.memory_space<vmem>> -> memref<1x1x128xi32, #tpu.memory_space<vmem>>
          %dma_wait3A_623 = tpu.memref_squeeze %dma_wait3A_622 : memref<1x1x128xi32, #tpu.memory_space<vmem>> -> memref<128xi32, #tpu.memory_space<vmem>>
          %dma_wait3A_624 = arith.constant 0 : i32
          %dma_wait3A_625 = arith.constant 0 : i32
          %dma_wait3A_626 = tpu.memref_slice %arg5[%dma_wait3A_624, %dma_wait3A_625] : memref<10240x128xf32, #tpu.memory_space<vmem_shared>> -> memref<10240x128xf32, #tpu.memory_space<vmem_shared>>
          %dma_wait3A_627 = tpu.memref_slice %arg10[%dma_wait3A_616] : memref<2x!tpu.dma_semaphore, #tpu.memory_space<semaphore_mem>> -> memref<1x!tpu.dma_semaphore, #tpu.memory_space<semaphore_mem>>
          %dma_wait3A_628 = tpu.memref_squeeze %dma_wait3A_627 : memref<1x!tpu.dma_semaphore, #tpu.memory_space<semaphore_mem>> -> memref<!tpu.dma_semaphore, #tpu.memory_space<semaphore_mem>>
          tpu.wait_indirect_dma semaphore(%dma_wait3A_628 : memref<!tpu.dma_semaphore, #tpu.memory_space<semaphore_mem>>) src(%dma_wait3A_620 : memref<128x128xf32, #tpu.memory_space<vmem>>) dst(%dma_wait3A_626 : memref<10240x128xf32, #tpu.memory_space<vmem_shared>>)
        } else {
        }
        %add3A_573 = arith.constant 1 : i32
        %add3A_574 = arith.addi %add3A_313, %add3A_573 : i32
        %dma_wait3A_575 = arith.constant 4 : i32
        %dma_wait3A_576 = arith.constant 4 : i32
        %dma_wait3A_577 = arith.constant 0 : i32
        %dma_wait3A_578 = arith.constant 0 : i32
        %dma_wait3A_579 = tpu.memref_slice %arg6[%dma_wait3A_575, %dma_wait3A_577, %dma_wait3A_578] : memref<8x3x128xi32, #tpu.memory_space<vmem>> -> memref<1x3x128xi32, #tpu.memory_space<vmem>>
        %dma_wait3A_580 = tpu.memref_squeeze %dma_wait3A_579 : memref<1x3x128xi32, #tpu.memory_space<vmem>> -> memref<3x128xi32, #tpu.memory_space<vmem>>
        %dma_wait3A_581 = arith.constant 0 : i32
        %dma_wait3A_582 = arith.constant 0 : i32
        %dma_wait3A_583 = tpu.memref_slice %arg3[%add3A, %add3A_574, %dma_wait3A_581, %dma_wait3A_582] : memref<32x80x3x128xi32, #tpu.memory_space<hbm>> -> memref<1x1x3x128xi32, #tpu.memory_space<hbm>>
        %dma_wait3A_584 = tpu.memref_squeeze %dma_wait3A_583 : memref<1x1x3x128xi32, #tpu.memory_space<hbm>> -> memref<3x128xi32, #tpu.memory_space<hbm>>
        %dma_wait3A_585 = tpu.memref_slice %arg8[%dma_wait3A_576] : memref<8x!tpu.dma_semaphore, #tpu.memory_space<semaphore_mem>> -> memref<1x!tpu.dma_semaphore, #tpu.memory_space<semaphore_mem>>
        %dma_wait3A_586 = tpu.memref_squeeze %dma_wait3A_585 : memref<1x!tpu.dma_semaphore, #tpu.memory_space<semaphore_mem>> -> memref<!tpu.dma_semaphore, #tpu.memory_space<semaphore_mem>>
        %dma_wait3A_587 = arith.constant 0 : i32
        %dma_wait3A_588 = arith.constant 0 : i32
        %dma_wait3A_589 = tpu.memref_slice %arg6[%dma_wait3A_575, %dma_wait3A_587, %dma_wait3A_588] : memref<8x3x128xi32, #tpu.memory_space<vmem>> -> memref<1x3x128xi32, #tpu.memory_space<vmem>>
        %dma_wait3A_590 = tpu.memref_squeeze %dma_wait3A_589 : memref<1x3x128xi32, #tpu.memory_space<vmem>> -> memref<3x128xi32, #tpu.memory_space<vmem>>
        %dma_wait3A_591 = arith.constant 0 : i32
        %dma_wait3A_592 = arith.constant 0 : i32
        %dma_wait3A_593 = tpu.memref_slice %arg3[%add3A, %add3A_574, %dma_wait3A_591, %dma_wait3A_592] : memref<32x80x3x128xi32, #tpu.memory_space<hbm>> -> memref<1x1x3x128xi32, #tpu.memory_space<hbm>>
        %dma_wait3A_594 = tpu.memref_squeeze %dma_wait3A_593 : memref<1x1x3x128xi32, #tpu.memory_space<hbm>> -> memref<3x128xi32, #tpu.memory_space<hbm>>
        tpu.wait_dma2 semaphore(%dma_wait3A_586 : memref<!tpu.dma_semaphore, #tpu.memory_space<semaphore_mem>>) src(%dma_wait3A_594 : memref<3x128xi32, #tpu.memory_space<hbm>>) dst(%dma_wait3A_590 : memref<3x128xi32, #tpu.memory_space<vmem>>)
        %add3A_595 = arith.constant 1 : i32
        %add3A_596 = arith.addi %add3A_313, %add3A_595 : i32
        %dma_start3A_597 = arith.constant 4 : i32
        %dma_start3A_598 = arith.constant 0 : i32
        %dma_start3A_599 = arith.constant 0 : i32
        %dma_start3A_600 = arith.constant 0 : i32
        %dma_start3A_601 = arith.constant 0 : i32
        %dma_start3A_602 = arith.constant 0 : i32
        %dma_start3A_603 = tpu.memref_slice %arg7[%dma_start3A_599, %dma_start3A_601, %dma_start3A_602] : memref<2x128x128xf32, #tpu.memory_space<vmem>> -> memref<1x128x128xf32, #tpu.memory_space<vmem>>
        %dma_start3A_604 = tpu.memref_squeeze %dma_start3A_603 : memref<1x128x128xf32, #tpu.memory_space<vmem>> -> memref<128x128xf32, #tpu.memory_space<vmem>>
        %dma_start3A_605 = arith.constant 0 : i32
        %dma_start3A_606 = tpu.memref_slice %arg6[%dma_start3A_597, %dma_start3A_598, %dma_start3A_605] : memref<8x3x128xi32, #tpu.memory_space<vmem>> -> memref<1x1x128xi32, #tpu.memory_space<vmem>>
        %dma_start3A_607 = tpu.memref_squeeze %dma_start3A_606 : memref<1x1x128xi32, #tpu.memory_space<vmem>> -> memref<128xi32, #tpu.memory_space<vmem>>
        %dma_start3A_608 = arith.constant 0 : i32
        %dma_start3A_609 = arith.constant 0 : i32
        %dma_start3A_610 = tpu.memref_slice %arg2[%dma_start3A_608, %dma_start3A_609] : memref<10000x128xf32, #tpu.memory_space<hbm>> -> memref<10000x128xf32, #tpu.memory_space<hbm>>
        %dma_start3A_611 = tpu.memref_slice %arg9[%dma_start3A_600] : memref<2x!tpu.dma_semaphore, #tpu.memory_space<semaphore_mem>> -> memref<1x!tpu.dma_semaphore, #tpu.memory_space<semaphore_mem>>
        %dma_start3A_612 = tpu.memref_squeeze %dma_start3A_611 : memref<1x!tpu.dma_semaphore, #tpu.memory_space<semaphore_mem>> -> memref<!tpu.dma_semaphore, #tpu.memory_space<semaphore_mem>>
        tpu.enqueue_indirect_dma source(%dma_start3A_610 : memref<10000x128xf32, #tpu.memory_space<hbm>>) target(%dma_start3A_604 : memref<128x128xf32, #tpu.memory_space<vmem>>) offsets(%dma_start3A_607 : memref<128xi32, #tpu.memory_space<vmem>>) semaphore(%dma_start3A_612 : memref<!tpu.dma_semaphore, #tpu.memory_space<semaphore_mem>>)
      } else {
      }
      %dma_wait3A_328 = arith.constant 3 : i32
      %dma_wait3A_329 = arith.constant 0 : i32
      %dma_wait3A_330 = arith.constant 1 : i32
      %dma_wait3A_331 = arith.constant 1 : i32
      %dma_wait3A_332 = arith.constant 0 : i32
      %dma_wait3A_333 = arith.constant 0 : i32
      %dma_wait3A_334 = tpu.memref_slice %arg7[%dma_wait3A_330, %dma_wait3A_332, %dma_wait3A_333] : memref<2x128x128xf32, #tpu.memory_space<vmem>> -> memref<1x128x128xf32, #tpu.memory_space<vmem>>
      %dma_wait3A_335 = tpu.memref_squeeze %dma_wait3A_334 : memref<1x128x128xf32, #tpu.memory_space<vmem>> -> memref<128x128xf32, #tpu.memory_space<vmem>>
      %dma_wait3A_336 = arith.constant 0 : i32
      %dma_wait3A_337 = tpu.memref_slice %arg6[%dma_wait3A_328, %dma_wait3A_329, %dma_wait3A_336] : memref<8x3x128xi32, #tpu.memory_space<vmem>> -> memref<1x1x128xi32, #tpu.memory_space<vmem>>
      %dma_wait3A_338 = tpu.memref_squeeze %dma_wait3A_337 : memref<1x1x128xi32, #tpu.memory_space<vmem>> -> memref<128xi32, #tpu.memory_space<vmem>>
      %dma_wait3A_339 = arith.constant 0 : i32
      %dma_wait3A_340 = arith.constant 0 : i32
      %dma_wait3A_341 = tpu.memref_slice %arg2[%dma_wait3A_339, %dma_wait3A_340] : memref<10000x128xf32, #tpu.memory_space<hbm>> -> memref<10000x128xf32, #tpu.memory_space<hbm>>
      %dma_wait3A_342 = tpu.memref_slice %arg9[%dma_wait3A_331] : memref<2x!tpu.dma_semaphore, #tpu.memory_space<semaphore_mem>> -> memref<1x!tpu.dma_semaphore, #tpu.memory_space<semaphore_mem>>
      %dma_wait3A_343 = tpu.memref_squeeze %dma_wait3A_342 : memref<1x!tpu.dma_semaphore, #tpu.memory_space<semaphore_mem>> -> memref<!tpu.dma_semaphore, #tpu.memory_space<semaphore_mem>>
      tpu.wait_indirect_dma semaphore(%dma_wait3A_343 : memref<!tpu.dma_semaphore, #tpu.memory_space<semaphore_mem>>) src(%dma_wait3A_341 : memref<10000x128xf32, #tpu.memory_space<hbm>>) dst(%dma_wait3A_335 : memref<128x128xf32, #tpu.memory_space<vmem>>)
      %parallel_loop3A_344 = arith.constant 0 : i32
      %parallel_loop3A_345 = arith.constant 128 : i32
      %parallel_loop3A_346 = arith.constant 1 : i32
      scf.for %parallel_loop3A_567 = %parallel_loop3A_344 to %parallel_loop3A_345 step %parallel_loop3A_346  : i32 {
        %parallel_loop3A_568 = vector.broadcast %parallel_loop3A_567 : i32 to vector<16xi32>
        %parallel_loop3A_569 = arith.constant 3 : i32
        %parallel_loop3A_570 = arith.constant 2 : i32
        %parallel_loop3A_571 = arith.constant 0 : i32
        %parallel_loop3A_572 = tpu.memref_slice %arg6[%parallel_loop3A_569, %parallel_loop3A_570, %parallel_loop3A_571] : memref<8x3x128xi32, #tpu.memory_space<vmem>> -> memref<1x1x128xi32, #tpu.memory_space<vmem>>
        %parallel_loop3A_573 = tpu.memref_squeeze %parallel_loop3A_572 : memref<1x1x128xi32, #tpu.memory_space<vmem>> -> memref<128xi32, #tpu.memory_space<vmem>>
        %parallel_loop3A_574 = tpu.vector_load_idx %parallel_loop3A_573[%parallel_loop3A_568] : memref<128xi32, #tpu.memory_space<vmem>>[vector<16xi32>], vector<16xi32>,
        %parallel_loop3A_575 = vector.bitcast %parallel_loop3A_574 : vector<16xi32> to vector<16xf32>
        %parallel_loop3A_576 = arith.constant 1 : i32
        %parallel_loop3A_577 = arith.index_cast %parallel_loop3A_576 : i32 to index
        %parallel_loop3A_578 = arith.index_cast %parallel_loop3A_567 : i32 to index
        %parallel_loop3A_579 = arith.constant 0 : index
        %parallel_loop3A_580 = tpu.vector_load %arg7[%parallel_loop3A_577, %parallel_loop3A_578, %parallel_loop3A_579] {strides = array<i32>} : memref<2x128x128xf32, #tpu.memory_space<vmem>>, vector<16xf32>,
        %parallel_loop3A_581 = arith.mulf %parallel_loop3A_580, %parallel_loop3A_575 : vector<16xf32>
        %parallel_loop3A_582 = arith.constant 1 : i32
        %parallel_loop3A_583 = arith.index_cast %parallel_loop3A_582 : i32 to index
        %parallel_loop3A_584 = arith.index_cast %parallel_loop3A_567 : i32 to index
        %parallel_loop3A_585 = arith.constant 0 : index
        %parallel_loop3A_586 = tpu.vector_load %arg7[%parallel_loop3A_583, %parallel_loop3A_584, %parallel_loop3A_585] {strides = array<i32>} : memref<2x128x128xf32, #tpu.memory_space<vmem>>, vector<16xf32>,
        tpu.vector_store %arg7[%parallel_loop3A_583, %parallel_loop3A_584, %parallel_loop3A_585], %parallel_loop3A_581 {strides = array<i32>} : memref<2x128x128xf32, #tpu.memory_space<vmem>>, vector<16xf32>,
        %parallel_loop3A_587 = arith.constant 1 : i32
        %parallel_loop3A_588 = arith.index_cast %parallel_loop3A_587 : i32 to index
        %parallel_loop3A_589 = arith.index_cast %parallel_loop3A_567 : i32 to index
        %parallel_loop3A_590 = arith.constant 16 : index
        %parallel_loop3A_591 = tpu.vector_load %arg7[%parallel_loop3A_588, %parallel_loop3A_589, %parallel_loop3A_590] {strides = array<i32>} : memref<2x128x128xf32, #tpu.memory_space<vmem>>, vector<16xf32>,
        %parallel_loop3A_592 = arith.mulf %parallel_loop3A_591, %parallel_loop3A_575 : vector<16xf32>
        %parallel_loop3A_593 = arith.constant 1 : i32
        %parallel_loop3A_594 = arith.index_cast %parallel_loop3A_593 : i32 to index
        %parallel_loop3A_595 = arith.index_cast %parallel_loop3A_567 : i32 to index
        %parallel_loop3A_596 = arith.constant 16 : index
        %parallel_loop3A_597 = tpu.vector_load %arg7[%parallel_loop3A_594, %parallel_loop3A_595, %parallel_loop3A_596] {strides = array<i32>} : memref<2x128x128xf32, #tpu.memory_space<vmem>>, vector<16xf32>,
        tpu.vector_store %arg7[%parallel_loop3A_594, %parallel_loop3A_595, %parallel_loop3A_596], %parallel_loop3A_592 {strides = array<i32>} : memref<2x128x128xf32, #tpu.memory_space<vmem>>, vector<16xf32>,
        %parallel_loop3A_598 = arith.constant 1 : i32
        %parallel_loop3A_599 = arith.index_cast %parallel_loop3A_598 : i32 to index
        %parallel_loop3A_600 = arith.index_cast %parallel_loop3A_567 : i32 to index
        %parallel_loop3A_601 = arith.constant 32 : index
        %parallel_loop3A_602 = tpu.vector_load %arg7[%parallel_loop3A_599, %parallel_loop3A_600, %parallel_loop3A_601] {strides = array<i32>} : memref<2x128x128xf32, #tpu.memory_space<vmem>>, vector<16xf32>,
        %parallel_loop3A_603 = arith.mulf %parallel_loop3A_602, %parallel_loop3A_575 : vector<16xf32>
        %parallel_loop3A_604 = arith.constant 1 : i32
        %parallel_loop3A_605 = arith.index_cast %parallel_loop3A_604 : i32 to index
        %parallel_loop3A_606 = arith.index_cast %parallel_loop3A_567 : i32 to index
        %parallel_loop3A_607 = arith.constant 32 : index
        %parallel_loop3A_608 = tpu.vector_load %arg7[%parallel_loop3A_605, %parallel_loop3A_606, %parallel_loop3A_607] {strides = array<i32>} : memref<2x128x128xf32, #tpu.memory_space<vmem>>, vector<16xf32>,
        tpu.vector_store %arg7[%parallel_loop3A_605, %parallel_loop3A_606, %parallel_loop3A_607], %parallel_loop3A_603 {strides = array<i32>} : memref<2x128x128xf32, #tpu.memory_space<vmem>>, vector<16xf32>,
        %parallel_loop3A_609 = arith.constant 1 : i32
        %parallel_loop3A_610 = arith.index_cast %parallel_loop3A_609 : i32 to index
        %parallel_loop3A_611 = arith.index_cast %parallel_loop3A_567 : i32 to index
        %parallel_loop3A_612 = arith.constant 48 : index
        %parallel_loop3A_613 = tpu.vector_load %arg7[%parallel_loop3A_610, %parallel_loop3A_611, %parallel_loop3A_612] {strides = array<i32>} : memref<2x128x128xf32, #tpu.memory_space<vmem>>, vector<16xf32>,
        %parallel_loop3A_614 = arith.mulf %parallel_loop3A_613, %parallel_loop3A_575 : vector<16xf32>
        %parallel_loop3A_615 = arith.constant 1 : i32
        %parallel_loop3A_616 = arith.index_cast %parallel_loop3A_615 : i32 to index
        %parallel_loop3A_617 = arith.index_cast %parallel_loop3A_567 : i32 to index
        %parallel_loop3A_618 = arith.constant 48 : index
        %parallel_loop3A_619 = tpu.vector_load %arg7[%parallel_loop3A_616, %parallel_loop3A_617, %parallel_loop3A_618] {strides = array<i32>} : memref<2x128x128xf32, #tpu.memory_space<vmem>>, vector<16xf32>,
        tpu.vector_store %arg7[%parallel_loop3A_616, %parallel_loop3A_617, %parallel_loop3A_618], %parallel_loop3A_614 {strides = array<i32>} : memref<2x128x128xf32, #tpu.memory_space<vmem>>, vector<16xf32>,
        %parallel_loop3A_620 = arith.constant 1 : i32
        %parallel_loop3A_621 = arith.index_cast %parallel_loop3A_620 : i32 to index
        %parallel_loop3A_622 = arith.index_cast %parallel_loop3A_567 : i32 to index
        %parallel_loop3A_623 = arith.constant 64 : index
        %parallel_loop3A_624 = tpu.vector_load %arg7[%parallel_loop3A_621, %parallel_loop3A_622, %parallel_loop3A_623] {strides = array<i32>} : memref<2x128x128xf32, #tpu.memory_space<vmem>>, vector<16xf32>,
        %parallel_loop3A_625 = arith.mulf %parallel_loop3A_624, %parallel_loop3A_575 : vector<16xf32>
        %parallel_loop3A_626 = arith.constant 1 : i32
        %parallel_loop3A_627 = arith.index_cast %parallel_loop3A_626 : i32 to index
        %parallel_loop3A_628 = arith.index_cast %parallel_loop3A_567 : i32 to index
        %parallel_loop3A_629 = arith.constant 64 : index
        %parallel_loop3A_630 = tpu.vector_load %arg7[%parallel_loop3A_627, %parallel_loop3A_628, %parallel_loop3A_629] {strides = array<i32>} : memref<2x128x128xf32, #tpu.memory_space<vmem>>, vector<16xf32>,
        tpu.vector_store %arg7[%parallel_loop3A_627, %parallel_loop3A_628, %parallel_loop3A_629], %parallel_loop3A_625 {strides = array<i32>} : memref<2x128x128xf32, #tpu.memory_space<vmem>>, vector<16xf32>,
        %parallel_loop3A_631 = arith.constant 1 : i32
        %parallel_loop3A_632 = arith.index_cast %parallel_loop3A_631 : i32 to index
        %parallel_loop3A_633 = arith.index_cast %parallel_loop3A_567 : i32 to index
        %parallel_loop3A_634 = arith.constant 80 : index
        %parallel_loop3A_635 = tpu.vector_load %arg7[%parallel_loop3A_632, %parallel_loop3A_633, %parallel_loop3A_634] {strides = array<i32>} : memref<2x128x128xf32, #tpu.memory_space<vmem>>, vector<16xf32>,
        %parallel_loop3A_636 = arith.mulf %parallel_loop3A_635, %parallel_loop3A_575 : vector<16xf32>
        %parallel_loop3A_637 = arith.constant 1 : i32
        %parallel_loop3A_638 = arith.index_cast %parallel_loop3A_637 : i32 to index
        %parallel_loop3A_639 = arith.index_cast %parallel_loop3A_567 : i32 to index
        %parallel_loop3A_640 = arith.constant 80 : index
        %parallel_loop3A_641 = tpu.vector_load %arg7[%parallel_loop3A_638, %parallel_loop3A_639, %parallel_loop3A_640] {strides = array<i32>} : memref<2x128x128xf32, #tpu.memory_space<vmem>>, vector<16xf32>,
        tpu.vector_store %arg7[%parallel_loop3A_638, %parallel_loop3A_639, %parallel_loop3A_640], %parallel_loop3A_636 {strides = array<i32>} : memref<2x128x128xf32, #tpu.memory_space<vmem>>, vector<16xf32>,
        %parallel_loop3A_642 = arith.constant 1 : i32
        %parallel_loop3A_643 = arith.index_cast %parallel_loop3A_642 : i32 to index
        %parallel_loop3A_644 = arith.index_cast %parallel_loop3A_567 : i32 to index
        %parallel_loop3A_645 = arith.constant 96 : index
        %parallel_loop3A_646 = tpu.vector_load %arg7[%parallel_loop3A_643, %parallel_loop3A_644, %parallel_loop3A_645] {strides = array<i32>} : memref<2x128x128xf32, #tpu.memory_space<vmem>>, vector<16xf32>,
        %parallel_loop3A_647 = arith.mulf %parallel_loop3A_646, %parallel_loop3A_575 : vector<16xf32>
        %parallel_loop3A_648 = arith.constant 1 : i32
        %parallel_loop3A_649 = arith.index_cast %parallel_loop3A_648 : i32 to index
        %parallel_loop3A_650 = arith.index_cast %parallel_loop3A_567 : i32 to index
        %parallel_loop3A_651 = arith.constant 96 : index
        %parallel_loop3A_652 = tpu.vector_load %arg7[%parallel_loop3A_649, %parallel_loop3A_650, %parallel_loop3A_651] {strides = array<i32>} : memref<2x128x128xf32, #tpu.memory_space<vmem>>, vector<16xf32>,
        tpu.vector_store %arg7[%parallel_loop3A_649, %parallel_loop3A_650, %parallel_loop3A_651], %parallel_loop3A_647 {strides = array<i32>} : memref<2x128x128xf32, #tpu.memory_space<vmem>>, vector<16xf32>,
        %parallel_loop3A_653 = arith.constant 1 : i32
        %parallel_loop3A_654 = arith.index_cast %parallel_loop3A_653 : i32 to index
        %parallel_loop3A_655 = arith.index_cast %parallel_loop3A_567 : i32 to index
        %parallel_loop3A_656 = arith.constant 112 : index
        %parallel_loop3A_657 = tpu.vector_load %arg7[%parallel_loop3A_654, %parallel_loop3A_655, %parallel_loop3A_656] {strides = array<i32>} : memref<2x128x128xf32, #tpu.memory_space<vmem>>, vector<16xf32>,
        %parallel_loop3A_658 = arith.mulf %parallel_loop3A_657, %parallel_loop3A_575 : vector<16xf32>
        %parallel_loop3A_659 = arith.constant 1 : i32
        %parallel_loop3A_660 = arith.index_cast %parallel_loop3A_659 : i32 to index
        %parallel_loop3A_661 = arith.index_cast %parallel_loop3A_567 : i32 to index
        %parallel_loop3A_662 = arith.constant 112 : index
        %parallel_loop3A_663 = tpu.vector_load %arg7[%parallel_loop3A_660, %parallel_loop3A_661, %parallel_loop3A_662] {strides = array<i32>} : memref<2x128x128xf32, #tpu.memory_space<vmem>>, vector<16xf32>,
        tpu.vector_store %arg7[%parallel_loop3A_660, %parallel_loop3A_661, %parallel_loop3A_662], %parallel_loop3A_658 {strides = array<i32>} : memref<2x128x128xf32, #tpu.memory_space<vmem>>, vector<16xf32>,
      } {sc.loop_unroll_factor = 2 : i64, sc.parallel_access}
      %dma_start3A_347 = arith.constant 1 : i32
      %dma_start3A_348 = arith.constant 3 : i32
      %dma_start3A_349 = arith.constant 1 : i32
      %dma_start3A_350 = arith.constant 1 : i32
      %dma_start3A_351 = arith.constant 0 : i32
      %dma_start3A_352 = arith.constant 0 : i32
      %dma_start3A_353 = tpu.memref_slice %arg7[%dma_start3A_347, %dma_start3A_351, %dma_start3A_352] : memref<2x128x128xf32, #tpu.memory_space<vmem>> -> memref<1x128x128xf32, #tpu.memory_space<vmem>>
      %dma_start3A_354 = tpu.memref_squeeze %dma_start3A_353 : memref<1x128x128xf32, #tpu.memory_space<vmem>> -> memref<128x128xf32, #tpu.memory_space<vmem>>
      %dma_start3A_355 = arith.constant 0 : i32
      %dma_start3A_356 = tpu.memref_slice %arg6[%dma_start3A_348, %dma_start3A_349, %dma_start3A_355] : memref<8x3x128xi32, #tpu.memory_space<vmem>> -> memref<1x1x128xi32, #tpu.memory_space<vmem>>
      %dma_start3A_357 = tpu.memref_squeeze %dma_start3A_356 : memref<1x1x128xi32, #tpu.memory_space<vmem>> -> memref<128xi32, #tpu.memory_space<vmem>>
      %dma_start3A_358 = arith.constant 0 : i32
      %dma_start3A_359 = arith.constant 0 : i32
      %dma_start3A_360 = tpu.memref_slice %arg5[%dma_start3A_358, %dma_start3A_359] : memref<10240x128xf32, #tpu.memory_space<vmem_shared>> -> memref<10240x128xf32, #tpu.memory_space<vmem_shared>>
      %dma_start3A_361 = tpu.memref_slice %arg10[%dma_start3A_350] : memref<2x!tpu.dma_semaphore, #tpu.memory_space<semaphore_mem>> -> memref<1x!tpu.dma_semaphore, #tpu.memory_space<semaphore_mem>>
      %dma_start3A_362 = tpu.memref_squeeze %dma_start3A_361 : memref<1x!tpu.dma_semaphore, #tpu.memory_space<semaphore_mem>> -> memref<!tpu.dma_semaphore, #tpu.memory_space<semaphore_mem>>
      tpu.enqueue_indirect_dma source(%dma_start3A_354 : memref<128x128xf32, #tpu.memory_space<vmem>>) target(%dma_start3A_360 : memref<10240x128xf32, #tpu.memory_space<vmem_shared>>) offsets(%dma_start3A_357 : memref<128xi32, #tpu.memory_space<vmem>>) semaphore(%dma_start3A_362 : memref<!tpu.dma_semaphore, #tpu.memory_space<semaphore_mem>>) {add = true}
      %add3A_363 = arith.constant 4 : i32
      %add3A_364 = arith.addi %mul3A_162, %add3A_363 : i32
      %add3A_365 = arith.constant 2 : i32
      %add3A_366 = arith.addi %add3A_364, %add3A_365 : i32
      %lt3A_367 = arith.constant 80 : i32
      %lt3A_368 = arith.cmpi slt, %add3A_366, %lt3A_367 : i32
      %convert_element_type3A_369 = arith.extui %lt3A_368 : i1 to i32
      %cond3A_370 = arith.constant 0 : i32
      %cond3A_371 = arith.cmpi ne, %convert_element_type3A_369, %cond3A_370 : i32
      scf.if %cond3A_371 {
        %add3A_567 = arith.constant 2 : i32
        %add3A_568 = arith.addi %add3A_364, %add3A_567 : i32
        %dma_start3A_569 = arith.constant 6 : i32
        %dma_start3A_570 = arith.constant 6 : i32
        %dma_start3A_571 = arith.constant 0 : i32
        %dma_start3A_572 = arith.constant 0 : i32
        %dma_start3A_573 = tpu.memref_slice %arg6[%dma_start3A_569, %dma_start3A_571, %dma_start3A_572] : memref<8x3x128xi32, #tpu.memory_space<vmem>> -> memref<1x3x128xi32, #tpu.memory_space<vmem>>
        %dma_start3A_574 = tpu.memref_squeeze %dma_start3A_573 : memref<1x3x128xi32, #tpu.memory_space<vmem>> -> memref<3x128xi32, #tpu.memory_space<vmem>>
        %dma_start3A_575 = arith.constant 0 : i32
        %dma_start3A_576 = arith.constant 0 : i32
        %dma_start3A_577 = tpu.memref_slice %arg3[%add3A, %add3A_568, %dma_start3A_575, %dma_start3A_576] : memref<32x80x3x128xi32, #tpu.memory_space<hbm>> -> memref<1x1x3x128xi32, #tpu.memory_space<hbm>>
        %dma_start3A_578 = tpu.memref_squeeze %dma_start3A_577 : memref<1x1x3x128xi32, #tpu.memory_space<hbm>> -> memref<3x128xi32, #tpu.memory_space<hbm>>
        %dma_start3A_579 = tpu.memref_slice %arg8[%dma_start3A_570] : memref<8x!tpu.dma_semaphore, #tpu.memory_space<semaphore_mem>> -> memref<1x!tpu.dma_semaphore, #tpu.memory_space<semaphore_mem>>
        %dma_start3A_580 = tpu.memref_squeeze %dma_start3A_579 : memref<1x!tpu.dma_semaphore, #tpu.memory_space<semaphore_mem>> -> memref<!tpu.dma_semaphore, #tpu.memory_space<semaphore_mem>>
        %dma_start3A_581 = arith.constant 0 : i32
        %dma_start3A_582 = arith.constant 0 : i32
        %dma_start3A_583 = tpu.memref_slice %arg6[%dma_start3A_569, %dma_start3A_581, %dma_start3A_582] : memref<8x3x128xi32, #tpu.memory_space<vmem>> -> memref<1x3x128xi32, #tpu.memory_space<vmem>>
        %dma_start3A_584 = tpu.memref_squeeze %dma_start3A_583 : memref<1x3x128xi32, #tpu.memory_space<vmem>> -> memref<3x128xi32, #tpu.memory_space<vmem>>
        %dma_start3A_585 = arith.constant 0 : i32
        %dma_start3A_586 = arith.constant 0 : i32
        %dma_start3A_587 = tpu.memref_slice %arg3[%add3A, %add3A_568, %dma_start3A_585, %dma_start3A_586] : memref<32x80x3x128xi32, #tpu.memory_space<hbm>> -> memref<1x1x3x128xi32, #tpu.memory_space<hbm>>
        %dma_start3A_588 = tpu.memref_squeeze %dma_start3A_587 : memref<1x1x3x128xi32, #tpu.memory_space<hbm>> -> memref<3x128xi32, #tpu.memory_space<hbm>>
        tpu.enqueue_dma source(%dma_start3A_588 : memref<3x128xi32, #tpu.memory_space<hbm>>) target(%dma_start3A_584 : memref<3x128xi32, #tpu.memory_space<vmem>>) target_semaphore(%dma_start3A_580 : memref<!tpu.dma_semaphore, #tpu.memory_space<semaphore_mem>>)
      } else {
      }
      %add3A_372 = arith.constant 1 : i32
      %add3A_373 = arith.addi %add3A_364, %add3A_372 : i32
      %lt3A_374 = arith.constant 80 : i32
      %lt3A_375 = arith.cmpi slt, %add3A_373, %lt3A_374 : i32
      %convert_element_type3A_376 = arith.extui %lt3A_375 : i1 to i32
      %cond3A_377 = arith.constant 0 : i32
      %cond3A_378 = arith.cmpi ne, %convert_element_type3A_376, %cond3A_377 : i32
      scf.if %cond3A_378 {
        %add3A_567 = arith.constant 1 : i32
        %add3A_568 = arith.addi %add3A_364, %add3A_567 : i32
        %ge3A = arith.constant 2 : i32
        %ge3A_569 = arith.cmpi sge, %add3A_568, %ge3A : i32
        %convert_element_type3A_570 = arith.extui %ge3A_569 : i1 to i32
        %cond3A_571 = arith.constant 0 : i32
        %cond3A_572 = arith.cmpi ne, %convert_element_type3A_570, %cond3A_571 : i32
        scf.if %cond3A_572 {
          %dma_wait3A_613 = arith.constant 1 : i32
          %dma_wait3A_614 = arith.constant 5 : i32
          %dma_wait3A_615 = arith.constant 1 : i32
          %dma_wait3A_616 = arith.constant 1 : i32
          %dma_wait3A_617 = arith.constant 0 : i32
          %dma_wait3A_618 = arith.constant 0 : i32
          %dma_wait3A_619 = tpu.memref_slice %arg7[%dma_wait3A_613, %dma_wait3A_617, %dma_wait3A_618] : memref<2x128x128xf32, #tpu.memory_space<vmem>> -> memref<1x128x128xf32, #tpu.memory_space<vmem>>
          %dma_wait3A_620 = tpu.memref_squeeze %dma_wait3A_619 : memref<1x128x128xf32, #tpu.memory_space<vmem>> -> memref<128x128xf32, #tpu.memory_space<vmem>>
          %dma_wait3A_621 = arith.constant 0 : i32
          %dma_wait3A_622 = tpu.memref_slice %arg6[%dma_wait3A_614, %dma_wait3A_615, %dma_wait3A_621] : memref<8x3x128xi32, #tpu.memory_space<vmem>> -> memref<1x1x128xi32, #tpu.memory_space<vmem>>
          %dma_wait3A_623 = tpu.memref_squeeze %dma_wait3A_622 : memref<1x1x128xi32, #tpu.memory_space<vmem>> -> memref<128xi32, #tpu.memory_space<vmem>>
          %dma_wait3A_624 = arith.constant 0 : i32
          %dma_wait3A_625 = arith.constant 0 : i32
          %dma_wait3A_626 = tpu.memref_slice %arg5[%dma_wait3A_624, %dma_wait3A_625] : memref<10240x128xf32, #tpu.memory_space<vmem_shared>> -> memref<10240x128xf32, #tpu.memory_space<vmem_shared>>
          %dma_wait3A_627 = tpu.memref_slice %arg10[%dma_wait3A_616] : memref<2x!tpu.dma_semaphore, #tpu.memory_space<semaphore_mem>> -> memref<1x!tpu.dma_semaphore, #tpu.memory_space<semaphore_mem>>
          %dma_wait3A_628 = tpu.memref_squeeze %dma_wait3A_627 : memref<1x!tpu.dma_semaphore, #tpu.memory_space<semaphore_mem>> -> memref<!tpu.dma_semaphore, #tpu.memory_space<semaphore_mem>>
          tpu.wait_indirect_dma semaphore(%dma_wait3A_628 : memref<!tpu.dma_semaphore, #tpu.memory_space<semaphore_mem>>) src(%dma_wait3A_620 : memref<128x128xf32, #tpu.memory_space<vmem>>) dst(%dma_wait3A_626 : memref<10240x128xf32, #tpu.memory_space<vmem_shared>>)
        } else {
        }
        %add3A_573 = arith.constant 1 : i32
        %add3A_574 = arith.addi %add3A_364, %add3A_573 : i32
        %dma_wait3A_575 = arith.constant 5 : i32
        %dma_wait3A_576 = arith.constant 5 : i32
        %dma_wait3A_577 = arith.constant 0 : i32
        %dma_wait3A_578 = arith.constant 0 : i32
        %dma_wait3A_579 = tpu.memref_slice %arg6[%dma_wait3A_575, %dma_wait3A_577, %dma_wait3A_578] : memref<8x3x128xi32, #tpu.memory_space<vmem>> -> memref<1x3x128xi32, #tpu.memory_space<vmem>>
        %dma_wait3A_580 = tpu.memref_squeeze %dma_wait3A_579 : memref<1x3x128xi32, #tpu.memory_space<vmem>> -> memref<3x128xi32, #tpu.memory_space<vmem>>
        %dma_wait3A_581 = arith.constant 0 : i32
        %dma_wait3A_582 = arith.constant 0 : i32
        %dma_wait3A_583 = tpu.memref_slice %arg3[%add3A, %add3A_574, %dma_wait3A_581, %dma_wait3A_582] : memref<32x80x3x128xi32, #tpu.memory_space<hbm>> -> memref<1x1x3x128xi32, #tpu.memory_space<hbm>>
        %dma_wait3A_584 = tpu.memref_squeeze %dma_wait3A_583 : memref<1x1x3x128xi32, #tpu.memory_space<hbm>> -> memref<3x128xi32, #tpu.memory_space<hbm>>
        %dma_wait3A_585 = tpu.memref_slice %arg8[%dma_wait3A_576] : memref<8x!tpu.dma_semaphore, #tpu.memory_space<semaphore_mem>> -> memref<1x!tpu.dma_semaphore, #tpu.memory_space<semaphore_mem>>
        %dma_wait3A_586 = tpu.memref_squeeze %dma_wait3A_585 : memref<1x!tpu.dma_semaphore, #tpu.memory_space<semaphore_mem>> -> memref<!tpu.dma_semaphore, #tpu.memory_space<semaphore_mem>>
        %dma_wait3A_587 = arith.constant 0 : i32
        %dma_wait3A_588 = arith.constant 0 : i32
        %dma_wait3A_589 = tpu.memref_slice %arg6[%dma_wait3A_575, %dma_wait3A_587, %dma_wait3A_588] : memref<8x3x128xi32, #tpu.memory_space<vmem>> -> memref<1x3x128xi32, #tpu.memory_space<vmem>>
        %dma_wait3A_590 = tpu.memref_squeeze %dma_wait3A_589 : memref<1x3x128xi32, #tpu.memory_space<vmem>> -> memref<3x128xi32, #tpu.memory_space<vmem>>
        %dma_wait3A_591 = arith.constant 0 : i32
        %dma_wait3A_592 = arith.constant 0 : i32
        %dma_wait3A_593 = tpu.memref_slice %arg3[%add3A, %add3A_574, %dma_wait3A_591, %dma_wait3A_592] : memref<32x80x3x128xi32, #tpu.memory_space<hbm>> -> memref<1x1x3x128xi32, #tpu.memory_space<hbm>>
        %dma_wait3A_594 = tpu.memref_squeeze %dma_wait3A_593 : memref<1x1x3x128xi32, #tpu.memory_space<hbm>> -> memref<3x128xi32, #tpu.memory_space<hbm>>
        tpu.wait_dma2 semaphore(%dma_wait3A_586 : memref<!tpu.dma_semaphore, #tpu.memory_space<semaphore_mem>>) src(%dma_wait3A_594 : memref<3x128xi32, #tpu.memory_space<hbm>>) dst(%dma_wait3A_590 : memref<3x128xi32, #tpu.memory_space<vmem>>)
        %add3A_595 = arith.constant 1 : i32
        %add3A_596 = arith.addi %add3A_364, %add3A_595 : i32
        %dma_start3A_597 = arith.constant 5 : i32
        %dma_start3A_598 = arith.constant 0 : i32
        %dma_start3A_599 = arith.constant 1 : i32
        %dma_start3A_600 = arith.constant 1 : i32
        %dma_start3A_601 = arith.constant 0 : i32
        %dma_start3A_602 = arith.constant 0 : i32
        %dma_start3A_603 = tpu.memref_slice %arg7[%dma_start3A_599, %dma_start3A_601, %dma_start3A_602] : memref<2x128x128xf32, #tpu.memory_space<vmem>> -> memref<1x128x128xf32, #tpu.memory_space<vmem>>
        %dma_start3A_604 = tpu.memref_squeeze %dma_start3A_603 : memref<1x128x128xf32, #tpu.memory_space<vmem>> -> memref<128x128xf32, #tpu.memory_space<vmem>>
        %dma_start3A_605 = arith.constant 0 : i32
        %dma_start3A_606 = tpu.memref_slice %arg6[%dma_start3A_597, %dma_start3A_598, %dma_start3A_605] : memref<8x3x128xi32, #tpu.memory_space<vmem>> -> memref<1x1x128xi32, #tpu.memory_space<vmem>>
        %dma_start3A_607 = tpu.memref_squeeze %dma_start3A_606 : memref<1x1x128xi32, #tpu.memory_space<vmem>> -> memref<128xi32, #tpu.memory_space<vmem>>
        %dma_start3A_608 = arith.constant 0 : i32
        %dma_start3A_609 = arith.constant 0 : i32
        %dma_start3A_610 = tpu.memref_slice %arg2[%dma_start3A_608, %dma_start3A_609] : memref<10000x128xf32, #tpu.memory_space<hbm>> -> memref<10000x128xf32, #tpu.memory_space<hbm>>
        %dma_start3A_611 = tpu.memref_slice %arg9[%dma_start3A_600] : memref<2x!tpu.dma_semaphore, #tpu.memory_space<semaphore_mem>> -> memref<1x!tpu.dma_semaphore, #tpu.memory_space<semaphore_mem>>
        %dma_start3A_612 = tpu.memref_squeeze %dma_start3A_611 : memref<1x!tpu.dma_semaphore, #tpu.memory_space<semaphore_mem>> -> memref<!tpu.dma_semaphore, #tpu.memory_space<semaphore_mem>>
        tpu.enqueue_indirect_dma source(%dma_start3A_610 : memref<10000x128xf32, #tpu.memory_space<hbm>>) target(%dma_start3A_604 : memref<128x128xf32, #tpu.memory_space<vmem>>) offsets(%dma_start3A_607 : memref<128xi32, #tpu.memory_space<vmem>>) semaphore(%dma_start3A_612 : memref<!tpu.dma_semaphore, #tpu.memory_space<semaphore_mem>>)
      } else {
      }
      %dma_wait3A_379 = arith.constant 4 : i32
      %dma_wait3A_380 = arith.constant 0 : i32
      %dma_wait3A_381 = arith.constant 0 : i32
      %dma_wait3A_382 = arith.constant 0 : i32
      %dma_wait3A_383 = arith.constant 0 : i32
      %dma_wait3A_384 = arith.constant 0 : i32
      %dma_wait3A_385 = tpu.memref_slice %arg7[%dma_wait3A_381, %dma_wait3A_383, %dma_wait3A_384] : memref<2x128x128xf32, #tpu.memory_space<vmem>> -> memref<1x128x128xf32, #tpu.memory_space<vmem>>
      %dma_wait3A_386 = tpu.memref_squeeze %dma_wait3A_385 : memref<1x128x128xf32, #tpu.memory_space<vmem>> -> memref<128x128xf32, #tpu.memory_space<vmem>>
      %dma_wait3A_387 = arith.constant 0 : i32
      %dma_wait3A_388 = tpu.memref_slice %arg6[%dma_wait3A_379, %dma_wait3A_380, %dma_wait3A_387] : memref<8x3x128xi32, #tpu.memory_space<vmem>> -> memref<1x1x128xi32, #tpu.memory_space<vmem>>
      %dma_wait3A_389 = tpu.memref_squeeze %dma_wait3A_388 : memref<1x1x128xi32, #tpu.memory_space<vmem>> -> memref<128xi32, #tpu.memory_space<vmem>>
      %dma_wait3A_390 = arith.constant 0 : i32
      %dma_wait3A_391 = arith.constant 0 : i32
      %dma_wait3A_392 = tpu.memref_slice %arg2[%dma_wait3A_390, %dma_wait3A_391] : memref<10000x128xf32, #tpu.memory_space<hbm>> -> memref<10000x128xf32, #tpu.memory_space<hbm>>
      %dma_wait3A_393 = tpu.memref_slice %arg9[%dma_wait3A_382] : memref<2x!tpu.dma_semaphore, #tpu.memory_space<semaphore_mem>> -> memref<1x!tpu.dma_semaphore, #tpu.memory_space<semaphore_mem>>
      %dma_wait3A_394 = tpu.memref_squeeze %dma_wait3A_393 : memref<1x!tpu.dma_semaphore, #tpu.memory_space<semaphore_mem>> -> memref<!tpu.dma_semaphore, #tpu.memory_space<semaphore_mem>>
      tpu.wait_indirect_dma semaphore(%dma_wait3A_394 : memref<!tpu.dma_semaphore, #tpu.memory_space<semaphore_mem>>) src(%dma_wait3A_392 : memref<10000x128xf32, #tpu.memory_space<hbm>>) dst(%dma_wait3A_386 : memref<128x128xf32, #tpu.memory_space<vmem>>)
      %parallel_loop3A_395 = arith.constant 0 : i32
      %parallel_loop3A_396 = arith.constant 128 : i32
      %parallel_loop3A_397 = arith.constant 1 : i32
      scf.for %parallel_loop3A_567 = %parallel_loop3A_395 to %parallel_loop3A_396 step %parallel_loop3A_397  : i32 {
        %parallel_loop3A_568 = vector.broadcast %parallel_loop3A_567 : i32 to vector<16xi32>
        %parallel_loop3A_569 = arith.constant 4 : i32
        %parallel_loop3A_570 = arith.constant 2 : i32
        %parallel_loop3A_571 = arith.constant 0 : i32
        %parallel_loop3A_572 = tpu.memref_slice %arg6[%parallel_loop3A_569, %parallel_loop3A_570, %parallel_loop3A_571] : memref<8x3x128xi32, #tpu.memory_space<vmem>> -> memref<1x1x128xi32, #tpu.memory_space<vmem>>
        %parallel_loop3A_573 = tpu.memref_squeeze %parallel_loop3A_572 : memref<1x1x128xi32, #tpu.memory_space<vmem>> -> memref<128xi32, #tpu.memory_space<vmem>>
        %parallel_loop3A_574 = tpu.vector_load_idx %parallel_loop3A_573[%parallel_loop3A_568] : memref<128xi32, #tpu.memory_space<vmem>>[vector<16xi32>], vector<16xi32>,
        %parallel_loop3A_575 = vector.bitcast %parallel_loop3A_574 : vector<16xi32> to vector<16xf32>
        %parallel_loop3A_576 = arith.constant 0 : i32
        %parallel_loop3A_577 = arith.index_cast %parallel_loop3A_576 : i32 to index
        %parallel_loop3A_578 = arith.index_cast %parallel_loop3A_567 : i32 to index
        %parallel_loop3A_579 = arith.constant 0 : index
        %parallel_loop3A_580 = tpu.vector_load %arg7[%parallel_loop3A_577, %parallel_loop3A_578, %parallel_loop3A_579] {strides = array<i32>} : memref<2x128x128xf32, #tpu.memory_space<vmem>>, vector<16xf32>,
        %parallel_loop3A_581 = arith.mulf %parallel_loop3A_580, %parallel_loop3A_575 : vector<16xf32>
        %parallel_loop3A_582 = arith.constant 0 : i32
        %parallel_loop3A_583 = arith.index_cast %parallel_loop3A_582 : i32 to index
        %parallel_loop3A_584 = arith.index_cast %parallel_loop3A_567 : i32 to index
        %parallel_loop3A_585 = arith.constant 0 : index
        %parallel_loop3A_586 = tpu.vector_load %arg7[%parallel_loop3A_583, %parallel_loop3A_584, %parallel_loop3A_585] {strides = array<i32>} : memref<2x128x128xf32, #tpu.memory_space<vmem>>, vector<16xf32>,
        tpu.vector_store %arg7[%parallel_loop3A_583, %parallel_loop3A_584, %parallel_loop3A_585], %parallel_loop3A_581 {strides = array<i32>} : memref<2x128x128xf32, #tpu.memory_space<vmem>>, vector<16xf32>,
        %parallel_loop3A_587 = arith.constant 0 : i32
        %parallel_loop3A_588 = arith.index_cast %parallel_loop3A_587 : i32 to index
        %parallel_loop3A_589 = arith.index_cast %parallel_loop3A_567 : i32 to index
        %parallel_loop3A_590 = arith.constant 16 : index
        %parallel_loop3A_591 = tpu.vector_load %arg7[%parallel_loop3A_588, %parallel_loop3A_589, %parallel_loop3A_590] {strides = array<i32>} : memref<2x128x128xf32, #tpu.memory_space<vmem>>, vector<16xf32>,
        %parallel_loop3A_592 = arith.mulf %parallel_loop3A_591, %parallel_loop3A_575 : vector<16xf32>
        %parallel_loop3A_593 = arith.constant 0 : i32
        %parallel_loop3A_594 = arith.index_cast %parallel_loop3A_593 : i32 to index
        %parallel_loop3A_595 = arith.index_cast %parallel_loop3A_567 : i32 to index
        %parallel_loop3A_596 = arith.constant 16 : index
        %parallel_loop3A_597 = tpu.vector_load %arg7[%parallel_loop3A_594, %parallel_loop3A_595, %parallel_loop3A_596] {strides = array<i32>} : memref<2x128x128xf32, #tpu.memory_space<vmem>>, vector<16xf32>,
        tpu.vector_store %arg7[%parallel_loop3A_594, %parallel_loop3A_595, %parallel_loop3A_596], %parallel_loop3A_592 {strides = array<i32>} : memref<2x128x128xf32, #tpu.memory_space<vmem>>, vector<16xf32>,
        %parallel_loop3A_598 = arith.constant 0 : i32
        %parallel_loop3A_599 = arith.index_cast %parallel_loop3A_598 : i32 to index
        %parallel_loop3A_600 = arith.index_cast %parallel_loop3A_567 : i32 to index
        %parallel_loop3A_601 = arith.constant 32 : index
        %parallel_loop3A_602 = tpu.vector_load %arg7[%parallel_loop3A_599, %parallel_loop3A_600, %parallel_loop3A_601] {strides = array<i32>} : memref<2x128x128xf32, #tpu.memory_space<vmem>>, vector<16xf32>,
        %parallel_loop3A_603 = arith.mulf %parallel_loop3A_602, %parallel_loop3A_575 : vector<16xf32>
        %parallel_loop3A_604 = arith.constant 0 : i32
        %parallel_loop3A_605 = arith.index_cast %parallel_loop3A_604 : i32 to index
        %parallel_loop3A_606 = arith.index_cast %parallel_loop3A_567 : i32 to index
        %parallel_loop3A_607 = arith.constant 32 : index
        %parallel_loop3A_608 = tpu.vector_load %arg7[%parallel_loop3A_605, %parallel_loop3A_606, %parallel_loop3A_607] {strides = array<i32>} : memref<2x128x128xf32, #tpu.memory_space<vmem>>, vector<16xf32>,
        tpu.vector_store %arg7[%parallel_loop3A_605, %parallel_loop3A_606, %parallel_loop3A_607], %parallel_loop3A_603 {strides = array<i32>} : memref<2x128x128xf32, #tpu.memory_space<vmem>>, vector<16xf32>,
        %parallel_loop3A_609 = arith.constant 0 : i32
        %parallel_loop3A_610 = arith.index_cast %parallel_loop3A_609 : i32 to index
        %parallel_loop3A_611 = arith.index_cast %parallel_loop3A_567 : i32 to index
        %parallel_loop3A_612 = arith.constant 48 : index
        %parallel_loop3A_613 = tpu.vector_load %arg7[%parallel_loop3A_610, %parallel_loop3A_611, %parallel_loop3A_612] {strides = array<i32>} : memref<2x128x128xf32, #tpu.memory_space<vmem>>, vector<16xf32>,
        %parallel_loop3A_614 = arith.mulf %parallel_loop3A_613, %parallel_loop3A_575 : vector<16xf32>
        %parallel_loop3A_615 = arith.constant 0 : i32
        %parallel_loop3A_616 = arith.index_cast %parallel_loop3A_615 : i32 to index
        %parallel_loop3A_617 = arith.index_cast %parallel_loop3A_567 : i32 to index
        %parallel_loop3A_618 = arith.constant 48 : index
        %parallel_loop3A_619 = tpu.vector_load %arg7[%parallel_loop3A_616, %parallel_loop3A_617, %parallel_loop3A_618] {strides = array<i32>} : memref<2x128x128xf32, #tpu.memory_space<vmem>>, vector<16xf32>,
        tpu.vector_store %arg7[%parallel_loop3A_616, %parallel_loop3A_617, %parallel_loop3A_618], %parallel_loop3A_614 {strides = array<i32>} : memref<2x128x128xf32, #tpu.memory_space<vmem>>, vector<16xf32>,
        %parallel_loop3A_620 = arith.constant 0 : i32
        %parallel_loop3A_621 = arith.index_cast %parallel_loop3A_620 : i32 to index
        %parallel_loop3A_622 = arith.index_cast %parallel_loop3A_567 : i32 to index
        %parallel_loop3A_623 = arith.constant 64 : index
        %parallel_loop3A_624 = tpu.vector_load %arg7[%parallel_loop3A_621, %parallel_loop3A_622, %parallel_loop3A_623] {strides = array<i32>} : memref<2x128x128xf32, #tpu.memory_space<vmem>>, vector<16xf32>,
        %parallel_loop3A_625 = arith.mulf %parallel_loop3A_624, %parallel_loop3A_575 : vector<16xf32>
        %parallel_loop3A_626 = arith.constant 0 : i32
        %parallel_loop3A_627 = arith.index_cast %parallel_loop3A_626 : i32 to index
        %parallel_loop3A_628 = arith.index_cast %parallel_loop3A_567 : i32 to index
        %parallel_loop3A_629 = arith.constant 64 : index
        %parallel_loop3A_630 = tpu.vector_load %arg7[%parallel_loop3A_627, %parallel_loop3A_628, %parallel_loop3A_629] {strides = array<i32>} : memref<2x128x128xf32, #tpu.memory_space<vmem>>, vector<16xf32>,
        tpu.vector_store %arg7[%parallel_loop3A_627, %parallel_loop3A_628, %parallel_loop3A_629], %parallel_loop3A_625 {strides = array<i32>} : memref<2x128x128xf32, #tpu.memory_space<vmem>>, vector<16xf32>,
        %parallel_loop3A_631 = arith.constant 0 : i32
        %parallel_loop3A_632 = arith.index_cast %parallel_loop3A_631 : i32 to index
        %parallel_loop3A_633 = arith.index_cast %parallel_loop3A_567 : i32 to index
        %parallel_loop3A_634 = arith.constant 80 : index
        %parallel_loop3A_635 = tpu.vector_load %arg7[%parallel_loop3A_632, %parallel_loop3A_633, %parallel_loop3A_634] {strides = array<i32>} : memref<2x128x128xf32, #tpu.memory_space<vmem>>, vector<16xf32>,
        %parallel_loop3A_636 = arith.mulf %parallel_loop3A_635, %parallel_loop3A_575 : vector<16xf32>
        %parallel_loop3A_637 = arith.constant 0 : i32
        %parallel_loop3A_638 = arith.index_cast %parallel_loop3A_637 : i32 to index
        %parallel_loop3A_639 = arith.index_cast %parallel_loop3A_567 : i32 to index
        %parallel_loop3A_640 = arith.constant 80 : index
        %parallel_loop3A_641 = tpu.vector_load %arg7[%parallel_loop3A_638, %parallel_loop3A_639, %parallel_loop3A_640] {strides = array<i32>} : memref<2x128x128xf32, #tpu.memory_space<vmem>>, vector<16xf32>,
        tpu.vector_store %arg7[%parallel_loop3A_638, %parallel_loop3A_639, %parallel_loop3A_640], %parallel_loop3A_636 {strides = array<i32>} : memref<2x128x128xf32, #tpu.memory_space<vmem>>, vector<16xf32>,
        %parallel_loop3A_642 = arith.constant 0 : i32
        %parallel_loop3A_643 = arith.index_cast %parallel_loop3A_642 : i32 to index
        %parallel_loop3A_644 = arith.index_cast %parallel_loop3A_567 : i32 to index
        %parallel_loop3A_645 = arith.constant 96 : index
        %parallel_loop3A_646 = tpu.vector_load %arg7[%parallel_loop3A_643, %parallel_loop3A_644, %parallel_loop3A_645] {strides = array<i32>} : memref<2x128x128xf32, #tpu.memory_space<vmem>>, vector<16xf32>,
        %parallel_loop3A_647 = arith.mulf %parallel_loop3A_646, %parallel_loop3A_575 : vector<16xf32>
        %parallel_loop3A_648 = arith.constant 0 : i32
        %parallel_loop3A_649 = arith.index_cast %parallel_loop3A_648 : i32 to index
        %parallel_loop3A_650 = arith.index_cast %parallel_loop3A_567 : i32 to index
        %parallel_loop3A_651 = arith.constant 96 : index
        %parallel_loop3A_652 = tpu.vector_load %arg7[%parallel_loop3A_649, %parallel_loop3A_650, %parallel_loop3A_651] {strides = array<i32>} : memref<2x128x128xf32, #tpu.memory_space<vmem>>, vector<16xf32>,
        tpu.vector_store %arg7[%parallel_loop3A_649, %parallel_loop3A_650, %parallel_loop3A_651], %parallel_loop3A_647 {strides = array<i32>} : memref<2x128x128xf32, #tpu.memory_space<vmem>>, vector<16xf32>,
        %parallel_loop3A_653 = arith.constant 0 : i32
        %parallel_loop3A_654 = arith.index_cast %parallel_loop3A_653 : i32 to index
        %parallel_loop3A_655 = arith.index_cast %parallel_loop3A_567 : i32 to index
        %parallel_loop3A_656 = arith.constant 112 : index
        %parallel_loop3A_657 = tpu.vector_load %arg7[%parallel_loop3A_654, %parallel_loop3A_655, %parallel_loop3A_656] {strides = array<i32>} : memref<2x128x128xf32, #tpu.memory_space<vmem>>, vector<16xf32>,
        %parallel_loop3A_658 = arith.mulf %parallel_loop3A_657, %parallel_loop3A_575 : vector<16xf32>
        %parallel_loop3A_659 = arith.constant 0 : i32
        %parallel_loop3A_660 = arith.index_cast %parallel_loop3A_659 : i32 to index
        %parallel_loop3A_661 = arith.index_cast %parallel_loop3A_567 : i32 to index
        %parallel_loop3A_662 = arith.constant 112 : index
        %parallel_loop3A_663 = tpu.vector_load %arg7[%parallel_loop3A_660, %parallel_loop3A_661, %parallel_loop3A_662] {strides = array<i32>} : memref<2x128x128xf32, #tpu.memory_space<vmem>>, vector<16xf32>,
        tpu.vector_store %arg7[%parallel_loop3A_660, %parallel_loop3A_661, %parallel_loop3A_662], %parallel_loop3A_658 {strides = array<i32>} : memref<2x128x128xf32, #tpu.memory_space<vmem>>, vector<16xf32>,
      } {sc.loop_unroll_factor = 2 : i64, sc.parallel_access}
      %dma_start3A_398 = arith.constant 0 : i32
      %dma_start3A_399 = arith.constant 4 : i32
      %dma_start3A_400 = arith.constant 1 : i32
      %dma_start3A_401 = arith.constant 0 : i32
      %dma_start3A_402 = arith.constant 0 : i32
      %dma_start3A_403 = arith.constant 0 : i32
      %dma_start3A_404 = tpu.memref_slice %arg7[%dma_start3A_398, %dma_start3A_402, %dma_start3A_403] : memref<2x128x128xf32, #tpu.memory_space<vmem>> -> memref<1x128x128xf32, #tpu.memory_space<vmem>>
      %dma_start3A_405 = tpu.memref_squeeze %dma_start3A_404 : memref<1x128x128xf32, #tpu.memory_space<vmem>> -> memref<128x128xf32, #tpu.memory_space<vmem>>
      %dma_start3A_406 = arith.constant 0 : i32
      %dma_start3A_407 = tpu.memref_slice %arg6[%dma_start3A_399, %dma_start3A_400, %dma_start3A_406] : memref<8x3x128xi32, #tpu.memory_space<vmem>> -> memref<1x1x128xi32, #tpu.memory_space<vmem>>
      %dma_start3A_408 = tpu.memref_squeeze %dma_start3A_407 : memref<1x1x128xi32, #tpu.memory_space<vmem>> -> memref<128xi32, #tpu.memory_space<vmem>>
      %dma_start3A_409 = arith.constant 0 : i32
      %dma_start3A_410 = arith.constant 0 : i32
      %dma_start3A_411 = tpu.memref_slice %arg5[%dma_start3A_409, %dma_start3A_410] : memref<10240x128xf32, #tpu.memory_space<vmem_shared>> -> memref<10240x128xf32, #tpu.memory_space<vmem_shared>>
      %dma_start3A_412 = tpu.memref_slice %arg10[%dma_start3A_401] : memref<2x!tpu.dma_semaphore, #tpu.memory_space<semaphore_mem>> -> memref<1x!tpu.dma_semaphore, #tpu.memory_space<semaphore_mem>>
      %dma_start3A_413 = tpu.memref_squeeze %dma_start3A_412 : memref<1x!tpu.dma_semaphore, #tpu.memory_space<semaphore_mem>> -> memref<!tpu.dma_semaphore, #tpu.memory_space<semaphore_mem>>
      tpu.enqueue_indirect_dma source(%dma_start3A_405 : memref<128x128xf32, #tpu.memory_space<vmem>>) target(%dma_start3A_411 : memref<10240x128xf32, #tpu.memory_space<vmem_shared>>) offsets(%dma_start3A_408 : memref<128xi32, #tpu.memory_space<vmem>>) semaphore(%dma_start3A_413 : memref<!tpu.dma_semaphore, #tpu.memory_space<semaphore_mem>>) {add = true}
      %add3A_414 = arith.constant 5 : i32
      %add3A_415 = arith.addi %mul3A_162, %add3A_414 : i32
      %add3A_416 = arith.constant 2 : i32
      %add3A_417 = arith.addi %add3A_415, %add3A_416 : i32
      %lt3A_418 = arith.constant 80 : i32
      %lt3A_419 = arith.cmpi slt, %add3A_417, %lt3A_418 : i32
      %convert_element_type3A_420 = arith.extui %lt3A_419 : i1 to i32
      %cond3A_421 = arith.constant 0 : i32
      %cond3A_422 = arith.cmpi ne, %convert_element_type3A_420, %cond3A_421 : i32
      scf.if %cond3A_422 {
        %add3A_567 = arith.constant 2 : i32
        %add3A_568 = arith.addi %add3A_415, %add3A_567 : i32
        %dma_start3A_569 = arith.constant 7 : i32
        %dma_start3A_570 = arith.constant 7 : i32
        %dma_start3A_571 = arith.constant 0 : i32
        %dma_start3A_572 = arith.constant 0 : i32
        %dma_start3A_573 = tpu.memref_slice %arg6[%dma_start3A_569, %dma_start3A_571, %dma_start3A_572] : memref<8x3x128xi32, #tpu.memory_space<vmem>> -> memref<1x3x128xi32, #tpu.memory_space<vmem>>
        %dma_start3A_574 = tpu.memref_squeeze %dma_start3A_573 : memref<1x3x128xi32, #tpu.memory_space<vmem>> -> memref<3x128xi32, #tpu.memory_space<vmem>>
        %dma_start3A_575 = arith.constant 0 : i32
        %dma_start3A_576 = arith.constant 0 : i32
        %dma_start3A_577 = tpu.memref_slice %arg3[%add3A, %add3A_568, %dma_start3A_575, %dma_start3A_576] : memref<32x80x3x128xi32, #tpu.memory_space<hbm>> -> memref<1x1x3x128xi32, #tpu.memory_space<hbm>>
        %dma_start3A_578 = tpu.memref_squeeze %dma_start3A_577 : memref<1x1x3x128xi32, #tpu.memory_space<hbm>> -> memref<3x128xi32, #tpu.memory_space<hbm>>
        %dma_start3A_579 = tpu.memref_slice %arg8[%dma_start3A_570] : memref<8x!tpu.dma_semaphore, #tpu.memory_space<semaphore_mem>> -> memref<1x!tpu.dma_semaphore, #tpu.memory_space<semaphore_mem>>
        %dma_start3A_580 = tpu.memref_squeeze %dma_start3A_579 : memref<1x!tpu.dma_semaphore, #tpu.memory_space<semaphore_mem>> -> memref<!tpu.dma_semaphore, #tpu.memory_space<semaphore_mem>>
        %dma_start3A_581 = arith.constant 0 : i32
        %dma_start3A_582 = arith.constant 0 : i32
        %dma_start3A_583 = tpu.memref_slice %arg6[%dma_start3A_569, %dma_start3A_581, %dma_start3A_582] : memref<8x3x128xi32, #tpu.memory_space<vmem>> -> memref<1x3x128xi32, #tpu.memory_space<vmem>>
        %dma_start3A_584 = tpu.memref_squeeze %dma_start3A_583 : memref<1x3x128xi32, #tpu.memory_space<vmem>> -> memref<3x128xi32, #tpu.memory_space<vmem>>
        %dma_start3A_585 = arith.constant 0 : i32
        %dma_start3A_586 = arith.constant 0 : i32
        %dma_start3A_587 = tpu.memref_slice %arg3[%add3A, %add3A_568, %dma_start3A_585, %dma_start3A_586] : memref<32x80x3x128xi32, #tpu.memory_space<hbm>> -> memref<1x1x3x128xi32, #tpu.memory_space<hbm>>
        %dma_start3A_588 = tpu.memref_squeeze %dma_start3A_587 : memref<1x1x3x128xi32, #tpu.memory_space<hbm>> -> memref<3x128xi32, #tpu.memory_space<hbm>>
        tpu.enqueue_dma source(%dma_start3A_588 : memref<3x128xi32, #tpu.memory_space<hbm>>) target(%dma_start3A_584 : memref<3x128xi32, #tpu.memory_space<vmem>>) target_semaphore(%dma_start3A_580 : memref<!tpu.dma_semaphore, #tpu.memory_space<semaphore_mem>>)
      } else {
      }
      %add3A_423 = arith.constant 1 : i32
      %add3A_424 = arith.addi %add3A_415, %add3A_423 : i32
      %lt3A_425 = arith.constant 80 : i32
      %lt3A_426 = arith.cmpi slt, %add3A_424, %lt3A_425 : i32
      %convert_element_type3A_427 = arith.extui %lt3A_426 : i1 to i32
      %cond3A_428 = arith.constant 0 : i32
      %cond3A_429 = arith.cmpi ne, %convert_element_type3A_427, %cond3A_428 : i32
      scf.if %cond3A_429 {
        %add3A_567 = arith.constant 1 : i32
        %add3A_568 = arith.addi %add3A_415, %add3A_567 : i32
        %ge3A = arith.constant 2 : i32
        %ge3A_569 = arith.cmpi sge, %add3A_568, %ge3A : i32
        %convert_element_type3A_570 = arith.extui %ge3A_569 : i1 to i32
        %cond3A_571 = arith.constant 0 : i32
        %cond3A_572 = arith.cmpi ne, %convert_element_type3A_570, %cond3A_571 : i32
        scf.if %cond3A_572 {
          %dma_wait3A_613 = arith.constant 0 : i32
          %dma_wait3A_614 = arith.constant 6 : i32
          %dma_wait3A_615 = arith.constant 1 : i32
          %dma_wait3A_616 = arith.constant 0 : i32
          %dma_wait3A_617 = arith.constant 0 : i32
          %dma_wait3A_618 = arith.constant 0 : i32
          %dma_wait3A_619 = tpu.memref_slice %arg7[%dma_wait3A_613, %dma_wait3A_617, %dma_wait3A_618] : memref<2x128x128xf32, #tpu.memory_space<vmem>> -> memref<1x128x128xf32, #tpu.memory_space<vmem>>
          %dma_wait3A_620 = tpu.memref_squeeze %dma_wait3A_619 : memref<1x128x128xf32, #tpu.memory_space<vmem>> -> memref<128x128xf32, #tpu.memory_space<vmem>>
          %dma_wait3A_621 = arith.constant 0 : i32
          %dma_wait3A_622 = tpu.memref_slice %arg6[%dma_wait3A_614, %dma_wait3A_615, %dma_wait3A_621] : memref<8x3x128xi32, #tpu.memory_space<vmem>> -> memref<1x1x128xi32, #tpu.memory_space<vmem>>
          %dma_wait3A_623 = tpu.memref_squeeze %dma_wait3A_622 : memref<1x1x128xi32, #tpu.memory_space<vmem>> -> memref<128xi32, #tpu.memory_space<vmem>>
          %dma_wait3A_624 = arith.constant 0 : i32
          %dma_wait3A_625 = arith.constant 0 : i32
          %dma_wait3A_626 = tpu.memref_slice %arg5[%dma_wait3A_624, %dma_wait3A_625] : memref<10240x128xf32, #tpu.memory_space<vmem_shared>> -> memref<10240x128xf32, #tpu.memory_space<vmem_shared>>
          %dma_wait3A_627 = tpu.memref_slice %arg10[%dma_wait3A_616] : memref<2x!tpu.dma_semaphore, #tpu.memory_space<semaphore_mem>> -> memref<1x!tpu.dma_semaphore, #tpu.memory_space<semaphore_mem>>
          %dma_wait3A_628 = tpu.memref_squeeze %dma_wait3A_627 : memref<1x!tpu.dma_semaphore, #tpu.memory_space<semaphore_mem>> -> memref<!tpu.dma_semaphore, #tpu.memory_space<semaphore_mem>>
          tpu.wait_indirect_dma semaphore(%dma_wait3A_628 : memref<!tpu.dma_semaphore, #tpu.memory_space<semaphore_mem>>) src(%dma_wait3A_620 : memref<128x128xf32, #tpu.memory_space<vmem>>) dst(%dma_wait3A_626 : memref<10240x128xf32, #tpu.memory_space<vmem_shared>>)
        } else {
        }
        %add3A_573 = arith.constant 1 : i32
        %add3A_574 = arith.addi %add3A_415, %add3A_573 : i32
        %dma_wait3A_575 = arith.constant 6 : i32
        %dma_wait3A_576 = arith.constant 6 : i32
        %dma_wait3A_577 = arith.constant 0 : i32
        %dma_wait3A_578 = arith.constant 0 : i32
        %dma_wait3A_579 = tpu.memref_slice %arg6[%dma_wait3A_575, %dma_wait3A_577, %dma_wait3A_578] : memref<8x3x128xi32, #tpu.memory_space<vmem>> -> memref<1x3x128xi32, #tpu.memory_space<vmem>>
        %dma_wait3A_580 = tpu.memref_squeeze %dma_wait3A_579 : memref<1x3x128xi32, #tpu.memory_space<vmem>> -> memref<3x128xi32, #tpu.memory_space<vmem>>
        %dma_wait3A_581 = arith.constant 0 : i32
        %dma_wait3A_582 = arith.constant 0 : i32
        %dma_wait3A_583 = tpu.memref_slice %arg3[%add3A, %add3A_574, %dma_wait3A_581, %dma_wait3A_582] : memref<32x80x3x128xi32, #tpu.memory_space<hbm>> -> memref<1x1x3x128xi32, #tpu.memory_space<hbm>>
        %dma_wait3A_584 = tpu.memref_squeeze %dma_wait3A_583 : memref<1x1x3x128xi32, #tpu.memory_space<hbm>> -> memref<3x128xi32, #tpu.memory_space<hbm>>
        %dma_wait3A_585 = tpu.memref_slice %arg8[%dma_wait3A_576] : memref<8x!tpu.dma_semaphore, #tpu.memory_space<semaphore_mem>> -> memref<1x!tpu.dma_semaphore, #tpu.memory_space<semaphore_mem>>
        %dma_wait3A_586 = tpu.memref_squeeze %dma_wait3A_585 : memref<1x!tpu.dma_semaphore, #tpu.memory_space<semaphore_mem>> -> memref<!tpu.dma_semaphore, #tpu.memory_space<semaphore_mem>>
        %dma_wait3A_587 = arith.constant 0 : i32
        %dma_wait3A_588 = arith.constant 0 : i32
        %dma_wait3A_589 = tpu.memref_slice %arg6[%dma_wait3A_575, %dma_wait3A_587, %dma_wait3A_588] : memref<8x3x128xi32, #tpu.memory_space<vmem>> -> memref<1x3x128xi32, #tpu.memory_space<vmem>>
        %dma_wait3A_590 = tpu.memref_squeeze %dma_wait3A_589 : memref<1x3x128xi32, #tpu.memory_space<vmem>> -> memref<3x128xi32, #tpu.memory_space<vmem>>
        %dma_wait3A_591 = arith.constant 0 : i32
        %dma_wait3A_592 = arith.constant 0 : i32
        %dma_wait3A_593 = tpu.memref_slice %arg3[%add3A, %add3A_574, %dma_wait3A_591, %dma_wait3A_592] : memref<32x80x3x128xi32, #tpu.memory_space<hbm>> -> memref<1x1x3x128xi32, #tpu.memory_space<hbm>>
        %dma_wait3A_594 = tpu.memref_squeeze %dma_wait3A_593 : memref<1x1x3x128xi32, #tpu.memory_space<hbm>> -> memref<3x128xi32, #tpu.memory_space<hbm>>
        tpu.wait_dma2 semaphore(%dma_wait3A_586 : memref<!tpu.dma_semaphore, #tpu.memory_space<semaphore_mem>>) src(%dma_wait3A_594 : memref<3x128xi32, #tpu.memory_space<hbm>>) dst(%dma_wait3A_590 : memref<3x128xi32, #tpu.memory_space<vmem>>)
        %add3A_595 = arith.constant 1 : i32
        %add3A_596 = arith.addi %add3A_415, %add3A_595 : i32
        %dma_start3A_597 = arith.constant 6 : i32
        %dma_start3A_598 = arith.constant 0 : i32
        %dma_start3A_599 = arith.constant 0 : i32
        %dma_start3A_600 = arith.constant 0 : i32
        %dma_start3A_601 = arith.constant 0 : i32
        %dma_start3A_602 = arith.constant 0 : i32
        %dma_start3A_603 = tpu.memref_slice %arg7[%dma_start3A_599, %dma_start3A_601, %dma_start3A_602] : memref<2x128x128xf32, #tpu.memory_space<vmem>> -> memref<1x128x128xf32, #tpu.memory_space<vmem>>
        %dma_start3A_604 = tpu.memref_squeeze %dma_start3A_603 : memref<1x128x128xf32, #tpu.memory_space<vmem>> -> memref<128x128xf32, #tpu.memory_space<vmem>>
        %dma_start3A_605 = arith.constant 0 : i32
        %dma_start3A_606 = tpu.memref_slice %arg6[%dma_start3A_597, %dma_start3A_598, %dma_start3A_605] : memref<8x3x128xi32, #tpu.memory_space<vmem>> -> memref<1x1x128xi32, #tpu.memory_space<vmem>>
        %dma_start3A_607 = tpu.memref_squeeze %dma_start3A_606 : memref<1x1x128xi32, #tpu.memory_space<vmem>> -> memref<128xi32, #tpu.memory_space<vmem>>
        %dma_start3A_608 = arith.constant 0 : i32
        %dma_start3A_609 = arith.constant 0 : i32
        %dma_start3A_610 = tpu.memref_slice %arg2[%dma_start3A_608, %dma_start3A_609] : memref<10000x128xf32, #tpu.memory_space<hbm>> -> memref<10000x128xf32, #tpu.memory_space<hbm>>
        %dma_start3A_611 = tpu.memref_slice %arg9[%dma_start3A_600] : memref<2x!tpu.dma_semaphore, #tpu.memory_space<semaphore_mem>> -> memref<1x!tpu.dma_semaphore, #tpu.memory_space<semaphore_mem>>
        %dma_start3A_612 = tpu.memref_squeeze %dma_start3A_611 : memref<1x!tpu.dma_semaphore, #tpu.memory_space<semaphore_mem>> -> memref<!tpu.dma_semaphore, #tpu.memory_space<semaphore_mem>>
        tpu.enqueue_indirect_dma source(%dma_start3A_610 : memref<10000x128xf32, #tpu.memory_space<hbm>>) target(%dma_start3A_604 : memref<128x128xf32, #tpu.memory_space<vmem>>) offsets(%dma_start3A_607 : memref<128xi32, #tpu.memory_space<vmem>>) semaphore(%dma_start3A_612 : memref<!tpu.dma_semaphore, #tpu.memory_space<semaphore_mem>>)
      } else {
      }
      %dma_wait3A_430 = arith.constant 5 : i32
      %dma_wait3A_431 = arith.constant 0 : i32
      %dma_wait3A_432 = arith.constant 1 : i32
      %dma_wait3A_433 = arith.constant 1 : i32
      %dma_wait3A_434 = arith.constant 0 : i32
      %dma_wait3A_435 = arith.constant 0 : i32
      %dma_wait3A_436 = tpu.memref_slice %arg7[%dma_wait3A_432, %dma_wait3A_434, %dma_wait3A_435] : memref<2x128x128xf32, #tpu.memory_space<vmem>> -> memref<1x128x128xf32, #tpu.memory_space<vmem>>
      %dma_wait3A_437 = tpu.memref_squeeze %dma_wait3A_436 : memref<1x128x128xf32, #tpu.memory_space<vmem>> -> memref<128x128xf32, #tpu.memory_space<vmem>>
      %dma_wait3A_438 = arith.constant 0 : i32
      %dma_wait3A_439 = tpu.memref_slice %arg6[%dma_wait3A_430, %dma_wait3A_431, %dma_wait3A_438] : memref<8x3x128xi32, #tpu.memory_space<vmem>> -> memref<1x1x128xi32, #tpu.memory_space<vmem>>
      %dma_wait3A_440 = tpu.memref_squeeze %dma_wait3A_439 : memref<1x1x128xi32, #tpu.memory_space<vmem>> -> memref<128xi32, #tpu.memory_space<vmem>>
      %dma_wait3A_441 = arith.constant 0 : i32
      %dma_wait3A_442 = arith.constant 0 : i32
      %dma_wait3A_443 = tpu.memref_slice %arg2[%dma_wait3A_441, %dma_wait3A_442] : memref<10000x128xf32, #tpu.memory_space<hbm>> -> memref<10000x128xf32, #tpu.memory_space<hbm>>
      %dma_wait3A_444 = tpu.memref_slice %arg9[%dma_wait3A_433] : memref<2x!tpu.dma_semaphore, #tpu.memory_space<semaphore_mem>> -> memref<1x!tpu.dma_semaphore, #tpu.memory_space<semaphore_mem>>
      %dma_wait3A_445 = tpu.memref_squeeze %dma_wait3A_444 : memref<1x!tpu.dma_semaphore, #tpu.memory_space<semaphore_mem>> -> memref<!tpu.dma_semaphore, #tpu.memory_space<semaphore_mem>>
      tpu.wait_indirect_dma semaphore(%dma_wait3A_445 : memref<!tpu.dma_semaphore, #tpu.memory_space<semaphore_mem>>) src(%dma_wait3A_443 : memref<10000x128xf32, #tpu.memory_space<hbm>>) dst(%dma_wait3A_437 : memref<128x128xf32, #tpu.memory_space<vmem>>)
      %parallel_loop3A_446 = arith.constant 0 : i32
      %parallel_loop3A_447 = arith.constant 128 : i32
      %parallel_loop3A_448 = arith.constant 1 : i32
      scf.for %parallel_loop3A_567 = %parallel_loop3A_446 to %parallel_loop3A_447 step %parallel_loop3A_448  : i32 {
        %parallel_loop3A_568 = vector.broadcast %parallel_loop3A_567 : i32 to vector<16xi32>
        %parallel_loop3A_569 = arith.constant 5 : i32
        %parallel_loop3A_570 = arith.constant 2 : i32
        %parallel_loop3A_571 = arith.constant 0 : i32
        %parallel_loop3A_572 = tpu.memref_slice %arg6[%parallel_loop3A_569, %parallel_loop3A_570, %parallel_loop3A_571] : memref<8x3x128xi32, #tpu.memory_space<vmem>> -> memref<1x1x128xi32, #tpu.memory_space<vmem>>
        %parallel_loop3A_573 = tpu.memref_squeeze %parallel_loop3A_572 : memref<1x1x128xi32, #tpu.memory_space<vmem>> -> memref<128xi32, #tpu.memory_space<vmem>>
        %parallel_loop3A_574 = tpu.vector_load_idx %parallel_loop3A_573[%parallel_loop3A_568] : memref<128xi32, #tpu.memory_space<vmem>>[vector<16xi32>], vector<16xi32>,
        %parallel_loop3A_575 = vector.bitcast %parallel_loop3A_574 : vector<16xi32> to vector<16xf32>
        %parallel_loop3A_576 = arith.constant 1 : i32
        %parallel_loop3A_577 = arith.index_cast %parallel_loop3A_576 : i32 to index
        %parallel_loop3A_578 = arith.index_cast %parallel_loop3A_567 : i32 to index
        %parallel_loop3A_579 = arith.constant 0 : index
        %parallel_loop3A_580 = tpu.vector_load %arg7[%parallel_loop3A_577, %parallel_loop3A_578, %parallel_loop3A_579] {strides = array<i32>} : memref<2x128x128xf32, #tpu.memory_space<vmem>>, vector<16xf32>,
        %parallel_loop3A_581 = arith.mulf %parallel_loop3A_580, %parallel_loop3A_575 : vector<16xf32>
        %parallel_loop3A_582 = arith.constant 1 : i32
        %parallel_loop3A_583 = arith.index_cast %parallel_loop3A_582 : i32 to index
        %parallel_loop3A_584 = arith.index_cast %parallel_loop3A_567 : i32 to index
        %parallel_loop3A_585 = arith.constant 0 : index
        %parallel_loop3A_586 = tpu.vector_load %arg7[%parallel_loop3A_583, %parallel_loop3A_584, %parallel_loop3A_585] {strides = array<i32>} : memref<2x128x128xf32, #tpu.memory_space<vmem>>, vector<16xf32>,
        tpu.vector_store %arg7[%parallel_loop3A_583, %parallel_loop3A_584, %parallel_loop3A_585], %parallel_loop3A_581 {strides = array<i32>} : memref<2x128x128xf32, #tpu.memory_space<vmem>>, vector<16xf32>,
        %parallel_loop3A_587 = arith.constant 1 : i32
        %parallel_loop3A_588 = arith.index_cast %parallel_loop3A_587 : i32 to index
        %parallel_loop3A_589 = arith.index_cast %parallel_loop3A_567 : i32 to index
        %parallel_loop3A_590 = arith.constant 16 : index
        %parallel_loop3A_591 = tpu.vector_load %arg7[%parallel_loop3A_588, %parallel_loop3A_589, %parallel_loop3A_590] {strides = array<i32>} : memref<2x128x128xf32, #tpu.memory_space<vmem>>, vector<16xf32>,
        %parallel_loop3A_592 = arith.mulf %parallel_loop3A_591, %parallel_loop3A_575 : vector<16xf32>
        %parallel_loop3A_593 = arith.constant 1 : i32
        %parallel_loop3A_594 = arith.index_cast %parallel_loop3A_593 : i32 to index
        %parallel_loop3A_595 = arith.index_cast %parallel_loop3A_567 : i32 to index
        %parallel_loop3A_596 = arith.constant 16 : index
        %parallel_loop3A_597 = tpu.vector_load %arg7[%parallel_loop3A_594, %parallel_loop3A_595, %parallel_loop3A_596] {strides = array<i32>} : memref<2x128x128xf32, #tpu.memory_space<vmem>>, vector<16xf32>,
        tpu.vector_store %arg7[%parallel_loop3A_594, %parallel_loop3A_595, %parallel_loop3A_596], %parallel_loop3A_592 {strides = array<i32>} : memref<2x128x128xf32, #tpu.memory_space<vmem>>, vector<16xf32>,
        %parallel_loop3A_598 = arith.constant 1 : i32
        %parallel_loop3A_599 = arith.index_cast %parallel_loop3A_598 : i32 to index
        %parallel_loop3A_600 = arith.index_cast %parallel_loop3A_567 : i32 to index
        %parallel_loop3A_601 = arith.constant 32 : index
        %parallel_loop3A_602 = tpu.vector_load %arg7[%parallel_loop3A_599, %parallel_loop3A_600, %parallel_loop3A_601] {strides = array<i32>} : memref<2x128x128xf32, #tpu.memory_space<vmem>>, vector<16xf32>,
        %parallel_loop3A_603 = arith.mulf %parallel_loop3A_602, %parallel_loop3A_575 : vector<16xf32>
        %parallel_loop3A_604 = arith.constant 1 : i32
        %parallel_loop3A_605 = arith.index_cast %parallel_loop3A_604 : i32 to index
        %parallel_loop3A_606 = arith.index_cast %parallel_loop3A_567 : i32 to index
        %parallel_loop3A_607 = arith.constant 32 : index
        %parallel_loop3A_608 = tpu.vector_load %arg7[%parallel_loop3A_605, %parallel_loop3A_606, %parallel_loop3A_607] {strides = array<i32>} : memref<2x128x128xf32, #tpu.memory_space<vmem>>, vector<16xf32>,
        tpu.vector_store %arg7[%parallel_loop3A_605, %parallel_loop3A_606, %parallel_loop3A_607], %parallel_loop3A_603 {strides = array<i32>} : memref<2x128x128xf32, #tpu.memory_space<vmem>>, vector<16xf32>,
        %parallel_loop3A_609 = arith.constant 1 : i32
        %parallel_loop3A_610 = arith.index_cast %parallel_loop3A_609 : i32 to index
        %parallel_loop3A_611 = arith.index_cast %parallel_loop3A_567 : i32 to index
        %parallel_loop3A_612 = arith.constant 48 : index
        %parallel_loop3A_613 = tpu.vector_load %arg7[%parallel_loop3A_610, %parallel_loop3A_611, %parallel_loop3A_612] {strides = array<i32>} : memref<2x128x128xf32, #tpu.memory_space<vmem>>, vector<16xf32>,
        %parallel_loop3A_614 = arith.mulf %parallel_loop3A_613, %parallel_loop3A_575 : vector<16xf32>
        %parallel_loop3A_615 = arith.constant 1 : i32
        %parallel_loop3A_616 = arith.index_cast %parallel_loop3A_615 : i32 to index
        %parallel_loop3A_617 = arith.index_cast %parallel_loop3A_567 : i32 to index
        %parallel_loop3A_618 = arith.constant 48 : index
        %parallel_loop3A_619 = tpu.vector_load %arg7[%parallel_loop3A_616, %parallel_loop3A_617, %parallel_loop3A_618] {strides = array<i32>} : memref<2x128x128xf32, #tpu.memory_space<vmem>>, vector<16xf32>,
        tpu.vector_store %arg7[%parallel_loop3A_616, %parallel_loop3A_617, %parallel_loop3A_618], %parallel_loop3A_614 {strides = array<i32>} : memref<2x128x128xf32, #tpu.memory_space<vmem>>, vector<16xf32>,
        %parallel_loop3A_620 = arith.constant 1 : i32
        %parallel_loop3A_621 = arith.index_cast %parallel_loop3A_620 : i32 to index
        %parallel_loop3A_622 = arith.index_cast %parallel_loop3A_567 : i32 to index
        %parallel_loop3A_623 = arith.constant 64 : index
        %parallel_loop3A_624 = tpu.vector_load %arg7[%parallel_loop3A_621, %parallel_loop3A_622, %parallel_loop3A_623] {strides = array<i32>} : memref<2x128x128xf32, #tpu.memory_space<vmem>>, vector<16xf32>,
        %parallel_loop3A_625 = arith.mulf %parallel_loop3A_624, %parallel_loop3A_575 : vector<16xf32>
        %parallel_loop3A_626 = arith.constant 1 : i32
        %parallel_loop3A_627 = arith.index_cast %parallel_loop3A_626 : i32 to index
        %parallel_loop3A_628 = arith.index_cast %parallel_loop3A_567 : i32 to index
        %parallel_loop3A_629 = arith.constant 64 : index
        %parallel_loop3A_630 = tpu.vector_load %arg7[%parallel_loop3A_627, %parallel_loop3A_628, %parallel_loop3A_629] {strides = array<i32>} : memref<2x128x128xf32, #tpu.memory_space<vmem>>, vector<16xf32>,
        tpu.vector_store %arg7[%parallel_loop3A_627, %parallel_loop3A_628, %parallel_loop3A_629], %parallel_loop3A_625 {strides = array<i32>} : memref<2x128x128xf32, #tpu.memory_space<vmem>>, vector<16xf32>,
        %parallel_loop3A_631 = arith.constant 1 : i32
        %parallel_loop3A_632 = arith.index_cast %parallel_loop3A_631 : i32 to index
        %parallel_loop3A_633 = arith.index_cast %parallel_loop3A_567 : i32 to index
        %parallel_loop3A_634 = arith.constant 80 : index
        %parallel_loop3A_635 = tpu.vector_load %arg7[%parallel_loop3A_632, %parallel_loop3A_633, %parallel_loop3A_634] {strides = array<i32>} : memref<2x128x128xf32, #tpu.memory_space<vmem>>, vector<16xf32>,
        %parallel_loop3A_636 = arith.mulf %parallel_loop3A_635, %parallel_loop3A_575 : vector<16xf32>
        %parallel_loop3A_637 = arith.constant 1 : i32
        %parallel_loop3A_638 = arith.index_cast %parallel_loop3A_637 : i32 to index
        %parallel_loop3A_639 = arith.index_cast %parallel_loop3A_567 : i32 to index
        %parallel_loop3A_640 = arith.constant 80 : index
        %parallel_loop3A_641 = tpu.vector_load %arg7[%parallel_loop3A_638, %parallel_loop3A_639, %parallel_loop3A_640] {strides = array<i32>} : memref<2x128x128xf32, #tpu.memory_space<vmem>>, vector<16xf32>,
        tpu.vector_store %arg7[%parallel_loop3A_638, %parallel_loop3A_639, %parallel_loop3A_640], %parallel_loop3A_636 {strides = array<i32>} : memref<2x128x128xf32, #tpu.memory_space<vmem>>, vector<16xf32>,
        %parallel_loop3A_642 = arith.constant 1 : i32
        %parallel_loop3A_643 = arith.index_cast %parallel_loop3A_642 : i32 to index
        %parallel_loop3A_644 = arith.index_cast %parallel_loop3A_567 : i32 to index
        %parallel_loop3A_645 = arith.constant 96 : index
        %parallel_loop3A_646 = tpu.vector_load %arg7[%parallel_loop3A_643, %parallel_loop3A_644, %parallel_loop3A_645] {strides = array<i32>} : memref<2x128x128xf32, #tpu.memory_space<vmem>>, vector<16xf32>,
        %parallel_loop3A_647 = arith.mulf %parallel_loop3A_646, %parallel_loop3A_575 : vector<16xf32>
        %parallel_loop3A_648 = arith.constant 1 : i32
        %parallel_loop3A_649 = arith.index_cast %parallel_loop3A_648 : i32 to index
        %parallel_loop3A_650 = arith.index_cast %parallel_loop3A_567 : i32 to index
        %parallel_loop3A_651 = arith.constant 96 : index
        %parallel_loop3A_652 = tpu.vector_load %arg7[%parallel_loop3A_649, %parallel_loop3A_650, %parallel_loop3A_651] {strides = array<i32>} : memref<2x128x128xf32, #tpu.memory_space<vmem>>, vector<16xf32>,
        tpu.vector_store %arg7[%parallel_loop3A_649, %parallel_loop3A_650, %parallel_loop3A_651], %parallel_loop3A_647 {strides = array<i32>} : memref<2x128x128xf32, #tpu.memory_space<vmem>>, vector<16xf32>,
        %parallel_loop3A_653 = arith.constant 1 : i32
        %parallel_loop3A_654 = arith.index_cast %parallel_loop3A_653 : i32 to index
        %parallel_loop3A_655 = arith.index_cast %parallel_loop3A_567 : i32 to index
        %parallel_loop3A_656 = arith.constant 112 : index
        %parallel_loop3A_657 = tpu.vector_load %arg7[%parallel_loop3A_654, %parallel_loop3A_655, %parallel_loop3A_656] {strides = array<i32>} : memref<2x128x128xf32, #tpu.memory_space<vmem>>, vector<16xf32>,
        %parallel_loop3A_658 = arith.mulf %parallel_loop3A_657, %parallel_loop3A_575 : vector<16xf32>
        %parallel_loop3A_659 = arith.constant 1 : i32
        %parallel_loop3A_660 = arith.index_cast %parallel_loop3A_659 : i32 to index
        %parallel_loop3A_661 = arith.index_cast %parallel_loop3A_567 : i32 to index
        %parallel_loop3A_662 = arith.constant 112 : index
        %parallel_loop3A_663 = tpu.vector_load %arg7[%parallel_loop3A_660, %parallel_loop3A_661, %parallel_loop3A_662] {strides = array<i32>} : memref<2x128x128xf32, #tpu.memory_space<vmem>>, vector<16xf32>,
        tpu.vector_store %arg7[%parallel_loop3A_660, %parallel_loop3A_661, %parallel_loop3A_662], %parallel_loop3A_658 {strides = array<i32>} : memref<2x128x128xf32, #tpu.memory_space<vmem>>, vector<16xf32>,
      } {sc.loop_unroll_factor = 2 : i64, sc.parallel_access}
      %dma_start3A_449 = arith.constant 1 : i32
      %dma_start3A_450 = arith.constant 5 : i32
      %dma_start3A_451 = arith.constant 1 : i32
      %dma_start3A_452 = arith.constant 1 : i32
      %dma_start3A_453 = arith.constant 0 : i32
      %dma_start3A_454 = arith.constant 0 : i32
      %dma_start3A_455 = tpu.memref_slice %arg7[%dma_start3A_449, %dma_start3A_453, %dma_start3A_454] : memref<2x128x128xf32, #tpu.memory_space<vmem>> -> memref<1x128x128xf32, #tpu.memory_space<vmem>>
      %dma_start3A_456 = tpu.memref_squeeze %dma_start3A_455 : memref<1x128x128xf32, #tpu.memory_space<vmem>> -> memref<128x128xf32, #tpu.memory_space<vmem>>
      %dma_start3A_457 = arith.constant 0 : i32
      %dma_start3A_458 = tpu.memref_slice %arg6[%dma_start3A_450, %dma_start3A_451, %dma_start3A_457] : memref<8x3x128xi32, #tpu.memory_space<vmem>> -> memref<1x1x128xi32, #tpu.memory_space<vmem>>
      %dma_start3A_459 = tpu.memref_squeeze %dma_start3A_458 : memref<1x1x128xi32, #tpu.memory_space<vmem>> -> memref<128xi32, #tpu.memory_space<vmem>>
      %dma_start3A_460 = arith.constant 0 : i32
      %dma_start3A_461 = arith.constant 0 : i32
      %dma_start3A_462 = tpu.memref_slice %arg5[%dma_start3A_460, %dma_start3A_461] : memref<10240x128xf32, #tpu.memory_space<vmem_shared>> -> memref<10240x128xf32, #tpu.memory_space<vmem_shared>>
      %dma_start3A_463 = tpu.memref_slice %arg10[%dma_start3A_452] : memref<2x!tpu.dma_semaphore, #tpu.memory_space<semaphore_mem>> -> memref<1x!tpu.dma_semaphore, #tpu.memory_space<semaphore_mem>>
      %dma_start3A_464 = tpu.memref_squeeze %dma_start3A_463 : memref<1x!tpu.dma_semaphore, #tpu.memory_space<semaphore_mem>> -> memref<!tpu.dma_semaphore, #tpu.memory_space<semaphore_mem>>
      tpu.enqueue_indirect_dma source(%dma_start3A_456 : memref<128x128xf32, #tpu.memory_space<vmem>>) target(%dma_start3A_462 : memref<10240x128xf32, #tpu.memory_space<vmem_shared>>) offsets(%dma_start3A_459 : memref<128xi32, #tpu.memory_space<vmem>>) semaphore(%dma_start3A_464 : memref<!tpu.dma_semaphore, #tpu.memory_space<semaphore_mem>>) {add = true}
      %add3A_465 = arith.constant 6 : i32
      %add3A_466 = arith.addi %mul3A_162, %add3A_465 : i32
      %add3A_467 = arith.constant 2 : i32
      %add3A_468 = arith.addi %add3A_466, %add3A_467 : i32
      %lt3A_469 = arith.constant 80 : i32
      %lt3A_470 = arith.cmpi slt, %add3A_468, %lt3A_469 : i32
      %convert_element_type3A_471 = arith.extui %lt3A_470 : i1 to i32
      %cond3A_472 = arith.constant 0 : i32
      %cond3A_473 = arith.cmpi ne, %convert_element_type3A_471, %cond3A_472 : i32
      scf.if %cond3A_473 {
        %add3A_567 = arith.constant 2 : i32
        %add3A_568 = arith.addi %add3A_466, %add3A_567 : i32
        %dma_start3A_569 = arith.constant 0 : i32
        %dma_start3A_570 = arith.constant 0 : i32
        %dma_start3A_571 = arith.constant 0 : i32
        %dma_start3A_572 = arith.constant 0 : i32
        %dma_start3A_573 = tpu.memref_slice %arg6[%dma_start3A_569, %dma_start3A_571, %dma_start3A_572] : memref<8x3x128xi32, #tpu.memory_space<vmem>> -> memref<1x3x128xi32, #tpu.memory_space<vmem>>
        %dma_start3A_574 = tpu.memref_squeeze %dma_start3A_573 : memref<1x3x128xi32, #tpu.memory_space<vmem>> -> memref<3x128xi32, #tpu.memory_space<vmem>>
        %dma_start3A_575 = arith.constant 0 : i32
        %dma_start3A_576 = arith.constant 0 : i32
        %dma_start3A_577 = tpu.memref_slice %arg3[%add3A, %add3A_568, %dma_start3A_575, %dma_start3A_576] : memref<32x80x3x128xi32, #tpu.memory_space<hbm>> -> memref<1x1x3x128xi32, #tpu.memory_space<hbm>>
        %dma_start3A_578 = tpu.memref_squeeze %dma_start3A_577 : memref<1x1x3x128xi32, #tpu.memory_space<hbm>> -> memref<3x128xi32, #tpu.memory_space<hbm>>
        %dma_start3A_579 = tpu.memref_slice %arg8[%dma_start3A_570] : memref<8x!tpu.dma_semaphore, #tpu.memory_space<semaphore_mem>> -> memref<1x!tpu.dma_semaphore, #tpu.memory_space<semaphore_mem>>
        %dma_start3A_580 = tpu.memref_squeeze %dma_start3A_579 : memref<1x!tpu.dma_semaphore, #tpu.memory_space<semaphore_mem>> -> memref<!tpu.dma_semaphore, #tpu.memory_space<semaphore_mem>>
        %dma_start3A_581 = arith.constant 0 : i32
        %dma_start3A_582 = arith.constant 0 : i32
        %dma_start3A_583 = tpu.memref_slice %arg6[%dma_start3A_569, %dma_start3A_581, %dma_start3A_582] : memref<8x3x128xi32, #tpu.memory_space<vmem>> -> memref<1x3x128xi32, #tpu.memory_space<vmem>>
        %dma_start3A_584 = tpu.memref_squeeze %dma_start3A_583 : memref<1x3x128xi32, #tpu.memory_space<vmem>> -> memref<3x128xi32, #tpu.memory_space<vmem>>
        %dma_start3A_585 = arith.constant 0 : i32
        %dma_start3A_586 = arith.constant 0 : i32
        %dma_start3A_587 = tpu.memref_slice %arg3[%add3A, %add3A_568, %dma_start3A_585, %dma_start3A_586] : memref<32x80x3x128xi32, #tpu.memory_space<hbm>> -> memref<1x1x3x128xi32, #tpu.memory_space<hbm>>
        %dma_start3A_588 = tpu.memref_squeeze %dma_start3A_587 : memref<1x1x3x128xi32, #tpu.memory_space<hbm>> -> memref<3x128xi32, #tpu.memory_space<hbm>>
        tpu.enqueue_dma source(%dma_start3A_588 : memref<3x128xi32, #tpu.memory_space<hbm>>) target(%dma_start3A_584 : memref<3x128xi32, #tpu.memory_space<vmem>>) target_semaphore(%dma_start3A_580 : memref<!tpu.dma_semaphore, #tpu.memory_space<semaphore_mem>>)
      } else {
      }
      %add3A_474 = arith.constant 1 : i32
      %add3A_475 = arith.addi %add3A_466, %add3A_474 : i32
      %lt3A_476 = arith.constant 80 : i32
      %lt3A_477 = arith.cmpi slt, %add3A_475, %lt3A_476 : i32
      %convert_element_type3A_478 = arith.extui %lt3A_477 : i1 to i32
      %cond3A_479 = arith.constant 0 : i32
      %cond3A_480 = arith.cmpi ne, %convert_element_type3A_478, %cond3A_479 : i32
      scf.if %cond3A_480 {
        %add3A_567 = arith.constant 1 : i32
        %add3A_568 = arith.addi %add3A_466, %add3A_567 : i32
        %ge3A = arith.constant 2 : i32
        %ge3A_569 = arith.cmpi sge, %add3A_568, %ge3A : i32
        %convert_element_type3A_570 = arith.extui %ge3A_569 : i1 to i32
        %cond3A_571 = arith.constant 0 : i32
        %cond3A_572 = arith.cmpi ne, %convert_element_type3A_570, %cond3A_571 : i32
        scf.if %cond3A_572 {
          %dma_wait3A_613 = arith.constant 1 : i32
          %dma_wait3A_614 = arith.constant 7 : i32
          %dma_wait3A_615 = arith.constant 1 : i32
          %dma_wait3A_616 = arith.constant 1 : i32
          %dma_wait3A_617 = arith.constant 0 : i32
          %dma_wait3A_618 = arith.constant 0 : i32
          %dma_wait3A_619 = tpu.memref_slice %arg7[%dma_wait3A_613, %dma_wait3A_617, %dma_wait3A_618] : memref<2x128x128xf32, #tpu.memory_space<vmem>> -> memref<1x128x128xf32, #tpu.memory_space<vmem>>
          %dma_wait3A_620 = tpu.memref_squeeze %dma_wait3A_619 : memref<1x128x128xf32, #tpu.memory_space<vmem>> -> memref<128x128xf32, #tpu.memory_space<vmem>>
          %dma_wait3A_621 = arith.constant 0 : i32
          %dma_wait3A_622 = tpu.memref_slice %arg6[%dma_wait3A_614, %dma_wait3A_615, %dma_wait3A_621] : memref<8x3x128xi32, #tpu.memory_space<vmem>> -> memref<1x1x128xi32, #tpu.memory_space<vmem>>
          %dma_wait3A_623 = tpu.memref_squeeze %dma_wait3A_622 : memref<1x1x128xi32, #tpu.memory_space<vmem>> -> memref<128xi32, #tpu.memory_space<vmem>>
          %dma_wait3A_624 = arith.constant 0 : i32
          %dma_wait3A_625 = arith.constant 0 : i32
          %dma_wait3A_626 = tpu.memref_slice %arg5[%dma_wait3A_624, %dma_wait3A_625] : memref<10240x128xf32, #tpu.memory_space<vmem_shared>> -> memref<10240x128xf32, #tpu.memory_space<vmem_shared>>
          %dma_wait3A_627 = tpu.memref_slice %arg10[%dma_wait3A_616] : memref<2x!tpu.dma_semaphore, #tpu.memory_space<semaphore_mem>> -> memref<1x!tpu.dma_semaphore, #tpu.memory_space<semaphore_mem>>
          %dma_wait3A_628 = tpu.memref_squeeze %dma_wait3A_627 : memref<1x!tpu.dma_semaphore, #tpu.memory_space<semaphore_mem>> -> memref<!tpu.dma_semaphore, #tpu.memory_space<semaphore_mem>>
          tpu.wait_indirect_dma semaphore(%dma_wait3A_628 : memref<!tpu.dma_semaphore, #tpu.memory_space<semaphore_mem>>) src(%dma_wait3A_620 : memref<128x128xf32, #tpu.memory_space<vmem>>) dst(%dma_wait3A_626 : memref<10240x128xf32, #tpu.memory_space<vmem_shared>>)
        } else {
        }
        %add3A_573 = arith.constant 1 : i32
        %add3A_574 = arith.addi %add3A_466, %add3A_573 : i32
        %dma_wait3A_575 = arith.constant 7 : i32
        %dma_wait3A_576 = arith.constant 7 : i32
        %dma_wait3A_577 = arith.constant 0 : i32
        %dma_wait3A_578 = arith.constant 0 : i32
        %dma_wait3A_579 = tpu.memref_slice %arg6[%dma_wait3A_575, %dma_wait3A_577, %dma_wait3A_578] : memref<8x3x128xi32, #tpu.memory_space<vmem>> -> memref<1x3x128xi32, #tpu.memory_space<vmem>>
        %dma_wait3A_580 = tpu.memref_squeeze %dma_wait3A_579 : memref<1x3x128xi32, #tpu.memory_space<vmem>> -> memref<3x128xi32, #tpu.memory_space<vmem>>
        %dma_wait3A_581 = arith.constant 0 : i32
        %dma_wait3A_582 = arith.constant 0 : i32
        %dma_wait3A_583 = tpu.memref_slice %arg3[%add3A, %add3A_574, %dma_wait3A_581, %dma_wait3A_582] : memref<32x80x3x128xi32, #tpu.memory_space<hbm>> -> memref<1x1x3x128xi32, #tpu.memory_space<hbm>>
        %dma_wait3A_584 = tpu.memref_squeeze %dma_wait3A_583 : memref<1x1x3x128xi32, #tpu.memory_space<hbm>> -> memref<3x128xi32, #tpu.memory_space<hbm>>
        %dma_wait3A_585 = tpu.memref_slice %arg8[%dma_wait3A_576] : memref<8x!tpu.dma_semaphore, #tpu.memory_space<semaphore_mem>> -> memref<1x!tpu.dma_semaphore, #tpu.memory_space<semaphore_mem>>
        %dma_wait3A_586 = tpu.memref_squeeze %dma_wait3A_585 : memref<1x!tpu.dma_semaphore, #tpu.memory_space<semaphore_mem>> -> memref<!tpu.dma_semaphore, #tpu.memory_space<semaphore_mem>>
        %dma_wait3A_587 = arith.constant 0 : i32
        %dma_wait3A_588 = arith.constant 0 : i32
        %dma_wait3A_589 = tpu.memref_slice %arg6[%dma_wait3A_575, %dma_wait3A_587, %dma_wait3A_588] : memref<8x3x128xi32, #tpu.memory_space<vmem>> -> memref<1x3x128xi32, #tpu.memory_space<vmem>>
        %dma_wait3A_590 = tpu.memref_squeeze %dma_wait3A_589 : memref<1x3x128xi32, #tpu.memory_space<vmem>> -> memref<3x128xi32, #tpu.memory_space<vmem>>
        %dma_wait3A_591 = arith.constant 0 : i32
        %dma_wait3A_592 = arith.constant 0 : i32
        %dma_wait3A_593 = tpu.memref_slice %arg3[%add3A, %add3A_574, %dma_wait3A_591, %dma_wait3A_592] : memref<32x80x3x128xi32, #tpu.memory_space<hbm>> -> memref<1x1x3x128xi32, #tpu.memory_space<hbm>>
        %dma_wait3A_594 = tpu.memref_squeeze %dma_wait3A_593 : memref<1x1x3x128xi32, #tpu.memory_space<hbm>> -> memref<3x128xi32, #tpu.memory_space<hbm>>
        tpu.wait_dma2 semaphore(%dma_wait3A_586 : memref<!tpu.dma_semaphore, #tpu.memory_space<semaphore_mem>>) src(%dma_wait3A_594 : memref<3x128xi32, #tpu.memory_space<hbm>>) dst(%dma_wait3A_590 : memref<3x128xi32, #tpu.memory_space<vmem>>)
        %add3A_595 = arith.constant 1 : i32
        %add3A_596 = arith.addi %add3A_466, %add3A_595 : i32
        %dma_start3A_597 = arith.constant 7 : i32
        %dma_start3A_598 = arith.constant 0 : i32
        %dma_start3A_599 = arith.constant 1 : i32
        %dma_start3A_600 = arith.constant 1 : i32
        %dma_start3A_601 = arith.constant 0 : i32
        %dma_start3A_602 = arith.constant 0 : i32
        %dma_start3A_603 = tpu.memref_slice %arg7[%dma_start3A_599, %dma_start3A_601, %dma_start3A_602] : memref<2x128x128xf32, #tpu.memory_space<vmem>> -> memref<1x128x128xf32, #tpu.memory_space<vmem>>
        %dma_start3A_604 = tpu.memref_squeeze %dma_start3A_603 : memref<1x128x128xf32, #tpu.memory_space<vmem>> -> memref<128x128xf32, #tpu.memory_space<vmem>>
        %dma_start3A_605 = arith.constant 0 : i32
        %dma_start3A_606 = tpu.memref_slice %arg6[%dma_start3A_597, %dma_start3A_598, %dma_start3A_605] : memref<8x3x128xi32, #tpu.memory_space<vmem>> -> memref<1x1x128xi32, #tpu.memory_space<vmem>>
        %dma_start3A_607 = tpu.memref_squeeze %dma_start3A_606 : memref<1x1x128xi32, #tpu.memory_space<vmem>> -> memref<128xi32, #tpu.memory_space<vmem>>
        %dma_start3A_608 = arith.constant 0 : i32
        %dma_start3A_609 = arith.constant 0 : i32
        %dma_start3A_610 = tpu.memref_slice %arg2[%dma_start3A_608, %dma_start3A_609] : memref<10000x128xf32, #tpu.memory_space<hbm>> -> memref<10000x128xf32, #tpu.memory_space<hbm>>
        %dma_start3A_611 = tpu.memref_slice %arg9[%dma_start3A_600] : memref<2x!tpu.dma_semaphore, #tpu.memory_space<semaphore_mem>> -> memref<1x!tpu.dma_semaphore, #tpu.memory_space<semaphore_mem>>
        %dma_start3A_612 = tpu.memref_squeeze %dma_start3A_611 : memref<1x!tpu.dma_semaphore, #tpu.memory_space<semaphore_mem>> -> memref<!tpu.dma_semaphore, #tpu.memory_space<semaphore_mem>>
        tpu.enqueue_indirect_dma source(%dma_start3A_610 : memref<10000x128xf32, #tpu.memory_space<hbm>>) target(%dma_start3A_604 : memref<128x128xf32, #tpu.memory_space<vmem>>) offsets(%dma_start3A_607 : memref<128xi32, #tpu.memory_space<vmem>>) semaphore(%dma_start3A_612 : memref<!tpu.dma_semaphore, #tpu.memory_space<semaphore_mem>>)
      } else {
      }
      %dma_wait3A_481 = arith.constant 6 : i32
      %dma_wait3A_482 = arith.constant 0 : i32
      %dma_wait3A_483 = arith.constant 0 : i32
      %dma_wait3A_484 = arith.constant 0 : i32
      %dma_wait3A_485 = arith.constant 0 : i32
      %dma_wait3A_486 = arith.constant 0 : i32
      %dma_wait3A_487 = tpu.memref_slice %arg7[%dma_wait3A_483, %dma_wait3A_485, %dma_wait3A_486] : memref<2x128x128xf32, #tpu.memory_space<vmem>> -> memref<1x128x128xf32, #tpu.memory_space<vmem>>
      %dma_wait3A_488 = tpu.memref_squeeze %dma_wait3A_487 : memref<1x128x128xf32, #tpu.memory_space<vmem>> -> memref<128x128xf32, #tpu.memory_space<vmem>>
      %dma_wait3A_489 = arith.constant 0 : i32
      %dma_wait3A_490 = tpu.memref_slice %arg6[%dma_wait3A_481, %dma_wait3A_482, %dma_wait3A_489] : memref<8x3x128xi32, #tpu.memory_space<vmem>> -> memref<1x1x128xi32, #tpu.memory_space<vmem>>
      %dma_wait3A_491 = tpu.memref_squeeze %dma_wait3A_490 : memref<1x1x128xi32, #tpu.memory_space<vmem>> -> memref<128xi32, #tpu.memory_space<vmem>>
      %dma_wait3A_492 = arith.constant 0 : i32
      %dma_wait3A_493 = arith.constant 0 : i32
      %dma_wait3A_494 = tpu.memref_slice %arg2[%dma_wait3A_492, %dma_wait3A_493] : memref<10000x128xf32, #tpu.memory_space<hbm>> -> memref<10000x128xf32, #tpu.memory_space<hbm>>
      %dma_wait3A_495 = tpu.memref_slice %arg9[%dma_wait3A_484] : memref<2x!tpu.dma_semaphore, #tpu.memory_space<semaphore_mem>> -> memref<1x!tpu.dma_semaphore, #tpu.memory_space<semaphore_mem>>
      %dma_wait3A_496 = tpu.memref_squeeze %dma_wait3A_495 : memref<1x!tpu.dma_semaphore, #tpu.memory_space<semaphore_mem>> -> memref<!tpu.dma_semaphore, #tpu.memory_space<semaphore_mem>>
      tpu.wait_indirect_dma semaphore(%dma_wait3A_496 : memref<!tpu.dma_semaphore, #tpu.memory_space<semaphore_mem>>) src(%dma_wait3A_494 : memref<10000x128xf32, #tpu.memory_space<hbm>>) dst(%dma_wait3A_488 : memref<128x128xf32, #tpu.memory_space<vmem>>)
      %parallel_loop3A_497 = arith.constant 0 : i32
      %parallel_loop3A_498 = arith.constant 128 : i32
      %parallel_loop3A_499 = arith.constant 1 : i32
      scf.for %parallel_loop3A_567 = %parallel_loop3A_497 to %parallel_loop3A_498 step %parallel_loop3A_499  : i32 {
        %parallel_loop3A_568 = vector.broadcast %parallel_loop3A_567 : i32 to vector<16xi32>
        %parallel_loop3A_569 = arith.constant 6 : i32
        %parallel_loop3A_570 = arith.constant 2 : i32
        %parallel_loop3A_571 = arith.constant 0 : i32
        %parallel_loop3A_572 = tpu.memref_slice %arg6[%parallel_loop3A_569, %parallel_loop3A_570, %parallel_loop3A_571] : memref<8x3x128xi32, #tpu.memory_space<vmem>> -> memref<1x1x128xi32, #tpu.memory_space<vmem>>
        %parallel_loop3A_573 = tpu.memref_squeeze %parallel_loop3A_572 : memref<1x1x128xi32, #tpu.memory_space<vmem>> -> memref<128xi32, #tpu.memory_space<vmem>>
        %parallel_loop3A_574 = tpu.vector_load_idx %parallel_loop3A_573[%parallel_loop3A_568] : memref<128xi32, #tpu.memory_space<vmem>>[vector<16xi32>], vector<16xi32>,
        %parallel_loop3A_575 = vector.bitcast %parallel_loop3A_574 : vector<16xi32> to vector<16xf32>
        %parallel_loop3A_576 = arith.constant 0 : i32
        %parallel_loop3A_577 = arith.index_cast %parallel_loop3A_576 : i32 to index
        %parallel_loop3A_578 = arith.index_cast %parallel_loop3A_567 : i32 to index
        %parallel_loop3A_579 = arith.constant 0 : index
        %parallel_loop3A_580 = tpu.vector_load %arg7[%parallel_loop3A_577, %parallel_loop3A_578, %parallel_loop3A_579] {strides = array<i32>} : memref<2x128x128xf32, #tpu.memory_space<vmem>>, vector<16xf32>,
        %parallel_loop3A_581 = arith.mulf %parallel_loop3A_580, %parallel_loop3A_575 : vector<16xf32>
        %parallel_loop3A_582 = arith.constant 0 : i32
        %parallel_loop3A_583 = arith.index_cast %parallel_loop3A_582 : i32 to index
        %parallel_loop3A_584 = arith.index_cast %parallel_loop3A_567 : i32 to index
        %parallel_loop3A_585 = arith.constant 0 : index
        %parallel_loop3A_586 = tpu.vector_load %arg7[%parallel_loop3A_583, %parallel_loop3A_584, %parallel_loop3A_585] {strides = array<i32>} : memref<2x128x128xf32, #tpu.memory_space<vmem>>, vector<16xf32>,
        tpu.vector_store %arg7[%parallel_loop3A_583, %parallel_loop3A_584, %parallel_loop3A_585], %parallel_loop3A_581 {strides = array<i32>} : memref<2x128x128xf32, #tpu.memory_space<vmem>>, vector<16xf32>,
        %parallel_loop3A_587 = arith.constant 0 : i32
        %parallel_loop3A_588 = arith.index_cast %parallel_loop3A_587 : i32 to index
        %parallel_loop3A_589 = arith.index_cast %parallel_loop3A_567 : i32 to index
        %parallel_loop3A_590 = arith.constant 16 : index
        %parallel_loop3A_591 = tpu.vector_load %arg7[%parallel_loop3A_588, %parallel_loop3A_589, %parallel_loop3A_590] {strides = array<i32>} : memref<2x128x128xf32, #tpu.memory_space<vmem>>, vector<16xf32>,
        %parallel_loop3A_592 = arith.mulf %parallel_loop3A_591, %parallel_loop3A_575 : vector<16xf32>
        %parallel_loop3A_593 = arith.constant 0 : i32
        %parallel_loop3A_594 = arith.index_cast %parallel_loop3A_593 : i32 to index
        %parallel_loop3A_595 = arith.index_cast %parallel_loop3A_567 : i32 to index
        %parallel_loop3A_596 = arith.constant 16 : index
        %parallel_loop3A_597 = tpu.vector_load %arg7[%parallel_loop3A_594, %parallel_loop3A_595, %parallel_loop3A_596] {strides = array<i32>} : memref<2x128x128xf32, #tpu.memory_space<vmem>>, vector<16xf32>,
        tpu.vector_store %arg7[%parallel_loop3A_594, %parallel_loop3A_595, %parallel_loop3A_596], %parallel_loop3A_592 {strides = array<i32>} : memref<2x128x128xf32, #tpu.memory_space<vmem>>, vector<16xf32>,
        %parallel_loop3A_598 = arith.constant 0 : i32
        %parallel_loop3A_599 = arith.index_cast %parallel_loop3A_598 : i32 to index
        %parallel_loop3A_600 = arith.index_cast %parallel_loop3A_567 : i32 to index
        %parallel_loop3A_601 = arith.constant 32 : index
        %parallel_loop3A_602 = tpu.vector_load %arg7[%parallel_loop3A_599, %parallel_loop3A_600, %parallel_loop3A_601] {strides = array<i32>} : memref<2x128x128xf32, #tpu.memory_space<vmem>>, vector<16xf32>,
        %parallel_loop3A_603 = arith.mulf %parallel_loop3A_602, %parallel_loop3A_575 : vector<16xf32>
        %parallel_loop3A_604 = arith.constant 0 : i32
        %parallel_loop3A_605 = arith.index_cast %parallel_loop3A_604 : i32 to index
        %parallel_loop3A_606 = arith.index_cast %parallel_loop3A_567 : i32 to index
        %parallel_loop3A_607 = arith.constant 32 : index
        %parallel_loop3A_608 = tpu.vector_load %arg7[%parallel_loop3A_605, %parallel_loop3A_606, %parallel_loop3A_607] {strides = array<i32>} : memref<2x128x128xf32, #tpu.memory_space<vmem>>, vector<16xf32>,
        tpu.vector_store %arg7[%parallel_loop3A_605, %parallel_loop3A_606, %parallel_loop3A_607], %parallel_loop3A_603 {strides = array<i32>} : memref<2x128x128xf32, #tpu.memory_space<vmem>>, vector<16xf32>,
        %parallel_loop3A_609 = arith.constant 0 : i32
        %parallel_loop3A_610 = arith.index_cast %parallel_loop3A_609 : i32 to index
        %parallel_loop3A_611 = arith.index_cast %parallel_loop3A_567 : i32 to index
        %parallel_loop3A_612 = arith.constant 48 : index
        %parallel_loop3A_613 = tpu.vector_load %arg7[%parallel_loop3A_610, %parallel_loop3A_611, %parallel_loop3A_612] {strides = array<i32>} : memref<2x128x128xf32, #tpu.memory_space<vmem>>, vector<16xf32>,
        %parallel_loop3A_614 = arith.mulf %parallel_loop3A_613, %parallel_loop3A_575 : vector<16xf32>
        %parallel_loop3A_615 = arith.constant 0 : i32
        %parallel_loop3A_616 = arith.index_cast %parallel_loop3A_615 : i32 to index
        %parallel_loop3A_617 = arith.index_cast %parallel_loop3A_567 : i32 to index
        %parallel_loop3A_618 = arith.constant 48 : index
        %parallel_loop3A_619 = tpu.vector_load %arg7[%parallel_loop3A_616, %parallel_loop3A_617, %parallel_loop3A_618] {strides = array<i32>} : memref<2x128x128xf32, #tpu.memory_space<vmem>>, vector<16xf32>,
        tpu.vector_store %arg7[%parallel_loop3A_616, %parallel_loop3A_617, %parallel_loop3A_618], %parallel_loop3A_614 {strides = array<i32>} : memref<2x128x128xf32, #tpu.memory_space<vmem>>, vector<16xf32>,
        %parallel_loop3A_620 = arith.constant 0 : i32
        %parallel_loop3A_621 = arith.index_cast %parallel_loop3A_620 : i32 to index
        %parallel_loop3A_622 = arith.index_cast %parallel_loop3A_567 : i32 to index
        %parallel_loop3A_623 = arith.constant 64 : index
        %parallel_loop3A_624 = tpu.vector_load %arg7[%parallel_loop3A_621, %parallel_loop3A_622, %parallel_loop3A_623] {strides = array<i32>} : memref<2x128x128xf32, #tpu.memory_space<vmem>>, vector<16xf32>,
        %parallel_loop3A_625 = arith.mulf %parallel_loop3A_624, %parallel_loop3A_575 : vector<16xf32>
        %parallel_loop3A_626 = arith.constant 0 : i32
        %parallel_loop3A_627 = arith.index_cast %parallel_loop3A_626 : i32 to index
        %parallel_loop3A_628 = arith.index_cast %parallel_loop3A_567 : i32 to index
        %parallel_loop3A_629 = arith.constant 64 : index
        %parallel_loop3A_630 = tpu.vector_load %arg7[%parallel_loop3A_627, %parallel_loop3A_628, %parallel_loop3A_629] {strides = array<i32>} : memref<2x128x128xf32, #tpu.memory_space<vmem>>, vector<16xf32>,
        tpu.vector_store %arg7[%parallel_loop3A_627, %parallel_loop3A_628, %parallel_loop3A_629], %parallel_loop3A_625 {strides = array<i32>} : memref<2x128x128xf32, #tpu.memory_space<vmem>>, vector<16xf32>,
        %parallel_loop3A_631 = arith.constant 0 : i32
        %parallel_loop3A_632 = arith.index_cast %parallel_loop3A_631 : i32 to index
        %parallel_loop3A_633 = arith.index_cast %parallel_loop3A_567 : i32 to index
        %parallel_loop3A_634 = arith.constant 80 : index
        %parallel_loop3A_635 = tpu.vector_load %arg7[%parallel_loop3A_632, %parallel_loop3A_633, %parallel_loop3A_634] {strides = array<i32>} : memref<2x128x128xf32, #tpu.memory_space<vmem>>, vector<16xf32>,
        %parallel_loop3A_636 = arith.mulf %parallel_loop3A_635, %parallel_loop3A_575 : vector<16xf32>
        %parallel_loop3A_637 = arith.constant 0 : i32
        %parallel_loop3A_638 = arith.index_cast %parallel_loop3A_637 : i32 to index
        %parallel_loop3A_639 = arith.index_cast %parallel_loop3A_567 : i32 to index
        %parallel_loop3A_640 = arith.constant 80 : index
        %parallel_loop3A_641 = tpu.vector_load %arg7[%parallel_loop3A_638, %parallel_loop3A_639, %parallel_loop3A_640] {strides = array<i32>} : memref<2x128x128xf32, #tpu.memory_space<vmem>>, vector<16xf32>,
        tpu.vector_store %arg7[%parallel_loop3A_638, %parallel_loop3A_639, %parallel_loop3A_640], %parallel_loop3A_636 {strides = array<i32>} : memref<2x128x128xf32, #tpu.memory_space<vmem>>, vector<16xf32>,
        %parallel_loop3A_642 = arith.constant 0 : i32
        %parallel_loop3A_643 = arith.index_cast %parallel_loop3A_642 : i32 to index
        %parallel_loop3A_644 = arith.index_cast %parallel_loop3A_567 : i32 to index
        %parallel_loop3A_645 = arith.constant 96 : index
        %parallel_loop3A_646 = tpu.vector_load %arg7[%parallel_loop3A_643, %parallel_loop3A_644, %parallel_loop3A_645] {strides = array<i32>} : memref<2x128x128xf32, #tpu.memory_space<vmem>>, vector<16xf32>,
        %parallel_loop3A_647 = arith.mulf %parallel_loop3A_646, %parallel_loop3A_575 : vector<16xf32>
        %parallel_loop3A_648 = arith.constant 0 : i32
        %parallel_loop3A_649 = arith.index_cast %parallel_loop3A_648 : i32 to index
        %parallel_loop3A_650 = arith.index_cast %parallel_loop3A_567 : i32 to index
        %parallel_loop3A_651 = arith.constant 96 : index
        %parallel_loop3A_652 = tpu.vector_load %arg7[%parallel_loop3A_649, %parallel_loop3A_650, %parallel_loop3A_651] {strides = array<i32>} : memref<2x128x128xf32, #tpu.memory_space<vmem>>, vector<16xf32>,
        tpu.vector_store %arg7[%parallel_loop3A_649, %parallel_loop3A_650, %parallel_loop3A_651], %parallel_loop3A_647 {strides = array<i32>} : memref<2x128x128xf32, #tpu.memory_space<vmem>>, vector<16xf32>,
        %parallel_loop3A_653 = arith.constant 0 : i32
        %parallel_loop3A_654 = arith.index_cast %parallel_loop3A_653 : i32 to index
        %parallel_loop3A_655 = arith.index_cast %parallel_loop3A_567 : i32 to index
        %parallel_loop3A_656 = arith.constant 112 : index
        %parallel_loop3A_657 = tpu.vector_load %arg7[%parallel_loop3A_654, %parallel_loop3A_655, %parallel_loop3A_656] {strides = array<i32>} : memref<2x128x128xf32, #tpu.memory_space<vmem>>, vector<16xf32>,
        %parallel_loop3A_658 = arith.mulf %parallel_loop3A_657, %parallel_loop3A_575 : vector<16xf32>
        %parallel_loop3A_659 = arith.constant 0 : i32
        %parallel_loop3A_660 = arith.index_cast %parallel_loop3A_659 : i32 to index
        %parallel_loop3A_661 = arith.index_cast %parallel_loop3A_567 : i32 to index
        %parallel_loop3A_662 = arith.constant 112 : index
        %parallel_loop3A_663 = tpu.vector_load %arg7[%parallel_loop3A_660, %parallel_loop3A_661, %parallel_loop3A_662] {strides = array<i32>} : memref<2x128x128xf32, #tpu.memory_space<vmem>>, vector<16xf32>,
        tpu.vector_store %arg7[%parallel_loop3A_660, %parallel_loop3A_661, %parallel_loop3A_662], %parallel_loop3A_658 {strides = array<i32>} : memref<2x128x128xf32, #tpu.memory_space<vmem>>, vector<16xf32>,
      } {sc.loop_unroll_factor = 2 : i64, sc.parallel_access}
      %dma_start3A_500 = arith.constant 0 : i32
      %dma_start3A_501 = arith.constant 6 : i32
      %dma_start3A_502 = arith.constant 1 : i32
      %dma_start3A_503 = arith.constant 0 : i32
      %dma_start3A_504 = arith.constant 0 : i32
      %dma_start3A_505 = arith.constant 0 : i32
      %dma_start3A_506 = tpu.memref_slice %arg7[%dma_start3A_500, %dma_start3A_504, %dma_start3A_505] : memref<2x128x128xf32, #tpu.memory_space<vmem>> -> memref<1x128x128xf32, #tpu.memory_space<vmem>>
      %dma_start3A_507 = tpu.memref_squeeze %dma_start3A_506 : memref<1x128x128xf32, #tpu.memory_space<vmem>> -> memref<128x128xf32, #tpu.memory_space<vmem>>
      %dma_start3A_508 = arith.constant 0 : i32
      %dma_start3A_509 = tpu.memref_slice %arg6[%dma_start3A_501, %dma_start3A_502, %dma_start3A_508] : memref<8x3x128xi32, #tpu.memory_space<vmem>> -> memref<1x1x128xi32, #tpu.memory_space<vmem>>
      %dma_start3A_510 = tpu.memref_squeeze %dma_start3A_509 : memref<1x1x128xi32, #tpu.memory_space<vmem>> -> memref<128xi32, #tpu.memory_space<vmem>>
      %dma_start3A_511 = arith.constant 0 : i32
      %dma_start3A_512 = arith.constant 0 : i32
      %dma_start3A_513 = tpu.memref_slice %arg5[%dma_start3A_511, %dma_start3A_512] : memref<10240x128xf32, #tpu.memory_space<vmem_shared>> -> memref<10240x128xf32, #tpu.memory_space<vmem_shared>>
      %dma_start3A_514 = tpu.memref_slice %arg10[%dma_start3A_503] : memref<2x!tpu.dma_semaphore, #tpu.memory_space<semaphore_mem>> -> memref<1x!tpu.dma_semaphore, #tpu.memory_space<semaphore_mem>>
      %dma_start3A_515 = tpu.memref_squeeze %dma_start3A_514 : memref<1x!tpu.dma_semaphore, #tpu.memory_space<semaphore_mem>> -> memref<!tpu.dma_semaphore, #tpu.memory_space<semaphore_mem>>
      tpu.enqueue_indirect_dma source(%dma_start3A_507 : memref<128x128xf32, #tpu.memory_space<vmem>>) target(%dma_start3A_513 : memref<10240x128xf32, #tpu.memory_space<vmem_shared>>) offsets(%dma_start3A_510 : memref<128xi32, #tpu.memory_space<vmem>>) semaphore(%dma_start3A_515 : memref<!tpu.dma_semaphore, #tpu.memory_space<semaphore_mem>>) {add = true}
      %add3A_516 = arith.constant 7 : i32
      %add3A_517 = arith.addi %mul3A_162, %add3A_516 : i32
      %add3A_518 = arith.constant 2 : i32
      %add3A_519 = arith.addi %add3A_517, %add3A_518 : i32
      %lt3A_520 = arith.constant 80 : i32
      %lt3A_521 = arith.cmpi slt, %add3A_519, %lt3A_520 : i32
      %convert_element_type3A_522 = arith.extui %lt3A_521 : i1 to i32
      %cond3A_523 = arith.constant 0 : i32
      %cond3A_524 = arith.cmpi ne, %convert_element_type3A_522, %cond3A_523 : i32
      scf.if %cond3A_524 {
        %add3A_567 = arith.constant 2 : i32
        %add3A_568 = arith.addi %add3A_517, %add3A_567 : i32
        %dma_start3A_569 = arith.constant 1 : i32
        %dma_start3A_570 = arith.constant 1 : i32
        %dma_start3A_571 = arith.constant 0 : i32
        %dma_start3A_572 = arith.constant 0 : i32
        %dma_start3A_573 = tpu.memref_slice %arg6[%dma_start3A_569, %dma_start3A_571, %dma_start3A_572] : memref<8x3x128xi32, #tpu.memory_space<vmem>> -> memref<1x3x128xi32, #tpu.memory_space<vmem>>
        %dma_start3A_574 = tpu.memref_squeeze %dma_start3A_573 : memref<1x3x128xi32, #tpu.memory_space<vmem>> -> memref<3x128xi32, #tpu.memory_space<vmem>>
        %dma_start3A_575 = arith.constant 0 : i32
        %dma_start3A_576 = arith.constant 0 : i32
        %dma_start3A_577 = tpu.memref_slice %arg3[%add3A, %add3A_568, %dma_start3A_575, %dma_start3A_576] : memref<32x80x3x128xi32, #tpu.memory_space<hbm>> -> memref<1x1x3x128xi32, #tpu.memory_space<hbm>>
        %dma_start3A_578 = tpu.memref_squeeze %dma_start3A_577 : memref<1x1x3x128xi32, #tpu.memory_space<hbm>> -> memref<3x128xi32, #tpu.memory_space<hbm>>
        %dma_start3A_579 = tpu.memref_slice %arg8[%dma_start3A_570] : memref<8x!tpu.dma_semaphore, #tpu.memory_space<semaphore_mem>> -> memref<1x!tpu.dma_semaphore, #tpu.memory_space<semaphore_mem>>
        %dma_start3A_580 = tpu.memref_squeeze %dma_start3A_579 : memref<1x!tpu.dma_semaphore, #tpu.memory_space<semaphore_mem>> -> memref<!tpu.dma_semaphore, #tpu.memory_space<semaphore_mem>>
        %dma_start3A_581 = arith.constant 0 : i32
        %dma_start3A_582 = arith.constant 0 : i32
        %dma_start3A_583 = tpu.memref_slice %arg6[%dma_start3A_569, %dma_start3A_581, %dma_start3A_582] : memref<8x3x128xi32, #tpu.memory_space<vmem>> -> memref<1x3x128xi32, #tpu.memory_space<vmem>>
        %dma_start3A_584 = tpu.memref_squeeze %dma_start3A_583 : memref<1x3x128xi32, #tpu.memory_space<vmem>> -> memref<3x128xi32, #tpu.memory_space<vmem>>
        %dma_start3A_585 = arith.constant 0 : i32
        %dma_start3A_586 = arith.constant 0 : i32
        %dma_start3A_587 = tpu.memref_slice %arg3[%add3A, %add3A_568, %dma_start3A_585, %dma_start3A_586] : memref<32x80x3x128xi32, #tpu.memory_space<hbm>> -> memref<1x1x3x128xi32, #tpu.memory_space<hbm>>
        %dma_start3A_588 = tpu.memref_squeeze %dma_start3A_587 : memref<1x1x3x128xi32, #tpu.memory_space<hbm>> -> memref<3x128xi32, #tpu.memory_space<hbm>>
        tpu.enqueue_dma source(%dma_start3A_588 : memref<3x128xi32, #tpu.memory_space<hbm>>) target(%dma_start3A_584 : memref<3x128xi32, #tpu.memory_space<vmem>>) target_semaphore(%dma_start3A_580 : memref<!tpu.dma_semaphore, #tpu.memory_space<semaphore_mem>>)
      } else {
      }
      %add3A_525 = arith.constant 1 : i32
      %add3A_526 = arith.addi %add3A_517, %add3A_525 : i32
      %lt3A_527 = arith.constant 80 : i32
      %lt3A_528 = arith.cmpi slt, %add3A_526, %lt3A_527 : i32
      %convert_element_type3A_529 = arith.extui %lt3A_528 : i1 to i32
      %cond3A_530 = arith.constant 0 : i32
      %cond3A_531 = arith.cmpi ne, %convert_element_type3A_529, %cond3A_530 : i32
      scf.if %cond3A_531 {
        %add3A_567 = arith.constant 1 : i32
        %add3A_568 = arith.addi %add3A_517, %add3A_567 : i32
        %ge3A = arith.constant 2 : i32
        %ge3A_569 = arith.cmpi sge, %add3A_568, %ge3A : i32
        %convert_element_type3A_570 = arith.extui %ge3A_569 : i1 to i32
        %cond3A_571 = arith.constant 0 : i32
        %cond3A_572 = arith.cmpi ne, %convert_element_type3A_570, %cond3A_571 : i32
        scf.if %cond3A_572 {
          %dma_wait3A_613 = arith.constant 0 : i32
          %dma_wait3A_614 = arith.constant 0 : i32
          %dma_wait3A_615 = arith.constant 1 : i32
          %dma_wait3A_616 = arith.constant 0 : i32
          %dma_wait3A_617 = arith.constant 0 : i32
          %dma_wait3A_618 = arith.constant 0 : i32
          %dma_wait3A_619 = tpu.memref_slice %arg7[%dma_wait3A_613, %dma_wait3A_617, %dma_wait3A_618] : memref<2x128x128xf32, #tpu.memory_space<vmem>> -> memref<1x128x128xf32, #tpu.memory_space<vmem>>
          %dma_wait3A_620 = tpu.memref_squeeze %dma_wait3A_619 : memref<1x128x128xf32, #tpu.memory_space<vmem>> -> memref<128x128xf32, #tpu.memory_space<vmem>>
          %dma_wait3A_621 = arith.constant 0 : i32
          %dma_wait3A_622 = tpu.memref_slice %arg6[%dma_wait3A_614, %dma_wait3A_615, %dma_wait3A_621] : memref<8x3x128xi32, #tpu.memory_space<vmem>> -> memref<1x1x128xi32, #tpu.memory_space<vmem>>
          %dma_wait3A_623 = tpu.memref_squeeze %dma_wait3A_622 : memref<1x1x128xi32, #tpu.memory_space<vmem>> -> memref<128xi32, #tpu.memory_space<vmem>>
          %dma_wait3A_624 = arith.constant 0 : i32
          %dma_wait3A_625 = arith.constant 0 : i32
          %dma_wait3A_626 = tpu.memref_slice %arg5[%dma_wait3A_624, %dma_wait3A_625] : memref<10240x128xf32, #tpu.memory_space<vmem_shared>> -> memref<10240x128xf32, #tpu.memory_space<vmem_shared>>
          %dma_wait3A_627 = tpu.memref_slice %arg10[%dma_wait3A_616] : memref<2x!tpu.dma_semaphore, #tpu.memory_space<semaphore_mem>> -> memref<1x!tpu.dma_semaphore, #tpu.memory_space<semaphore_mem>>
          %dma_wait3A_628 = tpu.memref_squeeze %dma_wait3A_627 : memref<1x!tpu.dma_semaphore, #tpu.memory_space<semaphore_mem>> -> memref<!tpu.dma_semaphore, #tpu.memory_space<semaphore_mem>>
          tpu.wait_indirect_dma semaphore(%dma_wait3A_628 : memref<!tpu.dma_semaphore, #tpu.memory_space<semaphore_mem>>) src(%dma_wait3A_620 : memref<128x128xf32, #tpu.memory_space<vmem>>) dst(%dma_wait3A_626 : memref<10240x128xf32, #tpu.memory_space<vmem_shared>>)
        } else {
        }
        %add3A_573 = arith.constant 1 : i32
        %add3A_574 = arith.addi %add3A_517, %add3A_573 : i32
        %dma_wait3A_575 = arith.constant 0 : i32
        %dma_wait3A_576 = arith.constant 0 : i32
        %dma_wait3A_577 = arith.constant 0 : i32
        %dma_wait3A_578 = arith.constant 0 : i32
        %dma_wait3A_579 = tpu.memref_slice %arg6[%dma_wait3A_575, %dma_wait3A_577, %dma_wait3A_578] : memref<8x3x128xi32, #tpu.memory_space<vmem>> -> memref<1x3x128xi32, #tpu.memory_space<vmem>>
        %dma_wait3A_580 = tpu.memref_squeeze %dma_wait3A_579 : memref<1x3x128xi32, #tpu.memory_space<vmem>> -> memref<3x128xi32, #tpu.memory_space<vmem>>
        %dma_wait3A_581 = arith.constant 0 : i32
        %dma_wait3A_582 = arith.constant 0 : i32
        %dma_wait3A_583 = tpu.memref_slice %arg3[%add3A, %add3A_574, %dma_wait3A_581, %dma_wait3A_582] : memref<32x80x3x128xi32, #tpu.memory_space<hbm>> -> memref<1x1x3x128xi32, #tpu.memory_space<hbm>>
        %dma_wait3A_584 = tpu.memref_squeeze %dma_wait3A_583 : memref<1x1x3x128xi32, #tpu.memory_space<hbm>> -> memref<3x128xi32, #tpu.memory_space<hbm>>
        %dma_wait3A_585 = tpu.memref_slice %arg8[%dma_wait3A_576] : memref<8x!tpu.dma_semaphore, #tpu.memory_space<semaphore_mem>> -> memref<1x!tpu.dma_semaphore, #tpu.memory_space<semaphore_mem>>
        %dma_wait3A_586 = tpu.memref_squeeze %dma_wait3A_585 : memref<1x!tpu.dma_semaphore, #tpu.memory_space<semaphore_mem>> -> memref<!tpu.dma_semaphore, #tpu.memory_space<semaphore_mem>>
        %dma_wait3A_587 = arith.constant 0 : i32
        %dma_wait3A_588 = arith.constant 0 : i32
        %dma_wait3A_589 = tpu.memref_slice %arg6[%dma_wait3A_575, %dma_wait3A_587, %dma_wait3A_588] : memref<8x3x128xi32, #tpu.memory_space<vmem>> -> memref<1x3x128xi32, #tpu.memory_space<vmem>>
        %dma_wait3A_590 = tpu.memref_squeeze %dma_wait3A_589 : memref<1x3x128xi32, #tpu.memory_space<vmem>> -> memref<3x128xi32, #tpu.memory_space<vmem>>
        %dma_wait3A_591 = arith.constant 0 : i32
        %dma_wait3A_592 = arith.constant 0 : i32
        %dma_wait3A_593 = tpu.memref_slice %arg3[%add3A, %add3A_574, %dma_wait3A_591, %dma_wait3A_592] : memref<32x80x3x128xi32, #tpu.memory_space<hbm>> -> memref<1x1x3x128xi32, #tpu.memory_space<hbm>>
        %dma_wait3A_594 = tpu.memref_squeeze %dma_wait3A_593 : memref<1x1x3x128xi32, #tpu.memory_space<hbm>> -> memref<3x128xi32, #tpu.memory_space<hbm>>
        tpu.wait_dma2 semaphore(%dma_wait3A_586 : memref<!tpu.dma_semaphore, #tpu.memory_space<semaphore_mem>>) src(%dma_wait3A_594 : memref<3x128xi32, #tpu.memory_space<hbm>>) dst(%dma_wait3A_590 : memref<3x128xi32, #tpu.memory_space<vmem>>)
        %add3A_595 = arith.constant 1 : i32
        %add3A_596 = arith.addi %add3A_517, %add3A_595 : i32
        %dma_start3A_597 = arith.constant 0 : i32
        %dma_start3A_598 = arith.constant 0 : i32
        %dma_start3A_599 = arith.constant 0 : i32
        %dma_start3A_600 = arith.constant 0 : i32
        %dma_start3A_601 = arith.constant 0 : i32
        %dma_start3A_602 = arith.constant 0 : i32
        %dma_start3A_603 = tpu.memref_slice %arg7[%dma_start3A_599, %dma_start3A_601, %dma_start3A_602] : memref<2x128x128xf32, #tpu.memory_space<vmem>> -> memref<1x128x128xf32, #tpu.memory_space<vmem>>
        %dma_start3A_604 = tpu.memref_squeeze %dma_start3A_603 : memref<1x128x128xf32, #tpu.memory_space<vmem>> -> memref<128x128xf32, #tpu.memory_space<vmem>>
        %dma_start3A_605 = arith.constant 0 : i32
        %dma_start3A_606 = tpu.memref_slice %arg6[%dma_start3A_597, %dma_start3A_598, %dma_start3A_605] : memref<8x3x128xi32, #tpu.memory_space<vmem>> -> memref<1x1x128xi32, #tpu.memory_space<vmem>>
        %dma_start3A_607 = tpu.memref_squeeze %dma_start3A_606 : memref<1x1x128xi32, #tpu.memory_space<vmem>> -> memref<128xi32, #tpu.memory_space<vmem>>
        %dma_start3A_608 = arith.constant 0 : i32
        %dma_start3A_609 = arith.constant 0 : i32
        %dma_start3A_610 = tpu.memref_slice %arg2[%dma_start3A_608, %dma_start3A_609] : memref<10000x128xf32, #tpu.memory_space<hbm>> -> memref<10000x128xf32, #tpu.memory_space<hbm>>
        %dma_start3A_611 = tpu.memref_slice %arg9[%dma_start3A_600] : memref<2x!tpu.dma_semaphore, #tpu.memory_space<semaphore_mem>> -> memref<1x!tpu.dma_semaphore, #tpu.memory_space<semaphore_mem>>
        %dma_start3A_612 = tpu.memref_squeeze %dma_start3A_611 : memref<1x!tpu.dma_semaphore, #tpu.memory_space<semaphore_mem>> -> memref<!tpu.dma_semaphore, #tpu.memory_space<semaphore_mem>>
        tpu.enqueue_indirect_dma source(%dma_start3A_610 : memref<10000x128xf32, #tpu.memory_space<hbm>>) target(%dma_start3A_604 : memref<128x128xf32, #tpu.memory_space<vmem>>) offsets(%dma_start3A_607 : memref<128xi32, #tpu.memory_space<vmem>>) semaphore(%dma_start3A_612 : memref<!tpu.dma_semaphore, #tpu.memory_space<semaphore_mem>>)
      } else {
      }
      %dma_wait3A_532 = arith.constant 7 : i32
      %dma_wait3A_533 = arith.constant 0 : i32
      %dma_wait3A_534 = arith.constant 1 : i32
      %dma_wait3A_535 = arith.constant 1 : i32
      %dma_wait3A_536 = arith.constant 0 : i32
      %dma_wait3A_537 = arith.constant 0 : i32
      %dma_wait3A_538 = tpu.memref_slice %arg7[%dma_wait3A_534, %dma_wait3A_536, %dma_wait3A_537] : memref<2x128x128xf32, #tpu.memory_space<vmem>> -> memref<1x128x128xf32, #tpu.memory_space<vmem>>
      %dma_wait3A_539 = tpu.memref_squeeze %dma_wait3A_538 : memref<1x128x128xf32, #tpu.memory_space<vmem>> -> memref<128x128xf32, #tpu.memory_space<vmem>>
      %dma_wait3A_540 = arith.constant 0 : i32
      %dma_wait3A_541 = tpu.memref_slice %arg6[%dma_wait3A_532, %dma_wait3A_533, %dma_wait3A_540] : memref<8x3x128xi32, #tpu.memory_space<vmem>> -> memref<1x1x128xi32, #tpu.memory_space<vmem>>
      %dma_wait3A_542 = tpu.memref_squeeze %dma_wait3A_541 : memref<1x1x128xi32, #tpu.memory_space<vmem>> -> memref<128xi32, #tpu.memory_space<vmem>>
      %dma_wait3A_543 = arith.constant 0 : i32
      %dma_wait3A_544 = arith.constant 0 : i32
      %dma_wait3A_545 = tpu.memref_slice %arg2[%dma_wait3A_543, %dma_wait3A_544] : memref<10000x128xf32, #tpu.memory_space<hbm>> -> memref<10000x128xf32, #tpu.memory_space<hbm>>
      %dma_wait3A_546 = tpu.memref_slice %arg9[%dma_wait3A_535] : memref<2x!tpu.dma_semaphore, #tpu.memory_space<semaphore_mem>> -> memref<1x!tpu.dma_semaphore, #tpu.memory_space<semaphore_mem>>
      %dma_wait3A_547 = tpu.memref_squeeze %dma_wait3A_546 : memref<1x!tpu.dma_semaphore, #tpu.memory_space<semaphore_mem>> -> memref<!tpu.dma_semaphore, #tpu.memory_space<semaphore_mem>>
      tpu.wait_indirect_dma semaphore(%dma_wait3A_547 : memref<!tpu.dma_semaphore, #tpu.memory_space<semaphore_mem>>) src(%dma_wait3A_545 : memref<10000x128xf32, #tpu.memory_space<hbm>>) dst(%dma_wait3A_539 : memref<128x128xf32, #tpu.memory_space<vmem>>)
      %parallel_loop3A_548 = arith.constant 0 : i32
      %parallel_loop3A_549 = arith.constant 128 : i32
      %parallel_loop3A_550 = arith.constant 1 : i32
      scf.for %parallel_loop3A_567 = %parallel_loop3A_548 to %parallel_loop3A_549 step %parallel_loop3A_550  : i32 {
        %parallel_loop3A_568 = vector.broadcast %parallel_loop3A_567 : i32 to vector<16xi32>
        %parallel_loop3A_569 = arith.constant 7 : i32
        %parallel_loop3A_570 = arith.constant 2 : i32
        %parallel_loop3A_571 = arith.constant 0 : i32
        %parallel_loop3A_572 = tpu.memref_slice %arg6[%parallel_loop3A_569, %parallel_loop3A_570, %parallel_loop3A_571] : memref<8x3x128xi32, #tpu.memory_space<vmem>> -> memref<1x1x128xi32, #tpu.memory_space<vmem>>
        %parallel_loop3A_573 = tpu.memref_squeeze %parallel_loop3A_572 : memref<1x1x128xi32, #tpu.memory_space<vmem>> -> memref<128xi32, #tpu.memory_space<vmem>>
        %parallel_loop3A_574 = tpu.vector_load_idx %parallel_loop3A_573[%parallel_loop3A_568] : memref<128xi32, #tpu.memory_space<vmem>>[vector<16xi32>], vector<16xi32>,
        %parallel_loop3A_575 = vector.bitcast %parallel_loop3A_574 : vector<16xi32> to vector<16xf32>
        %parallel_loop3A_576 = arith.constant 1 : i32
        %parallel_loop3A_577 = arith.index_cast %parallel_loop3A_576 : i32 to index
        %parallel_loop3A_578 = arith.index_cast %parallel_loop3A_567 : i32 to index
        %parallel_loop3A_579 = arith.constant 0 : index
        %parallel_loop3A_580 = tpu.vector_load %arg7[%parallel_loop3A_577, %parallel_loop3A_578, %parallel_loop3A_579] {strides = array<i32>} : memref<2x128x128xf32, #tpu.memory_space<vmem>>, vector<16xf32>,
        %parallel_loop3A_581 = arith.mulf %parallel_loop3A_580, %parallel_loop3A_575 : vector<16xf32>
        %parallel_loop3A_582 = arith.constant 1 : i32
        %parallel_loop3A_583 = arith.index_cast %parallel_loop3A_582 : i32 to index
        %parallel_loop3A_584 = arith.index_cast %parallel_loop3A_567 : i32 to index
        %parallel_loop3A_585 = arith.constant 0 : index
        %parallel_loop3A_586 = tpu.vector_load %arg7[%parallel_loop3A_583, %parallel_loop3A_584, %parallel_loop3A_585] {strides = array<i32>} : memref<2x128x128xf32, #tpu.memory_space<vmem>>, vector<16xf32>,
        tpu.vector_store %arg7[%parallel_loop3A_583, %parallel_loop3A_584, %parallel_loop3A_585], %parallel_loop3A_581 {strides = array<i32>} : memref<2x128x128xf32, #tpu.memory_space<vmem>>, vector<16xf32>,
        %parallel_loop3A_587 = arith.constant 1 : i32
        %parallel_loop3A_588 = arith.index_cast %parallel_loop3A_587 : i32 to index
        %parallel_loop3A_589 = arith.index_cast %parallel_loop3A_567 : i32 to index
        %parallel_loop3A_590 = arith.constant 16 : index
        %parallel_loop3A_591 = tpu.vector_load %arg7[%parallel_loop3A_588, %parallel_loop3A_589, %parallel_loop3A_590] {strides = array<i32>} : memref<2x128x128xf32, #tpu.memory_space<vmem>>, vector<16xf32>,
        %parallel_loop3A_592 = arith.mulf %parallel_loop3A_591, %parallel_loop3A_575 : vector<16xf32>
        %parallel_loop3A_593 = arith.constant 1 : i32
        %parallel_loop3A_594 = arith.index_cast %parallel_loop3A_593 : i32 to index
        %parallel_loop3A_595 = arith.index_cast %parallel_loop3A_567 : i32 to index
        %parallel_loop3A_596 = arith.constant 16 : index
        %parallel_loop3A_597 = tpu.vector_load %arg7[%parallel_loop3A_594, %parallel_loop3A_595, %parallel_loop3A_596] {strides = array<i32>} : memref<2x128x128xf32, #tpu.memory_space<vmem>>, vector<16xf32>,
        tpu.vector_store %arg7[%parallel_loop3A_594, %parallel_loop3A_595, %parallel_loop3A_596], %parallel_loop3A_592 {strides = array<i32>} : memref<2x128x128xf32, #tpu.memory_space<vmem>>, vector<16xf32>,
        %parallel_loop3A_598 = arith.constant 1 : i32
        %parallel_loop3A_599 = arith.index_cast %parallel_loop3A_598 : i32 to index
        %parallel_loop3A_600 = arith.index_cast %parallel_loop3A_567 : i32 to index
        %parallel_loop3A_601 = arith.constant 32 : index
        %parallel_loop3A_602 = tpu.vector_load %arg7[%parallel_loop3A_599, %parallel_loop3A_600, %parallel_loop3A_601] {strides = array<i32>} : memref<2x128x128xf32, #tpu.memory_space<vmem>>, vector<16xf32>,
        %parallel_loop3A_603 = arith.mulf %parallel_loop3A_602, %parallel_loop3A_575 : vector<16xf32>
        %parallel_loop3A_604 = arith.constant 1 : i32
        %parallel_loop3A_605 = arith.index_cast %parallel_loop3A_604 : i32 to index
        %parallel_loop3A_606 = arith.index_cast %parallel_loop3A_567 : i32 to index
        %parallel_loop3A_607 = arith.constant 32 : index
        %parallel_loop3A_608 = tpu.vector_load %arg7[%parallel_loop3A_605, %parallel_loop3A_606, %parallel_loop3A_607] {strides = array<i32>} : memref<2x128x128xf32, #tpu.memory_space<vmem>>, vector<16xf32>,
        tpu.vector_store %arg7[%parallel_loop3A_605, %parallel_loop3A_606, %parallel_loop3A_607], %parallel_loop3A_603 {strides = array<i32>} : memref<2x128x128xf32, #tpu.memory_space<vmem>>, vector<16xf32>,
        %parallel_loop3A_609 = arith.constant 1 : i32
        %parallel_loop3A_610 = arith.index_cast %parallel_loop3A_609 : i32 to index
        %parallel_loop3A_611 = arith.index_cast %parallel_loop3A_567 : i32 to index
        %parallel_loop3A_612 = arith.constant 48 : index
        %parallel_loop3A_613 = tpu.vector_load %arg7[%parallel_loop3A_610, %parallel_loop3A_611, %parallel_loop3A_612] {strides = array<i32>} : memref<2x128x128xf32, #tpu.memory_space<vmem>>, vector<16xf32>,
        %parallel_loop3A_614 = arith.mulf %parallel_loop3A_613, %parallel_loop3A_575 : vector<16xf32>
        %parallel_loop3A_615 = arith.constant 1 : i32
        %parallel_loop3A_616 = arith.index_cast %parallel_loop3A_615 : i32 to index
        %parallel_loop3A_617 = arith.index_cast %parallel_loop3A_567 : i32 to index
        %parallel_loop3A_618 = arith.constant 48 : index
        %parallel_loop3A_619 = tpu.vector_load %arg7[%parallel_loop3A_616, %parallel_loop3A_617, %parallel_loop3A_618] {strides = array<i32>} : memref<2x128x128xf32, #tpu.memory_space<vmem>>, vector<16xf32>,
        tpu.vector_store %arg7[%parallel_loop3A_616, %parallel_loop3A_617, %parallel_loop3A_618], %parallel_loop3A_614 {strides = array<i32>} : memref<2x128x128xf32, #tpu.memory_space<vmem>>, vector<16xf32>,
        %parallel_loop3A_620 = arith.constant 1 : i32
        %parallel_loop3A_621 = arith.index_cast %parallel_loop3A_620 : i32 to index
        %parallel_loop3A_622 = arith.index_cast %parallel_loop3A_567 : i32 to index
        %parallel_loop3A_623 = arith.constant 64 : index
        %parallel_loop3A_624 = tpu.vector_load %arg7[%parallel_loop3A_621, %parallel_loop3A_622, %parallel_loop3A_623] {strides = array<i32>} : memref<2x128x128xf32, #tpu.memory_space<vmem>>, vector<16xf32>,
        %parallel_loop3A_625 = arith.mulf %parallel_loop3A_624, %parallel_loop3A_575 : vector<16xf32>
        %parallel_loop3A_626 = arith.constant 1 : i32
        %parallel_loop3A_627 = arith.index_cast %parallel_loop3A_626 : i32 to index
        %parallel_loop3A_628 = arith.index_cast %parallel_loop3A_567 : i32 to index
        %parallel_loop3A_629 = arith.constant 64 : index
        %parallel_loop3A_630 = tpu.vector_load %arg7[%parallel_loop3A_627, %parallel_loop3A_628, %parallel_loop3A_629] {strides = array<i32>} : memref<2x128x128xf32, #tpu.memory_space<vmem>>, vector<16xf32>,
        tpu.vector_store %arg7[%parallel_loop3A_627, %parallel_loop3A_628, %parallel_loop3A_629], %parallel_loop3A_625 {strides = array<i32>} : memref<2x128x128xf32, #tpu.memory_space<vmem>>, vector<16xf32>,
        %parallel_loop3A_631 = arith.constant 1 : i32
        %parallel_loop3A_632 = arith.index_cast %parallel_loop3A_631 : i32 to index
        %parallel_loop3A_633 = arith.index_cast %parallel_loop3A_567 : i32 to index
        %parallel_loop3A_634 = arith.constant 80 : index
        %parallel_loop3A_635 = tpu.vector_load %arg7[%parallel_loop3A_632, %parallel_loop3A_633, %parallel_loop3A_634] {strides = array<i32>} : memref<2x128x128xf32, #tpu.memory_space<vmem>>, vector<16xf32>,
        %parallel_loop3A_636 = arith.mulf %parallel_loop3A_635, %parallel_loop3A_575 : vector<16xf32>
        %parallel_loop3A_637 = arith.constant 1 : i32
        %parallel_loop3A_638 = arith.index_cast %parallel_loop3A_637 : i32 to index
        %parallel_loop3A_639 = arith.index_cast %parallel_loop3A_567 : i32 to index
        %parallel_loop3A_640 = arith.constant 80 : index
        %parallel_loop3A_641 = tpu.vector_load %arg7[%parallel_loop3A_638, %parallel_loop3A_639, %parallel_loop3A_640] {strides = array<i32>} : memref<2x128x128xf32, #tpu.memory_space<vmem>>, vector<16xf32>,
        tpu.vector_store %arg7[%parallel_loop3A_638, %parallel_loop3A_639, %parallel_loop3A_640], %parallel_loop3A_636 {strides = array<i32>} : memref<2x128x128xf32, #tpu.memory_space<vmem>>, vector<16xf32>,
        %parallel_loop3A_642 = arith.constant 1 : i32
        %parallel_loop3A_643 = arith.index_cast %parallel_loop3A_642 : i32 to index
        %parallel_loop3A_644 = arith.index_cast %parallel_loop3A_567 : i32 to index
        %parallel_loop3A_645 = arith.constant 96 : index
        %parallel_loop3A_646 = tpu.vector_load %arg7[%parallel_loop3A_643, %parallel_loop3A_644, %parallel_loop3A_645] {strides = array<i32>} : memref<2x128x128xf32, #tpu.memory_space<vmem>>, vector<16xf32>,
        %parallel_loop3A_647 = arith.mulf %parallel_loop3A_646, %parallel_loop3A_575 : vector<16xf32>
        %parallel_loop3A_648 = arith.constant 1 : i32
        %parallel_loop3A_649 = arith.index_cast %parallel_loop3A_648 : i32 to index
        %parallel_loop3A_650 = arith.index_cast %parallel_loop3A_567 : i32 to index
        %parallel_loop3A_651 = arith.constant 96 : index
        %parallel_loop3A_652 = tpu.vector_load %arg7[%parallel_loop3A_649, %parallel_loop3A_650, %parallel_loop3A_651] {strides = array<i32>} : memref<2x128x128xf32, #tpu.memory_space<vmem>>, vector<16xf32>,
        tpu.vector_store %arg7[%parallel_loop3A_649, %parallel_loop3A_650, %parallel_loop3A_651], %parallel_loop3A_647 {strides = array<i32>} : memref<2x128x128xf32, #tpu.memory_space<vmem>>, vector<16xf32>,
        %parallel_loop3A_653 = arith.constant 1 : i32
        %parallel_loop3A_654 = arith.index_cast %parallel_loop3A_653 : i32 to index
        %parallel_loop3A_655 = arith.index_cast %parallel_loop3A_567 : i32 to index
        %parallel_loop3A_656 = arith.constant 112 : index
        %parallel_loop3A_657 = tpu.vector_load %arg7[%parallel_loop3A_654, %parallel_loop3A_655, %parallel_loop3A_656] {strides = array<i32>} : memref<2x128x128xf32, #tpu.memory_space<vmem>>, vector<16xf32>,
        %parallel_loop3A_658 = arith.mulf %parallel_loop3A_657, %parallel_loop3A_575 : vector<16xf32>
        %parallel_loop3A_659 = arith.constant 1 : i32
        %parallel_loop3A_660 = arith.index_cast %parallel_loop3A_659 : i32 to index
        %parallel_loop3A_661 = arith.index_cast %parallel_loop3A_567 : i32 to index
        %parallel_loop3A_662 = arith.constant 112 : index
        %parallel_loop3A_663 = tpu.vector_load %arg7[%parallel_loop3A_660, %parallel_loop3A_661, %parallel_loop3A_662] {strides = array<i32>} : memref<2x128x128xf32, #tpu.memory_space<vmem>>, vector<16xf32>,
        tpu.vector_store %arg7[%parallel_loop3A_660, %parallel_loop3A_661, %parallel_loop3A_662], %parallel_loop3A_658 {strides = array<i32>} : memref<2x128x128xf32, #tpu.memory_space<vmem>>, vector<16xf32>,
      } {sc.loop_unroll_factor = 2 : i64, sc.parallel_access}
      %dma_start3A_551 = arith.constant 1 : i32
      %dma_start3A_552 = arith.constant 7 : i32
      %dma_start3A_553 = arith.constant 1 : i32
      %dma_start3A_554 = arith.constant 1 : i32
      %dma_start3A_555 = arith.constant 0 : i32
      %dma_start3A_556 = arith.constant 0 : i32
      %dma_start3A_557 = tpu.memref_slice %arg7[%dma_start3A_551, %dma_start3A_555, %dma_start3A_556] : memref<2x128x128xf32, #tpu.memory_space<vmem>> -> memref<1x128x128xf32, #tpu.memory_space<vmem>>
      %dma_start3A_558 = tpu.memref_squeeze %dma_start3A_557 : memref<1x128x128xf32, #tpu.memory_space<vmem>> -> memref<128x128xf32, #tpu.memory_space<vmem>>
      %dma_start3A_559 = arith.constant 0 : i32
      %dma_start3A_560 = tpu.memref_slice %arg6[%dma_start3A_552, %dma_start3A_553, %dma_start3A_559] : memref<8x3x128xi32, #tpu.memory_space<vmem>> -> memref<1x1x128xi32, #tpu.memory_space<vmem>>
      %dma_start3A_561 = tpu.memref_squeeze %dma_start3A_560 : memref<1x1x128xi32, #tpu.memory_space<vmem>> -> memref<128xi32, #tpu.memory_space<vmem>>
      %dma_start3A_562 = arith.constant 0 : i32
      %dma_start3A_563 = arith.constant 0 : i32
      %dma_start3A_564 = tpu.memref_slice %arg5[%dma_start3A_562, %dma_start3A_563] : memref<10240x128xf32, #tpu.memory_space<vmem_shared>> -> memref<10240x128xf32, #tpu.memory_space<vmem_shared>>
      %dma_start3A_565 = tpu.memref_slice %arg10[%dma_start3A_554] : memref<2x!tpu.dma_semaphore, #tpu.memory_space<semaphore_mem>> -> memref<1x!tpu.dma_semaphore, #tpu.memory_space<semaphore_mem>>
      %dma_start3A_566 = tpu.memref_squeeze %dma_start3A_565 : memref<1x!tpu.dma_semaphore, #tpu.memory_space<semaphore_mem>> -> memref<!tpu.dma_semaphore, #tpu.memory_space<semaphore_mem>>
      tpu.enqueue_indirect_dma source(%dma_start3A_558 : memref<128x128xf32, #tpu.memory_space<vmem>>) target(%dma_start3A_564 : memref<10240x128xf32, #tpu.memory_space<vmem_shared>>) offsets(%dma_start3A_561 : memref<128xi32, #tpu.memory_space<vmem>>) semaphore(%dma_start3A_566 : memref<!tpu.dma_semaphore, #tpu.memory_space<semaphore_mem>>) {add = true}
    }
    %scan3A_102 = arith.constant 10 : i32
    %dma_wait3A_103 = arith.constant 0 : i32
    %dma_wait3A_104 = arith.constant 6 : i32
    %dma_wait3A_105 = arith.constant 1 : i32
    %dma_wait3A_106 = arith.constant 0 : i32
    %dma_wait3A_107 = arith.constant 0 : i32
    %dma_wait3A_108 = arith.constant 0 : i32
    %dma_wait3A_109 = tpu.memref_slice %arg7[%dma_wait3A_103, %dma_wait3A_107, %dma_wait3A_108] : memref<2x128x128xf32, #tpu.memory_space<vmem>> -> memref<1x128x128xf32, #tpu.memory_space<vmem>>
    %dma_wait3A_110 = tpu.memref_squeeze %dma_wait3A_109 : memref<1x128x128xf32, #tpu.memory_space<vmem>> -> memref<128x128xf32, #tpu.memory_space<vmem>>
    %dma_wait3A_111 = arith.constant 0 : i32
    %dma_wait3A_112 = tpu.memref_slice %arg6[%dma_wait3A_104, %dma_wait3A_105, %dma_wait3A_111] : memref<8x3x128xi32, #tpu.memory_space<vmem>> -> memref<1x1x128xi32, #tpu.memory_space<vmem>>
    %dma_wait3A_113 = tpu.memref_squeeze %dma_wait3A_112 : memref<1x1x128xi32, #tpu.memory_space<vmem>> -> memref<128xi32, #tpu.memory_space<vmem>>
    %dma_wait3A_114 = arith.constant 0 : i32
    %dma_wait3A_115 = arith.constant 0 : i32
    %dma_wait3A_116 = tpu.memref_slice %arg5[%dma_wait3A_114, %dma_wait3A_115] : memref<10240x128xf32, #tpu.memory_space<vmem_shared>> -> memref<10240x128xf32, #tpu.memory_space<vmem_shared>>
    %dma_wait3A_117 = tpu.memref_slice %arg10[%dma_wait3A_106] : memref<2x!tpu.dma_semaphore, #tpu.memory_space<semaphore_mem>> -> memref<1x!tpu.dma_semaphore, #tpu.memory_space<semaphore_mem>>
    %dma_wait3A_118 = tpu.memref_squeeze %dma_wait3A_117 : memref<1x!tpu.dma_semaphore, #tpu.memory_space<semaphore_mem>> -> memref<!tpu.dma_semaphore, #tpu.memory_space<semaphore_mem>>
    tpu.wait_indirect_dma semaphore(%dma_wait3A_118 : memref<!tpu.dma_semaphore, #tpu.memory_space<semaphore_mem>>) src(%dma_wait3A_110 : memref<128x128xf32, #tpu.memory_space<vmem>>) dst(%dma_wait3A_116 : memref<10240x128xf32, #tpu.memory_space<vmem_shared>>)
    %dma_wait3A_119 = arith.constant 1 : i32
    %dma_wait3A_120 = arith.constant 7 : i32
    %dma_wait3A_121 = arith.constant 1 : i32
    %dma_wait3A_122 = arith.constant 1 : i32
    %dma_wait3A_123 = arith.constant 0 : i32
    %dma_wait3A_124 = arith.constant 0 : i32
    %dma_wait3A_125 = tpu.memref_slice %arg7[%dma_wait3A_119, %dma_wait3A_123, %dma_wait3A_124] : memref<2x128x128xf32, #tpu.memory_space<vmem>> -> memref<1x128x128xf32, #tpu.memory_space<vmem>>
    %dma_wait3A_126 = tpu.memref_squeeze %dma_wait3A_125 : memref<1x128x128xf32, #tpu.memory_space<vmem>> -> memref<128x128xf32, #tpu.memory_space<vmem>>
    %dma_wait3A_127 = arith.constant 0 : i32
    %dma_wait3A_128 = tpu.memref_slice %arg6[%dma_wait3A_120, %dma_wait3A_121, %dma_wait3A_127] : memref<8x3x128xi32, #tpu.memory_space<vmem>> -> memref<1x1x128xi32, #tpu.memory_space<vmem>>
    %dma_wait3A_129 = tpu.memref_squeeze %dma_wait3A_128 : memref<1x1x128xi32, #tpu.memory_space<vmem>> -> memref<128xi32, #tpu.memory_space<vmem>>
    %dma_wait3A_130 = arith.constant 0 : i32
    %dma_wait3A_131 = arith.constant 0 : i32
    %dma_wait3A_132 = tpu.memref_slice %arg5[%dma_wait3A_130, %dma_wait3A_131] : memref<10240x128xf32, #tpu.memory_space<vmem_shared>> -> memref<10240x128xf32, #tpu.memory_space<vmem_shared>>
    %dma_wait3A_133 = tpu.memref_slice %arg10[%dma_wait3A_122] : memref<2x!tpu.dma_semaphore, #tpu.memory_space<semaphore_mem>> -> memref<1x!tpu.dma_semaphore, #tpu.memory_space<semaphore_mem>>
    %dma_wait3A_134 = tpu.memref_squeeze %dma_wait3A_133 : memref<1x!tpu.dma_semaphore, #tpu.memory_space<semaphore_mem>> -> memref<!tpu.dma_semaphore, #tpu.memory_space<semaphore_mem>>
    tpu.wait_indirect_dma semaphore(%dma_wait3A_134 : memref<!tpu.dma_semaphore, #tpu.memory_space<semaphore_mem>>) src(%dma_wait3A_126 : memref<128x128xf32, #tpu.memory_space<vmem>>) dst(%dma_wait3A_132 : memref<10240x128xf32, #tpu.memory_space<vmem_shared>>)
    %barrier3A_135 = arith.constant 0 : index
    tpu.barrier barrier_id(%barrier3A_135)
    %add3A_136 = arith.constant 0 : i32
    %add3A_137 = arith.addi %mul3A_6, %add3A_136 : i32
    %add3A_138 = arith.constant 0 : i32
    %add3A_139 = arith.addi %mul3A_6, %add3A_138 : i32
    "tpu.region"() ({
      %run_scoped3A_156 = tpu.sem_alloc : memref<!tpu.dma_semaphore, #tpu.memory_space<semaphore_mem>>
      %dma_start3A_157 = arith.constant 0 : i32
      %dma_start3A_158 = tpu.memref_slice %arg4[%arg0, %add3A_139, %dma_start3A_157] : memref<2x10240x128xf32, #tpu.memory_space<hbm>> -> memref<1x128x128xf32, #tpu.memory_space<hbm>>
      %dma_start3A_159 = tpu.memref_squeeze %dma_start3A_158 : memref<1x128x128xf32, #tpu.memory_space<hbm>> -> memref<128x128xf32, #tpu.memory_space<hbm>>
      %dma_start3A_160 = arith.constant 0 : i32
      %dma_start3A_161 = tpu.memref_slice %arg5[%add3A_137, %dma_start3A_160] : memref<10240x128xf32, #tpu.memory_space<vmem_shared>> -> memref<128x128xf32, #tpu.memory_space<vmem_shared>>
      tpu.enqueue_dma source(%dma_start3A_161 : memref<128x128xf32, #tpu.memory_space<vmem_shared>>) target(%dma_start3A_159 : memref<128x128xf32, #tpu.memory_space<hbm>>) target_semaphore(%run_scoped3A_156 : memref<!tpu.dma_semaphore, #tpu.memory_space<semaphore_mem>>)
      %dma_wait3A_162 = arith.constant 0 : i32
      %dma_wait3A_163 = tpu.memref_slice %arg4[%arg0, %add3A_139, %dma_wait3A_162] : memref<2x10240x128xf32, #tpu.memory_space<hbm>> -> memref<1x128x128xf32, #tpu.memory_space<hbm>>
      %dma_wait3A_164 = tpu.memref_squeeze %dma_wait3A_163 : memref<1x128x128xf32, #tpu.memory_space<hbm>> -> memref<128x128xf32, #tpu.memory_space<hbm>>
      %dma_wait3A_165 = arith.constant 0 : i32
      %dma_wait3A_166 = tpu.memref_slice %arg5[%add3A_137, %dma_wait3A_165] : memref<10240x128xf32, #tpu.memory_space<vmem_shared>> -> memref<128x128xf32, #tpu.memory_space<vmem_shared>>
      tpu.wait_dma2 semaphore(%run_scoped3A_156 : memref<!tpu.dma_semaphore, #tpu.memory_space<semaphore_mem>>) src(%dma_wait3A_166 : memref<128x128xf32, #tpu.memory_space<vmem_shared>>) dst(%dma_wait3A_164 : memref<128x128xf32, #tpu.memory_space<hbm>>)
      tpu.yield
    }) : () -> ()
    %add3A_140 = arith.constant 128 : i32
    %add3A_141 = arith.addi %mul3A_6, %add3A_140 : i32
    %add3A_142 = arith.constant 128 : i32
    %add3A_143 = arith.addi %mul3A_6, %add3A_142 : i32
    "tpu.region"() ({
      %run_scoped3A_156 = tpu.sem_alloc : memref<!tpu.dma_semaphore, #tpu.memory_space<semaphore_mem>>
      %dma_start3A_157 = arith.constant 0 : i32
      %dma_start3A_158 = tpu.memref_slice %arg4[%arg0, %add3A_143, %dma_start3A_157] : memref<2x10240x128xf32, #tpu.memory_space<hbm>> -> memref<1x128x128xf32, #tpu.memory_space<hbm>>
      %dma_start3A_159 = tpu.memref_squeeze %dma_start3A_158 : memref<1x128x128xf32, #tpu.memory_space<hbm>> -> memref<128x128xf32, #tpu.memory_space<hbm>>
      %dma_start3A_160 = arith.constant 0 : i32
      %dma_start3A_161 = tpu.memref_slice %arg5[%add3A_141, %dma_start3A_160] : memref<10240x128xf32, #tpu.memory_space<vmem_shared>> -> memref<128x128xf32, #tpu.memory_space<vmem_shared>>
      tpu.enqueue_dma source(%dma_start3A_161 : memref<128x128xf32, #tpu.memory_space<vmem_shared>>) target(%dma_start3A_159 : memref<128x128xf32, #tpu.memory_space<hbm>>) target_semaphore(%run_scoped3A_156 : memref<!tpu.dma_semaphore, #tpu.memory_space<semaphore_mem>>)
      %dma_wait3A_162 = arith.constant 0 : i32
      %dma_wait3A_163 = tpu.memref_slice %arg4[%arg0, %add3A_143, %dma_wait3A_162] : memref<2x10240x128xf32, #tpu.memory_space<hbm>> -> memref<1x128x128xf32, #tpu.memory_space<hbm>>
      %dma_wait3A_164 = tpu.memref_squeeze %dma_wait3A_163 : memref<1x128x128xf32, #tpu.memory_space<hbm>> -> memref<128x128xf32, #tpu.memory_space<hbm>>
      %dma_wait3A_165 = arith.constant 0 : i32
      %dma_wait3A_166 = tpu.memref_slice %arg5[%add3A_141, %dma_wait3A_165] : memref<10240x128xf32, #tpu.memory_space<vmem_shared>> -> memref<128x128xf32, #tpu.memory_space<vmem_shared>>
      tpu.wait_dma2 semaphore(%run_scoped3A_156 : memref<!tpu.dma_semaphore, #tpu.memory_space<semaphore_mem>>) src(%dma_wait3A_166 : memref<128x128xf32, #tpu.memory_space<vmem_shared>>) dst(%dma_wait3A_164 : memref<128x128xf32, #tpu.memory_space<hbm>>)
      tpu.yield
    }) : () -> ()
    %add3A_144 = arith.constant 256 : i32
    %add3A_145 = arith.addi %mul3A_6, %add3A_144 : i32
    %add3A_146 = arith.constant 256 : i32
    %add3A_147 = arith.addi %mul3A_6, %add3A_146 : i32
    "tpu.region"() ({
      %run_scoped3A_156 = tpu.sem_alloc : memref<!tpu.dma_semaphore, #tpu.memory_space<semaphore_mem>>
      %dma_start3A_157 = arith.constant 0 : i32
      %dma_start3A_158 = tpu.memref_slice %arg4[%arg0, %add3A_147, %dma_start3A_157] : memref<2x10240x128xf32, #tpu.memory_space<hbm>> -> memref<1x128x128xf32, #tpu.memory_space<hbm>>
      %dma_start3A_159 = tpu.memref_squeeze %dma_start3A_158 : memref<1x128x128xf32, #tpu.memory_space<hbm>> -> memref<128x128xf32, #tpu.memory_space<hbm>>
      %dma_start3A_160 = arith.constant 0 : i32
      %dma_start3A_161 = tpu.memref_slice %arg5[%add3A_145, %dma_start3A_160] : memref<10240x128xf32, #tpu.memory_space<vmem_shared>> -> memref<128x128xf32, #tpu.memory_space<vmem_shared>>
      tpu.enqueue_dma source(%dma_start3A_161 : memref<128x128xf32, #tpu.memory_space<vmem_shared>>) target(%dma_start3A_159 : memref<128x128xf32, #tpu.memory_space<hbm>>) target_semaphore(%run_scoped3A_156 : memref<!tpu.dma_semaphore, #tpu.memory_space<semaphore_mem>>)
      %dma_wait3A_162 = arith.constant 0 : i32
      %dma_wait3A_163 = tpu.memref_slice %arg4[%arg0, %add3A_147, %dma_wait3A_162] : memref<2x10240x128xf32, #tpu.memory_space<hbm>> -> memref<1x128x128xf32, #tpu.memory_space<hbm>>
      %dma_wait3A_164 = tpu.memref_squeeze %dma_wait3A_163 : memref<1x128x128xf32, #tpu.memory_space<hbm>> -> memref<128x128xf32, #tpu.memory_space<hbm>>
      %dma_wait3A_165 = arith.constant 0 : i32
      %dma_wait3A_166 = tpu.memref_slice %arg5[%add3A_145, %dma_wait3A_165] : memref<10240x128xf32, #tpu.memory_space<vmem_shared>> -> memref<128x128xf32, #tpu.memory_space<vmem_shared>>
      tpu.wait_dma2 semaphore(%run_scoped3A_156 : memref<!tpu.dma_semaphore, #tpu.memory_space<semaphore_mem>>) src(%dma_wait3A_166 : memref<128x128xf32, #tpu.memory_space<vmem_shared>>) dst(%dma_wait3A_164 : memref<128x128xf32, #tpu.memory_space<hbm>>)
      tpu.yield
    }) : () -> ()
    %add3A_148 = arith.constant 384 : i32
    %add3A_149 = arith.addi %mul3A_6, %add3A_148 : i32
    %add3A_150 = arith.constant 384 : i32
    %add3A_151 = arith.addi %mul3A_6, %add3A_150 : i32
    "tpu.region"() ({
      %run_scoped3A_156 = tpu.sem_alloc : memref<!tpu.dma_semaphore, #tpu.memory_space<semaphore_mem>>
      %dma_start3A_157 = arith.constant 0 : i32
      %dma_start3A_158 = tpu.memref_slice %arg4[%arg0, %add3A_151, %dma_start3A_157] : memref<2x10240x128xf32, #tpu.memory_space<hbm>> -> memref<1x128x128xf32, #tpu.memory_space<hbm>>
      %dma_start3A_159 = tpu.memref_squeeze %dma_start3A_158 : memref<1x128x128xf32, #tpu.memory_space<hbm>> -> memref<128x128xf32, #tpu.memory_space<hbm>>
      %dma_start3A_160 = arith.constant 0 : i32
      %dma_start3A_161 = tpu.memref_slice %arg5[%add3A_149, %dma_start3A_160] : memref<10240x128xf32, #tpu.memory_space<vmem_shared>> -> memref<128x128xf32, #tpu.memory_space<vmem_shared>>
      tpu.enqueue_dma source(%dma_start3A_161 : memref<128x128xf32, #tpu.memory_space<vmem_shared>>) target(%dma_start3A_159 : memref<128x128xf32, #tpu.memory_space<hbm>>) target_semaphore(%run_scoped3A_156 : memref<!tpu.dma_semaphore, #tpu.memory_space<semaphore_mem>>)
      %dma_wait3A_162 = arith.constant 0 : i32
      %dma_wait3A_163 = tpu.memref_slice %arg4[%arg0, %add3A_151, %dma_wait3A_162] : memref<2x10240x128xf32, #tpu.memory_space<hbm>> -> memref<1x128x128xf32, #tpu.memory_space<hbm>>
      %dma_wait3A_164 = tpu.memref_squeeze %dma_wait3A_163 : memref<1x128x128xf32, #tpu.memory_space<hbm>> -> memref<128x128xf32, #tpu.memory_space<hbm>>
      %dma_wait3A_165 = arith.constant 0 : i32
      %dma_wait3A_166 = tpu.memref_slice %arg5[%add3A_149, %dma_wait3A_165] : memref<10240x128xf32, #tpu.memory_space<vmem_shared>> -> memref<128x128xf32, #tpu.memory_space<vmem_shared>>
      tpu.wait_dma2 semaphore(%run_scoped3A_156 : memref<!tpu.dma_semaphore, #tpu.memory_space<semaphore_mem>>) src(%dma_wait3A_166 : memref<128x128xf32, #tpu.memory_space<vmem_shared>>) dst(%dma_wait3A_164 : memref<128x128xf32, #tpu.memory_space<hbm>>)
      tpu.yield
    }) : () -> ()
    %add3A_152 = arith.constant 512 : i32
    %add3A_153 = arith.addi %mul3A_6, %add3A_152 : i32
    %add3A_154 = arith.constant 512 : i32
    %add3A_155 = arith.addi %mul3A_6, %add3A_154 : i32
    "tpu.region"() ({
      %run_scoped3A_156 = tpu.sem_alloc : memref<!tpu.dma_semaphore, #tpu.memory_space<semaphore_mem>>
      %dma_start3A_157 = arith.constant 0 : i32
      %dma_start3A_158 = tpu.memref_slice %arg4[%arg0, %add3A_155, %dma_start3A_157] : memref<2x10240x128xf32, #tpu.memory_space<hbm>> -> memref<1x128x128xf32, #tpu.memory_space<hbm>>
      %dma_start3A_159 = tpu.memref_squeeze %dma_start3A_158 : memref<1x128x128xf32, #tpu.memory_space<hbm>> -> memref<128x128xf32, #tpu.memory_space<hbm>>
      %dma_start3A_160 = arith.constant 0 : i32
      %dma_start3A_161 = tpu.memref_slice %arg5[%add3A_153, %dma_start3A_160] : memref<10240x128xf32, #tpu.memory_space<vmem_shared>> -> memref<128x128xf32, #tpu.memory_space<vmem_shared>>
      tpu.enqueue_dma source(%dma_start3A_161 : memref<128x128xf32, #tpu.memory_space<vmem_shared>>) target(%dma_start3A_159 : memref<128x128xf32, #tpu.memory_space<hbm>>) target_semaphore(%run_scoped3A_156 : memref<!tpu.dma_semaphore, #tpu.memory_space<semaphore_mem>>)
      %dma_wait3A_162 = arith.constant 0 : i32
      %dma_wait3A_163 = tpu.memref_slice %arg4[%arg0, %add3A_155, %dma_wait3A_162] : memref<2x10240x128xf32, #tpu.memory_space<hbm>> -> memref<1x128x128xf32, #tpu.memory_space<hbm>>
      %dma_wait3A_164 = tpu.memref_squeeze %dma_wait3A_163 : memref<1x128x128xf32, #tpu.memory_space<hbm>> -> memref<128x128xf32, #tpu.memory_space<hbm>>
      %dma_wait3A_165 = arith.constant 0 : i32
      %dma_wait3A_166 = tpu.memref_slice %arg5[%add3A_153, %dma_wait3A_165] : memref<10240x128xf32, #tpu.memory_space<vmem_shared>> -> memref<128x128xf32, #tpu.memory_space<vmem_shared>>
      tpu.wait_dma2 semaphore(%run_scoped3A_156 : memref<!tpu.dma_semaphore, #tpu.memory_space<semaphore_mem>>) src(%dma_wait3A_166 : memref<128x128xf32, #tpu.memory_space<vmem_shared>>) dst(%dma_wait3A_164 : memref<128x128xf32, #tpu.memory_space<hbm>>)
      tpu.yield
    }) : () -> ()
    return
  }
}

module attributes {stable_mosaic.version = 14 : i64} {
  func.func @_matmul_body(%arg0: i32, %arg1: memref<400x128xf32, #tpu.memory_space<vmem>>, %arg2: memref<128x128xf32, #tpu.memory_space<vmem>>, %arg3: memref<400x128xf32, #tpu.memory_space<vmem>>) attributes {dimension_semantics = [#tpu.dimension_semantics<arbitrary>], iteration_bounds = array<i64: 25>, scalar_prefetch = 0 : i64, scratch_operands = 0 : i64, tpu.core_type = #tpu.core_type<tc>, window_params = [{transform_indices = @transform_0, window_bounds = array<i64: 400, 128>}, {pipeline_mode = #tpu.pipeline_mode<synchronous>, transform_indices = @transform_1, window_bounds = array<i64: 128, 128>}, {transform_indices = @transform_2, window_bounds = array<i64: 400, 128>}]} {
    %get3A = arith.constant 0 : index
    %get3A_0 = arith.constant 0 : index
    %get3A_1 = vector.load %arg1[%get3A, %get3A_0] : memref<400x128xf32, #tpu.memory_space<vmem>>, vector<400x128xf32>
    %get3A_2 = arith.constant 0 : index
    %get3A_3 = arith.constant 0 : index
    %get3A_4 = vector.load %arg2[%get3A_2, %get3A_3] : memref<128x128xf32, #tpu.memory_space<vmem>>, vector<128x128xf32>
    %dot_general3A = arith.constant dense<0.000000e+00> : vector<400x128xf32>
    %dot_general3A_5 = tpu.matmul %get3A_1, %get3A_4, %dot_general3A {dimension_numbers = #tpu.dot_dimension_numbers<[1], [0], [0], [1], [0, 0, 1, 1], [], []>, transpose_lhs_hint = false} : vector<400x128xf32>, vector<128x128xf32>, vector<400x128xf32> -> vector<400x128xf32>
    %swap3A = arith.constant 0 : index
    %swap3A_6 = arith.constant 0 : index
    %swap3A_7 = vector.load %arg3[%swap3A, %swap3A_6] : memref<400x128xf32, #tpu.memory_space<vmem>>, vector<400x128xf32>
    tpu.vector_store %arg3[%swap3A, %swap3A_6], %dot_general3A_5 {strides = array<i32>} : memref<400x128xf32, #tpu.memory_space<vmem>>, vector<400x128xf32>,
    return
  }
  func.func @transform_0(%arg0: i32) -> (i32, i32) {
    %c0_i32 = arith.constant 0 : i32
    %c0_i32_0 = arith.constant 0 : i32
    return %arg0, %c0_i32 : i32, i32
  }
  func.func @transform_1(%arg0: i32) -> (i32, i32) {
    %c0_i32 = arith.constant 0 : i32
    %c0_i32_0 = arith.constant 0 : i32
    %c0_i32_1 = arith.constant 0 : i32
    return %c0_i32, %c0_i32_0 : i32, i32
  }
  func.func @transform_2(%arg0: i32) -> (i32, i32) {
    %c0_i32 = arith.constant 0 : i32
    %c0_i32_0 = arith.constant 0 : i32
    return %arg0, %c0_i32 : i32, i32
  }
}

module attributes {stable_mosaic.version = 14 : i64} {
  func.func @_combine_body(%arg0: i32, %arg1: memref<2x400x128xf32, #tpu.memory_space<vmem>>, %arg2: memref<1x128xf32, #tpu.memory_space<vmem>>, %arg3: memref<400x128xf32, #tpu.memory_space<vmem>>) attributes {dimension_semantics = [#tpu.dimension_semantics<arbitrary>], iteration_bounds = array<i64: 25>, scalar_prefetch = 0 : i64, scratch_operands = 0 : i64, tpu.core_type = #tpu.core_type<tc>, window_params = [{transform_indices = @transform_0, window_bounds = array<i64: 2, 400, 128>}, {pipeline_mode = #tpu.pipeline_mode<synchronous>, transform_indices = @transform_1, window_bounds = array<i64: 1, 128>}, {transform_indices = @transform_2, window_bounds = array<i64: 400, 128>}]} {
    %get3A = arith.constant 0 : index
    %get3A_0 = arith.constant 0 : index
    %get3A_1 = arith.constant 0 : index
    %get3A_2 = vector.load %arg1[%get3A, %get3A_0, %get3A_1] : memref<2x400x128xf32, #tpu.memory_space<vmem>>, vector<1x400x128xf32>
    %get3A_3 = vector.shape_cast %get3A_2 : vector<1x400x128xf32> to vector<400x128xf32>
    %get3A_4 = arith.constant 1 : index
    %get3A_5 = arith.constant 0 : index
    %get3A_6 = arith.constant 0 : index
    %get3A_7 = vector.load %arg1[%get3A_4, %get3A_5, %get3A_6] : memref<2x400x128xf32, #tpu.memory_space<vmem>>, vector<1x400x128xf32>
    %get3A_8 = vector.shape_cast %get3A_7 : vector<1x400x128xf32> to vector<400x128xf32>
    %add3A = arith.addf %get3A_3, %get3A_8 : vector<400x128xf32>
    %get3A_9 = arith.constant 0 : index
    %get3A_10 = arith.constant 0 : index
    %get3A_11 = vector.load %arg2[%get3A_9, %get3A_10] : memref<1x128xf32, #tpu.memory_space<vmem>>, vector<1x128xf32>
    %add3A_12 = vector.broadcast %get3A_11 : vector<1x128xf32> to vector<400x128xf32>
    %add3A_13 = arith.addf %add3A, %add3A_12 : vector<400x128xf32>
    %swap3A = arith.constant 0 : index
    %swap3A_14 = arith.constant 0 : index
    %swap3A_15 = vector.load %arg3[%swap3A, %swap3A_14] : memref<400x128xf32, #tpu.memory_space<vmem>>, vector<400x128xf32>
    tpu.vector_store %arg3[%swap3A, %swap3A_14], %add3A_13 {strides = array<i32>} : memref<400x128xf32, #tpu.memory_space<vmem>>, vector<400x128xf32>,
    return
  }
  func.func @transform_0(%arg0: i32) -> (i32, i32, i32) {
    %c0_i32 = arith.constant 0 : i32
    %c0_i32_0 = arith.constant 0 : i32
    %c0_i32_1 = arith.constant 0 : i32
    return %c0_i32, %arg0, %c0_i32_0 : i32, i32, i32
  }
  func.func @transform_1(%arg0: i32) -> (i32, i32) {
    %c0_i32 = arith.constant 0 : i32
    %c0_i32_0 = arith.constant 0 : i32
    %c0_i32_1 = arith.constant 0 : i32
    return %c0_i32, %c0_i32_0 : i32, i32
  }
  func.func @transform_2(%arg0: i32) -> (i32, i32) {
    %c0_i32 = arith.constant 0 : i32
    %c0_i32_0 = arith.constant 0 : i32
    return %arg0, %c0_i32 : i32, i32
  }
}

</mosaic_0001>

<sc_bundles>
// kernel: kernel.5.cloned.1.call-start
scs
__scs_entry_jumppad:
0x0: {  	(pc) =	sbr.rel $0x88, $3  }
0x1: {  	(tag) =	ssettag $0x0;
	lr =	simm.s32 $0x1  }
0x2: {  	[smem:$0x3F9C] =	sst lr;
	_ =	strace $0xD0000000  }
0x3: {  	_ = 	snop  }
0x4: {  	_ = 	snop  }
0x5: {  	_ = 	snop  }
0x6: {  	_ = 	snop  }
0x7: {  	_ = 	snop  }
__scs_overlays_trampoline_lowered:
0x8: {  	[smem:$0x3FAB] =	sst s0  }
0x9: {  	[smem:$0x3FAC] =	sst s1  }
0xa: {  	[smem:$0x3FAD] =	sst s2  }
0xb: {  	[smem:$0x3FAE] =	sst s3  }
0xc: {  	[smem:$0x3FAF] =	sst s4  }
0xd: {  	[smem:$0x3FB0] =	sst s5  }
0xe: {  	[smem:$0x3FB1] =	sst s6  }
0xf: {  	[smem:$0x3FB2] =	sst s7  }
0x10: {  	[smem:$0x3FB3] =	sst s8  }
0x11: {  	[smem:$0x3FB4] =	sst s9;
	s0 =	simm.s32 @!p0 $0x0  }
0x12: {  	s1 =	sld [smem:$0x3F9A];
	s0 =	simm.s32 @p0 $0x1  }
0x13: {  	[smem:$0x3FB5] =	sst s0;
	s0 =	simm.s32 @!p1 $0x0  }
0x14: {  	s2 =	sld [smem:$0x3F99];
	s0 =	simm.s32 @p1 $0x1  }
0x15: {  	[smem:$0x3FB6] =	sst s0;
	s0 =	simm.s32 @!p2 $0x0  }
0x16: {  	s3 =	sld [smem:$0x3FDB];
	s0 =	simm.s32 @p2 $0x1  }
0x17: {  	s4 =	simm.s32 $0x1BF5;
	[smem:$0x3FB8] =	sst s0  }
0x18: {  	s0 =	sld [smem:$0x3F9B];
	_ =	swait.ge [sflag:s4], $0x0  }
0x19: {  	s7 =	sld [smem:$0x3F9C]  }
0x1a: {  	s8 =	sadd.s32 $0xFFFFE003, lr  }
0x1b: {  	s9 =	sadd.s32 $0xFFFFFEF7, lr;
	s5 =	simm.s32 $0xFFFFFFFF;
	p2 =	slt.u32 s8, $0xFFFFF086  }
0x1c: {  	p1 =	slt.u32 s9, $0xF7A;
	s5 =	simm.s32 @!p2 $0x0  }
0x1d: {  	s5 =	simm.s32 @p1 $0x1;
	p0 =	seq.s32 s7, s2  }
0x1e: {  	s7 =	smul.u32 @!p0 $0xF7A, s2;
	p2 =	seq.s32 @!p0 s5, $0x0  }
0x1f: {  	s9 =	smul.u32 $0xF7A, s1;
	s8 =	simm.s32 @!p0 $0x1BF5;
	p2 =	por !p2, p0  }
0x20: {  	[sflag:s8] =	ssyncset.s32 @!p0 $0xFFFFF086;
	s6 =	sadd.s32 @!p0 s3, s7;
	s7 =	simm.s32 @!p0 $0x108  }
0x21: {  	s3 =	sadd.s32 s3, s9;
	s6 =	sadd.s32 @!p0 $0x88, s6;
	s7 =	simm.s32 @p2 $0x1082  }
0x22: {  	[simem:s7], [sflag:s8] =	dma.local @!p0 [hbm:s6], $0xF7A  }
0x23: {  	s9 =	sor.u32 $0xD0000000, s2;
	s6 =	simm.s32 $0x108;
	_ =	swait.ge @!p0 [sflag:s8], $0x0  }
0x24: {  	s3 =	sadd.s32 $0x88, s3;
	s6 =	simm.s32 @!p1 $0x1082;
	[sflag:s4] =	ssyncset.s32 $0xFFFFF086  }
0x25: {  	[simem:s6], [sflag:s4] =	dma.local [hbm:s3], $0xF7A  }
0x26: {  	[smem:$0x3F9C] =	sst s1;
	(tag) =	ssettag s2;
	_ =	strace s9  }
0x27: {  	s1 =	sld [smem:$0x3FAC]  }
0x28: {  	s2 =	sld [smem:$0x3FAD]  }
0x29: {  	s4 =	sld [smem:$0x3FAF]  }
0x2a: {  	p0 =	seq.s32 s5, $0x0;
	s5 =	sld [smem:$0x3FB0]  }
0x2b: {  	s6 =	sld [smem:$0x3FB1]  }
0x2c: {  	s7 =	sld [smem:$0x3FB2]  }
0x2d: {  	s3 =	simm.s32 $0x108;
	s8 =	sld [smem:$0x3FB3]  }
0x2e: {  	s3 =	simm.s32 @!p0 $0x1082;
	s9 =	sld [smem:$0x3FB4]  }
0x2f: {  	lr =	sadd.s32 s0, s3;
	s0 =	sld [smem:$0x3FAB]  }
0x30: {  	s3 =	sld [smem:$0x3FAE]  }
0x31: {  	[smem:$0x3FB7] =	sst s10  }
0x32: {  	s10 =	sld [smem:$0x3FB5];
	_ =	sdelay $0x3  }
0x33: {  	p0 =	seq.s32 s10, $0x1;
	s10 =	sld [smem:$0x3FB7];
	_ =	sdelay $0x3  }
0x34: {  	[smem:$0x3FB7] =	sst s10  }
0x35: {  	s10 =	sld [smem:$0x3FB6];
	_ =	sdelay $0x3  }
0x36: {  	p1 =	seq.s32 s10, $0x1;
	s10 =	sld [smem:$0x3FB7];
	_ =	sdelay $0x3  }
0x37: {  	[smem:$0x3FB7] =	sst s10  }
0x38: {  	s10 =	sld [smem:$0x3FB8]  }
0x39: {  	_ = 	snop;
	(pc) =	sbr.ind lr, $3  }
0x3a: {  	_ = 	snop  }
0x3b: {  	_ = 	snop  }
0x3c: {  	p2 =	seq.s32 s10, $0x1;
	s10 =	sld [smem:$0x3FB7]  }
0x3d: {  	_ =	shalt  }
0x3e: {  	_ =	shalt  }
0x3f: {  	_ =	shalt  }
0x40: {  	_ =	shalt  }
0x41: {  	_ =	shalt  }
0x42: {  	_ =	shalt  }
0x43: {  	_ =	shalt  }
0x44: {  	_ =	shalt  }
0x45: {  	_ =	shalt  }
0x46: {  	_ =	shalt  }
0x47: {  	_ =	shalt  }
0x48: {  	_ =	shalt  }
0x49: {  	_ =	shalt  }
0x4a: {  	_ =	shalt  }
0x4b: {  	_ =	shalt  }
0x4c: {  	_ =	shalt  }
0x4d: {  	_ =	shalt  }
0x4e: {  	_ =	shalt  }
0x4f: {  	_ =	shalt  }
0x50: {  	_ =	shalt  }
0x51: {  	_ =	shalt  }
0x52: {  	_ =	shalt  }
0x53: {  	_ =	shalt  }
0x54: {  	_ =	shalt  }
0x55: {  	_ =	shalt  }
0x56: {  	_ =	shalt  }
0x57: {  	_ =	shalt  }
0x58: {  	_ =	shalt  }
0x59: {  	_ =	shalt  }
0x5a: {  	_ =	shalt  }
0x5b: {  	_ =	shalt  }
0x5c: {  	_ =	shalt  }
0x5d: {  	_ =	shalt  }
0x5e: {  	_ =	shalt  }
0x5f: {  	_ =	shalt  }
0x60: {  	_ =	shalt  }
0x61: {  	_ =	shalt  }
0x62: {  	_ =	shalt  }
0x63: {  	_ =	shalt  }
0x64: {  	_ =	shalt  }
0x65: {  	_ =	shalt  }
0x66: {  	_ =	shalt  }
0x67: {  	_ =	shalt  }
0x68: {  	_ =	shalt  }
0x69: {  	_ =	shalt  }
0x6a: {  	_ =	shalt  }
0x6b: {  	_ =	shalt  }
0x6c: {  	_ =	shalt  }
0x6d: {  	_ =	shalt  }
0x6e: {  	_ =	shalt  }
0x6f: {  	_ =	shalt  }
0x70: {  	_ =	shalt  }
0x71: {  	_ =	shalt  }
0x72: {  	_ =	shalt  }
0x73: {  	_ =	shalt  }
0x74: {  	_ =	shalt  }
0x75: {  	_ =	shalt  }
0x76: {  	_ =	shalt  }
0x77: {  	_ =	shalt  }
0x78: {  	_ =	shalt  }
0x79: {  	_ =	shalt  }
0x7a: {  	_ =	shalt  }
0x7b: {  	_ =	shalt  }
0x7c: {  	_ =	shalt  }
0x7d: {  	_ =	shalt  }
0x7e: {  	_ =	shalt  }
0x7f: {  	_ =	shalt  }
0x80: {  	_ =	shalt  }
0x81: {  	_ =	shalt  }
0x82: {  	_ =	shalt  }
0x83: {  	_ =	shalt  }
0x84: {  	_ =	shalt  }
0x85: {  	_ =	shalt  }
0x86: {  	_ =	shalt  }
0x87: {  	_ =	shalt  }
.Lfunc_end0:
.L_simem_size_0:
called_computation_lowered:
.L_overlay_start_0:
0x88: {  	s2 =	sld [smem:$0x3FD9]  }
0x89: {  	s3 =	sld [smem:$0x3FFE];
	_ =	sdelay $0x1  }
0x8a: {  	s1 =	srdreg.scid  }
0x8b: {  	s0 =	sand.u32 $0x1, s1  }
0x8c: {  	s17 =	sshll.u32 s0, $0xA;
	s2 =	sadd.s32 s3, s2  }
0x8d: {  	s2 =	sadd.s32 s2, s17  }
0x8e: {  	[smem:$0x3FC3] =	sst s2  }
0x8f: {  	_ = 	snop  }
0x90: {  	s2 =	sld [smem:$0x3FD0];
	(tm) =	ssettm $0x1  }
0x91: {  	s18 =	sld [smem:$0x3FFB];
	_ =	sdelay $0x3  }
0x92: {  	_ =	strace s18  }
0x93: {  	s3 =	sld [smem:$0x3FFC];
	_ =	sdelay $0x3  }
0x94: {  	_ =	strace s3  }
0x95: {  	s3 =	sld [smem:$0x3FFD];
	_ =	sdelay $0x3  }
0x96: {  	_ =	strace s3  }
0x97: {  	_ =	strace $0x8FFFFFFF  }
0x98: {  	s19 =	sld [smem:$0x3FDB];
	_ =	sdelay $0x1  }
0x99: {  	s4 =	simm.s32 $_scs_section_size  }
0x9a: {  	s5 =	simm.s32 $_size__tile_overlayer_lowered;
	s6 =	simm.s32 $_tile_overlayer_lowered  }
0x9b: {  	s22 =	simm.s32 $0x1BFF;
	s21 =	sshll.u32 s6, $0x1;
	s3 =	sadd.s32 s4, s19  }
0x9c: {  	s7 =	simm.s32 $0x0;
	s20 =	sshll.u32 s5, $0x1;
	s5 =	sadd.s32 s21, s3  }
0x9d: {  	[timem:s7], [sflag:s22] =	dma.local [hbm:s5], s20  }
0x9e: {  	_ =	swait.ge [sflag:s22], s20  }
0x9f: {  	s4 =	ssub.s32 $0x0, s20;
	[sflag:s22] =	ssyncset.done $0x0  }
0xa0: {  	[sflag:s22] =	ssyncadd.s32 s4;
	_ =	sdelay $0x1  }
0xa1: {  	s23 =	simm.s32 $0x1B8B  }
0xa2: {  	_ =	swait.ge [sflag:s23], $0x1  }
0xa3: {  	[sflag:s23] =	ssyncset.done $0x0  }
0xa4: {  	s25 =	simm.s32 $0x1B8E;
	s24 =	sld [smem:$0x3FFE];
	[sflag:s23] =	ssyncadd.s32 $0xFFFFFFFF  }
0xa5: {  	s26 =	simm.s32 $execute0_lowered;
	[smem:$0x3FD2] =	sst s25  }
0xa6: {  	s5 =	sshll.u32 s26, $0x1;
	_ =	strace $0x80000046;
	[dreg:$0x1] =	wrdreg $0xFFFFFFFF  }
0xa7: {  	s28 =	simm.s32 $_size_execute0_lowered;
	s3 =	sadd.s32 s3, s5;
	[dreg:$0x0] =	wrdreg $0x0  }
0xa8: {  	s5 =	sshll.u32 s28, $0x1;
	[dreg:$0x2] =	wrdreg s3  }
0xa9: {  	[dreg:$0x3] =	wrdreg s5  }
0xaa: {  	[dreg:$0x4] =	wrdreg $0xC0  }
0xab: {  	_ =	task [dreg:s7], $0x5FFFF  }
0xac: {  	[dreg:$0x1] =	wrdreg $0xFFFFFFFF  }
0xad: {  	[dreg:$0x0] =	wrdreg $0x60  }
0xae: {  	[dreg:$0x2] =	wrdreg s2  }
0xaf: {  	[dreg:$0x3] =	wrdreg s24  }
0xb0: {  	[dreg:$0x4] =	wrdreg $0x0  }
0xb1: {  	[dreg:$0x5] =	wrdreg $0x9  }
0xb2: {  	_ =	task.clear_ibuf [dreg:s7], $0x6FFFF;
	_ =	strace $0x90000046  }
0xb3: {  	s29 =	simm.s32 $0x9;
	_ =	strace $0x80000048  }
0xb4: {  	_ =	swait.ge [sflag:s29], $0x1  }
0xb5: {  	[sflag:s29] =	ssyncadd.s32 $0xFFFFFFFF  }
0xb6: {  	_ =	strace $0x90000048  }
0xb7: {  	_ =	sfence  }
0xb8: {  	s30 =	sld [smem:$0x0];
	_ =	sdelay $0x2  }
0xb9: {  	s31 =	sshll.u32 s1, $0xD;
	s1 =	sshrl.u32 s1, $0x2  }
0xba: {  	s3 =	sand.u32 $0x4000, s31;
	s1 =	sadd.s32 s1, s30  }
0xbb: {  	s0 =	sor.u32 s3, s0;
	s1 =	sshll.u32 s1, $0x11  }
0xbc: {  	s0 =	sor.u32 s1, s0  }
0xbd: {  	s0 =	sadd.s32 $0x8F2B, s0  }
0xbe: {  	[sflag:s0] =	ssyncadd.remote.s32 $0x1  }
0xbf: {  	_ =	sfence.sel $0xFFFF  }
0xc0: {  	[dreg:$0x0] =	wrdreg $0xFFFFFFFF;
	(pc) =	sbr.abs _section_cstart, $3  }
0xc1: {  	[dreg:$0x1] =	wrdreg $0xFFFFFFFF  }
0xc2: {  	_ =	task.clear_ibuf [dreg:s7], $0x2FFFF;
	_ =	strace $0x9FFFFFFF  }
0xc3: {  	(tm) =	ssettm $0x7FFFFFFF  }
tec
execute0_lowered:
.L_overlay_start_1:
0x0: {  	(tag) =	ssettag $0x1  }
0x1: {  	s1 =	rddreg [dreg:$0x0]  }
0x2: {  	s0 =	rddreg [dreg:$0x1]  }
0x3: {  	s2 =	rddreg [dreg:$0x2];
	s4 =	simm.s32 $0x0;
	s3 =	srdreg.scid  }
0x4: {  	s10 =	stileid.u32;
	s28 =	simm.s32 $0x15000;
	s29 =	simm.s32 $0x14500  }
0x5: {  	[smem:$0x7FF] =	sst s4;
	s3 =	sand.u32 $0x1, s3;
	s6 =	smul.u32 $0x50000, s10  }
0x6: {  	s5 =	sadd.s32 $0xE00, s0;
	s0 =	sadd.s32 $0x28E00, s0;
	s9 =	smul.u32 $0x14000, s10  }
0x7: {  	_ =	strace $0x80000047;
	s18 =	ssub.s32 $0x2, s3;
	s8 =	sshll.u32 s3, $0x4  }
0x8: {  	s3 =	smul.u32 $0x140000, s3;
	s7 =	sshrl.u32 s18, $0x1;
	s6 =	sshrl.u32 s6, $0x2  }
0x9: {  	s19 =	sor.u32 s10, s8;
	s20 =	sadd.s32 $0x4000, s9;
	s21 =	sadd.s32 $0x8000, s9  }
0xa: {  	s23 =	sadd.s32 $0xC000, s9;
	s11 =	sadd.s32 $0x10000, s9;
	s4 =	ssub.s32 s18, s7  }
0xb: {  	s18 =	sadd.s32 s6, s2;
	s7 =	smul.u32 $0xA000, s19;
	s22 =	sadd.s32 s20, s2  }
0xc: {  	s25 =	sadd.s32 s21, s2;
	s30 =	sadd.s32 s23, s2;
	[dreg:$0x4] =	wrdreg s18  }
0xd: {  	s31 =	sadd.s32 s11, s2;
	s9 =	sadd.s32 s9, s3;
	[dreg:$0x5] =	wrdreg s22  }
0xe: {  	s6 =	sadd.s32 s3, s20;
	s8 =	sadd.s32 s3, s21;
	[dreg:$0x6] =	wrdreg s25  }
0xf: {  	s10 =	sadd.s32 s3, s23;
	s3 =	sadd.s32 s3, s11;
	[dreg:$0x7] =	wrdreg s30  }
0x10: {  	s11 =	simm.s32 $0x0;
	[dreg:$0x8] =	wrdreg s31;
	s13 =	sor.u32 $0x400, s7  }
0x11: {  	s9 =	sshrl.u32 s9, $0x3;
	s24 =	sor.u32 $0x600, s7;
	[dreg:$0xa] =	wrdreg s13  }
0x12: {  	s6 =	sshrl.u32 s6, $0x3;
	s26 =	sor.u32 $0x800, s7;
	[dreg:$0xb] =	wrdreg s24  }
0x13: {  	s17 =	sshrl.u32 s8, $0x3;
	s14 =	sor.u32 $0xA00, s7;
	[dreg:$0xc] =	wrdreg s26  }
0x14: {  	s19 =	sshrl.u32 s10, $0x3;
	s15 =	sor.u32 $0xC00, s7;
	[dreg:$0xd] =	wrdreg s14  }
0x15: {  	s3 =	sshrl.u32 s3, $0x3;
	s16 =	sor.u32 $0xE00, s7;
	[dreg:$0xe] =	wrdreg s15  }
0x16: {  	s12 =	sshrl.u32 s7, $0x3;
	s9 =	sadd.s32 s0, s9;
	[dreg:$0xf] =	wrdreg s16  }
0x17: {  	s6 =	sadd.s32 s0, s6;
	s20 =	sadd.s32 s0, s19;
	[dreg:$0x10] =	wrdreg s9  }
0x18: {  	s21 =	sor.u32 $0x1000, s7;
	s23 =	sor.u32 $0x1200, s7;
	[dreg:$0x11] =	wrdreg s6  }
0x19: {  	s19 =	simm.s32 $0x19000;
	s7 =	simm.s32 $0x5;
	[dreg:$0x13] =	wrdreg s20  }
0x1a: {  	s12 =	sadd.s32 s5, s12;
	s6 =	sadd.s32 s0, s17;
	[dreg:$0x15] =	wrdreg s21  }
0x1b: {  	s0 =	sadd.s32 s0, s3;
	[dreg:$0x16] =	wrdreg s23;
	s24 =	smax.u32 s4, $0x1  }
0x1c: {  	s3 =	simm.s32 $0x80;
	s20 =	simm.s32 $0x9;
	s21 =	simm.s32 $0x14100  }
0x1d: {  	s9 =	simm.s32 $0xC;
	s4 =	simm.s32 $0x14700;
	[dreg:$0x12] =	wrdreg s6  }
0x1e: {  	s13 =	simm.s32 $0x14900;
	s15 =	simm.s32 $0x7;
	[dreg:$0x14] =	wrdreg s0  }
0x1f: {  	s16 =	simm.s32 $0x14B00;
	s17 =	simm.s32 $0x8;
	[dreg:$0x17] =	wrdreg s24  }
0x20: {  	s23 =	simm.s32 $0x14D00;
	[dreg:$0x9] =	wrdreg s12;
	s26 =	sadd.s32 $0x40, s12  }
0x21: {  	s0 =	simm.s32 $0xA;
	s6 =	simm.s32 $0x14300;
	s12 =	simm.s32 $0x6  }
0x22: {  	v0 =	vimm.f32 $0.0e+00;
	s24 =	simm.s32 $0x14F00;
	[dreg:$0x18] =	wrdreg s26;
	s26 =	simm.s32 $0xB  }
.LBB2_1:
0x23: {  	[dreg:$0x19] =	wrdreg s11;
	s8 =	simm.s32 $0x0;
	s14 =	simm.s32 $0x200  }
.LBB2_2:
0x24: {  	p0 =	sne.s32 s14, $0xFE00;
	[tilespmem:s8+$0x15070] =	vst v0  }
0x25: {  	[tilespmem:s8+$0x15000] =	vst v0  }
0x26: {  	[tilespmem:s8+$0x15010] =	vst v0  }
.Ltmp0:
0x27: {  	[tilespmem:s8+$0x15020] =	vst v0;
	(pc) =	sbr.rel @p0 .LBB2_2-.Ltmp0, $4  }
0x28: {  	[tilespmem:s8+$0x15030] =	vst v0  }
0x29: {  	[tilespmem:s8+$0x15040] =	vst v0  }
0x2a: {  	[tilespmem:s8+$0x15050] =	vst v0  }
0x2b: {  	[tilespmem:s8+$0x15060] =	vst v0;
	s8 =	sshra.s32 s14, $0x2;
	s14 =	sadd.s32 $0x200, s14  }
0x2c: {  	[tilespmem:s8+$0x15070] =	vst v0  }
0x2d: {  	[tilespmem:s8+$0x15000] =	vst v0  }
0x2e: {  	[tilespmem:s8+$0x15010] =	vst v0  }
0x2f: {  	[tilespmem:s8+$0x15020] =	vst v0  }
0x30: {  	[tilespmem:s8+$0x15030] =	vst v0  }
0x31: {  	[tilespmem:s8+$0x15040] =	vst v0  }
0x32: {  	[tilespmem:s8+$0x15050] =	vst v0  }
0x33: {  	[tilespmem:s8+$0x15060] =	vst v0  }
0x34: {  	[spmem:s18] =	stream.linear.scatter [tilespmem:s28], [sflag:$0xD], $0x4000, $0x38;
	[tilespmem:$0x1D000] =	vst v63  }
0x35: {  	s18 =	simm.s32 $0xD  }
0x36: {  	_ =	swait.ge [sflag:s18], $0x4000  }
0x37: {  	[sflag:s18] =	ssyncset.done $0x0  }
0x38: {  	[sflag:s18] =	ssyncadd.s32 $0xFFFFC000  }
0x39: {  	[spmem:s22] =	stream.linear.scatter [tilespmem:s28], [sflag:$0xD], $0x4000, $0x38;
	[tilespmem:$0x1D000] =	vst v63  }
0x3a: {  	_ =	swait.ge [sflag:s18], $0x4000  }
0x3b: {  	[sflag:s18] =	ssyncset.done $0x0  }
0x3c: {  	[sflag:s18] =	ssyncadd.s32 $0xFFFFC000  }
0x3d: {  	[spmem:s25] =	stream.linear.scatter [tilespmem:s28], [sflag:$0xD], $0x4000, $0x38;
	[tilespmem:$0x1D000] =	vst v63  }
0x3e: {  	_ =	swait.ge [sflag:s18], $0x4000  }
0x3f: {  	[sflag:s18] =	ssyncset.done $0x0  }
0x40: {  	[sflag:s18] =	ssyncadd.s32 $0xFFFFC000  }
0x41: {  	[spmem:s30] =	stream.linear.scatter [tilespmem:s28], [sflag:$0xD], $0x4000, $0x38;
	[tilespmem:$0x1D000] =	vst v63  }
0x42: {  	_ =	swait.ge [sflag:s18], $0x4000  }
0x43: {  	[sflag:s18] =	ssyncset.done $0x0  }
0x44: {  	[sflag:s18] =	ssyncadd.s32 $0xFFFFC000  }
0x45: {  	[spmem:s31] =	stream.linear.scatter [tilespmem:s28], [sflag:$0xD], $0x4000, $0x38;
	[tilespmem:$0x1D000] =	vst v63  }
0x46: {  	_ =	swait.ge [sflag:s18], $0x4000  }
0x47: {  	[sflag:s18] =	ssyncset.done $0x0  }
0x48: {  	[sflag:s18] =	ssyncadd.s32 $0xFFFFC000  }
0x49: {  	[bflag:$0x0] =	sbarrier.arrive $0xFFFF  }
0x4a: {  	s14 =	simm.s32 $0x0;
	s10 =	simm.s32 $0x14000;
	s22 =	rddreg [dreg:$0x9]  }
0x4b: {  	[tilespmem:s10], [sflag:$0x1] =	stream.linear.gather [hbm4b:s22+s14], $0x180, $0x38;
	[tilespmem:$0x1D000] =	vst v63  }
0x4c: {  	s11 =	simm.s32 $0x14200;
	s31 =	simm.s32 $0x1;
	s25 =	rddreg [dreg:$0x18]  }
0x4d: {  	[tilespmem:s11], [sflag:$0x2] =	stream.linear.gather [hbm4b:s25+s14], $0x180, $0x38;
	[tilespmem:$0x1D000] =	vst v63  }
0x4e: {  	_ =	swait.ge [sflag:s31], $0x180  }
0x4f: {  	[sflag:s31] =	ssyncset.done $0x0  }
0x50: {  	[sflag:s31] =	ssyncadd.s32 $0xFFFFFE80  }
0x51: {  	[tilespmem:s28], [sflag:$0x9] =	stream.indirect.gather [hbm4b:s1+s3], $0x80, s10, s3, $0xb8;
	[tilespmem:$0x1D000] =	vst v63  }
0x52: {  	s30 =	simm.s32 $0x0;
	s11 =	rddreg [dreg:$0x15];
	s10 =	simm.s32 $0x14200  }
.LBB2_4:
0x53: {  	s25 =	sshll.u32 s30, $0xC;
	s8 =	rddreg [dreg:$0xa]  }
0x54: {  	s8 =	sadd.s32 s25, s8  }
0x55: {  	s14 =	simm.s32 $0x0;
	s8 =	sshrl.u32 s8, $0x3  }
0x56: {  	s18 =	simm.s32 $0x14400;
	p0 =	seq.s32 s30, $0x0;
	s8 =	sadd.s32 s5, s8  }
0x57: {  	[tilespmem:s18], [sflag:$0x3] =	stream.linear.gather [hbm4b:s8+s14], $0x180, $0x38;
	[tilespmem:$0x1D000] =	vst v63  }
0x58: {  	s8 =	simm.s32 @!p0 $0xC  }
0x59: {  	_ =	swait.ge @!p0 [sflag:s8], $0x4000  }
0x5a: {  	s14 =	simm.s32 $0x0;
	[sflag:s8] =	ssyncset.done @!p0 $0x0  }
0x5b: {  	s18 =	simm.s32 $0x2;
	v1 =	vmov s14;
	[sflag:s8] =	ssyncadd.s32 @!p0 $0xFFFFC000  }
0x5c: {  	v1 =	vand.u32 $0xFFFFFFFE, v1;
	_ =	swait.ge [sflag:s18], $0x180  }
0x5d: {  	v1 =	vbroadcast v1, $0x0;
	[sflag:s18] =	ssyncset.done $0x0  }
0x5e: {  	[sflag:s18] =	ssyncadd.s32 $0xFFFFFE80  }
0x5f: {  	[tilespmem:s19], [sflag:$0xA] =	stream.indirect.gather [hbm4b:s1+s3], $0x80, s10, s3, $0xb8;
	[tilespmem:$0x1D000] =	vst v63  }
0x60: {  	_ =	swait.ge [sflag:s20], $0x4000  }
0x61: {  	[sflag:s20] =	ssyncset.done $0x0  }
0x62: {  	[sflag:s20] =	ssyncadd.s32 $0xFFFFC000  }
0x63: {  	s8 =	simm.s32 $0x15080;
	v2 =	vld.idx.msk [tilespmem:v1+s21+$0x0], $0xffff  }
0x64: {  	v1 =	vld [tilespmem:s8+$0xFFFFFFF0]  }
0x65: {  	v3 =	vld [tilespmem:s8+$0xFFFFFF80]  }
0x66: {  	s22 =	simm.s32 $0x1;
	v6 =	vld [tilespmem:s8+$0xFFFFFF90]  }
0x67: {  	v7 =	vmov s22;
	v8 =	vld [tilespmem:s8+$0xFFFFFFA0]  }
0x68: {  	v11 =	vld [tilespmem:s8+$0xFFFFFFB0]  }
0x69: {  	v5 =	vld [tilespmem:s8+$0xFFFFFFC0]  }
0x6a: {  	v4 =	vld [tilespmem:s8+$0xFFFFFFD0];
	v9 =	vmul.f32 v2, v1  }
0x6b: {  	v10 =	vmul.f32 v2, v3;
	v3 =	vld [tilespmem:s8+$0xFFFFFFE0]  }
0x6c: {  	v1 =	vld.idx.msk [tilespmem:v7+s21+$0x0], $0xffff;
	v6 =	vmul.f32 v2, v6;
	[tilespmem:s8+$0xFFFFFFF0] =	vst v9  }
0x6d: {  	s31 =	simm.s32 $0x2;
	v7 =	vld [tilespmem:s8+$0x0];
	[tilespmem:s8+$0xFFFFFF80] =	vst v10;
	v9 =	vmul.f32 v2, v8  }
0x6e: {  	s22 =	simm.s32 $0x15080;
	s14 =	simm.s32 $0x4;
	v10 =	vmov s31;
	[tilespmem:s8+$0xFFFFFF90] =	vst v6;
	v8 =	vmul.f32 v2, v11;
	v6 =	vld [tilespmem:s8+$0x10]  }
.LBB2_5:
0x6f: {  	p0 =	slt.u32 s14, $0x7E;
	v10 =	vand.u32 $0xFFFFFFFE, v10;
	s18 =	sadd.s32 $0x1, s31;
	[tilespmem:s8+$0xFFFFFFA0] =	vst v9;
	v5 =	vmul.f32 v2, v5;
	v9 =	vld [tilespmem:s8+$0x20];
	s31 =	smov.u32 s14  }
0x70: {  	v10 =	vbroadcast v10, $0x0;
	v11 =	vmov s18;
	[tilespmem:s8+$0xFFFFFFB0] =	vst v8;
	v4 =	vmul.f32 v2, v4;
	v8 =	vld [tilespmem:s8+$0x30]  }
0x71: {  	[tilespmem:s8+$0xFFFFFFC0] =	vst v5;
	v2 =	vmul.f32 v2, v3;
	v3 =	vld [tilespmem:s8+$0x40]  }
0x72: {  	[tilespmem:s8+$0xFFFFFFD0] =	vst v4;
	v4 =	vmul.f32 v1, v7;
	v5 =	vld [tilespmem:s8+$0x50]  }
0x73: {  	[tilespmem:s8+$0xFFFFFFE0] =	vst v2;
	v2 =	vmul.f32 v1, v6;
	v6 =	vld [tilespmem:s8+$0x60]  }
0x74: {  	[tilespmem:s8+$0x0] =	vst v4;
	v4 =	vmul.f32 v1, v9;
	v7 =	vld [tilespmem:s8+$0x70]  }
0x75: {  	v9 =	vld.idx.msk [tilespmem:v11+s21+$0x0], $0xffff;
	[tilespmem:s8+$0x10] =	vst v2;
	v8 =	vmul.f32 v1, v8  }
0x76: {  	s8 =	sadd.s32 $0x100, s8;
	v2 =	vld.idx.msk [tilespmem:v10+s21+$0x0], $0xffff;
	[tilespmem:s22+$0x20] =	vst v4;
	v3 =	vmul.f32 v1, v3  }
0x77: {  	v4 =	vld [tilespmem:s8+$0xFFFFFFF0];
	[tilespmem:s22+$0x30] =	vst v8;
	v5 =	vmul.f32 v1, v5  }
0x78: {  	v8 =	vld [tilespmem:s8+$0xFFFFFF80];
	[tilespmem:s22+$0x40] =	vst v3;
	v3 =	vmul.f32 v1, v6  }
0x79: {  	v6 =	vld [tilespmem:s8+$0xFFFFFF90];
	[tilespmem:s22+$0x50] =	vst v5;
	v5 =	vmul.f32 v1, v7  }
0x7a: {  	v7 =	vld [tilespmem:s8+$0xFFFFFFA0];
	[tilespmem:s22+$0x60] =	vst v3  }
0x7b: {  	v1 =	vmov v9;
	v11 =	vld [tilespmem:s8+$0xFFFFFFB0];
	[tilespmem:s22+$0x70] =	vst v5;
	s22 =	smov.u32 s8  }
.Ltmp1:
0x7c: {  	v5 =	vld [tilespmem:s8+$0xFFFFFFC0];
	v9 =	vmul.f32 v2, v4;
	(pc) =	sbr.rel @p0 .LBB2_5-.Ltmp1, $4  }
0x7d: {  	v8 =	vmul.f32 v2, v8;
	v4 =	vld [tilespmem:s8+$0xFFFFFFD0]  }
0x7e: {  	v6 =	vmul.f32 v2, v6;
	v3 =	vld [tilespmem:s8+$0xFFFFFFE0];
	[tilespmem:s8+$0xFFFFFFF0] =	vst v9  }
0x7f: {  	[tilespmem:s8+$0xFFFFFF80] =	vst v8;
	v9 =	vmul.f32 v2, v7;
	v7 =	vld [tilespmem:s8+$0x0]  }
0x80: {  	s14 =	sadd.s32 $0x2, s14;
	v10 =	vmov s31;
	[tilespmem:s8+$0xFFFFFF90] =	vst v6;
	v8 =	vmul.f32 v2, v11;
	v6 =	vld [tilespmem:s8+$0x10]  }
0x81: {  	v11 =	vld [tilespmem:s8+$0x20]  }
0x82: {  	v10 =	vand.u32 $0xFFFFFFFE, v10;
	s14 =	sadd.s32 $0x1, s31;
	v12 =	vld [tilespmem:s8+$0x30]  }
0x83: {  	v14 =	vld [tilespmem:s8+$0x40];
	[tilespmem:s8+$0xFFFFFFA0] =	vst v9;
	v5 =	vmul.f32 v2, v5;
	v10 =	vbroadcast v10, $0x0;
	v13 =	vmov s14  }
0x84: {  	v9 =	vld [tilespmem:s8+$0x50];
	[tilespmem:s8+$0xFFFFFFB0] =	vst v8;
	v4 =	vmul.f32 v2, v4  }
0x85: {  	v8 =	vld [tilespmem:s8+$0x60];
	[tilespmem:s8+$0xFFFFFFC0] =	vst v5;
	v7 =	vmul.f32 v1, v7  }
0x86: {  	s18 =	sadd.s32 $0x100, s8;
	v2 =	vmul.f32 v2, v3;
	v3 =	vld [tilespmem:s8+$0x70];
	[tilespmem:s8+$0xFFFFFFD0] =	vst v4  }
0x87: {  	v4 =	vmul.f32 v1, v6;
	[tilespmem:s8+$0x0] =	vst v7;
	v7 =	vld [tilespmem:s18+$0xFFFFFFF0]  }
0x88: {  	[tilespmem:s8+$0xFFFFFFE0] =	vst v2;
	v2 =	vmul.f32 v1, v11;
	v5 =	vld.idx.msk [tilespmem:v13+s21+$0x0], $0xffff  }
0x89: {  	[tilespmem:s8+$0x10] =	vst v4;
	v4 =	vmul.f32 v1, v12;
	v6 =	vld.idx.msk [tilespmem:v10+s21+$0x0], $0xffff  }
0x8a: {  	[tilespmem:s22+$0x20] =	vst v2;
	v2 =	vmul.f32 v1, v14;
	v10 =	vld [tilespmem:s18+$0xFFFFFF80]  }
0x8b: {  	[tilespmem:s22+$0x30] =	vst v4;
	v4 =	vmul.f32 v1, v9;
	v9 =	vld [tilespmem:s18+$0xFFFFFF90]  }
0x8c: {  	[tilespmem:s22+$0x40] =	vst v2;
	v2 =	vmul.f32 v1, v8;
	v8 =	vld [tilespmem:s18+$0xFFFFFFA0]  }
0x8d: {  	v1 =	vmul.f32 v1, v3;
	v3 =	vld [tilespmem:s18+$0xFFFFFFB0];
	[tilespmem:s22+$0x50] =	vst v4  }
0x8e: {  	[tilespmem:s22+$0x60] =	vst v2;
	v2 =	vld [tilespmem:s18+$0xFFFFFFC0];
	v4 =	vmul.f32 v6, v7  }
0x8f: {  	[tilespmem:s22+$0x70] =	vst v1;
	v1 =	vmul.f32 v6, v10;
	v7 =	vld [tilespmem:s18+$0xFFFFFFD0]  }
0x90: {  	v10 =	vld [tilespmem:s18+$0xFFFFFFE0];
	v9 =	vmul.f32 v6, v9;
	[tilespmem:s18+$0xFFFFFFF0] =	vst v4  }
0x91: {  	[tilespmem:s18+$0xFFFFFF80] =	vst v1;
	v1 =	vmul.f32 v6, v8;
	v4 =	vld [tilespmem:s18+$0x0]  }
0x92: {  	v3 =	vmul.f32 v6, v3;
	v8 =	vld [tilespmem:s18+$0x10];
	[tilespmem:s18+$0xFFFFFF90] =	vst v9  }
0x93: {  	[tilespmem:s18+$0xFFFFFFA0] =	vst v1;
	v1 =	vmul.f32 v6, v2;
	v2 =	vld [tilespmem:s18+$0x20]  }
0x94: {  	[tilespmem:s18+$0xFFFFFFB0] =	vst v3;
	v3 =	vmul.f32 v6, v7;
	v7 =	vld [tilespmem:s18+$0x30]  }
0x95: {  	[tilespmem:s18+$0xFFFFFFC0] =	vst v1;
	v1 =	vmul.f32 v6, v10;
	v6 =	vld [tilespmem:s18+$0x40]  }
0x96: {  	[tilespmem:s18+$0xFFFFFFD0] =	vst v3;
	v3 =	vmul.f32 v5, v4;
	v4 =	vld [tilespmem:s18+$0x50]  }
0x97: {  	[tilespmem:s18+$0xFFFFFFE0] =	vst v1;
	v1 =	vmul.f32 v5, v8;
	v8 =	vld [tilespmem:s18+$0x60]  }
0x98: {  	[tilespmem:s18+$0x0] =	vst v3;
	v2 =	vmul.f32 v5, v2;
	v3 =	vld [tilespmem:s18+$0x70]  }
0x99: {  	[tilespmem:s18+$0x10] =	vst v1;
	v1 =	vmul.f32 v5, v7  }
0x9a: {  	[tilespmem:s18+$0x20] =	vst v2;
	v2 =	vmul.f32 v5, v6  }
0x9b: {  	[tilespmem:s18+$0x30] =	vst v1;
	v1 =	vmul.f32 v5, v4  }
0x9c: {  	[tilespmem:s18+$0x40] =	vst v2;
	v2 =	vmul.f32 v5, v8  }
0x9d: {  	[tilespmem:s18+$0x50] =	vst v1;
	v1 =	vmul.f32 v5, v3  }
0x9e: {  	[tilespmem:s18+$0x60] =	vst v2  }
0x9f: {  	s14 =	simm.s32 $0x14080;
	[tilespmem:s18+$0x70] =	vst v1  }
0xa0: {  	[spmem:s2] =	stream.indirect.scatter.add.f32 [tilespmem:s28], [sflag:$0xB], $0x80, s14, s3, $0xb8;
	[tilespmem:$0x1D000] =	vst v63  }
0xa1: {  	s18 =	rddreg [dreg:$0xb]  }
0xa2: {  	s8 =	sadd.s32 s25, s18  }
0xa3: {  	s8 =	sshrl.u32 s8, $0x3  }
0xa4: {  	s22 =	simm.s32 $0x0;
	s18 =	simm.s32 $0x14600;
	s8 =	sadd.s32 s5, s8  }
0xa5: {  	[tilespmem:s18], [sflag:$0x4] =	stream.linear.gather [hbm4b:s8+s22], $0x180, $0x38;
	[tilespmem:$0x1D000] =	vst v63  }
0xa6: {  	_ =	swait.ge [sflag:s26], $0x4000  }
0xa7: {  	[sflag:s26] =	ssyncset.done $0x0  }
0xa8: {  	v1 =	vmov s22;
	s14 =	simm.s32 $0x3;
	[sflag:s26] =	ssyncadd.s32 $0xFFFFC000  }
0xa9: {  	v1 =	vand.u32 $0xFFFFFFFE, v1;
	_ =	swait.ge [sflag:s14], $0x180  }
0xaa: {  	v1 =	vbroadcast v1, $0x0;
	[sflag:s14] =	ssyncset.done $0x0  }
0xab: {  	s18 =	simm.s32 $0x14400;
	[sflag:s14] =	ssyncadd.s32 $0xFFFFFE80  }
0xac: {  	[tilespmem:s28], [sflag:$0x9] =	stream.indirect.gather [hbm4b:s1+s3], $0x80, s18, s3, $0xb8;
	[tilespmem:$0x1D000] =	vst v63  }
0xad: {  	_ =	swait.ge [sflag:s0], $0x4000  }
0xae: {  	[sflag:s0] =	ssyncset.done $0x0  }
0xaf: {  	[sflag:s0] =	ssyncadd.s32 $0xFFFFC000  }
0xb0: {  	s8 =	simm.s32 $0x190F0;
	v2 =	vld.idx.msk [tilespmem:v1+s6+$0x0], $0xffff  }
0xb1: {  	v1 =	vld [tilespmem:s8+$0xFFFFFF80]  }
0xb2: {  	v3 =	vld [tilespmem:s8+$0xFFFFFF10]  }
0xb3: {  	s22 =	simm.s32 $0x1;
	v6 =	vld [tilespmem:s8+$0xFFFFFF20]  }
0xb4: {  	v7 =	vmov s22;
	v8 =	vld [tilespmem:s8+$0xFFFFFF30]  }
0xb5: {  	v11 =	vld [tilespmem:s8+$0xFFFFFF40]  }
0xb6: {  	v5 =	vld [tilespmem:s8+$0xFFFFFF50]  }
0xb7: {  	v4 =	vld [tilespmem:s8+$0xFFFFFF60];
	v9 =	vmul.f32 v2, v1  }
0xb8: {  	v10 =	vmul.f32 v2, v3;
	v3 =	vld [tilespmem:s8+$0xFFFFFF70]  }
0xb9: {  	v1 =	vld.idx.msk [tilespmem:v7+s6+$0x0], $0xffff;
	v6 =	vmul.f32 v2, v6;
	[tilespmem:s8+$0xFFFFFF80] =	vst v9  }
0xba: {  	s31 =	simm.s32 $0x2;
	v7 =	vld [tilespmem:s8+$0xFFFFFF90];
	[tilespmem:s8+$0xFFFFFF10] =	vst v10;
	v9 =	vmul.f32 v2, v8  }
0xbb: {  	s22 =	simm.s32 $0x190F0;
	s14 =	simm.s32 $0x4;
	v10 =	vmov s31;
	[tilespmem:s8+$0xFFFFFF20] =	vst v6;
	v8 =	vmul.f32 v2, v11;
	v6 =	vld [tilespmem:s8+$0xFFFFFFA0]  }
.LBB2_7:
0xbc: {  	p0 =	slt.u32 s14, $0x7E;
	v10 =	vand.u32 $0xFFFFFFFE, v10;
	s18 =	sadd.s32 $0x1, s31;
	[tilespmem:s8+$0xFFFFFF30] =	vst v9;
	v5 =	vmul.f32 v2, v5;
	v9 =	vld [tilespmem:s8+$0xFFFFFFB0];
	s31 =	smov.u32 s14  }
0xbd: {  	v10 =	vbroadcast v10, $0x0;
	v11 =	vmov s18;
	[tilespmem:s8+$0xFFFFFF40] =	vst v8;
	v4 =	vmul.f32 v2, v4;
	v8 =	vld [tilespmem:s8+$0xFFFFFFC0]  }
0xbe: {  	[tilespmem:s8+$0xFFFFFF50] =	vst v5;
	v2 =	vmul.f32 v2, v3;
	v3 =	vld [tilespmem:s8+$0xFFFFFFD0]  }
0xbf: {  	[tilespmem:s8+$0xFFFFFF60] =	vst v4;
	v4 =	vmul.f32 v1, v7;
	v5 =	vld [tilespmem:s8+$0xFFFFFFE0]  }
0xc0: {  	[tilespmem:s8+$0xFFFFFF70] =	vst v2;
	v2 =	vmul.f32 v1, v6;
	v6 =	vld [tilespmem:s8+$0xFFFFFFF0]  }
0xc1: {  	[tilespmem:s8+$0xFFFFFF90] =	vst v4;
	v4 =	vmul.f32 v1, v9;
	v7 =	vld [tilespmem:s8+$0x0]  }
0xc2: {  	v9 =	vld.idx.msk [tilespmem:v11+s6+$0x0], $0xffff;
	[tilespmem:s8+$0xFFFFFFA0] =	vst v2;
	v8 =	vmul.f32 v1, v8  }
0xc3: {  	s8 =	sadd.s32 $0x100, s8;
	v2 =	vld.idx.msk [tilespmem:v10+s6+$0x0], $0xffff;
	[tilespmem:s22+$0xFFFFFFB0] =	vst v4;
	v3 =	vmul.f32 v1, v3  }
0xc4: {  	v4 =	vld [tilespmem:s8+$0xFFFFFF80];
	[tilespmem:s22+$0xFFFFFFC0] =	vst v8;
	v5 =	vmul.f32 v1, v5  }
0xc5: {  	v8 =	vld [tilespmem:s8+$0xFFFFFF10];
	[tilespmem:s22+$0xFFFFFFD0] =	vst v3;
	v3 =	vmul.f32 v1, v6  }
0xc6: {  	v6 =	vld [tilespmem:s8+$0xFFFFFF20];
	[tilespmem:s22+$0xFFFFFFE0] =	vst v5;
	v5 =	vmul.f32 v1, v7  }
0xc7: {  	v7 =	vld [tilespmem:s8+$0xFFFFFF30];
	[tilespmem:s22+$0xFFFFFFF0] =	vst v3  }
0xc8: {  	v1 =	vmov v9;
	v11 =	vld [tilespmem:s8+$0xFFFFFF40];
	[tilespmem:s22+$0x0] =	vst v5;
	s22 =	smov.u32 s8  }
.Ltmp2:
0xc9: {  	v5 =	vld [tilespmem:s8+$0xFFFFFF50];
	v9 =	vmul.f32 v2, v4;
	(pc) =	sbr.rel @p0 .LBB2_7-.Ltmp2, $4  }
0xca: {  	v8 =	vmul.f32 v2, v8;
	v4 =	vld [tilespmem:s8+$0xFFFFFF60]  }
0xcb: {  	v6 =	vmul.f32 v2, v6;
	v3 =	vld [tilespmem:s8+$0xFFFFFF70];
	[tilespmem:s8+$0xFFFFFF80] =	vst v9  }
0xcc: {  	[tilespmem:s8+$0xFFFFFF10] =	vst v8;
	v9 =	vmul.f32 v2, v7;
	v7 =	vld [tilespmem:s8+$0xFFFFFF90]  }
0xcd: {  	s14 =	sadd.s32 $0x2, s14;
	v10 =	vmov s31;
	[tilespmem:s8+$0xFFFFFF20] =	vst v6;
	v8 =	vmul.f32 v2, v11;
	v6 =	vld [tilespmem:s8+$0xFFFFFFA0]  }
0xce: {  	v11 =	vld [tilespmem:s8+$0xFFFFFFB0]  }
0xcf: {  	v10 =	vand.u32 $0xFFFFFFFE, v10;
	s14 =	sadd.s32 $0x1, s31;
	v12 =	vld [tilespmem:s8+$0xFFFFFFC0]  }
0xd0: {  	v14 =	vld [tilespmem:s8+$0xFFFFFFD0];
	[tilespmem:s8+$0xFFFFFF30] =	vst v9;
	v5 =	vmul.f32 v2, v5;
	v10 =	vbroadcast v10, $0x0;
	v13 =	vmov s14  }
0xd1: {  	v9 =	vld [tilespmem:s8+$0xFFFFFFE0];
	[tilespmem:s8+$0xFFFFFF40] =	vst v8;
	v4 =	vmul.f32 v2, v4  }
0xd2: {  	v8 =	vld [tilespmem:s8+$0xFFFFFFF0];
	[tilespmem:s8+$0xFFFFFF50] =	vst v5;
	v7 =	vmul.f32 v1, v7  }
0xd3: {  	s18 =	sadd.s32 $0x100, s8;
	v2 =	vmul.f32 v2, v3;
	v3 =	vld [tilespmem:s8+$0x0];
	[tilespmem:s8+$0xFFFFFF60] =	vst v4  }
0xd4: {  	v4 =	vmul.f32 v1, v6;
	[tilespmem:s8+$0xFFFFFF90] =	vst v7;
	v7 =	vld [tilespmem:s18+$0xFFFFFF80]  }
0xd5: {  	[tilespmem:s8+$0xFFFFFF70] =	vst v2;
	v2 =	vmul.f32 v1, v11;
	v5 =	vld.idx.msk [tilespmem:v13+s6+$0x0], $0xffff  }
0xd6: {  	[tilespmem:s8+$0xFFFFFFA0] =	vst v4;
	v4 =	vmul.f32 v1, v12;
	v6 =	vld.idx.msk [tilespmem:v10+s6+$0x0], $0xffff  }
0xd7: {  	[tilespmem:s22+$0xFFFFFFB0] =	vst v2;
	v2 =	vmul.f32 v1, v14;
	v10 =	vld [tilespmem:s18+$0xFFFFFF10]  }
0xd8: {  	[tilespmem:s22+$0xFFFFFFC0] =	vst v4;
	v4 =	vmul.f32 v1, v9;
	v9 =	vld [tilespmem:s18+$0xFFFFFF20]  }
0xd9: {  	[tilespmem:s22+$0xFFFFFFD0] =	vst v2;
	v2 =	vmul.f32 v1, v8;
	v8 =	vld [tilespmem:s18+$0xFFFFFF30]  }
0xda: {  	v1 =	vmul.f32 v1, v3;
	v3 =	vld [tilespmem:s18+$0xFFFFFF40];
	[tilespmem:s22+$0xFFFFFFE0] =	vst v4  }
0xdb: {  	[tilespmem:s22+$0xFFFFFFF0] =	vst v2;
	v2 =	vld [tilespmem:s18+$0xFFFFFF50];
	v4 =	vmul.f32 v6, v7  }
0xdc: {  	[tilespmem:s22+$0x0] =	vst v1;
	v1 =	vmul.f32 v6, v10;
	v7 =	vld [tilespmem:s18+$0xFFFFFF60]  }
0xdd: {  	v10 =	vld [tilespmem:s18+$0xFFFFFF70];
	v9 =	vmul.f32 v6, v9;
	[tilespmem:s18+$0xFFFFFF80] =	vst v4  }
0xde: {  	[tilespmem:s18+$0xFFFFFF10] =	vst v1;
	v1 =	vmul.f32 v6, v8;
	v4 =	vld [tilespmem:s18+$0xFFFFFF90]  }
0xdf: {  	v3 =	vmul.f32 v6, v3;
	v8 =	vld [tilespmem:s18+$0xFFFFFFA0];
	[tilespmem:s18+$0xFFFFFF20] =	vst v9  }
0xe0: {  	[tilespmem:s18+$0xFFFFFF30] =	vst v1;
	v1 =	vmul.f32 v6, v2;
	v2 =	vld [tilespmem:s18+$0xFFFFFFB0]  }
0xe1: {  	[tilespmem:s18+$0xFFFFFF40] =	vst v3;
	v3 =	vmul.f32 v6, v7;
	v7 =	vld [tilespmem:s18+$0xFFFFFFC0]  }
0xe2: {  	[tilespmem:s18+$0xFFFFFF50] =	vst v1;
	v1 =	vmul.f32 v6, v10;
	v6 =	vld [tilespmem:s18+$0xFFFFFFD0]  }
0xe3: {  	[tilespmem:s18+$0xFFFFFF60] =	vst v3;
	v3 =	vmul.f32 v5, v4;
	v4 =	vld [tilespmem:s18+$0xFFFFFFE0]  }
0xe4: {  	[tilespmem:s18+$0xFFFFFF70] =	vst v1;
	v1 =	vmul.f32 v5, v8;
	v8 =	vld [tilespmem:s18+$0xFFFFFFF0]  }
0xe5: {  	[tilespmem:s18+$0xFFFFFF90] =	vst v3;
	v2 =	vmul.f32 v5, v2;
	v3 =	vld [tilespmem:s18+$0x0]  }
0xe6: {  	[tilespmem:s18+$0xFFFFFFA0] =	vst v1;
	v1 =	vmul.f32 v5, v7  }
0xe7: {  	[tilespmem:s18+$0xFFFFFFB0] =	vst v2;
	v2 =	vmul.f32 v5, v6  }
0xe8: {  	[tilespmem:s18+$0xFFFFFFC0] =	vst v1;
	v1 =	vmul.f32 v5, v4  }
0xe9: {  	[tilespmem:s18+$0xFFFFFFD0] =	vst v2;
	v2 =	vmul.f32 v5, v8  }
0xea: {  	[tilespmem:s18+$0xFFFFFFE0] =	vst v1;
	v1 =	vmul.f32 v5, v3  }
0xeb: {  	[tilespmem:s18+$0xFFFFFFF0] =	vst v2  }
0xec: {  	s14 =	simm.s32 $0x14280;
	[tilespmem:s18+$0x0] =	vst v1  }
0xed: {  	[spmem:s2] =	stream.indirect.scatter.add.f32 [tilespmem:s19], [sflag:$0xC], $0x80, s14, s3, $0xb8;
	[tilespmem:$0x1D000] =	vst v63  }
0xee: {  	s18 =	rddreg [dreg:$0xc]  }
0xef: {  	s8 =	sadd.s32 s25, s18  }
0xf0: {  	s8 =	sshrl.u32 s8, $0x3  }
0xf1: {  	s22 =	simm.s32 $0x0;
	s18 =	simm.s32 $0x14800;
	s8 =	sadd.s32 s5, s8  }
0xf2: {  	[tilespmem:s18], [sflag:$0x5] =	stream.linear.gather [hbm4b:s8+s22], $0x180, $0x38;
	[tilespmem:$0x1D000] =	vst v63  }
0xf3: {  	_ =	swait.ge [sflag:s9], $0x4000  }
0xf4: {  	[sflag:s9] =	ssyncset.done $0x0  }
0xf5: {  	v1 =	vmov s22;
	s14 =	simm.s32 $0x4;
	[sflag:s9] =	ssyncadd.s32 $0xFFFFC000  }
0xf6: {  	v1 =	vand.u32 $0xFFFFFFFE, v1;
	_ =	swait.ge [sflag:s14], $0x180  }
0xf7: {  	v1 =	vbroadcast v1, $0x0;
	[sflag:s14] =	ssyncset.done $0x0  }
0xf8: {  	s18 =	simm.s32 $0x14600;
	[sflag:s14] =	ssyncadd.s32 $0xFFFFFE80  }
0xf9: {  	[tilespmem:s19], [sflag:$0xA] =	stream.indirect.gather [hbm4b:s1+s3], $0x80, s18, s3, $0xb8;
	[tilespmem:$0x1D000] =	vst v63  }
0xfa: {  	_ =	swait.ge [sflag:s20], $0x4000  }
0xfb: {  	[sflag:s20] =	ssyncset.done $0x0  }
0xfc: {  	[sflag:s20] =	ssyncadd.s32 $0xFFFFC000  }
0xfd: {  	s8 =	simm.s32 $0x15080;
	v2 =	vld.idx.msk [tilespmem:v1+s29+$0x0], $0xffff  }
0xfe: {  	v1 =	vld [tilespmem:s8+$0xFFFFFFF0]  }
0xff: {  	v3 =	vld [tilespmem:s8+$0xFFFFFF80]  }
0x100: {  	s22 =	simm.s32 $0x1;
	v6 =	vld [tilespmem:s8+$0xFFFFFF90]  }
0x101: {  	v7 =	vmov s22;
	v8 =	vld [tilespmem:s8+$0xFFFFFFA0]  }
0x102: {  	v11 =	vld [tilespmem:s8+$0xFFFFFFB0]  }
0x103: {  	v5 =	vld [tilespmem:s8+$0xFFFFFFC0]  }
0x104: {  	v4 =	vld [tilespmem:s8+$0xFFFFFFD0];
	v9 =	vmul.f32 v2, v1  }
0x105: {  	v10 =	vmul.f32 v2, v3;
	v3 =	vld [tilespmem:s8+$0xFFFFFFE0]  }
0x106: {  	v1 =	vld.idx.msk [tilespmem:v7+s29+$0x0], $0xffff;
	v6 =	vmul.f32 v2, v6;
	[tilespmem:s8+$0xFFFFFFF0] =	vst v9  }
0x107: {  	s31 =	simm.s32 $0x2;
	v7 =	vld [tilespmem:s8+$0x0];
	[tilespmem:s8+$0xFFFFFF80] =	vst v10;
	v9 =	vmul.f32 v2, v8  }
0x108: {  	s22 =	simm.s32 $0x15080;
	s14 =	simm.s32 $0x4;
	v10 =	vmov s31;
	[tilespmem:s8+$0xFFFFFF90] =	vst v6;
	v8 =	vmul.f32 v2, v11;
	v6 =	vld [tilespmem:s8+$0x10]  }
.LBB2_9:
0x109: {  	p0 =	slt.u32 s14, $0x7E;
	v10 =	vand.u32 $0xFFFFFFFE, v10;
	s18 =	sadd.s32 $0x1, s31;
	[tilespmem:s8+$0xFFFFFFA0] =	vst v9;
	v5 =	vmul.f32 v2, v5;
	v9 =	vld [tilespmem:s8+$0x20];
	s31 =	smov.u32 s14  }
0x10a: {  	v10 =	vbroadcast v10, $0x0;
	v11 =	vmov s18;
	[tilespmem:s8+$0xFFFFFFB0] =	vst v8;
	v4 =	vmul.f32 v2, v4;
	v8 =	vld [tilespmem:s8+$0x30]  }
0x10b: {  	[tilespmem:s8+$0xFFFFFFC0] =	vst v5;
	v2 =	vmul.f32 v2, v3;
	v3 =	vld [tilespmem:s8+$0x40]  }
0x10c: {  	[tilespmem:s8+$0xFFFFFFD0] =	vst v4;
	v4 =	vmul.f32 v1, v7;
	v5 =	vld [tilespmem:s8+$0x50]  }
0x10d: {  	[tilespmem:s8+$0xFFFFFFE0] =	vst v2;
	v2 =	vmul.f32 v1, v6;
	v6 =	vld [tilespmem:s8+$0x60]  }
0x10e: {  	[tilespmem:s8+$0x0] =	vst v4;
	v4 =	vmul.f32 v1, v9;
	v7 =	vld [tilespmem:s8+$0x70]  }
0x10f: {  	v9 =	vld.idx.msk [tilespmem:v11+s29+$0x0], $0xffff;
	[tilespmem:s8+$0x10] =	vst v2;
	v8 =	vmul.f32 v1, v8  }
0x110: {  	s8 =	sadd.s32 $0x100, s8;
	v2 =	vld.idx.msk [tilespmem:v10+s29+$0x0], $0xffff;
	[tilespmem:s22+$0x20] =	vst v4;
	v3 =	vmul.f32 v1, v3  }
0x111: {  	v4 =	vld [tilespmem:s8+$0xFFFFFFF0];
	[tilespmem:s22+$0x30] =	vst v8;
	v5 =	vmul.f32 v1, v5  }
0x112: {  	v8 =	vld [tilespmem:s8+$0xFFFFFF80];
	[tilespmem:s22+$0x40] =	vst v3;
	v3 =	vmul.f32 v1, v6  }
0x113: {  	v6 =	vld [tilespmem:s8+$0xFFFFFF90];
	[tilespmem:s22+$0x50] =	vst v5;
	v5 =	vmul.f32 v1, v7  }
0x114: {  	v7 =	vld [tilespmem:s8+$0xFFFFFFA0];
	[tilespmem:s22+$0x60] =	vst v3  }
0x115: {  	v1 =	vmov v9;
	v11 =	vld [tilespmem:s8+$0xFFFFFFB0];
	[tilespmem:s22+$0x70] =	vst v5;
	s22 =	smov.u32 s8  }
.Ltmp3:
0x116: {  	v5 =	vld [tilespmem:s8+$0xFFFFFFC0];
	v9 =	vmul.f32 v2, v4;
	(pc) =	sbr.rel @p0 .LBB2_9-.Ltmp3, $4  }
0x117: {  	v8 =	vmul.f32 v2, v8;
	v4 =	vld [tilespmem:s8+$0xFFFFFFD0]  }
0x118: {  	v6 =	vmul.f32 v2, v6;
	v3 =	vld [tilespmem:s8+$0xFFFFFFE0];
	[tilespmem:s8+$0xFFFFFFF0] =	vst v9  }
0x119: {  	[tilespmem:s8+$0xFFFFFF80] =	vst v8;
	v9 =	vmul.f32 v2, v7;
	v7 =	vld [tilespmem:s8+$0x0]  }
0x11a: {  	s14 =	sadd.s32 $0x2, s14;
	v10 =	vmov s31;
	[tilespmem:s8+$0xFFFFFF90] =	vst v6;
	v8 =	vmul.f32 v2, v11;
	v6 =	vld [tilespmem:s8+$0x10]  }
0x11b: {  	v11 =	vld [tilespmem:s8+$0x20]  }
0x11c: {  	v10 =	vand.u32 $0xFFFFFFFE, v10;
	s14 =	sadd.s32 $0x1, s31;
	v12 =	vld [tilespmem:s8+$0x30]  }
0x11d: {  	v14 =	vld [tilespmem:s8+$0x40];
	[tilespmem:s8+$0xFFFFFFA0] =	vst v9;
	v5 =	vmul.f32 v2, v5;
	v10 =	vbroadcast v10, $0x0;
	v13 =	vmov s14  }
0x11e: {  	v9 =	vld [tilespmem:s8+$0x50];
	[tilespmem:s8+$0xFFFFFFB0] =	vst v8;
	v4 =	vmul.f32 v2, v4  }
0x11f: {  	v8 =	vld [tilespmem:s8+$0x60];
	[tilespmem:s8+$0xFFFFFFC0] =	vst v5;
	v7 =	vmul.f32 v1, v7  }
0x120: {  	s18 =	sadd.s32 $0x100, s8;
	v2 =	vmul.f32 v2, v3;
	v3 =	vld [tilespmem:s8+$0x70];
	[tilespmem:s8+$0xFFFFFFD0] =	vst v4  }
0x121: {  	v4 =	vmul.f32 v1, v6;
	[tilespmem:s8+$0x0] =	vst v7;
	v7 =	vld [tilespmem:s18+$0xFFFFFFF0]  }
0x122: {  	[tilespmem:s8+$0xFFFFFFE0] =	vst v2;
	v2 =	vmul.f32 v1, v11;
	v5 =	vld.idx.msk [tilespmem:v13+s29+$0x0], $0xffff  }
0x123: {  	[tilespmem:s8+$0x10] =	vst v4;
	v4 =	vmul.f32 v1, v12;
	v6 =	vld.idx.msk [tilespmem:v10+s29+$0x0], $0xffff  }
0x124: {  	[tilespmem:s22+$0x20] =	vst v2;
	v2 =	vmul.f32 v1, v14;
	v10 =	vld [tilespmem:s18+$0xFFFFFF80]  }
0x125: {  	[tilespmem:s22+$0x30] =	vst v4;
	v4 =	vmul.f32 v1, v9;
	v9 =	vld [tilespmem:s18+$0xFFFFFF90]  }
0x126: {  	[tilespmem:s22+$0x40] =	vst v2;
	v2 =	vmul.f32 v1, v8;
	v8 =	vld [tilespmem:s18+$0xFFFFFFA0]  }
0x127: {  	v1 =	vmul.f32 v1, v3;
	v3 =	vld [tilespmem:s18+$0xFFFFFFB0];
	[tilespmem:s22+$0x50] =	vst v4  }
0x128: {  	[tilespmem:s22+$0x60] =	vst v2;
	v2 =	vld [tilespmem:s18+$0xFFFFFFC0];
	v4 =	vmul.f32 v6, v7  }
0x129: {  	[tilespmem:s22+$0x70] =	vst v1;
	v1 =	vmul.f32 v6, v10;
	v7 =	vld [tilespmem:s18+$0xFFFFFFD0]  }
0x12a: {  	v10 =	vld [tilespmem:s18+$0xFFFFFFE0];
	v9 =	vmul.f32 v6, v9;
	[tilespmem:s18+$0xFFFFFFF0] =	vst v4  }
0x12b: {  	[tilespmem:s18+$0xFFFFFF80] =	vst v1;
	v1 =	vmul.f32 v6, v8;
	v4 =	vld [tilespmem:s18+$0x0]  }
0x12c: {  	v3 =	vmul.f32 v6, v3;
	v8 =	vld [tilespmem:s18+$0x10];
	[tilespmem:s18+$0xFFFFFF90] =	vst v9  }
0x12d: {  	[tilespmem:s18+$0xFFFFFFA0] =	vst v1;
	v1 =	vmul.f32 v6, v2;
	v2 =	vld [tilespmem:s18+$0x20]  }
0x12e: {  	[tilespmem:s18+$0xFFFFFFB0] =	vst v3;
	v3 =	vmul.f32 v6, v7;
	v7 =	vld [tilespmem:s18+$0x30]  }
0x12f: {  	[tilespmem:s18+$0xFFFFFFC0] =	vst v1;
	v1 =	vmul.f32 v6, v10;
	v6 =	vld [tilespmem:s18+$0x40]  }
0x130: {  	[tilespmem:s18+$0xFFFFFFD0] =	vst v3;
	v3 =	vmul.f32 v5, v4;
	v4 =	vld [tilespmem:s18+$0x50]  }
0x131: {  	[tilespmem:s18+$0xFFFFFFE0] =	vst v1;
	v1 =	vmul.f32 v5, v8;
	v8 =	vld [tilespmem:s18+$0x60]  }
0x132: {  	[tilespmem:s18+$0x0] =	vst v3;
	v2 =	vmul.f32 v5, v2;
	v3 =	vld [tilespmem:s18+$0x70]  }
0x133: {  	[tilespmem:s18+$0x10] =	vst v1;
	v1 =	vmul.f32 v5, v7  }
0x134: {  	[tilespmem:s18+$0x20] =	vst v2;
	v2 =	vmul.f32 v5, v6  }
0x135: {  	[tilespmem:s18+$0x30] =	vst v1;
	v1 =	vmul.f32 v5, v4  }
0x136: {  	[tilespmem:s18+$0x40] =	vst v2;
	v2 =	vmul.f32 v5, v8  }
0x137: {  	[tilespmem:s18+$0x50] =	vst v1;
	v1 =	vmul.f32 v5, v3  }
0x138: {  	[tilespmem:s18+$0x60] =	vst v2  }
0x139: {  	s14 =	simm.s32 $0x14480;
	[tilespmem:s18+$0x70] =	vst v1  }
0x13a: {  	[spmem:s2] =	stream.indirect.scatter.add.f32 [tilespmem:s28], [sflag:$0xB], $0x80, s14, s3, $0xb8;
	[tilespmem:$0x1D000] =	vst v63  }
0x13b: {  	s18 =	rddreg [dreg:$0xd]  }
0x13c: {  	s8 =	sadd.s32 s25, s18  }
0x13d: {  	s8 =	sshrl.u32 s8, $0x3  }
0x13e: {  	s22 =	simm.s32 $0x0;
	s18 =	simm.s32 $0x14A00;
	s8 =	sadd.s32 s5, s8  }
0x13f: {  	[tilespmem:s18], [sflag:$0x6] =	stream.linear.gather [hbm4b:s8+s22], $0x180, $0x38;
	[tilespmem:$0x1D000] =	vst v63  }
0x140: {  	_ =	swait.ge [sflag:s26], $0x4000  }
0x141: {  	[sflag:s26] =	ssyncset.done $0x0  }
0x142: {  	v1 =	vmov s22;
	[sflag:s26] =	ssyncadd.s32 $0xFFFFC000  }
0x143: {  	v1 =	vand.u32 $0xFFFFFFFE, v1;
	_ =	swait.ge [sflag:s7], $0x180  }
0x144: {  	v1 =	vbroadcast v1, $0x0;
	[sflag:s7] =	ssyncset.done $0x0  }
0x145: {  	s18 =	simm.s32 $0x14800;
	[sflag:s7] =	ssyncadd.s32 $0xFFFFFE80  }
0x146: {  	[tilespmem:s28], [sflag:$0x9] =	stream.indirect.gather [hbm4b:s1+s3], $0x80, s18, s3, $0xb8;
	[tilespmem:$0x1D000] =	vst v63  }
0x147: {  	_ =	swait.ge [sflag:s0], $0x4000  }
0x148: {  	[sflag:s0] =	ssyncset.done $0x0  }
0x149: {  	[sflag:s0] =	ssyncadd.s32 $0xFFFFC000  }
0x14a: {  	s8 =	simm.s32 $0x190F0;
	v2 =	vld.idx.msk [tilespmem:v1+s4+$0x0], $0xffff  }
0x14b: {  	v1 =	vld [tilespmem:s8+$0xFFFFFF80]  }
0x14c: {  	v3 =	vld [tilespmem:s8+$0xFFFFFF10]  }
0x14d: {  	s22 =	simm.s32 $0x1;
	v6 =	vld [tilespmem:s8+$0xFFFFFF20]  }
0x14e: {  	v7 =	vmov s22;
	v8 =	vld [tilespmem:s8+$0xFFFFFF30]  }
0x14f: {  	v11 =	vld [tilespmem:s8+$0xFFFFFF40]  }
0x150: {  	v5 =	vld [tilespmem:s8+$0xFFFFFF50]  }
0x151: {  	v4 =	vld [tilespmem:s8+$0xFFFFFF60];
	v9 =	vmul.f32 v2, v1  }
0x152: {  	v10 =	vmul.f32 v2, v3;
	v3 =	vld [tilespmem:s8+$0xFFFFFF70]  }
0x153: {  	v1 =	vld.idx.msk [tilespmem:v7+s4+$0x0], $0xffff;
	v6 =	vmul.f32 v2, v6;
	[tilespmem:s8+$0xFFFFFF80] =	vst v9  }
0x154: {  	s31 =	simm.s32 $0x2;
	v7 =	vld [tilespmem:s8+$0xFFFFFF90];
	[tilespmem:s8+$0xFFFFFF10] =	vst v10;
	v9 =	vmul.f32 v2, v8  }
0x155: {  	s14 =	simm.s32 $0x4;
	s22 =	simm.s32 $0x190F0;
	v10 =	vmov s31;
	[tilespmem:s8+$0xFFFFFF20] =	vst v6;
	v8 =	vmul.f32 v2, v11;
	v6 =	vld [tilespmem:s8+$0xFFFFFFA0]  }
.LBB2_11:
0x156: {  	p0 =	slt.u32 s14, $0x7E;
	v10 =	vand.u32 $0xFFFFFFFE, v10;
	s18 =	sadd.s32 $0x1, s31;
	[tilespmem:s8+$0xFFFFFF30] =	vst v9;
	v5 =	vmul.f32 v2, v5;
	v9 =	vld [tilespmem:s8+$0xFFFFFFB0];
	s31 =	smov.u32 s14  }
0x157: {  	v10 =	vbroadcast v10, $0x0;
	v11 =	vmov s18;
	[tilespmem:s8+$0xFFFFFF40] =	vst v8;
	v4 =	vmul.f32 v2, v4;
	v8 =	vld [tilespmem:s8+$0xFFFFFFC0]  }
0x158: {  	[tilespmem:s8+$0xFFFFFF50] =	vst v5;
	v2 =	vmul.f32 v2, v3;
	v3 =	vld [tilespmem:s8+$0xFFFFFFD0]  }
0x159: {  	[tilespmem:s8+$0xFFFFFF60] =	vst v4;
	v4 =	vmul.f32 v1, v7;
	v5 =	vld [tilespmem:s8+$0xFFFFFFE0]  }
0x15a: {  	[tilespmem:s8+$0xFFFFFF70] =	vst v2;
	v2 =	vmul.f32 v1, v6;
	v6 =	vld [tilespmem:s8+$0xFFFFFFF0]  }
0x15b: {  	[tilespmem:s8+$0xFFFFFF90] =	vst v4;
	v4 =	vmul.f32 v1, v9;
	v7 =	vld [tilespmem:s8+$0x0]  }
0x15c: {  	v9 =	vld.idx.msk [tilespmem:v11+s4+$0x0], $0xffff;
	[tilespmem:s8+$0xFFFFFFA0] =	vst v2;
	v8 =	vmul.f32 v1, v8  }
0x15d: {  	s8 =	sadd.s32 $0x100, s8;
	v2 =	vld.idx.msk [tilespmem:v10+s4+$0x0], $0xffff;
	[tilespmem:s22+$0xFFFFFFB0] =	vst v4;
	v3 =	vmul.f32 v1, v3  }
0x15e: {  	v4 =	vld [tilespmem:s8+$0xFFFFFF80];
	[tilespmem:s22+$0xFFFFFFC0] =	vst v8;
	v5 =	vmul.f32 v1, v5  }
0x15f: {  	v8 =	vld [tilespmem:s8+$0xFFFFFF10];
	[tilespmem:s22+$0xFFFFFFD0] =	vst v3;
	v3 =	vmul.f32 v1, v6  }
0x160: {  	v6 =	vld [tilespmem:s8+$0xFFFFFF20];
	[tilespmem:s22+$0xFFFFFFE0] =	vst v5;
	v5 =	vmul.f32 v1, v7  }
0x161: {  	v7 =	vld [tilespmem:s8+$0xFFFFFF30];
	[tilespmem:s22+$0xFFFFFFF0] =	vst v3  }
0x162: {  	v1 =	vmov v9;
	v11 =	vld [tilespmem:s8+$0xFFFFFF40];
	[tilespmem:s22+$0x0] =	vst v5;
	s22 =	smov.u32 s8  }
.Ltmp4:
0x163: {  	v5 =	vld [tilespmem:s8+$0xFFFFFF50];
	v9 =	vmul.f32 v2, v4;
	(pc) =	sbr.rel @p0 .LBB2_11-.Ltmp4, $4  }
0x164: {  	v8 =	vmul.f32 v2, v8;
	v4 =	vld [tilespmem:s8+$0xFFFFFF60]  }
0x165: {  	v6 =	vmul.f32 v2, v6;
	v3 =	vld [tilespmem:s8+$0xFFFFFF70];
	[tilespmem:s8+$0xFFFFFF80] =	vst v9  }
0x166: {  	[tilespmem:s8+$0xFFFFFF10] =	vst v8;
	v9 =	vmul.f32 v2, v7;
	v7 =	vld [tilespmem:s8+$0xFFFFFF90]  }
0x167: {  	s14 =	sadd.s32 $0x2, s14;
	v10 =	vmov s31;
	[tilespmem:s8+$0xFFFFFF20] =	vst v6;
	v8 =	vmul.f32 v2, v11;
	v6 =	vld [tilespmem:s8+$0xFFFFFFA0]  }
0x168: {  	v11 =	vld [tilespmem:s8+$0xFFFFFFB0]  }
0x169: {  	v10 =	vand.u32 $0xFFFFFFFE, v10;
	s14 =	sadd.s32 $0x1, s31;
	v12 =	vld [tilespmem:s8+$0xFFFFFFC0]  }
0x16a: {  	v14 =	vld [tilespmem:s8+$0xFFFFFFD0];
	[tilespmem:s8+$0xFFFFFF30] =	vst v9;
	v5 =	vmul.f32 v2, v5;
	v10 =	vbroadcast v10, $0x0;
	v13 =	vmov s14  }
0x16b: {  	v9 =	vld [tilespmem:s8+$0xFFFFFFE0];
	[tilespmem:s8+$0xFFFFFF40] =	vst v8;
	v4 =	vmul.f32 v2, v4  }
0x16c: {  	v8 =	vld [tilespmem:s8+$0xFFFFFFF0];
	[tilespmem:s8+$0xFFFFFF50] =	vst v5;
	v7 =	vmul.f32 v1, v7  }
0x16d: {  	s18 =	sadd.s32 $0x100, s8;
	v2 =	vmul.f32 v2, v3;
	v3 =	vld [tilespmem:s8+$0x0];
	[tilespmem:s8+$0xFFFFFF60] =	vst v4  }
0x16e: {  	v4 =	vmul.f32 v1, v6;
	[tilespmem:s8+$0xFFFFFF90] =	vst v7;
	v7 =	vld [tilespmem:s18+$0xFFFFFF80]  }
0x16f: {  	[tilespmem:s8+$0xFFFFFF70] =	vst v2;
	v2 =	vmul.f32 v1, v11;
	v5 =	vld.idx.msk [tilespmem:v13+s4+$0x0], $0xffff  }
0x170: {  	[tilespmem:s8+$0xFFFFFFA0] =	vst v4;
	v4 =	vmul.f32 v1, v12;
	v6 =	vld.idx.msk [tilespmem:v10+s4+$0x0], $0xffff  }
0x171: {  	[tilespmem:s22+$0xFFFFFFB0] =	vst v2;
	v2 =	vmul.f32 v1, v14;
	v10 =	vld [tilespmem:s18+$0xFFFFFF10]  }
0x172: {  	[tilespmem:s22+$0xFFFFFFC0] =	vst v4;
	v4 =	vmul.f32 v1, v9;
	v9 =	vld [tilespmem:s18+$0xFFFFFF20]  }
0x173: {  	[tilespmem:s22+$0xFFFFFFD0] =	vst v2;
	v2 =	vmul.f32 v1, v8;
	v8 =	vld [tilespmem:s18+$0xFFFFFF30]  }
0x174: {  	v1 =	vmul.f32 v1, v3;
	v3 =	vld [tilespmem:s18+$0xFFFFFF40];
	[tilespmem:s22+$0xFFFFFFE0] =	vst v4  }
0x175: {  	[tilespmem:s22+$0xFFFFFFF0] =	vst v2;
	v2 =	vld [tilespmem:s18+$0xFFFFFF50];
	v4 =	vmul.f32 v6, v7  }
0x176: {  	[tilespmem:s22+$0x0] =	vst v1;
	v1 =	vmul.f32 v6, v10;
	v7 =	vld [tilespmem:s18+$0xFFFFFF60]  }
0x177: {  	v10 =	vld [tilespmem:s18+$0xFFFFFF70];
	v9 =	vmul.f32 v6, v9;
	[tilespmem:s18+$0xFFFFFF80] =	vst v4  }
0x178: {  	[tilespmem:s18+$0xFFFFFF10] =	vst v1;
	v1 =	vmul.f32 v6, v8;
	v4 =	vld [tilespmem:s18+$0xFFFFFF90]  }
0x179: {  	v3 =	vmul.f32 v6, v3;
	v8 =	vld [tilespmem:s18+$0xFFFFFFA0];
	[tilespmem:s18+$0xFFFFFF20] =	vst v9  }
0x17a: {  	[tilespmem:s18+$0xFFFFFF30] =	vst v1;
	v1 =	vmul.f32 v6, v2;
	v2 =	vld [tilespmem:s18+$0xFFFFFFB0]  }
0x17b: {  	[tilespmem:s18+$0xFFFFFF40] =	vst v3;
	v3 =	vmul.f32 v6, v7;
	v7 =	vld [tilespmem:s18+$0xFFFFFFC0]  }
0x17c: {  	[tilespmem:s18+$0xFFFFFF50] =	vst v1;
	v1 =	vmul.f32 v6, v10;
	v6 =	vld [tilespmem:s18+$0xFFFFFFD0]  }
0x17d: {  	[tilespmem:s18+$0xFFFFFF60] =	vst v3;
	v3 =	vmul.f32 v5, v4;
	v4 =	vld [tilespmem:s18+$0xFFFFFFE0]  }
0x17e: {  	[tilespmem:s18+$0xFFFFFF70] =	vst v1;
	v1 =	vmul.f32 v5, v8;
	v8 =	vld [tilespmem:s18+$0xFFFFFFF0]  }
0x17f: {  	[tilespmem:s18+$0xFFFFFF90] =	vst v3;
	v2 =	vmul.f32 v5, v2;
	v3 =	vld [tilespmem:s18+$0x0]  }
0x180: {  	[tilespmem:s18+$0xFFFFFFA0] =	vst v1;
	v1 =	vmul.f32 v5, v7  }
0x181: {  	[tilespmem:s18+$0xFFFFFFB0] =	vst v2;
	v2 =	vmul.f32 v5, v6  }
0x182: {  	[tilespmem:s18+$0xFFFFFFC0] =	vst v1;
	v1 =	vmul.f32 v5, v4  }
0x183: {  	[tilespmem:s18+$0xFFFFFFD0] =	vst v2;
	v2 =	vmul.f32 v5, v8  }
0x184: {  	[tilespmem:s18+$0xFFFFFFE0] =	vst v1;
	v1 =	vmul.f32 v5, v3  }
0x185: {  	[tilespmem:s18+$0xFFFFFFF0] =	vst v2  }
0x186: {  	s14 =	simm.s32 $0x14680;
	[tilespmem:s18+$0x0] =	vst v1  }
0x187: {  	[spmem:s2] =	stream.indirect.scatter.add.f32 [tilespmem:s19], [sflag:$0xC], $0x80, s14, s3, $0xb8;
	[tilespmem:$0x1D000] =	vst v63  }
0x188: {  	s18 =	rddreg [dreg:$0xe]  }
0x189: {  	s8 =	sadd.s32 s25, s18  }
0x18a: {  	s8 =	sshrl.u32 s8, $0x3  }
0x18b: {  	s22 =	simm.s32 $0x0;
	s18 =	simm.s32 $0x14C00;
	s8 =	sadd.s32 s5, s8  }
0x18c: {  	[tilespmem:s18], [sflag:$0x7] =	stream.linear.gather [hbm4b:s8+s22], $0x180, $0x38;
	[tilespmem:$0x1D000] =	vst v63  }
0x18d: {  	_ =	swait.ge [sflag:s9], $0x4000  }
0x18e: {  	[sflag:s9] =	ssyncset.done $0x0  }
0x18f: {  	v1 =	vmov s22;
	[sflag:s9] =	ssyncadd.s32 $0xFFFFC000  }
0x190: {  	v1 =	vand.u32 $0xFFFFFFFE, v1;
	_ =	swait.ge [sflag:s12], $0x180  }
0x191: {  	v1 =	vbroadcast v1, $0x0;
	[sflag:s12] =	ssyncset.done $0x0  }
0x192: {  	s18 =	simm.s32 $0x14A00;
	[sflag:s12] =	ssyncadd.s32 $0xFFFFFE80  }
0x193: {  	[tilespmem:s19], [sflag:$0xA] =	stream.indirect.gather [hbm4b:s1+s3], $0x80, s18, s3, $0xb8;
	[tilespmem:$0x1D000] =	vst v63  }
0x194: {  	_ =	swait.ge [sflag:s20], $0x4000  }
0x195: {  	[sflag:s20] =	ssyncset.done $0x0  }
0x196: {  	[sflag:s20] =	ssyncadd.s32 $0xFFFFC000  }
0x197: {  	s8 =	simm.s32 $0x15080;
	v2 =	vld.idx.msk [tilespmem:v1+s13+$0x0], $0xffff  }
0x198: {  	v1 =	vld [tilespmem:s8+$0xFFFFFFF0]  }
0x199: {  	v3 =	vld [tilespmem:s8+$0xFFFFFF80]  }
0x19a: {  	s22 =	simm.s32 $0x1;
	v6 =	vld [tilespmem:s8+$0xFFFFFF90]  }
0x19b: {  	v7 =	vmov s22;
	v8 =	vld [tilespmem:s8+$0xFFFFFFA0]  }
0x19c: {  	v11 =	vld [tilespmem:s8+$0xFFFFFFB0]  }
0x19d: {  	v5 =	vld [tilespmem:s8+$0xFFFFFFC0]  }
0x19e: {  	v4 =	vld [tilespmem:s8+$0xFFFFFFD0];
	v9 =	vmul.f32 v2, v1  }
0x19f: {  	v10 =	vmul.f32 v2, v3;
	v3 =	vld [tilespmem:s8+$0xFFFFFFE0]  }
0x1a0: {  	v1 =	vld.idx.msk [tilespmem:v7+s13+$0x0], $0xffff;
	v6 =	vmul.f32 v2, v6;
	[tilespmem:s8+$0xFFFFFFF0] =	vst v9  }
0x1a1: {  	s31 =	simm.s32 $0x2;
	v7 =	vld [tilespmem:s8+$0x0];
	[tilespmem:s8+$0xFFFFFF80] =	vst v10;
	v9 =	vmul.f32 v2, v8  }
0x1a2: {  	s14 =	simm.s32 $0x4;
	s22 =	simm.s32 $0x15080;
	v10 =	vmov s31;
	[tilespmem:s8+$0xFFFFFF90] =	vst v6;
	v8 =	vmul.f32 v2, v11;
	v6 =	vld [tilespmem:s8+$0x10]  }
.LBB2_13:
0x1a3: {  	p0 =	slt.u32 s14, $0x7E;
	v10 =	vand.u32 $0xFFFFFFFE, v10;
	s18 =	sadd.s32 $0x1, s31;
	[tilespmem:s8+$0xFFFFFFA0] =	vst v9;
	v5 =	vmul.f32 v2, v5;
	v9 =	vld [tilespmem:s8+$0x20];
	s31 =	smov.u32 s14  }
0x1a4: {  	v10 =	vbroadcast v10, $0x0;
	v11 =	vmov s18;
	[tilespmem:s8+$0xFFFFFFB0] =	vst v8;
	v4 =	vmul.f32 v2, v4;
	v8 =	vld [tilespmem:s8+$0x30]  }
0x1a5: {  	[tilespmem:s8+$0xFFFFFFC0] =	vst v5;
	v2 =	vmul.f32 v2, v3;
	v3 =	vld [tilespmem:s8+$0x40]  }
0x1a6: {  	[tilespmem:s8+$0xFFFFFFD0] =	vst v4;
	v4 =	vmul.f32 v1, v7;
	v5 =	vld [tilespmem:s8+$0x50]  }
0x1a7: {  	[tilespmem:s8+$0xFFFFFFE0] =	vst v2;
	v2 =	vmul.f32 v1, v6;
	v6 =	vld [tilespmem:s8+$0x60]  }
0x1a8: {  	[tilespmem:s8+$0x0] =	vst v4;
	v4 =	vmul.f32 v1, v9;
	v7 =	vld [tilespmem:s8+$0x70]  }
0x1a9: {  	v9 =	vld.idx.msk [tilespmem:v11+s13+$0x0], $0xffff;
	[tilespmem:s8+$0x10] =	vst v2;
	v8 =	vmul.f32 v1, v8  }
0x1aa: {  	s8 =	sadd.s32 $0x100, s8;
	v2 =	vld.idx.msk [tilespmem:v10+s13+$0x0], $0xffff;
	[tilespmem:s22+$0x20] =	vst v4;
	v3 =	vmul.f32 v1, v3  }
0x1ab: {  	v4 =	vld [tilespmem:s8+$0xFFFFFFF0];
	[tilespmem:s22+$0x30] =	vst v8;
	v5 =	vmul.f32 v1, v5  }
0x1ac: {  	v8 =	vld [tilespmem:s8+$0xFFFFFF80];
	[tilespmem:s22+$0x40] =	vst v3;
	v3 =	vmul.f32 v1, v6  }
0x1ad: {  	v6 =	vld [tilespmem:s8+$0xFFFFFF90];
	[tilespmem:s22+$0x50] =	vst v5;
	v5 =	vmul.f32 v1, v7  }
0x1ae: {  	v7 =	vld [tilespmem:s8+$0xFFFFFFA0];
	[tilespmem:s22+$0x60] =	vst v3  }
0x1af: {  	v1 =	vmov v9;
	v11 =	vld [tilespmem:s8+$0xFFFFFFB0];
	[tilespmem:s22+$0x70] =	vst v5;
	s22 =	smov.u32 s8  }
.Ltmp5:
0x1b0: {  	v5 =	vld [tilespmem:s8+$0xFFFFFFC0];
	v9 =	vmul.f32 v2, v4;
	(pc) =	sbr.rel @p0 .LBB2_13-.Ltmp5, $4  }
0x1b1: {  	v8 =	vmul.f32 v2, v8;
	v4 =	vld [tilespmem:s8+$0xFFFFFFD0]  }
0x1b2: {  	v6 =	vmul.f32 v2, v6;
	v3 =	vld [tilespmem:s8+$0xFFFFFFE0];
	[tilespmem:s8+$0xFFFFFFF0] =	vst v9  }
0x1b3: {  	[tilespmem:s8+$0xFFFFFF80] =	vst v8;
	v9 =	vmul.f32 v2, v7;
	v7 =	vld [tilespmem:s8+$0x0]  }
0x1b4: {  	s14 =	sadd.s32 $0x2, s14;
	v10 =	vmov s31;
	[tilespmem:s8+$0xFFFFFF90] =	vst v6;
	v8 =	vmul.f32 v2, v11;
	v6 =	vld [tilespmem:s8+$0x10]  }
0x1b5: {  	v11 =	vld [tilespmem:s8+$0x20]  }
0x1b6: {  	v10 =	vand.u32 $0xFFFFFFFE, v10;
	s14 =	sadd.s32 $0x1, s31;
	v12 =	vld [tilespmem:s8+$0x30]  }
0x1b7: {  	v14 =	vld [tilespmem:s8+$0x40];
	[tilespmem:s8+$0xFFFFFFA0] =	vst v9;
	v5 =	vmul.f32 v2, v5;
	v10 =	vbroadcast v10, $0x0;
	v13 =	vmov s14  }
0x1b8: {  	v9 =	vld [tilespmem:s8+$0x50];
	[tilespmem:s8+$0xFFFFFFB0] =	vst v8;
	v4 =	vmul.f32 v2, v4  }
0x1b9: {  	v8 =	vld [tilespmem:s8+$0x60];
	[tilespmem:s8+$0xFFFFFFC0] =	vst v5;
	v7 =	vmul.f32 v1, v7  }
0x1ba: {  	s18 =	sadd.s32 $0x100, s8;
	v2 =	vmul.f32 v2, v3;
	v3 =	vld [tilespmem:s8+$0x70];
	[tilespmem:s8+$0xFFFFFFD0] =	vst v4  }
0x1bb: {  	v4 =	vmul.f32 v1, v6;
	[tilespmem:s8+$0x0] =	vst v7;
	v7 =	vld [tilespmem:s18+$0xFFFFFFF0]  }
0x1bc: {  	[tilespmem:s8+$0xFFFFFFE0] =	vst v2;
	v2 =	vmul.f32 v1, v11;
	v5 =	vld.idx.msk [tilespmem:v13+s13+$0x0], $0xffff  }
0x1bd: {  	[tilespmem:s8+$0x10] =	vst v4;
	v4 =	vmul.f32 v1, v12;
	v6 =	vld.idx.msk [tilespmem:v10+s13+$0x0], $0xffff  }
0x1be: {  	[tilespmem:s22+$0x20] =	vst v2;
	v2 =	vmul.f32 v1, v14;
	v10 =	vld [tilespmem:s18+$0xFFFFFF80]  }
0x1bf: {  	[tilespmem:s22+$0x30] =	vst v4;
	v4 =	vmul.f32 v1, v9;
	v9 =	vld [tilespmem:s18+$0xFFFFFF90]  }
0x1c0: {  	[tilespmem:s22+$0x40] =	vst v2;
	v2 =	vmul.f32 v1, v8;
	v8 =	vld [tilespmem:s18+$0xFFFFFFA0]  }
0x1c1: {  	v1 =	vmul.f32 v1, v3;
	v3 =	vld [tilespmem:s18+$0xFFFFFFB0];
	[tilespmem:s22+$0x50] =	vst v4  }
0x1c2: {  	[tilespmem:s22+$0x60] =	vst v2;
	v2 =	vld [tilespmem:s18+$0xFFFFFFC0];
	v4 =	vmul.f32 v6, v7  }
0x1c3: {  	[tilespmem:s22+$0x70] =	vst v1;
	v1 =	vmul.f32 v6, v10;
	v7 =	vld [tilespmem:s18+$0xFFFFFFD0]  }
0x1c4: {  	v10 =	vld [tilespmem:s18+$0xFFFFFFE0];
	v9 =	vmul.f32 v6, v9;
	[tilespmem:s18+$0xFFFFFFF0] =	vst v4  }
0x1c5: {  	[tilespmem:s18+$0xFFFFFF80] =	vst v1;
	v1 =	vmul.f32 v6, v8;
	v4 =	vld [tilespmem:s18+$0x0]  }
0x1c6: {  	v3 =	vmul.f32 v6, v3;
	v8 =	vld [tilespmem:s18+$0x10];
	[tilespmem:s18+$0xFFFFFF90] =	vst v9  }
0x1c7: {  	[tilespmem:s18+$0xFFFFFFA0] =	vst v1;
	v1 =	vmul.f32 v6, v2;
	v2 =	vld [tilespmem:s18+$0x20]  }
0x1c8: {  	[tilespmem:s18+$0xFFFFFFB0] =	vst v3;
	v3 =	vmul.f32 v6, v7;
	v7 =	vld [tilespmem:s18+$0x30]  }
0x1c9: {  	[tilespmem:s18+$0xFFFFFFC0] =	vst v1;
	v1 =	vmul.f32 v6, v10;
	v6 =	vld [tilespmem:s18+$0x40]  }
0x1ca: {  	[tilespmem:s18+$0xFFFFFFD0] =	vst v3;
	v3 =	vmul.f32 v5, v4;
	v4 =	vld [tilespmem:s18+$0x50]  }
0x1cb: {  	[tilespmem:s18+$0xFFFFFFE0] =	vst v1;
	v1 =	vmul.f32 v5, v8;
	v8 =	vld [tilespmem:s18+$0x60]  }
0x1cc: {  	[tilespmem:s18+$0x0] =	vst v3;
	v2 =	vmul.f32 v5, v2;
	v3 =	vld [tilespmem:s18+$0x70]  }
0x1cd: {  	[tilespmem:s18+$0x10] =	vst v1;
	v1 =	vmul.f32 v5, v7  }
0x1ce: {  	[tilespmem:s18+$0x20] =	vst v2;
	v2 =	vmul.f32 v5, v6  }
0x1cf: {  	[tilespmem:s18+$0x30] =	vst v1;
	v1 =	vmul.f32 v5, v4  }
0x1d0: {  	[tilespmem:s18+$0x40] =	vst v2;
	v2 =	vmul.f32 v5, v8  }
0x1d1: {  	[tilespmem:s18+$0x50] =	vst v1;
	v1 =	vmul.f32 v5, v3  }
0x1d2: {  	[tilespmem:s18+$0x60] =	vst v2  }
0x1d3: {  	s14 =	simm.s32 $0x14880;
	[tilespmem:s18+$0x70] =	vst v1  }
0x1d4: {  	[spmem:s2] =	stream.indirect.scatter.add.f32 [tilespmem:s28], [sflag:$0xB], $0x80, s14, s3, $0xb8;
	[tilespmem:$0x1D000] =	vst v63  }
0x1d5: {  	s18 =	rddreg [dreg:$0xf]  }
0x1d6: {  	s8 =	sadd.s32 s25, s18  }
0x1d7: {  	s8 =	sshrl.u32 s8, $0x3  }
0x1d8: {  	s22 =	simm.s32 $0x0;
	s18 =	simm.s32 $0x14E00;
	s8 =	sadd.s32 s5, s8  }
0x1d9: {  	[tilespmem:s18], [sflag:$0x8] =	stream.linear.gather [hbm4b:s8+s22], $0x180, $0x38;
	[tilespmem:$0x1D000] =	vst v63  }
0x1da: {  	_ =	swait.ge [sflag:s26], $0x4000  }
0x1db: {  	[sflag:s26] =	ssyncset.done $0x0  }
0x1dc: {  	v1 =	vmov s22;
	[sflag:s26] =	ssyncadd.s32 $0xFFFFC000  }
0x1dd: {  	v1 =	vand.u32 $0xFFFFFFFE, v1;
	_ =	swait.ge [sflag:s15], $0x180  }
0x1de: {  	v1 =	vbroadcast v1, $0x0;
	[sflag:s15] =	ssyncset.done $0x0  }
0x1df: {  	s18 =	simm.s32 $0x14C00;
	[sflag:s15] =	ssyncadd.s32 $0xFFFFFE80  }
0x1e0: {  	[tilespmem:s28], [sflag:$0x9] =	stream.indirect.gather [hbm4b:s1+s3], $0x80, s18, s3, $0xb8;
	[tilespmem:$0x1D000] =	vst v63  }
0x1e1: {  	_ =	swait.ge [sflag:s0], $0x4000  }
0x1e2: {  	[sflag:s0] =	ssyncset.done $0x0  }
0x1e3: {  	[sflag:s0] =	ssyncadd.s32 $0xFFFFC000  }
0x1e4: {  	s8 =	simm.s32 $0x190F0;
	v2 =	vld.idx.msk [tilespmem:v1+s16+$0x0], $0xffff  }
0x1e5: {  	v1 =	vld [tilespmem:s8+$0xFFFFFF80]  }
0x1e6: {  	v3 =	vld [tilespmem:s8+$0xFFFFFF10]  }
0x1e7: {  	s22 =	simm.s32 $0x1;
	v6 =	vld [tilespmem:s8+$0xFFFFFF20]  }
0x1e8: {  	v7 =	vmov s22;
	v8 =	vld [tilespmem:s8+$0xFFFFFF30]  }
0x1e9: {  	v11 =	vld [tilespmem:s8+$0xFFFFFF40]  }
0x1ea: {  	v5 =	vld [tilespmem:s8+$0xFFFFFF50]  }
0x1eb: {  	v4 =	vld [tilespmem:s8+$0xFFFFFF60];
	v9 =	vmul.f32 v2, v1  }
0x1ec: {  	v10 =	vmul.f32 v2, v3;
	v3 =	vld [tilespmem:s8+$0xFFFFFF70]  }
0x1ed: {  	v1 =	vld.idx.msk [tilespmem:v7+s16+$0x0], $0xffff;
	v6 =	vmul.f32 v2, v6;
	[tilespmem:s8+$0xFFFFFF80] =	vst v9  }
0x1ee: {  	s31 =	simm.s32 $0x2;
	v7 =	vld [tilespmem:s8+$0xFFFFFF90];
	[tilespmem:s8+$0xFFFFFF10] =	vst v10;
	v9 =	vmul.f32 v2, v8  }
0x1ef: {  	s14 =	simm.s32 $0x4;
	s22 =	simm.s32 $0x190F0;
	v10 =	vmov s31;
	[tilespmem:s8+$0xFFFFFF20] =	vst v6;
	v8 =	vmul.f32 v2, v11;
	v6 =	vld [tilespmem:s8+$0xFFFFFFA0]  }
.LBB2_15:
0x1f0: {  	p0 =	slt.u32 s14, $0x7E;
	v10 =	vand.u32 $0xFFFFFFFE, v10;
	s18 =	sadd.s32 $0x1, s31;
	[tilespmem:s8+$0xFFFFFF30] =	vst v9;
	v5 =	vmul.f32 v2, v5;
	v9 =	vld [tilespmem:s8+$0xFFFFFFB0];
	s31 =	smov.u32 s14  }
0x1f1: {  	v10 =	vbroadcast v10, $0x0;
	v11 =	vmov s18;
	[tilespmem:s8+$0xFFFFFF40] =	vst v8;
	v4 =	vmul.f32 v2, v4;
	v8 =	vld [tilespmem:s8+$0xFFFFFFC0]  }
0x1f2: {  	[tilespmem:s8+$0xFFFFFF50] =	vst v5;
	v2 =	vmul.f32 v2, v3;
	v3 =	vld [tilespmem:s8+$0xFFFFFFD0]  }
0x1f3: {  	[tilespmem:s8+$0xFFFFFF60] =	vst v4;
	v4 =	vmul.f32 v1, v7;
	v5 =	vld [tilespmem:s8+$0xFFFFFFE0]  }
0x1f4: {  	[tilespmem:s8+$0xFFFFFF70] =	vst v2;
	v2 =	vmul.f32 v1, v6;
	v6 =	vld [tilespmem:s8+$0xFFFFFFF0]  }
0x1f5: {  	[tilespmem:s8+$0xFFFFFF90] =	vst v4;
	v4 =	vmul.f32 v1, v9;
	v7 =	vld [tilespmem:s8+$0x0]  }
0x1f6: {  	v9 =	vld.idx.msk [tilespmem:v11+s16+$0x0], $0xffff;
	[tilespmem:s8+$0xFFFFFFA0] =	vst v2;
	v8 =	vmul.f32 v1, v8  }
0x1f7: {  	s8 =	sadd.s32 $0x100, s8;
	v2 =	vld.idx.msk [tilespmem:v10+s16+$0x0], $0xffff;
	[tilespmem:s22+$0xFFFFFFB0] =	vst v4;
	v3 =	vmul.f32 v1, v3  }
0x1f8: {  	v4 =	vld [tilespmem:s8+$0xFFFFFF80];
	[tilespmem:s22+$0xFFFFFFC0] =	vst v8;
	v5 =	vmul.f32 v1, v5  }
0x1f9: {  	v8 =	vld [tilespmem:s8+$0xFFFFFF10];
	[tilespmem:s22+$0xFFFFFFD0] =	vst v3;
	v3 =	vmul.f32 v1, v6  }
0x1fa: {  	v6 =	vld [tilespmem:s8+$0xFFFFFF20];
	[tilespmem:s22+$0xFFFFFFE0] =	vst v5;
	v5 =	vmul.f32 v1, v7  }
0x1fb: {  	v7 =	vld [tilespmem:s8+$0xFFFFFF30];
	[tilespmem:s22+$0xFFFFFFF0] =	vst v3  }
0x1fc: {  	v1 =	vmov v9;
	v11 =	vld [tilespmem:s8+$0xFFFFFF40];
	[tilespmem:s22+$0x0] =	vst v5;
	s22 =	smov.u32 s8  }
.Ltmp6:
0x1fd: {  	v5 =	vld [tilespmem:s8+$0xFFFFFF50];
	v9 =	vmul.f32 v2, v4;
	(pc) =	sbr.rel @p0 .LBB2_15-.Ltmp6, $4  }
0x1fe: {  	v8 =	vmul.f32 v2, v8;
	v4 =	vld [tilespmem:s8+$0xFFFFFF60]  }
0x1ff: {  	v6 =	vmul.f32 v2, v6;
	v3 =	vld [tilespmem:s8+$0xFFFFFF70];
	[tilespmem:s8+$0xFFFFFF80] =	vst v9  }
0x200: {  	[tilespmem:s8+$0xFFFFFF10] =	vst v8;
	v9 =	vmul.f32 v2, v7;
	v7 =	vld [tilespmem:s8+$0xFFFFFF90]  }
0x201: {  	s14 =	sadd.s32 $0x2, s14;
	v10 =	vmov s31;
	[tilespmem:s8+$0xFFFFFF20] =	vst v6;
	v8 =	vmul.f32 v2, v11;
	v6 =	vld [tilespmem:s8+$0xFFFFFFA0]  }
0x202: {  	v11 =	vld [tilespmem:s8+$0xFFFFFFB0]  }
0x203: {  	v10 =	vand.u32 $0xFFFFFFFE, v10;
	s14 =	sadd.s32 $0x1, s31;
	v12 =	vld [tilespmem:s8+$0xFFFFFFC0]  }
0x204: {  	v14 =	vld [tilespmem:s8+$0xFFFFFFD0];
	[tilespmem:s8+$0xFFFFFF30] =	vst v9;
	v5 =	vmul.f32 v2, v5;
	v10 =	vbroadcast v10, $0x0;
	v13 =	vmov s14  }
0x205: {  	v9 =	vld [tilespmem:s8+$0xFFFFFFE0];
	[tilespmem:s8+$0xFFFFFF40] =	vst v8;
	v4 =	vmul.f32 v2, v4  }
0x206: {  	v8 =	vld [tilespmem:s8+$0xFFFFFFF0];
	[tilespmem:s8+$0xFFFFFF50] =	vst v5;
	v7 =	vmul.f32 v1, v7  }
0x207: {  	s18 =	sadd.s32 $0x100, s8;
	v2 =	vmul.f32 v2, v3;
	v3 =	vld [tilespmem:s8+$0x0];
	[tilespmem:s8+$0xFFFFFF60] =	vst v4  }
0x208: {  	v4 =	vmul.f32 v1, v6;
	[tilespmem:s8+$0xFFFFFF90] =	vst v7;
	v7 =	vld [tilespmem:s18+$0xFFFFFF80]  }
0x209: {  	[tilespmem:s8+$0xFFFFFF70] =	vst v2;
	v2 =	vmul.f32 v1, v11;
	v5 =	vld.idx.msk [tilespmem:v13+s16+$0x0], $0xffff  }
0x20a: {  	[tilespmem:s8+$0xFFFFFFA0] =	vst v4;
	v4 =	vmul.f32 v1, v12;
	v6 =	vld.idx.msk [tilespmem:v10+s16+$0x0], $0xffff  }
0x20b: {  	[tilespmem:s22+$0xFFFFFFB0] =	vst v2;
	v2 =	vmul.f32 v1, v14;
	v10 =	vld [tilespmem:s18+$0xFFFFFF10]  }
0x20c: {  	[tilespmem:s22+$0xFFFFFFC0] =	vst v4;
	v4 =	vmul.f32 v1, v9;
	v9 =	vld [tilespmem:s18+$0xFFFFFF20]  }
0x20d: {  	[tilespmem:s22+$0xFFFFFFD0] =	vst v2;
	v2 =	vmul.f32 v1, v8;
	v8 =	vld [tilespmem:s18+$0xFFFFFF30]  }
0x20e: {  	v1 =	vmul.f32 v1, v3;
	v3 =	vld [tilespmem:s18+$0xFFFFFF40];
	[tilespmem:s22+$0xFFFFFFE0] =	vst v4  }
0x20f: {  	[tilespmem:s22+$0xFFFFFFF0] =	vst v2;
	v2 =	vld [tilespmem:s18+$0xFFFFFF50];
	v4 =	vmul.f32 v6, v7  }
0x210: {  	[tilespmem:s22+$0x0] =	vst v1;
	v1 =	vmul.f32 v6, v10;
	v7 =	vld [tilespmem:s18+$0xFFFFFF60]  }
0x211: {  	v10 =	vld [tilespmem:s18+$0xFFFFFF70];
	v9 =	vmul.f32 v6, v9;
	[tilespmem:s18+$0xFFFFFF80] =	vst v4  }
0x212: {  	[tilespmem:s18+$0xFFFFFF10] =	vst v1;
	v1 =	vmul.f32 v6, v8;
	v4 =	vld [tilespmem:s18+$0xFFFFFF90]  }
0x213: {  	v3 =	vmul.f32 v6, v3;
	v8 =	vld [tilespmem:s18+$0xFFFFFFA0];
	[tilespmem:s18+$0xFFFFFF20] =	vst v9  }
0x214: {  	[tilespmem:s18+$0xFFFFFF30] =	vst v1;
	v1 =	vmul.f32 v6, v2;
	v2 =	vld [tilespmem:s18+$0xFFFFFFB0]  }
0x215: {  	[tilespmem:s18+$0xFFFFFF40] =	vst v3;
	v3 =	vmul.f32 v6, v7;
	v7 =	vld [tilespmem:s18+$0xFFFFFFC0]  }
0x216: {  	[tilespmem:s18+$0xFFFFFF50] =	vst v1;
	v1 =	vmul.f32 v6, v10;
	v6 =	vld [tilespmem:s18+$0xFFFFFFD0]  }
0x217: {  	[tilespmem:s18+$0xFFFFFF60] =	vst v3;
	v3 =	vmul.f32 v5, v4;
	v4 =	vld [tilespmem:s18+$0xFFFFFFE0]  }
0x218: {  	[tilespmem:s18+$0xFFFFFF70] =	vst v1;
	v1 =	vmul.f32 v5, v8;
	v8 =	vld [tilespmem:s18+$0xFFFFFFF0]  }
0x219: {  	[tilespmem:s18+$0xFFFFFF90] =	vst v3;
	v2 =	vmul.f32 v5, v2;
	v3 =	vld [tilespmem:s18+$0x0]  }
0x21a: {  	[tilespmem:s18+$0xFFFFFFA0] =	vst v1;
	v1 =	vmul.f32 v5, v7  }
0x21b: {  	[tilespmem:s18+$0xFFFFFFB0] =	vst v2;
	v2 =	vmul.f32 v5, v6  }
0x21c: {  	[tilespmem:s18+$0xFFFFFFC0] =	vst v1;
	v1 =	vmul.f32 v5, v4  }
0x21d: {  	[tilespmem:s18+$0xFFFFFFD0] =	vst v2;
	v2 =	vmul.f32 v5, v8  }
0x21e: {  	p0 =	seq.s32 s30, $0x9;
	[tilespmem:s18+$0xFFFFFFE0] =	vst v1;
	v1 =	vmul.f32 v5, v3  }
0x21f: {  	s8 =	sadd.s32 @!p0 s25, s11;
	[tilespmem:s18+$0xFFFFFFF0] =	vst v2  }
0x220: {  	s8 =	sshrl.u32 @!p0 s8, $0x3;
	s22 =	simm.s32 $0x14A80;
	[tilespmem:s18+$0x0] =	vst v1  }
0x221: {  	[spmem:s2] =	stream.indirect.scatter.add.f32 [tilespmem:s19], [sflag:$0xC], $0x80, s22, s3, $0xb8;
	[tilespmem:$0x1D000] =	vst v63  }
0x222: {  	s14 =	simm.s32 @!p0 $0x0;
	s8 =	sadd.s32 @!p0 s5, s8;
	s18 =	simm.s32 @!p0 $0x14000  }
0x223: {  	[tilespmem:s18], [sflag:$0x1] =	stream.linear.gather @!p0 [hbm4b:s8+s14], $0x180, $0x38;
	[tilespmem:$0x1D000] =	vst v63  }
0x224: {  	_ =	swait.ge [sflag:s9], $0x4000  }
0x225: {  	s14 =	simm.s32 $0x0;
	[sflag:s9] =	ssyncset.done $0x0  }
0x226: {  	v1 =	vmov s14;
	[sflag:s9] =	ssyncadd.s32 $0xFFFFC000  }
0x227: {  	v1 =	vand.u32 $0xFFFFFFFE, v1;
	_ =	swait.ge [sflag:s17], $0x180  }
0x228: {  	v1 =	vbroadcast v1, $0x0;
	[sflag:s17] =	ssyncset.done $0x0  }
0x229: {  	s18 =	simm.s32 $0x14E00;
	[sflag:s17] =	ssyncadd.s32 $0xFFFFFE80  }
0x22a: {  	[tilespmem:s19], [sflag:$0xA] =	stream.indirect.gather [hbm4b:s1+s3], $0x80, s18, s3, $0xb8;
	[tilespmem:$0x1D000] =	vst v63  }
0x22b: {  	_ =	swait.ge [sflag:s20], $0x4000  }
0x22c: {  	[sflag:s20] =	ssyncset.done $0x0  }
0x22d: {  	[sflag:s20] =	ssyncadd.s32 $0xFFFFC000  }
0x22e: {  	s8 =	simm.s32 $0x15080;
	v2 =	vld.idx.msk [tilespmem:v1+s23+$0x0], $0xffff  }
0x22f: {  	v1 =	vld [tilespmem:s8+$0xFFFFFFF0]  }
0x230: {  	v3 =	vld [tilespmem:s8+$0xFFFFFF80]  }
0x231: {  	s22 =	simm.s32 $0x1;
	v6 =	vld [tilespmem:s8+$0xFFFFFF90]  }
0x232: {  	v7 =	vmov s22;
	v8 =	vld [tilespmem:s8+$0xFFFFFFA0]  }
0x233: {  	v11 =	vld [tilespmem:s8+$0xFFFFFFB0]  }
0x234: {  	v5 =	vld [tilespmem:s8+$0xFFFFFFC0]  }
0x235: {  	v4 =	vld [tilespmem:s8+$0xFFFFFFD0];
	v9 =	vmul.f32 v2, v1  }
0x236: {  	v10 =	vmul.f32 v2, v3;
	v3 =	vld [tilespmem:s8+$0xFFFFFFE0]  }
0x237: {  	v1 =	vld.idx.msk [tilespmem:v7+s23+$0x0], $0xffff;
	v6 =	vmul.f32 v2, v6;
	[tilespmem:s8+$0xFFFFFFF0] =	vst v9  }
0x238: {  	s31 =	simm.s32 $0x2;
	v7 =	vld [tilespmem:s8+$0x0];
	[tilespmem:s8+$0xFFFFFF80] =	vst v10;
	v9 =	vmul.f32 v2, v8  }
0x239: {  	s22 =	simm.s32 $0x15080;
	s14 =	simm.s32 $0x4;
	v10 =	vmov s31;
	[tilespmem:s8+$0xFFFFFF90] =	vst v6;
	v8 =	vmul.f32 v2, v11;
	v6 =	vld [tilespmem:s8+$0x10]  }
.LBB2_17:
0x23a: {  	p1 =	slt.u32 s14, $0x7E;
	v10 =	vand.u32 $0xFFFFFFFE, v10;
	s18 =	sadd.s32 $0x1, s31;
	[tilespmem:s8+$0xFFFFFFA0] =	vst v9;
	v5 =	vmul.f32 v2, v5;
	v9 =	vld [tilespmem:s8+$0x20];
	s31 =	smov.u32 s14  }
0x23b: {  	v10 =	vbroadcast v10, $0x0;
	v11 =	vmov s18;
	[tilespmem:s8+$0xFFFFFFB0] =	vst v8;
	v4 =	vmul.f32 v2, v4;
	v8 =	vld [tilespmem:s8+$0x30]  }
0x23c: {  	[tilespmem:s8+$0xFFFFFFC0] =	vst v5;
	v2 =	vmul.f32 v2, v3;
	v3 =	vld [tilespmem:s8+$0x40]  }
0x23d: {  	[tilespmem:s8+$0xFFFFFFD0] =	vst v4;
	v4 =	vmul.f32 v1, v7;
	v5 =	vld [tilespmem:s8+$0x50]  }
0x23e: {  	[tilespmem:s8+$0xFFFFFFE0] =	vst v2;
	v2 =	vmul.f32 v1, v6;
	v6 =	vld [tilespmem:s8+$0x60]  }
0x23f: {  	[tilespmem:s8+$0x0] =	vst v4;
	v4 =	vmul.f32 v1, v9;
	v7 =	vld [tilespmem:s8+$0x70]  }
0x240: {  	v9 =	vld.idx.msk [tilespmem:v11+s23+$0x0], $0xffff;
	[tilespmem:s8+$0x10] =	vst v2;
	v8 =	vmul.f32 v1, v8  }
0x241: {  	s8 =	sadd.s32 $0x100, s8;
	v2 =	vld.idx.msk [tilespmem:v10+s23+$0x0], $0xffff;
	[tilespmem:s22+$0x20] =	vst v4;
	v3 =	vmul.f32 v1, v3  }
0x242: {  	v4 =	vld [tilespmem:s8+$0xFFFFFFF0];
	[tilespmem:s22+$0x30] =	vst v8;
	v5 =	vmul.f32 v1, v5  }
0x243: {  	v8 =	vld [tilespmem:s8+$0xFFFFFF80];
	[tilespmem:s22+$0x40] =	vst v3;
	v3 =	vmul.f32 v1, v6  }
0x244: {  	v6 =	vld [tilespmem:s8+$0xFFFFFF90];
	[tilespmem:s22+$0x50] =	vst v5;
	v5 =	vmul.f32 v1, v7  }
0x245: {  	v7 =	vld [tilespmem:s8+$0xFFFFFFA0];
	[tilespmem:s22+$0x60] =	vst v3  }
0x246: {  	v1 =	vmov v9;
	v11 =	vld [tilespmem:s8+$0xFFFFFFB0];
	[tilespmem:s22+$0x70] =	vst v5;
	s22 =	smov.u32 s8  }
.Ltmp7:
0x247: {  	v5 =	vld [tilespmem:s8+$0xFFFFFFC0];
	v9 =	vmul.f32 v2, v4;
	(pc) =	sbr.rel @p1 .LBB2_17-.Ltmp7, $4  }
0x248: {  	v8 =	vmul.f32 v2, v8;
	v4 =	vld [tilespmem:s8+$0xFFFFFFD0]  }
0x249: {  	v6 =	vmul.f32 v2, v6;
	v3 =	vld [tilespmem:s8+$0xFFFFFFE0];
	[tilespmem:s8+$0xFFFFFFF0] =	vst v9  }
0x24a: {  	[tilespmem:s8+$0xFFFFFF80] =	vst v8;
	v9 =	vmul.f32 v2, v7;
	v7 =	vld [tilespmem:s8+$0x0]  }
0x24b: {  	s14 =	sadd.s32 $0x2, s14;
	v10 =	vmov s31;
	[tilespmem:s8+$0xFFFFFF90] =	vst v6;
	v8 =	vmul.f32 v2, v11;
	v6 =	vld [tilespmem:s8+$0x10]  }
0x24c: {  	v11 =	vld [tilespmem:s8+$0x20]  }
0x24d: {  	v10 =	vand.u32 $0xFFFFFFFE, v10;
	s14 =	sadd.s32 $0x1, s31;
	v12 =	vld [tilespmem:s8+$0x30]  }
0x24e: {  	v14 =	vld [tilespmem:s8+$0x40];
	[tilespmem:s8+$0xFFFFFFA0] =	vst v9;
	v5 =	vmul.f32 v2, v5;
	v10 =	vbroadcast v10, $0x0;
	v13 =	vmov s14  }
0x24f: {  	v9 =	vld [tilespmem:s8+$0x50];
	[tilespmem:s8+$0xFFFFFFB0] =	vst v8;
	v4 =	vmul.f32 v2, v4  }
0x250: {  	v8 =	vld [tilespmem:s8+$0x60];
	[tilespmem:s8+$0xFFFFFFC0] =	vst v5;
	v7 =	vmul.f32 v1, v7  }
0x251: {  	s18 =	sadd.s32 $0x100, s8;
	v2 =	vmul.f32 v2, v3;
	v3 =	vld [tilespmem:s8+$0x70];
	[tilespmem:s8+$0xFFFFFFD0] =	vst v4  }
0x252: {  	v4 =	vmul.f32 v1, v6;
	[tilespmem:s8+$0x0] =	vst v7;
	v7 =	vld [tilespmem:s18+$0xFFFFFFF0]  }
0x253: {  	[tilespmem:s8+$0xFFFFFFE0] =	vst v2;
	v2 =	vmul.f32 v1, v11;
	v5 =	vld.idx.msk [tilespmem:v13+s23+$0x0], $0xffff  }
0x254: {  	[tilespmem:s8+$0x10] =	vst v4;
	v4 =	vmul.f32 v1, v12;
	v6 =	vld.idx.msk [tilespmem:v10+s23+$0x0], $0xffff  }
0x255: {  	[tilespmem:s22+$0x20] =	vst v2;
	v2 =	vmul.f32 v1, v14;
	v10 =	vld [tilespmem:s18+$0xFFFFFF80]  }
0x256: {  	[tilespmem:s22+$0x30] =	vst v4;
	v4 =	vmul.f32 v1, v9;
	v9 =	vld [tilespmem:s18+$0xFFFFFF90]  }
0x257: {  	[tilespmem:s22+$0x40] =	vst v2;
	v2 =	vmul.f32 v1, v8;
	v8 =	vld [tilespmem:s18+$0xFFFFFFA0]  }
0x258: {  	v1 =	vmul.f32 v1, v3;
	v3 =	vld [tilespmem:s18+$0xFFFFFFB0];
	[tilespmem:s22+$0x50] =	vst v4  }
0x259: {  	[tilespmem:s22+$0x60] =	vst v2;
	v2 =	vld [tilespmem:s18+$0xFFFFFFC0];
	v4 =	vmul.f32 v6, v7  }
0x25a: {  	[tilespmem:s22+$0x70] =	vst v1;
	v1 =	vmul.f32 v6, v10;
	v7 =	vld [tilespmem:s18+$0xFFFFFFD0]  }
0x25b: {  	v10 =	vld [tilespmem:s18+$0xFFFFFFE0];
	v9 =	vmul.f32 v6, v9;
	[tilespmem:s18+$0xFFFFFFF0] =	vst v4  }
0x25c: {  	[tilespmem:s18+$0xFFFFFF80] =	vst v1;
	v1 =	vmul.f32 v6, v8;
	v4 =	vld [tilespmem:s18+$0x0]  }
0x25d: {  	v3 =	vmul.f32 v6, v3;
	v8 =	vld [tilespmem:s18+$0x10];
	[tilespmem:s18+$0xFFFFFF90] =	vst v9  }
0x25e: {  	[tilespmem:s18+$0xFFFFFFA0] =	vst v1;
	v1 =	vmul.f32 v6, v2;
	v2 =	vld [tilespmem:s18+$0x20]  }
0x25f: {  	[tilespmem:s18+$0xFFFFFFB0] =	vst v3;
	v3 =	vmul.f32 v6, v7;
	v7 =	vld [tilespmem:s18+$0x30]  }
0x260: {  	[tilespmem:s18+$0xFFFFFFC0] =	vst v1;
	v1 =	vmul.f32 v6, v10;
	v6 =	vld [tilespmem:s18+$0x40]  }
0x261: {  	[tilespmem:s18+$0xFFFFFFD0] =	vst v3;
	v3 =	vmul.f32 v5, v4;
	v4 =	vld [tilespmem:s18+$0x50]  }
0x262: {  	[tilespmem:s18+$0xFFFFFFE0] =	vst v1;
	v1 =	vmul.f32 v5, v8;
	v8 =	vld [tilespmem:s18+$0x60]  }
0x263: {  	[tilespmem:s18+$0x0] =	vst v3;
	v2 =	vmul.f32 v5, v2;
	v3 =	vld [tilespmem:s18+$0x70]  }
0x264: {  	[tilespmem:s18+$0x10] =	vst v1;
	v1 =	vmul.f32 v5, v7  }
0x265: {  	[tilespmem:s18+$0x20] =	vst v2;
	v2 =	vmul.f32 v5, v6  }
0x266: {  	[tilespmem:s18+$0x30] =	vst v1;
	v1 =	vmul.f32 v5, v4  }
0x267: {  	[tilespmem:s18+$0x40] =	vst v2;
	v2 =	vmul.f32 v5, v8  }
0x268: {  	[tilespmem:s18+$0x50] =	vst v1;
	v1 =	vmul.f32 v5, v3  }
0x269: {  	[tilespmem:s18+$0x60] =	vst v2  }
0x26a: {  	s22 =	simm.s32 $0x14C80;
	[tilespmem:s18+$0x70] =	vst v1  }
0x26b: {  	[spmem:s2] =	stream.indirect.scatter.add.f32 [tilespmem:s28], [sflag:$0xB], $0x80, s22, s3, $0xb8;
	[tilespmem:$0x1D000] =	vst v63  }
0x26c: {  	s8 =	rddreg [dreg:$0x16]  }
0x26d: {  	s8 =	sadd.s32 @!p0 s25, s8  }
0x26e: {  	s8 =	sshrl.u32 @!p0 s8, $0x3  }
0x26f: {  	s14 =	simm.s32 @!p0 $0x0;
	s18 =	simm.s32 @!p0 $0x14200;
	s8 =	sadd.s32 @!p0 s5, s8  }
0x270: {  	[tilespmem:s18], [sflag:$0x2] =	stream.linear.gather @!p0 [hbm4b:s8+s14], $0x180, $0x38;
	[tilespmem:$0x1D000] =	vst v63  }
0x271: {  	s8 =	simm.s32 @!p0 $0xB  }
0x272: {  	_ =	swait.ge @!p0 [sflag:s8], $0x4000  }
0x273: {  	s25 =	simm.s32 $0x0;
	[sflag:s8] =	ssyncset.done @!p0 $0x0  }
0x274: {  	v1 =	vmov s25;
	[sflag:s8] =	ssyncadd.s32 @!p0 $0xFFFFC000;
	s8 =	simm.s32 @!p0 $0x1  }
0x275: {  	v1 =	vand.u32 $0xFFFFFFFE, v1;
	_ =	swait.ge @!p0 [sflag:s8], $0x180  }
0x276: {  	v1 =	vbroadcast v1, $0x0;
	s14 =	simm.s32 @!p0 $0x14000;
	[sflag:s8] =	ssyncset.done @!p0 $0x0  }
0x277: {  	s18 =	simm.s32 @!p0 $0x15000;
	[sflag:s8] =	ssyncadd.s32 @!p0 $0xFFFFFE80;
	s8 =	simm.s32 @!p0 $0x80  }
0x278: {  	[tilespmem:s18], [sflag:$0x9] =	stream.indirect.gather @!p0 [hbm4b:s1+s8], $0x80, s14, s8, $0xb8;
	[tilespmem:$0x1D000] =	vst v63  }
0x279: {  	_ =	swait.ge [sflag:s0], $0x4000  }
0x27a: {  	[sflag:s0] =	ssyncset.done $0x0  }
0x27b: {  	[sflag:s0] =	ssyncadd.s32 $0xFFFFC000  }
0x27c: {  	s8 =	simm.s32 $0x190F0;
	v2 =	vld.idx.msk [tilespmem:v1+s24+$0x0], $0xffff  }
0x27d: {  	v1 =	vld [tilespmem:s8+$0xFFFFFF80]  }
0x27e: {  	v3 =	vld [tilespmem:s8+$0xFFFFFF10]  }
0x27f: {  	s31 =	simm.s32 $0x1;
	v6 =	vld [tilespmem:s8+$0xFFFFFF20]  }
0x280: {  	v7 =	vmov s31;
	v8 =	vld [tilespmem:s8+$0xFFFFFF30]  }
0x281: {  	v11 =	vld [tilespmem:s8+$0xFFFFFF40]  }
0x282: {  	v5 =	vld [tilespmem:s8+$0xFFFFFF50]  }
0x283: {  	v4 =	vld [tilespmem:s8+$0xFFFFFF60];
	v9 =	vmul.f32 v2, v1  }
0x284: {  	v10 =	vmul.f32 v2, v3;
	v3 =	vld [tilespmem:s8+$0xFFFFFF70]  }
0x285: {  	v1 =	vld.idx.msk [tilespmem:v7+s24+$0x0], $0xffff;
	v6 =	vmul.f32 v2, v6;
	[tilespmem:s8+$0xFFFFFF80] =	vst v9  }
0x286: {  	s25 =	simm.s32 $0x2;
	v7 =	vld [tilespmem:s8+$0xFFFFFF90];
	[tilespmem:s8+$0xFFFFFF10] =	vst v10;
	v9 =	vmul.f32 v2, v8  }
0x287: {  	s22 =	simm.s32 $0x190F0;
	s14 =	simm.s32 $0x4;
	v10 =	vmov s25;
	[tilespmem:s8+$0xFFFFFF20] =	vst v6;
	v8 =	vmul.f32 v2, v11;
	v6 =	vld [tilespmem:s8+$0xFFFFFFA0]  }
.LBB2_19:
0x288: {  	p0 =	slt.u32 s14, $0x7E;
	v10 =	vand.u32 $0xFFFFFFFE, v10;
	s18 =	sadd.s32 $0x1, s25;
	[tilespmem:s8+$0xFFFFFF30] =	vst v9;
	v5 =	vmul.f32 v2, v5;
	v9 =	vld [tilespmem:s8+$0xFFFFFFB0];
	s25 =	smov.u32 s14  }
0x289: {  	v10 =	vbroadcast v10, $0x0;
	v11 =	vmov s18;
	[tilespmem:s8+$0xFFFFFF40] =	vst v8;
	v4 =	vmul.f32 v2, v4;
	v8 =	vld [tilespmem:s8+$0xFFFFFFC0]  }
0x28a: {  	[tilespmem:s8+$0xFFFFFF50] =	vst v5;
	v2 =	vmul.f32 v2, v3;
	v3 =	vld [tilespmem:s8+$0xFFFFFFD0]  }
0x28b: {  	[tilespmem:s8+$0xFFFFFF60] =	vst v4;
	v4 =	vmul.f32 v1, v7;
	v5 =	vld [tilespmem:s8+$0xFFFFFFE0]  }
0x28c: {  	[tilespmem:s8+$0xFFFFFF70] =	vst v2;
	v2 =	vmul.f32 v1, v6;
	v6 =	vld [tilespmem:s8+$0xFFFFFFF0]  }
0x28d: {  	[tilespmem:s8+$0xFFFFFF90] =	vst v4;
	v4 =	vmul.f32 v1, v9;
	v7 =	vld [tilespmem:s8+$0x0]  }
0x28e: {  	v9 =	vld.idx.msk [tilespmem:v11+s24+$0x0], $0xffff;
	[tilespmem:s8+$0xFFFFFFA0] =	vst v2;
	v8 =	vmul.f32 v1, v8  }
0x28f: {  	s8 =	sadd.s32 $0x100, s8;
	v2 =	vld.idx.msk [tilespmem:v10+s24+$0x0], $0xffff;
	[tilespmem:s22+$0xFFFFFFB0] =	vst v4;
	v3 =	vmul.f32 v1, v3  }
0x290: {  	v4 =	vld [tilespmem:s8+$0xFFFFFF80];
	[tilespmem:s22+$0xFFFFFFC0] =	vst v8;
	v5 =	vmul.f32 v1, v5  }
0x291: {  	v8 =	vld [tilespmem:s8+$0xFFFFFF10];
	[tilespmem:s22+$0xFFFFFFD0] =	vst v3;
	v3 =	vmul.f32 v1, v6  }
0x292: {  	v6 =	vld [tilespmem:s8+$0xFFFFFF20];
	[tilespmem:s22+$0xFFFFFFE0] =	vst v5;
	v5 =	vmul.f32 v1, v7  }
0x293: {  	v7 =	vld [tilespmem:s8+$0xFFFFFF30];
	[tilespmem:s22+$0xFFFFFFF0] =	vst v3  }
0x294: {  	v1 =	vmov v9;
	v11 =	vld [tilespmem:s8+$0xFFFFFF40];
	[tilespmem:s22+$0x0] =	vst v5;
	s22 =	smov.u32 s8  }
.Ltmp8:
0x295: {  	v5 =	vld [tilespmem:s8+$0xFFFFFF50];
	v9 =	vmul.f32 v2, v4;
	(pc) =	sbr.rel @p0 .LBB2_19-.Ltmp8, $4  }
0x296: {  	v8 =	vmul.f32 v2, v8;
	v4 =	vld [tilespmem:s8+$0xFFFFFF60]  }
0x297: {  	v6 =	vmul.f32 v2, v6;
	v3 =	vld [tilespmem:s8+$0xFFFFFF70];
	[tilespmem:s8+$0xFFFFFF80] =	vst v9  }
0x298: {  	[tilespmem:s8+$0xFFFFFF10] =	vst v8;
	v9 =	vmul.f32 v2, v7;
	v7 =	vld [tilespmem:s8+$0xFFFFFF90]  }
0x299: {  	s14 =	sadd.s32 $0x2, s14;
	v10 =	vmov s25;
	[tilespmem:s8+$0xFFFFFF20] =	vst v6;
	v8 =	vmul.f32 v2, v11;
	v6 =	vld [tilespmem:s8+$0xFFFFFFA0]  }
0x29a: {  	v11 =	vld [tilespmem:s8+$0xFFFFFFB0]  }
0x29b: {  	v10 =	vand.u32 $0xFFFFFFFE, v10;
	v12 =	vld [tilespmem:s8+$0xFFFFFFC0]  }
0x29c: {  	v14 =	vld [tilespmem:s8+$0xFFFFFFD0];
	[tilespmem:s8+$0xFFFFFF30] =	vst v9;
	v5 =	vmul.f32 v2, v5;
	v10 =	vbroadcast v10, $0x0  }
0x29d: {  	v44 =	vld [tilespmem:s8+$0xFFFFFFE0];
	[tilespmem:s8+$0xFFFFFF40] =	vst v8;
	v4 =	vmul.f32 v2, v4  }
0x29e: {  	s14 =	sadd.s32 $0x1, s25;
	v45 =	vld [tilespmem:s8+$0xFFFFFFF0];
	s25 =	sadd.s32 $0x100, s8;
	[tilespmem:s8+$0xFFFFFF50] =	vst v5;
	v2 =	vmul.f32 v2, v3  }
0x29f: {  	v50 =	vld [tilespmem:s25+$0xFFFFFF80];
	v7 =	vmul.f32 v1, v7;
	[tilespmem:s8+$0xFFFFFF60] =	vst v4  }
0x2a0: {  	v51 =	vld [tilespmem:s25+$0xFFFFFF10];
	v46 =	vmul.f32 v1, v6;
	[tilespmem:s8+$0xFFFFFF70] =	vst v2  }
0x2a1: {  	v3 =	vld [tilespmem:s8+$0x0];
	[tilespmem:s8+$0xFFFFFF90] =	vst v7;
	v2 =	vmul.f32 v1, v11  }
0x2a2: {  	v49 =	vmul.f32 v1, v12;
	[tilespmem:s8+$0xFFFFFFA0] =	vst v46;
	v48 =	vld.idx.msk [tilespmem:v10+s24+$0x0], $0xffff  }
0x2a3: {  	v53 =	vld [tilespmem:s25+$0xFFFFFF20];
	[tilespmem:s22+$0xFFFFFFB0] =	vst v2;
	v2 =	vmul.f32 v1, v14  }
0x2a4: {  	v54 =	vld [tilespmem:s25+$0xFFFFFF30];
	v52 =	vmul.f32 v1, v44;
	[tilespmem:s22+$0xFFFFFFC0] =	vst v49  }
0x2a5: {  	v13 =	vmov s14;
	v56 =	vld [tilespmem:s25+$0xFFFFFF60];
	[tilespmem:s22+$0xFFFFFFD0] =	vst v2;
	v2 =	vmul.f32 v1, v45  }
0x2a6: {  	[tilespmem:s22+$0xFFFFFFE0] =	vst v52;
	v1 =	vmul.f32 v1, v3;
	v3 =	vld [tilespmem:s25+$0xFFFFFF40]  }
0x2a7: {  	[tilespmem:s22+$0xFFFFFFF0] =	vst v2;
	v2 =	vld [tilespmem:s25+$0xFFFFFF50];
	v55 =	vmul.f32 v48, v50  }
0x2a8: {  	v57 =	vld [tilespmem:s25+$0xFFFFFF70];
	[tilespmem:s22+$0x0] =	vst v1;
	v1 =	vmul.f32 v48, v51  }
0x2a9: {  	v58 =	vld [tilespmem:s25+$0xFFFFFF90];
	v9 =	vmul.f32 v48, v53;
	[tilespmem:s25+$0xFFFFFF80] =	vst v55  }
0x2aa: {  	v47 =	vld.idx.msk [tilespmem:v13+s24+$0x0], $0xffff;
	[tilespmem:s25+$0xFFFFFF10] =	vst v1;
	v1 =	vmul.f32 v48, v54  }
0x2ab: {  	v59 =	vld [tilespmem:s25+$0xFFFFFFA0];
	[tilespmem:s25+$0xFFFFFF20] =	vst v9;
	v3 =	vmul.f32 v48, v3  }
0x2ac: {  	[tilespmem:s25+$0xFFFFFF30] =	vst v1;
	v1 =	vmul.f32 v48, v2;
	v2 =	vld [tilespmem:s25+$0xFFFFFFB0]  }
0x2ad: {  	v60 =	vld [tilespmem:s25+$0xFFFFFFC0];
	[tilespmem:s25+$0xFFFFFF40] =	vst v3;
	v3 =	vmul.f32 v48, v56  }
0x2ae: {  	v61 =	vld [tilespmem:s25+$0xFFFFFFD0];
	[tilespmem:s25+$0xFFFFFF50] =	vst v1;
	v1 =	vmul.f32 v48, v57  }
0x2af: {  	v62 =	vld [tilespmem:s25+$0xFFFFFFE0];
	[tilespmem:s25+$0xFFFFFF60] =	vst v3;
	v3 =	vmul.f32 v47, v58  }
0x2b0: {  	v63 =	vld [tilespmem:s25+$0xFFFFFFF0];
	[tilespmem:s25+$0xFFFFFF70] =	vst v1;
	v1 =	vmul.f32 v47, v59  }
0x2b1: {  	[tilespmem:s25+$0xFFFFFF90] =	vst v3;
	v3 =	vld [tilespmem:s25+$0x0];
	v2 =	vmul.f32 v47, v2  }
0x2b2: {  	[tilespmem:s25+$0xFFFFFFA0] =	vst v1;
	v1 =	vmul.f32 v47, v60  }
0x2b3: {  	s30 =	sadd.s32 $0x1, s30;
	[tilespmem:s25+$0xFFFFFFB0] =	vst v2;
	v2 =	vmul.f32 v47, v61  }
0x2b4: {  	p0 =	sne.s32 s30, $0xA;
	[tilespmem:s25+$0xFFFFFFC0] =	vst v1;
	v1 =	vmul.f32 v47, v62  }
.Ltmp9:
0x2b5: {  	[tilespmem:s25+$0xFFFFFFD0] =	vst v2;
	v2 =	vmul.f32 v47, v63;
	(pc) =	sbr.rel @p0 .LBB2_4-.Ltmp9, $4  }
0x2b6: {  	[tilespmem:s25+$0xFFFFFFE0] =	vst v1;
	v1 =	vmul.f32 v47, v3  }
0x2b7: {  	[tilespmem:s25+$0xFFFFFFF0] =	vst v2  }
0x2b8: {  	s31 =	simm.s32 $0x14E80;
	[tilespmem:s25+$0x0] =	vst v1  }
0x2b9: {  	[spmem:s2] =	stream.indirect.scatter.add.f32 [tilespmem:s19], [sflag:$0xC], $0x80, s31, s3, $0xb8;
	[tilespmem:$0x1D000] =	vst v63  }
0x2ba: {  	_ =	swait.ge [sflag:s26], $0x4000  }
0x2bb: {  	[sflag:s26] =	ssyncset.done $0x0  }
0x2bc: {  	[sflag:s26] =	ssyncadd.s32 $0xFFFFC000  }
0x2bd: {  	_ =	swait.ge [sflag:s9], $0x4000  }
0x2be: {  	[sflag:s9] =	ssyncset.done $0x0  }
0x2bf: {  	[sflag:s9] =	ssyncadd.s32 $0xFFFFC000  }
0x2c0: {  	s8 =	stileid.u32;
	[bflag:$0x0] =	sbarrier.arrive $0xFFFF  }
0x2c1: {  	s10 =	simm.s32 $0xD;
	s8 =	sshll.u32 s8, $0x6;
	s18 =	rddreg [dreg:$0x4]  }
0x2c2: {  	s8 =	sor.u32 $0x1C0D, s8;
	s22 =	rddreg [dreg:$0x10];
	s14 =	sshrl.u32 s18, $0x3  }
0x2c3: {  	[hbm:s22], [sflag:s8] =	dma.local [spmem:s14], $0x800  }
0x2c4: {  	_ =	swait.ge [sflag:s10], $0x800  }
0x2c5: {  	[sflag:s10] =	ssyncset.done $0x0;
	s22 =	rddreg [dreg:$0x5]  }
0x2c6: {  	s25 =	rddreg [dreg:$0x11];
	[sflag:s10] =	ssyncadd.s32 $0xFFFFF800;
	s11 =	sshrl.u32 s22, $0x3  }
0x2c7: {  	[hbm:s25], [sflag:s8] =	dma.local [spmem:s11], $0x800  }
0x2c8: {  	_ =	swait.ge [sflag:s10], $0x800  }
0x2c9: {  	[sflag:s10] =	ssyncset.done $0x0;
	s25 =	rddreg [dreg:$0x6]  }
0x2ca: {  	s30 =	rddreg [dreg:$0x12];
	[sflag:s10] =	ssyncadd.s32 $0xFFFFF800;
	s11 =	sshrl.u32 s25, $0x3  }
0x2cb: {  	[hbm:s30], [sflag:s8] =	dma.local [spmem:s11], $0x800  }
0x2cc: {  	_ =	swait.ge [sflag:s10], $0x800  }
0x2cd: {  	[sflag:s10] =	ssyncset.done $0x0;
	s30 =	rddreg [dreg:$0x7]  }
0x2ce: {  	s31 =	rddreg [dreg:$0x13];
	[sflag:s10] =	ssyncadd.s32 $0xFFFFF800;
	s11 =	sshrl.u32 s30, $0x3  }
0x2cf: {  	[hbm:s31], [sflag:s8] =	dma.local [spmem:s11], $0x800  }
0x2d0: {  	_ =	swait.ge [sflag:s10], $0x800  }
0x2d1: {  	[sflag:s10] =	ssyncset.done $0x0;
	s31 =	rddreg [dreg:$0x8]  }
0x2d2: {  	s11 =	rddreg [dreg:$0x14];
	[sflag:s10] =	ssyncadd.s32 $0xFFFFF800;
	s14 =	sshrl.u32 s31, $0x3  }
0x2d3: {  	[hbm:s11], [sflag:s8] =	dma.local [spmem:s14], $0x800  }
0x2d4: {  	_ =	swait.ge [sflag:s10], $0x800  }
0x2d5: {  	s8 =	rddreg [dreg:$0x19]  }
0x2d6: {  	s14 =	rddreg [dreg:$0x17];
	s11 =	sadd.s32 $0x1, s8  }
0x2d7: {  	p0 =	sne.s32 s11, s14  }
.Ltmp10:
0x2d8: {  	_ = 	snop;
	(pc) =	sbr.rel @p0 .LBB2_1-.Ltmp10, $3  }
0x2d9: {  	_ =	sdelay $0x1  }
0x2da: {  	[sflag:s10] =	ssyncset.done $0x0  }
0x2db: {  	[sflag:s10] =	ssyncadd.s32 $0xFFFFF800  }
0x2dc: {  	_ =	sfence.sel $0x180000  }
0x2dd: {  	[bflag:$0x0] =	sbarrier.arrive $0xFFFF  }
0x2de: {  	_ =	strace $0x90000047  }
0x2df: {  	s0 =	stileid.u32;
	[bflag:$0x2] =	sbarrier.arrive $0xFFFF  }
0x2e0: {  	p0 =	sne.s32 s0, $0x0;
	s0 =	rddreg [dreg:$0x3]  }
0x2e1: {  	s0 =	sadd.s32 @!p0 $0x100000, s0  }
0x2e2: {  	[sflag:s0] =	ssyncadd.tile.s32 @!p0 $0x1;
	_ =	shalt  }
.Lfunc_end2:
_tile_overlayer_lowered:
.L_overlay_start_2:
0x2e3: {  	(tag) =	ssettag $0x2  }
0x2e4: {  	s0 =	rddreg [dreg:$0x0];
	s2 =	stileid.u32  }
0x2e5: {  	s1 =	rddreg [dreg:$0x1];
	p0 =	sne.s32 s2, $0x0  }
0x2e6: {  	s3 =	rddreg [dreg:$0x2];
	[bflag:$0x3] =	sbarrier.arrive $0xFFFF;
	s2 =	simm.s32 @!p0 $0x1C0D  }
0x2e7: {  	[timem:s3], [sflag:s2] =	dma.local @!p0 [hbm:s0], s1  }
0x2e8: {  	s0 =	simm.s32 @!p0 $0xD  }
0x2e9: {  	_ =	swait.ge @!p0 [sflag:s0], s1  }
0x2ea: {  	s1 =	ssub.s32 @!p0 $0x0, s1;
	[sflag:s0] =	ssyncset.done @!p0 $0x0  }
0x2eb: {  	[sflag:s0] =	ssyncadd.s32 @!p0 s1  }
0x2ec: {  	[bflag:$0x3] =	sbarrier.arrive $0xFFFF  }
0x2ed: {  	_ =	shalt  }

</sc_bundles>
